<compile_context>
chip_gen: v7x
topology: tpu7x:2x2x1
jax: 0.10.2.dev20260603
libtpu: 0.0.44.dev20260713+nightly
codegen_flags: <defaults>
</compile_context>

<pallas_src>
import jax
import jax.numpy as jnp
from jax import lax
from jax.experimental import pallas as pl
from jax.experimental.pallas import tpu as pltpu
from jax.experimental.pallas import tpu_sc as plsc

BATCH = 16384
EMBED = 64
L = 16
TR = 8

_info = plsc.get_sparse_core_info()
NC, NS = _info.num_cores, _info.num_subcores
NW = NC * NS
BPW = BATCH // NW
CH = 16
CHUNKS = BPW // CH
PAIRS = CHUNKS // 2


def _mf_kernel(user_hbm, item_hbm, ue_hbm, ie_hbm, ub_hbm, ib_hbm, out_hbm,
               uidx_v, iidx_v, utid_v, itid_v,
               ut0_v, ut1_v, it0_v, it1_v,
               ub_v, ib_v, out_v,
               sem_u0, sem_u1, sem_i0, sem_i1, sem_ub, sem_ib):
    wid = lax.axis_index("s") * NC + lax.axis_index("c")
    base = wid * BPW

    pltpu.sync_copy(user_hbm.at[pl.ds(base, BPW)], uidx_v)
    pltpu.sync_copy(item_hbm.at[pl.ds(base, BPW)], iidx_v)

    def tid_body(i, carry):
        utid_v[pl.ds(i * L, L)] = uidx_v[pl.ds(i * L, L)] >> 3
        itid_v[pl.ds(i * L, L)] = iidx_v[pl.ds(i * L, L)] >> 3
        return carry

    lax.fori_loop(0, BPW // L, tid_body, 0)

    cp_ub = pltpu.async_copy(ub_hbm.at[uidx_v], ub_v, sem_ub)
    cp_ib = pltpu.async_copy(ib_hbm.at[iidx_v], ib_v, sem_ib)

    lane = lax.iota(jnp.int32, L)

    def fire(c, ut_v, it_v, sem_u, sem_i):
        row0 = c * CH
        utid16 = utid_v[pl.ds(row0, L)]
        itid16 = itid_v[pl.ds(row0, L)]
        for j in range(CH):
            pltpu.async_copy(ue_hbm.at[pl.ds(utid16[j], 1)],
                             ut_v.at[pl.ds(j, 1)], sem_u)
            pltpu.async_copy(ie_hbm.at[pl.ds(itid16[j], 1)],
                             it_v.at[pl.ds(j, 1)], sem_i)

    def drain(ut_v, it_v, sem_u, sem_i):
        pltpu.make_async_copy(ue_hbm.at[pl.ds(0, CH)], ut_v, sem_u).wait()
        pltpu.make_async_copy(ie_hbm.at[pl.ds(0, CH)], it_v, sem_i).wait()

    def compute(c, ut_v, it_v):
        row0 = c * CH
        ur16 = uidx_v[pl.ds(row0, L)] & (TR - 1)
        ir16 = iidx_v[pl.ds(row0, L)] & (TR - 1)
        acc = jnp.zeros((L,), jnp.float32)
        for e in range(EMBED):
            ecol = jnp.full((L,), e, jnp.int32)
            uv = plsc.load_gather(ut_v, [lane, ur16, ecol])
            iv = plsc.load_gather(it_v, [lane, ir16, ecol])
            acc = acc + uv * iv
        out_v[pl.ds(row0, L)] = acc + ub_v[pl.ds(row0, L)] + ib_v[pl.ds(row0, L)]

    cp_ub.wait()
    cp_ib.wait()

    fire(0, ut0_v, it0_v, sem_u0, sem_i0)

    def pair_body(k, carry):
        c0 = 2 * k
        fire(c0 + 1, ut1_v, it1_v, sem_u1, sem_i1)
        drain(ut0_v, it0_v, sem_u0, sem_i0)
        compute(c0, ut0_v, it0_v)

        @pl.when(k < PAIRS - 1)
        def _():
            fire(c0 + 2, ut0_v, it0_v, sem_u0, sem_i0)

        drain(ut1_v, it1_v, sem_u1, sem_i1)
        compute(c0 + 1, ut1_v, it1_v)
        return carry

    lax.fori_loop(0, PAIRS, pair_body, 0)

    pltpu.sync_copy(out_v, out_hbm.at[pl.ds(base, BPW)])


@jax.jit
def _mf(user, item, user_e3, item_e3, ub_flat, ib_flat):
    mesh = plsc.VectorSubcoreMesh(core_axis_name="c", subcore_axis_name="s")
    tiles = pltpu.VMEM((CH, TR, EMBED), jnp.float32)
    return pl.kernel(
        _mf_kernel,
        mesh=mesh,
        out_type=jax.ShapeDtypeStruct((BATCH,), jnp.float32),
        compiler_params=pltpu.CompilerParams(use_tc_tiling_on_sc=True,
                                             needs_layout_passes=False),
        scratch_types=[
            pltpu.VMEM((BPW,), jnp.int32),
            pltpu.VMEM((BPW,), jnp.int32),
            pltpu.VMEM((BPW,), jnp.int32),
            pltpu.VMEM((BPW,), jnp.int32),
            tiles, tiles,
            tiles, tiles,
            pltpu.VMEM((BPW,), jnp.float32),
            pltpu.VMEM((BPW,), jnp.float32),
            pltpu.VMEM((BPW,), jnp.float32),
            pltpu.SemaphoreType.DMA,
            pltpu.SemaphoreType.DMA,
            pltpu.SemaphoreType.DMA,
            pltpu.SemaphoreType.DMA,
            pltpu.SemaphoreType.DMA,
            pltpu.SemaphoreType.DMA,
        ],
    )(user, item, user_e3, item_e3, ub_flat, ib_flat)


def kernel(user, item, user_e, item_e, user_b, item_b):
    return _mf(user.astype(jnp.int32), item.astype(jnp.int32),
               user_e.reshape(-1, TR, EMBED), item_e.reshape(-1, TR, EMBED),
               user_b.reshape(-1), item_b.reshape(-1))

# --- scband reference (transcript-rebuilt; emitter-appended) ---
"""Pipeline reference for scband-mf-naive-24163486007857 (READ-ONLY COPY).

The authoritative reference and input builder live on the scoring server;
editing this copy changes nothing except your own understanding.
"""

import jax, jax.numpy as jnp
import numpy as np

NUM_USERS = 1000000
NUM_ITEMS = 1000000
EMBED = 64
BATCH = 16384

def setup_inputs(seed: int = 0) -> dict:
    key = jax.random.key(seed)
    k1, k2, k3, k4, k5, k6 = jax.random.split(key, 6)
    user = jax.random.randint(k1, (BATCH,), 0, NUM_USERS, dtype=jnp.int64 if jax.config.jax_enable_x64 else jnp.int32)
    item = jax.random.randint(k2, (BATCH,), 0, NUM_ITEMS, dtype=jnp.int64 if jax.config.jax_enable_x64 else jnp.int32)
    user_e = 0.1 * jax.random.normal(k3, (NUM_USERS, EMBED), dtype=jnp.float32)
    item_e = 0.1 * jax.random.normal(k4, (NUM_ITEMS, EMBED), dtype=jnp.float32)
    user_b = 0.1 * jax.random.normal(k5, (NUM_USERS, 1), dtype=jnp.float32)
    item_b = 0.1 * jax.random.normal(k6, (NUM_ITEMS, 1), dtype=jnp.float32)
    return {"user": user, "item": item, "user_e": user_e, "item_e": item_e, "user_b": user_b, "item_b": item_b}

def reference(user, item, user_e, item_e, user_b, item_b):
    user_embedding = jnp.take(user_e, user, axis=0)          # [B, E]
    item_embedding = jnp.take(item_e, item, axis=0)          # [B, E]
    preds = jnp.take(user_b, user, axis=0)                   # [B, 1]
    preds = preds + jnp.take(item_b, item, axis=0)           # [B, 1]
    preds = preds + jnp.sum(user_embedding * item_embedding, axis=1, keepdims=True)
    return jnp.squeeze(preds)                                # [B]

if __name__ == "__main__":
    import jax
    _d = setup_inputs()
    print(jax.jit(kernel)(*tuple(_d.values())))

</pallas_src>

<mosaic_0001>
#map = affine_map<(d0, d1) -> (0)>
#map1 = affine_map<(d0, d1) -> (0, 0, 0)>
module attributes {stable_mosaic.version = 14 : i64} {
  func.func @_mf_kernel(%arg0: i32, %arg1: i32, %arg2: memref<16384xi32, #tpu.memory_space<hbm>>, %arg3: memref<16384xi32, #tpu.memory_space<hbm>>, %arg4: memref<125000x8x64xf32, #tpu.memory_space<hbm>>, %arg5: memref<125000x8x64xf32, #tpu.memory_space<hbm>>, %arg6: memref<1000000xf32, #tpu.memory_space<hbm>>, %arg7: memref<1000000xf32, #tpu.memory_space<hbm>>, %arg8: memref<16384xf32, #tpu.memory_space<hbm>>, %arg9: memref<512xi32, #tpu.memory_space<vmem>>, %arg10: memref<512xi32, #tpu.memory_space<vmem>>, %arg11: memref<512xi32, #tpu.memory_space<vmem>>, %arg12: memref<512xi32, #tpu.memory_space<vmem>>, %arg13: memref<16x8x64xf32, #tpu.memory_space<vmem>>, %arg14: memref<16x8x64xf32, #tpu.memory_space<vmem>>, %arg15: memref<16x8x64xf32, #tpu.memory_space<vmem>>, %arg16: memref<16x8x64xf32, #tpu.memory_space<vmem>>, %arg17: memref<512xf32, #tpu.memory_space<vmem>>, %arg18: memref<512xf32, #tpu.memory_space<vmem>>, %arg19: memref<512xf32, #tpu.memory_space<vmem>>, %arg20: memref<!tpu.dma_semaphore, #tpu.memory_space<semaphore_mem>>, %arg21: memref<!tpu.dma_semaphore, #tpu.memory_space<semaphore_mem>>, %arg22: memref<!tpu.dma_semaphore, #tpu.memory_space<semaphore_mem>>, %arg23: memref<!tpu.dma_semaphore, #tpu.memory_space<semaphore_mem>>, %arg24: memref<!tpu.dma_semaphore, #tpu.memory_space<semaphore_mem>>, %arg25: memref<!tpu.dma_semaphore, #tpu.memory_space<semaphore_mem>>) attributes {dimension_semantics = [#tpu.dimension_semantics<core_parallel>, #tpu.dimension_semantics<subcore_parallel>], iteration_bounds = array<i64: 2, 16>, scalar_prefetch = 0 : i64, scratch_operands = 17 : i64, tpu.core_type = #tpu.core_type<sc_vector_subcore>, window_params = [{transform_indices = #map}, {transform_indices = #map}, {transform_indices = #map1}, {transform_indices = #map1}, {transform_indices = #map}, {transform_indices = #map}, {transform_indices = #map}]} {
    %mul3A = arith.constant 2 : i32
    %mul3A_0 = arith.muli %arg1, %mul3A : i32
    %add3A = arith.addi %mul3A_0, %arg0 : i32
    %mul3A_1 = arith.constant 512 : i32
    %mul3A_2 = arith.muli %add3A, %mul3A_1 : i32
    "tpu.region"() ({
      %run_scoped3A = tpu.sem_alloc : memref<!tpu.dma_semaphore, #tpu.memory_space<semaphore_mem>>
      %dma_start3A_533 = tpu.memref_slice %arg2[%mul3A_2] : memref<16384xi32, #tpu.memory_space<hbm>> -> memref<512xi32, #tpu.memory_space<hbm>>
      %dma_start3A_534 = tpu.memref_slice %arg2[%mul3A_2] : memref<16384xi32, #tpu.memory_space<hbm>> -> memref<512xi32, #tpu.memory_space<hbm>>
      tpu.enqueue_dma source(%dma_start3A_534 : memref<512xi32, #tpu.memory_space<hbm>>) target(%arg9 : memref<512xi32, #tpu.memory_space<vmem>>) target_semaphore(%run_scoped3A : memref<!tpu.dma_semaphore, #tpu.memory_space<semaphore_mem>>)
      %dma_wait3A_535 = tpu.memref_slice %arg2[%mul3A_2] : memref<16384xi32, #tpu.memory_space<hbm>> -> memref<512xi32, #tpu.memory_space<hbm>>
      %dma_wait3A_536 = tpu.memref_slice %arg2[%mul3A_2] : memref<16384xi32, #tpu.memory_space<hbm>> -> memref<512xi32, #tpu.memory_space<hbm>>
      tpu.wait_dma2 semaphore(%run_scoped3A : memref<!tpu.dma_semaphore, #tpu.memory_space<semaphore_mem>>) src(%dma_wait3A_536 : memref<512xi32, #tpu.memory_space<hbm>>) dst(%arg9 : memref<512xi32, #tpu.memory_space<vmem>>)
      tpu.yield
    }) : () -> ()
    "tpu.region"() ({
      %run_scoped3A = tpu.sem_alloc : memref<!tpu.dma_semaphore, #tpu.memory_space<semaphore_mem>>
      %dma_start3A_533 = tpu.memref_slice %arg3[%mul3A_2] : memref<16384xi32, #tpu.memory_space<hbm>> -> memref<512xi32, #tpu.memory_space<hbm>>
      %dma_start3A_534 = tpu.memref_slice %arg3[%mul3A_2] : memref<16384xi32, #tpu.memory_space<hbm>> -> memref<512xi32, #tpu.memory_space<hbm>>
      tpu.enqueue_dma source(%dma_start3A_534 : memref<512xi32, #tpu.memory_space<hbm>>) target(%arg10 : memref<512xi32, #tpu.memory_space<vmem>>) target_semaphore(%run_scoped3A : memref<!tpu.dma_semaphore, #tpu.memory_space<semaphore_mem>>)
      %dma_wait3A_535 = tpu.memref_slice %arg3[%mul3A_2] : memref<16384xi32, #tpu.memory_space<hbm>> -> memref<512xi32, #tpu.memory_space<hbm>>
      %dma_wait3A_536 = tpu.memref_slice %arg3[%mul3A_2] : memref<16384xi32, #tpu.memory_space<hbm>> -> memref<512xi32, #tpu.memory_space<hbm>>
      tpu.wait_dma2 semaphore(%run_scoped3A : memref<!tpu.dma_semaphore, #tpu.memory_space<semaphore_mem>>) src(%dma_wait3A_536 : memref<512xi32, #tpu.memory_space<hbm>>) dst(%arg10 : memref<512xi32, #tpu.memory_space<vmem>>)
      tpu.yield
    }) : () -> ()
    %scan3A = arith.constant 0 : i32
    %scan3A_3 = arith.constant 0 : i32
    %scan3A_4 = arith.constant 32 : i32
    %scan3A_5 = arith.addi %scan3A_3, %scan3A_4 : i32
    %scan3A_6 = arith.constant 1 : i32
    scf.for %scan3A_533 = %scan3A_3 to %scan3A_5 step %scan3A_6  : i32 {
      %mul3A_534 = arith.constant 16 : i32
      %mul3A_535 = arith.muli %scan3A_533, %mul3A_534 : i32
      %get3A_536 = arith.index_cast %mul3A_535 : i32 to index
      %get3A_537 = tpu.vector_load %arg9[%get3A_536] {strides = array<i32>} : memref<512xi32, #tpu.memory_space<vmem>>, vector<16xi32>,
      %shift_right_arithmetic3A = arith.constant 3 : i32
      %shift_right_arithmetic3A_538 = vector.broadcast %shift_right_arithmetic3A : i32 to vector<16xi32>
      %shift_right_arithmetic3A_539 = arith.shrsi %get3A_537, %shift_right_arithmetic3A_538 : vector<16xi32>
      %mul3A_540 = arith.constant 16 : i32
      %mul3A_541 = arith.muli %scan3A_533, %mul3A_540 : i32
      %swap3A = arith.index_cast %mul3A_541 : i32 to index
      %swap3A_542 = tpu.vector_load %arg11[%swap3A] {strides = array<i32>} : memref<512xi32, #tpu.memory_space<vmem>>, vector<16xi32>,
      tpu.vector_store %arg11[%swap3A], %shift_right_arithmetic3A_539 {strides = array<i32>} : memref<512xi32, #tpu.memory_space<vmem>>, vector<16xi32>,
      %mul3A_543 = arith.constant 16 : i32
      %mul3A_544 = arith.muli %scan3A_533, %mul3A_543 : i32
      %get3A_545 = arith.index_cast %mul3A_544 : i32 to index
      %get3A_546 = tpu.vector_load %arg10[%get3A_545] {strides = array<i32>} : memref<512xi32, #tpu.memory_space<vmem>>, vector<16xi32>,
      %shift_right_arithmetic3A_547 = arith.constant 3 : i32
      %shift_right_arithmetic3A_548 = vector.broadcast %shift_right_arithmetic3A_547 : i32 to vector<16xi32>
      %shift_right_arithmetic3A_549 = arith.shrsi %get3A_546, %shift_right_arithmetic3A_548 : vector<16xi32>
      %mul3A_550 = arith.constant 16 : i32
      %mul3A_551 = arith.muli %scan3A_533, %mul3A_550 : i32
      %swap3A_552 = arith.index_cast %mul3A_551 : i32 to index
      %swap3A_553 = tpu.vector_load %arg12[%swap3A_552] {strides = array<i32>} : memref<512xi32, #tpu.memory_space<vmem>>, vector<16xi32>,
      tpu.vector_store %arg12[%swap3A_552], %shift_right_arithmetic3A_549 {strides = array<i32>} : memref<512xi32, #tpu.memory_space<vmem>>, vector<16xi32>,
    }
    %scan3A_7 = arith.constant 32 : i32
    %dma_start3A = arith.constant 0 : i32
    %dma_start3A_8 = tpu.memref_slice %arg6[%dma_start3A] : memref<1000000xf32, #tpu.memory_space<hbm>> -> memref<1000000xf32, #tpu.memory_space<hbm>>
    tpu.enqueue_indirect_dma source(%dma_start3A_8 : memref<1000000xf32, #tpu.memory_space<hbm>>) target(%arg17 : memref<512xf32, #tpu.memory_space<vmem>>) offsets(%arg9 : memref<512xi32, #tpu.memory_space<vmem>>) semaphore(%arg24 : memref<!tpu.dma_semaphore, #tpu.memory_space<semaphore_mem>>)
    %dma_start3A_9 = arith.constant 0 : i32
    %dma_start3A_10 = tpu.memref_slice %arg7[%dma_start3A_9] : memref<1000000xf32, #tpu.memory_space<hbm>> -> memref<1000000xf32, #tpu.memory_space<hbm>>
    tpu.enqueue_indirect_dma source(%dma_start3A_10 : memref<1000000xf32, #tpu.memory_space<hbm>>) target(%arg18 : memref<512xf32, #tpu.memory_space<vmem>>) offsets(%arg10 : memref<512xi32, #tpu.memory_space<vmem>>) semaphore(%arg25 : memref<!tpu.dma_semaphore, #tpu.memory_space<semaphore_mem>>)
    %iota3A = tpu.iota {dimensions = array<i32: 0>} : vector<16xi32>
    %dma_wait3A = arith.constant 0 : i32
    %dma_wait3A_11 = tpu.memref_slice %arg6[%dma_wait3A] : memref<1000000xf32, #tpu.memory_space<hbm>> -> memref<1000000xf32, #tpu.memory_space<hbm>>
    tpu.wait_indirect_dma semaphore(%arg24 : memref<!tpu.dma_semaphore, #tpu.memory_space<semaphore_mem>>) src(%dma_wait3A_11 : memref<1000000xf32, #tpu.memory_space<hbm>>) dst(%arg17 : memref<512xf32, #tpu.memory_space<vmem>>)
    %dma_wait3A_12 = arith.constant 0 : i32
    %dma_wait3A_13 = tpu.memref_slice %arg7[%dma_wait3A_12] : memref<1000000xf32, #tpu.memory_space<hbm>> -> memref<1000000xf32, #tpu.memory_space<hbm>>
    tpu.wait_indirect_dma semaphore(%arg25 : memref<!tpu.dma_semaphore, #tpu.memory_space<semaphore_mem>>) src(%dma_wait3A_13 : memref<1000000xf32, #tpu.memory_space<hbm>>) dst(%arg18 : memref<512xf32, #tpu.memory_space<vmem>>)
    %get3A = arith.constant 0 : index
    %get3A_14 = tpu.vector_load %arg11[%get3A] {strides = array<i32>} : memref<512xi32, #tpu.memory_space<vmem>>, vector<16xi32>,
    %get3A_15 = arith.constant 0 : index
    %get3A_16 = tpu.vector_load %arg12[%get3A_15] {strides = array<i32>} : memref<512xi32, #tpu.memory_space<vmem>>, vector<16xi32>,
    %slice3A = vector.extract_strided_slice %get3A_14 {offsets = [0], sizes = [1], strides = [1]} : vector<16xi32> to vector<1xi32>
    %squeeze3A = vector.extract %slice3A[0] : i32 from vector<1xi32>
    %dma_start3A_17 = arith.constant 0 : i32
    %dma_start3A_18 = arith.constant 0 : i32
    %dma_start3A_19 = arith.constant 0 : i32
    %dma_start3A_20 = tpu.memref_slice %arg13[%dma_start3A_17, %dma_start3A_18, %dma_start3A_19] : memref<16x8x64xf32, #tpu.memory_space<vmem>> -> memref<1x8x64xf32, #tpu.memory_space<vmem>>
    %dma_start3A_21 = arith.constant 0 : i32
    %dma_start3A_22 = arith.constant 0 : i32
    %dma_start3A_23 = tpu.memref_slice %arg4[%squeeze3A, %dma_start3A_21, %dma_start3A_22] : memref<125000x8x64xf32, #tpu.memory_space<hbm>> -> memref<1x8x64xf32, #tpu.memory_space<hbm>>
    %dma_start3A_24 = arith.constant 0 : i32
    %dma_start3A_25 = arith.constant 0 : i32
    %dma_start3A_26 = arith.constant 0 : i32
    %dma_start3A_27 = tpu.memref_slice %arg13[%dma_start3A_24, %dma_start3A_25, %dma_start3A_26] : memref<16x8x64xf32, #tpu.memory_space<vmem>> -> memref<1x8x64xf32, #tpu.memory_space<vmem>>
    %dma_start3A_28 = arith.constant 0 : i32
    %dma_start3A_29 = arith.constant 0 : i32
    %dma_start3A_30 = tpu.memref_slice %arg4[%squeeze3A, %dma_start3A_28, %dma_start3A_29] : memref<125000x8x64xf32, #tpu.memory_space<hbm>> -> memref<1x8x64xf32, #tpu.memory_space<hbm>>
    tpu.enqueue_dma source(%dma_start3A_30 : memref<1x8x64xf32, #tpu.memory_space<hbm>>) target(%dma_start3A_27 : memref<1x8x64xf32, #tpu.memory_space<vmem>>) target_semaphore(%arg20 : memref<!tpu.dma_semaphore, #tpu.memory_space<semaphore_mem>>)
    %slice3A_31 = vector.extract_strided_slice %get3A_16 {offsets = [0], sizes = [1], strides = [1]} : vector<16xi32> to vector<1xi32>
    %squeeze3A_32 = vector.extract %slice3A_31[0] : i32 from vector<1xi32>
    %dma_start3A_33 = arith.constant 0 : i32
    %dma_start3A_34 = arith.constant 0 : i32
    %dma_start3A_35 = arith.constant 0 : i32
    %dma_start3A_36 = tpu.memref_slice %arg15[%dma_start3A_33, %dma_start3A_34, %dma_start3A_35] : memref<16x8x64xf32, #tpu.memory_space<vmem>> -> memref<1x8x64xf32, #tpu.memory_space<vmem>>
    %dma_start3A_37 = arith.constant 0 : i32
    %dma_start3A_38 = arith.constant 0 : i32
    %dma_start3A_39 = tpu.memref_slice %arg5[%squeeze3A_32, %dma_start3A_37, %dma_start3A_38] : memref<125000x8x64xf32, #tpu.memory_space<hbm>> -> memref<1x8x64xf32, #tpu.memory_space<hbm>>
    %dma_start3A_40 = arith.constant 0 : i32
    %dma_start3A_41 = arith.constant 0 : i32
    %dma_start3A_42 = arith.constant 0 : i32
    %dma_start3A_43 = tpu.memref_slice %arg15[%dma_start3A_40, %dma_start3A_41, %dma_start3A_42] : memref<16x8x64xf32, #tpu.memory_space<vmem>> -> memref<1x8x64xf32, #tpu.memory_space<vmem>>
    %dma_start3A_44 = arith.constant 0 : i32
    %dma_start3A_45 = arith.constant 0 : i32
    %dma_start3A_46 = tpu.memref_slice %arg5[%squeeze3A_32, %dma_start3A_44, %dma_start3A_45] : memref<125000x8x64xf32, #tpu.memory_space<hbm>> -> memref<1x8x64xf32, #tpu.memory_space<hbm>>
    tpu.enqueue_dma source(%dma_start3A_46 : memref<1x8x64xf32, #tpu.memory_space<hbm>>) target(%dma_start3A_43 : memref<1x8x64xf32, #tpu.memory_space<vmem>>) target_semaphore(%arg22 : memref<!tpu.dma_semaphore, #tpu.memory_space<semaphore_mem>>)
    %slice3A_47 = vector.extract_strided_slice %get3A_14 {offsets = [1], sizes = [1], strides = [1]} : vector<16xi32> to vector<1xi32>
    %squeeze3A_48 = vector.extract %slice3A_47[0] : i32 from vector<1xi32>
    %dma_start3A_49 = arith.constant 1 : i32
    %dma_start3A_50 = arith.constant 0 : i32
    %dma_start3A_51 = arith.constant 0 : i32
    %dma_start3A_52 = tpu.memref_slice %arg13[%dma_start3A_49, %dma_start3A_50, %dma_start3A_51] : memref<16x8x64xf32, #tpu.memory_space<vmem>> -> memref<1x8x64xf32, #tpu.memory_space<vmem>>
    %dma_start3A_53 = arith.constant 0 : i32
    %dma_start3A_54 = arith.constant 0 : i32
    %dma_start3A_55 = tpu.memref_slice %arg4[%squeeze3A_48, %dma_start3A_53, %dma_start3A_54] : memref<125000x8x64xf32, #tpu.memory_space<hbm>> -> memref<1x8x64xf32, #tpu.memory_space<hbm>>
    %dma_start3A_56 = arith.constant 1 : i32
    %dma_start3A_57 = arith.constant 0 : i32
    %dma_start3A_58 = arith.constant 0 : i32
    %dma_start3A_59 = tpu.memref_slice %arg13[%dma_start3A_56, %dma_start3A_57, %dma_start3A_58] : memref<16x8x64xf32, #tpu.memory_space<vmem>> -> memref<1x8x64xf32, #tpu.memory_space<vmem>>
    %dma_start3A_60 = arith.constant 0 : i32
    %dma_start3A_61 = arith.constant 0 : i32
    %dma_start3A_62 = tpu.memref_slice %arg4[%squeeze3A_48, %dma_start3A_60, %dma_start3A_61] : memref<125000x8x64xf32, #tpu.memory_space<hbm>> -> memref<1x8x64xf32, #tpu.memory_space<hbm>>
    tpu.enqueue_dma source(%dma_start3A_62 : memref<1x8x64xf32, #tpu.memory_space<hbm>>) target(%dma_start3A_59 : memref<1x8x64xf32, #tpu.memory_space<vmem>>) target_semaphore(%arg20 : memref<!tpu.dma_semaphore, #tpu.memory_space<semaphore_mem>>)
    %slice3A_63 = vector.extract_strided_slice %get3A_16 {offsets = [1], sizes = [1], strides = [1]} : vector<16xi32> to vector<1xi32>
    %squeeze3A_64 = vector.extract %slice3A_63[0] : i32 from vector<1xi32>
    %dma_start3A_65 = arith.constant 1 : i32
    %dma_start3A_66 = arith.constant 0 : i32
    %dma_start3A_67 = arith.constant 0 : i32
    %dma_start3A_68 = tpu.memref_slice %arg15[%dma_start3A_65, %dma_start3A_66, %dma_start3A_67] : memref<16x8x64xf32, #tpu.memory_space<vmem>> -> memref<1x8x64xf32, #tpu.memory_space<vmem>>
    %dma_start3A_69 = arith.constant 0 : i32
    %dma_start3A_70 = arith.constant 0 : i32
    %dma_start3A_71 = tpu.memref_slice %arg5[%squeeze3A_64, %dma_start3A_69, %dma_start3A_70] : memref<125000x8x64xf32, #tpu.memory_space<hbm>> -> memref<1x8x64xf32, #tpu.memory_space<hbm>>
    %dma_start3A_72 = arith.constant 1 : i32
    %dma_start3A_73 = arith.constant 0 : i32
    %dma_start3A_74 = arith.constant 0 : i32
    %dma_start3A_75 = tpu.memref_slice %arg15[%dma_start3A_72, %dma_start3A_73, %dma_start3A_74] : memref<16x8x64xf32, #tpu.memory_space<vmem>> -> memref<1x8x64xf32, #tpu.memory_space<vmem>>
    %dma_start3A_76 = arith.constant 0 : i32
    %dma_start3A_77 = arith.constant 0 : i32
    %dma_start3A_78 = tpu.memref_slice %arg5[%squeeze3A_64, %dma_start3A_76, %dma_start3A_77] : memref<125000x8x64xf32, #tpu.memory_space<hbm>> -> memref<1x8x64xf32, #tpu.memory_space<hbm>>
    tpu.enqueue_dma source(%dma_start3A_78 : memref<1x8x64xf32, #tpu.memory_space<hbm>>) target(%dma_start3A_75 : memref<1x8x64xf32, #tpu.memory_space<vmem>>) target_semaphore(%arg22 : memref<!tpu.dma_semaphore, #tpu.memory_space<semaphore_mem>>)
    %slice3A_79 = vector.extract_strided_slice %get3A_14 {offsets = [2], sizes = [1], strides = [1]} : vector<16xi32> to vector<1xi32>
    %squeeze3A_80 = vector.extract %slice3A_79[0] : i32 from vector<1xi32>
    %dma_start3A_81 = arith.constant 2 : i32
    %dma_start3A_82 = arith.constant 0 : i32
    %dma_start3A_83 = arith.constant 0 : i32
    %dma_start3A_84 = tpu.memref_slice %arg13[%dma_start3A_81, %dma_start3A_82, %dma_start3A_83] : memref<16x8x64xf32, #tpu.memory_space<vmem>> -> memref<1x8x64xf32, #tpu.memory_space<vmem>>
    %dma_start3A_85 = arith.constant 0 : i32
    %dma_start3A_86 = arith.constant 0 : i32
    %dma_start3A_87 = tpu.memref_slice %arg4[%squeeze3A_80, %dma_start3A_85, %dma_start3A_86] : memref<125000x8x64xf32, #tpu.memory_space<hbm>> -> memref<1x8x64xf32, #tpu.memory_space<hbm>>
    %dma_start3A_88 = arith.constant 2 : i32
    %dma_start3A_89 = arith.constant 0 : i32
    %dma_start3A_90 = arith.constant 0 : i32
    %dma_start3A_91 = tpu.memref_slice %arg13[%dma_start3A_88, %dma_start3A_89, %dma_start3A_90] : memref<16x8x64xf32, #tpu.memory_space<vmem>> -> memref<1x8x64xf32, #tpu.memory_space<vmem>>
    %dma_start3A_92 = arith.constant 0 : i32
    %dma_start3A_93 = arith.constant 0 : i32
    %dma_start3A_94 = tpu.memref_slice %arg4[%squeeze3A_80, %dma_start3A_92, %dma_start3A_93] : memref<125000x8x64xf32, #tpu.memory_space<hbm>> -> memref<1x8x64xf32, #tpu.memory_space<hbm>>
    tpu.enqueue_dma source(%dma_start3A_94 : memref<1x8x64xf32, #tpu.memory_space<hbm>>) target(%dma_start3A_91 : memref<1x8x64xf32, #tpu.memory_space<vmem>>) target_semaphore(%arg20 : memref<!tpu.dma_semaphore, #tpu.memory_space<semaphore_mem>>)
    %slice3A_95 = vector.extract_strided_slice %get3A_16 {offsets = [2], sizes = [1], strides = [1]} : vector<16xi32> to vector<1xi32>
    %squeeze3A_96 = vector.extract %slice3A_95[0] : i32 from vector<1xi32>
    %dma_start3A_97 = arith.constant 2 : i32
    %dma_start3A_98 = arith.constant 0 : i32
    %dma_start3A_99 = arith.constant 0 : i32
    %dma_start3A_100 = tpu.memref_slice %arg15[%dma_start3A_97, %dma_start3A_98, %dma_start3A_99] : memref<16x8x64xf32, #tpu.memory_space<vmem>> -> memref<1x8x64xf32, #tpu.memory_space<vmem>>
    %dma_start3A_101 = arith.constant 0 : i32
    %dma_start3A_102 = arith.constant 0 : i32
    %dma_start3A_103 = tpu.memref_slice %arg5[%squeeze3A_96, %dma_start3A_101, %dma_start3A_102] : memref<125000x8x64xf32, #tpu.memory_space<hbm>> -> memref<1x8x64xf32, #tpu.memory_space<hbm>>
    %dma_start3A_104 = arith.constant 2 : i32
    %dma_start3A_105 = arith.constant 0 : i32
    %dma_start3A_106 = arith.constant 0 : i32
    %dma_start3A_107 = tpu.memref_slice %arg15[%dma_start3A_104, %dma_start3A_105, %dma_start3A_106] : memref<16x8x64xf32, #tpu.memory_space<vmem>> -> memref<1x8x64xf32, #tpu.memory_space<vmem>>
    %dma_start3A_108 = arith.constant 0 : i32
    %dma_start3A_109 = arith.constant 0 : i32
    %dma_start3A_110 = tpu.memref_slice %arg5[%squeeze3A_96, %dma_start3A_108, %dma_start3A_109] : memref<125000x8x64xf32, #tpu.memory_space<hbm>> -> memref<1x8x64xf32, #tpu.memory_space<hbm>>
    tpu.enqueue_dma source(%dma_start3A_110 : memref<1x8x64xf32, #tpu.memory_space<hbm>>) target(%dma_start3A_107 : memref<1x8x64xf32, #tpu.memory_space<vmem>>) target_semaphore(%arg22 : memref<!tpu.dma_semaphore, #tpu.memory_space<semaphore_mem>>)
    %slice3A_111 = vector.extract_strided_slice %get3A_14 {offsets = [3], sizes = [1], strides = [1]} : vector<16xi32> to vector<1xi32>
    %squeeze3A_112 = vector.extract %slice3A_111[0] : i32 from vector<1xi32>
    %dma_start3A_113 = arith.constant 3 : i32
    %dma_start3A_114 = arith.constant 0 : i32
    %dma_start3A_115 = arith.constant 0 : i32
    %dma_start3A_116 = tpu.memref_slice %arg13[%dma_start3A_113, %dma_start3A_114, %dma_start3A_115] : memref<16x8x64xf32, #tpu.memory_space<vmem>> -> memref<1x8x64xf32, #tpu.memory_space<vmem>>
    %dma_start3A_117 = arith.constant 0 : i32
    %dma_start3A_118 = arith.constant 0 : i32
    %dma_start3A_119 = tpu.memref_slice %arg4[%squeeze3A_112, %dma_start3A_117, %dma_start3A_118] : memref<125000x8x64xf32, #tpu.memory_space<hbm>> -> memref<1x8x64xf32, #tpu.memory_space<hbm>>
    %dma_start3A_120 = arith.constant 3 : i32
    %dma_start3A_121 = arith.constant 0 : i32
    %dma_start3A_122 = arith.constant 0 : i32
    %dma_start3A_123 = tpu.memref_slice %arg13[%dma_start3A_120, %dma_start3A_121, %dma_start3A_122] : memref<16x8x64xf32, #tpu.memory_space<vmem>> -> memref<1x8x64xf32, #tpu.memory_space<vmem>>
    %dma_start3A_124 = arith.constant 0 : i32
    %dma_start3A_125 = arith.constant 0 : i32
    %dma_start3A_126 = tpu.memref_slice %arg4[%squeeze3A_112, %dma_start3A_124, %dma_start3A_125] : memref<125000x8x64xf32, #tpu.memory_space<hbm>> -> memref<1x8x64xf32, #tpu.memory_space<hbm>>
    tpu.enqueue_dma source(%dma_start3A_126 : memref<1x8x64xf32, #tpu.memory_space<hbm>>) target(%dma_start3A_123 : memref<1x8x64xf32, #tpu.memory_space<vmem>>) target_semaphore(%arg20 : memref<!tpu.dma_semaphore, #tpu.memory_space<semaphore_mem>>)
    %slice3A_127 = vector.extract_strided_slice %get3A_16 {offsets = [3], sizes = [1], strides = [1]} : vector<16xi32> to vector<1xi32>
    %squeeze3A_128 = vector.extract %slice3A_127[0] : i32 from vector<1xi32>
    %dma_start3A_129 = arith.constant 3 : i32
    %dma_start3A_130 = arith.constant 0 : i32
    %dma_start3A_131 = arith.constant 0 : i32
    %dma_start3A_132 = tpu.memref_slice %arg15[%dma_start3A_129, %dma_start3A_130, %dma_start3A_131] : memref<16x8x64xf32, #tpu.memory_space<vmem>> -> memref<1x8x64xf32, #tpu.memory_space<vmem>>
    %dma_start3A_133 = arith.constant 0 : i32
    %dma_start3A_134 = arith.constant 0 : i32
    %dma_start3A_135 = tpu.memref_slice %arg5[%squeeze3A_128, %dma_start3A_133, %dma_start3A_134] : memref<125000x8x64xf32, #tpu.memory_space<hbm>> -> memref<1x8x64xf32, #tpu.memory_space<hbm>>
    %dma_start3A_136 = arith.constant 3 : i32
    %dma_start3A_137 = arith.constant 0 : i32
    %dma_start3A_138 = arith.constant 0 : i32
    %dma_start3A_139 = tpu.memref_slice %arg15[%dma_start3A_136, %dma_start3A_137, %dma_start3A_138] : memref<16x8x64xf32, #tpu.memory_space<vmem>> -> memref<1x8x64xf32, #tpu.memory_space<vmem>>
    %dma_start3A_140 = arith.constant 0 : i32
    %dma_start3A_141 = arith.constant 0 : i32
    %dma_start3A_142 = tpu.memref_slice %arg5[%squeeze3A_128, %dma_start3A_140, %dma_start3A_141] : memref<125000x8x64xf32, #tpu.memory_space<hbm>> -> memref<1x8x64xf32, #tpu.memory_space<hbm>>
    tpu.enqueue_dma source(%dma_start3A_142 : memref<1x8x64xf32, #tpu.memory_space<hbm>>) target(%dma_start3A_139 : memref<1x8x64xf32, #tpu.memory_space<vmem>>) target_semaphore(%arg22 : memref<!tpu.dma_semaphore, #tpu.memory_space<semaphore_mem>>)
    %slice3A_143 = vector.extract_strided_slice %get3A_14 {offsets = [4], sizes = [1], strides = [1]} : vector<16xi32> to vector<1xi32>
    %squeeze3A_144 = vector.extract %slice3A_143[0] : i32 from vector<1xi32>
    %dma_start3A_145 = arith.constant 4 : i32
    %dma_start3A_146 = arith.constant 0 : i32
    %dma_start3A_147 = arith.constant 0 : i32
    %dma_start3A_148 = tpu.memref_slice %arg13[%dma_start3A_145, %dma_start3A_146, %dma_start3A_147] : memref<16x8x64xf32, #tpu.memory_space<vmem>> -> memref<1x8x64xf32, #tpu.memory_space<vmem>>
    %dma_start3A_149 = arith.constant 0 : i32
    %dma_start3A_150 = arith.constant 0 : i32
    %dma_start3A_151 = tpu.memref_slice %arg4[%squeeze3A_144, %dma_start3A_149, %dma_start3A_150] : memref<125000x8x64xf32, #tpu.memory_space<hbm>> -> memref<1x8x64xf32, #tpu.memory_space<hbm>>
    %dma_start3A_152 = arith.constant 4 : i32
    %dma_start3A_153 = arith.constant 0 : i32
    %dma_start3A_154 = arith.constant 0 : i32
    %dma_start3A_155 = tpu.memref_slice %arg13[%dma_start3A_152, %dma_start3A_153, %dma_start3A_154] : memref<16x8x64xf32, #tpu.memory_space<vmem>> -> memref<1x8x64xf32, #tpu.memory_space<vmem>>
    %dma_start3A_156 = arith.constant 0 : i32
    %dma_start3A_157 = arith.constant 0 : i32
    %dma_start3A_158 = tpu.memref_slice %arg4[%squeeze3A_144, %dma_start3A_156, %dma_start3A_157] : memref<125000x8x64xf32, #tpu.memory_space<hbm>> -> memref<1x8x64xf32, #tpu.memory_space<hbm>>
    tpu.enqueue_dma source(%dma_start3A_158 : memref<1x8x64xf32, #tpu.memory_space<hbm>>) target(%dma_start3A_155 : memref<1x8x64xf32, #tpu.memory_space<vmem>>) target_semaphore(%arg20 : memref<!tpu.dma_semaphore, #tpu.memory_space<semaphore_mem>>)
    %slice3A_159 = vector.extract_strided_slice %get3A_16 {offsets = [4], sizes = [1], strides = [1]} : vector<16xi32> to vector<1xi32>
    %squeeze3A_160 = vector.extract %slice3A_159[0] : i32 from vector<1xi32>
    %dma_start3A_161 = arith.constant 4 : i32
    %dma_start3A_162 = arith.constant 0 : i32
    %dma_start3A_163 = arith.constant 0 : i32
    %dma_start3A_164 = tpu.memref_slice %arg15[%dma_start3A_161, %dma_start3A_162, %dma_start3A_163] : memref<16x8x64xf32, #tpu.memory_space<vmem>> -> memref<1x8x64xf32, #tpu.memory_space<vmem>>
    %dma_start3A_165 = arith.constant 0 : i32
    %dma_start3A_166 = arith.constant 0 : i32
    %dma_start3A_167 = tpu.memref_slice %arg5[%squeeze3A_160, %dma_start3A_165, %dma_start3A_166] : memref<125000x8x64xf32, #tpu.memory_space<hbm>> -> memref<1x8x64xf32, #tpu.memory_space<hbm>>
    %dma_start3A_168 = arith.constant 4 : i32
    %dma_start3A_169 = arith.constant 0 : i32
    %dma_start3A_170 = arith.constant 0 : i32
    %dma_start3A_171 = tpu.memref_slice %arg15[%dma_start3A_168, %dma_start3A_169, %dma_start3A_170] : memref<16x8x64xf32, #tpu.memory_space<vmem>> -> memref<1x8x64xf32, #tpu.memory_space<vmem>>
    %dma_start3A_172 = arith.constant 0 : i32
    %dma_start3A_173 = arith.constant 0 : i32
    %dma_start3A_174 = tpu.memref_slice %arg5[%squeeze3A_160, %dma_start3A_172, %dma_start3A_173] : memref<125000x8x64xf32, #tpu.memory_space<hbm>> -> memref<1x8x64xf32, #tpu.memory_space<hbm>>
    tpu.enqueue_dma source(%dma_start3A_174 : memref<1x8x64xf32, #tpu.memory_space<hbm>>) target(%dma_start3A_171 : memref<1x8x64xf32, #tpu.memory_space<vmem>>) target_semaphore(%arg22 : memref<!tpu.dma_semaphore, #tpu.memory_space<semaphore_mem>>)
    %slice3A_175 = vector.extract_strided_slice %get3A_14 {offsets = [5], sizes = [1], strides = [1]} : vector<16xi32> to vector<1xi32>
    %squeeze3A_176 = vector.extract %slice3A_175[0] : i32 from vector<1xi32>
    %dma_start3A_177 = arith.constant 5 : i32
    %dma_start3A_178 = arith.constant 0 : i32
    %dma_start3A_179 = arith.constant 0 : i32
    %dma_start3A_180 = tpu.memref_slice %arg13[%dma_start3A_177, %dma_start3A_178, %dma_start3A_179] : memref<16x8x64xf32, #tpu.memory_space<vmem>> -> memref<1x8x64xf32, #tpu.memory_space<vmem>>
    %dma_start3A_181 = arith.constant 0 : i32
    %dma_start3A_182 = arith.constant 0 : i32
    %dma_start3A_183 = tpu.memref_slice %arg4[%squeeze3A_176, %dma_start3A_181, %dma_start3A_182] : memref<125000x8x64xf32, #tpu.memory_space<hbm>> -> memref<1x8x64xf32, #tpu.memory_space<hbm>>
    %dma_start3A_184 = arith.constant 5 : i32
    %dma_start3A_185 = arith.constant 0 : i32
    %dma_start3A_186 = arith.constant 0 : i32
    %dma_start3A_187 = tpu.memref_slice %arg13[%dma_start3A_184, %dma_start3A_185, %dma_start3A_186] : memref<16x8x64xf32, #tpu.memory_space<vmem>> -> memref<1x8x64xf32, #tpu.memory_space<vmem>>
    %dma_start3A_188 = arith.constant 0 : i32
    %dma_start3A_189 = arith.constant 0 : i32
    %dma_start3A_190 = tpu.memref_slice %arg4[%squeeze3A_176, %dma_start3A_188, %dma_start3A_189] : memref<125000x8x64xf32, #tpu.memory_space<hbm>> -> memref<1x8x64xf32, #tpu.memory_space<hbm>>
    tpu.enqueue_dma source(%dma_start3A_190 : memref<1x8x64xf32, #tpu.memory_space<hbm>>) target(%dma_start3A_187 : memref<1x8x64xf32, #tpu.memory_space<vmem>>) target_semaphore(%arg20 : memref<!tpu.dma_semaphore, #tpu.memory_space<semaphore_mem>>)
    %slice3A_191 = vector.extract_strided_slice %get3A_16 {offsets = [5], sizes = [1], strides = [1]} : vector<16xi32> to vector<1xi32>
    %squeeze3A_192 = vector.extract %slice3A_191[0] : i32 from vector<1xi32>
    %dma_start3A_193 = arith.constant 5 : i32
    %dma_start3A_194 = arith.constant 0 : i32
    %dma_start3A_195 = arith.constant 0 : i32
    %dma_start3A_196 = tpu.memref_slice %arg15[%dma_start3A_193, %dma_start3A_194, %dma_start3A_195] : memref<16x8x64xf32, #tpu.memory_space<vmem>> -> memref<1x8x64xf32, #tpu.memory_space<vmem>>
    %dma_start3A_197 = arith.constant 0 : i32
    %dma_start3A_198 = arith.constant 0 : i32
    %dma_start3A_199 = tpu.memref_slice %arg5[%squeeze3A_192, %dma_start3A_197, %dma_start3A_198] : memref<125000x8x64xf32, #tpu.memory_space<hbm>> -> memref<1x8x64xf32, #tpu.memory_space<hbm>>
    %dma_start3A_200 = arith.constant 5 : i32
    %dma_start3A_201 = arith.constant 0 : i32
    %dma_start3A_202 = arith.constant 0 : i32
    %dma_start3A_203 = tpu.memref_slice %arg15[%dma_start3A_200, %dma_start3A_201, %dma_start3A_202] : memref<16x8x64xf32, #tpu.memory_space<vmem>> -> memref<1x8x64xf32, #tpu.memory_space<vmem>>
    %dma_start3A_204 = arith.constant 0 : i32
    %dma_start3A_205 = arith.constant 0 : i32
    %dma_start3A_206 = tpu.memref_slice %arg5[%squeeze3A_192, %dma_start3A_204, %dma_start3A_205] : memref<125000x8x64xf32, #tpu.memory_space<hbm>> -> memref<1x8x64xf32, #tpu.memory_space<hbm>>
    tpu.enqueue_dma source(%dma_start3A_206 : memref<1x8x64xf32, #tpu.memory_space<hbm>>) target(%dma_start3A_203 : memref<1x8x64xf32, #tpu.memory_space<vmem>>) target_semaphore(%arg22 : memref<!tpu.dma_semaphore, #tpu.memory_space<semaphore_mem>>)
    %slice3A_207 = vector.extract_strided_slice %get3A_14 {offsets = [6], sizes = [1], strides = [1]} : vector<16xi32> to vector<1xi32>
    %squeeze3A_208 = vector.extract %slice3A_207[0] : i32 from vector<1xi32>
    %dma_start3A_209 = arith.constant 6 : i32
    %dma_start3A_210 = arith.constant 0 : i32
    %dma_start3A_211 = arith.constant 0 : i32
    %dma_start3A_212 = tpu.memref_slice %arg13[%dma_start3A_209, %dma_start3A_210, %dma_start3A_211] : memref<16x8x64xf32, #tpu.memory_space<vmem>> -> memref<1x8x64xf32, #tpu.memory_space<vmem>>
    %dma_start3A_213 = arith.constant 0 : i32
    %dma_start3A_214 = arith.constant 0 : i32
    %dma_start3A_215 = tpu.memref_slice %arg4[%squeeze3A_208, %dma_start3A_213, %dma_start3A_214] : memref<125000x8x64xf32, #tpu.memory_space<hbm>> -> memref<1x8x64xf32, #tpu.memory_space<hbm>>
    %dma_start3A_216 = arith.constant 6 : i32
    %dma_start3A_217 = arith.constant 0 : i32
    %dma_start3A_218 = arith.constant 0 : i32
    %dma_start3A_219 = tpu.memref_slice %arg13[%dma_start3A_216, %dma_start3A_217, %dma_start3A_218] : memref<16x8x64xf32, #tpu.memory_space<vmem>> -> memref<1x8x64xf32, #tpu.memory_space<vmem>>
    %dma_start3A_220 = arith.constant 0 : i32
    %dma_start3A_221 = arith.constant 0 : i32
    %dma_start3A_222 = tpu.memref_slice %arg4[%squeeze3A_208, %dma_start3A_220, %dma_start3A_221] : memref<125000x8x64xf32, #tpu.memory_space<hbm>> -> memref<1x8x64xf32, #tpu.memory_space<hbm>>
    tpu.enqueue_dma source(%dma_start3A_222 : memref<1x8x64xf32, #tpu.memory_space<hbm>>) target(%dma_start3A_219 : memref<1x8x64xf32, #tpu.memory_space<vmem>>) target_semaphore(%arg20 : memref<!tpu.dma_semaphore, #tpu.memory_space<semaphore_mem>>)
    %slice3A_223 = vector.extract_strided_slice %get3A_16 {offsets = [6], sizes = [1], strides = [1]} : vector<16xi32> to vector<1xi32>
    %squeeze3A_224 = vector.extract %slice3A_223[0] : i32 from vector<1xi32>
    %dma_start3A_225 = arith.constant 6 : i32
    %dma_start3A_226 = arith.constant 0 : i32
    %dma_start3A_227 = arith.constant 0 : i32
    %dma_start3A_228 = tpu.memref_slice %arg15[%dma_start3A_225, %dma_start3A_226, %dma_start3A_227] : memref<16x8x64xf32, #tpu.memory_space<vmem>> -> memref<1x8x64xf32, #tpu.memory_space<vmem>>
    %dma_start3A_229 = arith.constant 0 : i32
    %dma_start3A_230 = arith.constant 0 : i32
    %dma_start3A_231 = tpu.memref_slice %arg5[%squeeze3A_224, %dma_start3A_229, %dma_start3A_230] : memref<125000x8x64xf32, #tpu.memory_space<hbm>> -> memref<1x8x64xf32, #tpu.memory_space<hbm>>
    %dma_start3A_232 = arith.constant 6 : i32
    %dma_start3A_233 = arith.constant 0 : i32
    %dma_start3A_234 = arith.constant 0 : i32
    %dma_start3A_235 = tpu.memref_slice %arg15[%dma_start3A_232, %dma_start3A_233, %dma_start3A_234] : memref<16x8x64xf32, #tpu.memory_space<vmem>> -> memref<1x8x64xf32, #tpu.memory_space<vmem>>
    %dma_start3A_236 = arith.constant 0 : i32
    %dma_start3A_237 = arith.constant 0 : i32
    %dma_start3A_238 = tpu.memref_slice %arg5[%squeeze3A_224, %dma_start3A_236, %dma_start3A_237] : memref<125000x8x64xf32, #tpu.memory_space<hbm>> -> memref<1x8x64xf32, #tpu.memory_space<hbm>>
    tpu.enqueue_dma source(%dma_start3A_238 : memref<1x8x64xf32, #tpu.memory_space<hbm>>) target(%dma_start3A_235 : memref<1x8x64xf32, #tpu.memory_space<vmem>>) target_semaphore(%arg22 : memref<!tpu.dma_semaphore, #tpu.memory_space<semaphore_mem>>)
    %slice3A_239 = vector.extract_strided_slice %get3A_14 {offsets = [7], sizes = [1], strides = [1]} : vector<16xi32> to vector<1xi32>
    %squeeze3A_240 = vector.extract %slice3A_239[0] : i32 from vector<1xi32>
    %dma_start3A_241 = arith.constant 7 : i32
    %dma_start3A_242 = arith.constant 0 : i32
    %dma_start3A_243 = arith.constant 0 : i32
    %dma_start3A_244 = tpu.memref_slice %arg13[%dma_start3A_241, %dma_start3A_242, %dma_start3A_243] : memref<16x8x64xf32, #tpu.memory_space<vmem>> -> memref<1x8x64xf32, #tpu.memory_space<vmem>>
    %dma_start3A_245 = arith.constant 0 : i32
    %dma_start3A_246 = arith.constant 0 : i32
    %dma_start3A_247 = tpu.memref_slice %arg4[%squeeze3A_240, %dma_start3A_245, %dma_start3A_246] : memref<125000x8x64xf32, #tpu.memory_space<hbm>> -> memref<1x8x64xf32, #tpu.memory_space<hbm>>
    %dma_start3A_248 = arith.constant 7 : i32
    %dma_start3A_249 = arith.constant 0 : i32
    %dma_start3A_250 = arith.constant 0 : i32
    %dma_start3A_251 = tpu.memref_slice %arg13[%dma_start3A_248, %dma_start3A_249, %dma_start3A_250] : memref<16x8x64xf32, #tpu.memory_space<vmem>> -> memref<1x8x64xf32, #tpu.memory_space<vmem>>
    %dma_start3A_252 = arith.constant 0 : i32
    %dma_start3A_253 = arith.constant 0 : i32
    %dma_start3A_254 = tpu.memref_slice %arg4[%squeeze3A_240, %dma_start3A_252, %dma_start3A_253] : memref<125000x8x64xf32, #tpu.memory_space<hbm>> -> memref<1x8x64xf32, #tpu.memory_space<hbm>>
    tpu.enqueue_dma source(%dma_start3A_254 : memref<1x8x64xf32, #tpu.memory_space<hbm>>) target(%dma_start3A_251 : memref<1x8x64xf32, #tpu.memory_space<vmem>>) target_semaphore(%arg20 : memref<!tpu.dma_semaphore, #tpu.memory_space<semaphore_mem>>)
    %slice3A_255 = vector.extract_strided_slice %get3A_16 {offsets = [7], sizes = [1], strides = [1]} : vector<16xi32> to vector<1xi32>
    %squeeze3A_256 = vector.extract %slice3A_255[0] : i32 from vector<1xi32>
    %dma_start3A_257 = arith.constant 7 : i32
    %dma_start3A_258 = arith.constant 0 : i32
    %dma_start3A_259 = arith.constant 0 : i32
    %dma_start3A_260 = tpu.memref_slice %arg15[%dma_start3A_257, %dma_start3A_258, %dma_start3A_259] : memref<16x8x64xf32, #tpu.memory_space<vmem>> -> memref<1x8x64xf32, #tpu.memory_space<vmem>>
    %dma_start3A_261 = arith.constant 0 : i32
    %dma_start3A_262 = arith.constant 0 : i32
    %dma_start3A_263 = tpu.memref_slice %arg5[%squeeze3A_256, %dma_start3A_261, %dma_start3A_262] : memref<125000x8x64xf32, #tpu.memory_space<hbm>> -> memref<1x8x64xf32, #tpu.memory_space<hbm>>
    %dma_start3A_264 = arith.constant 7 : i32
    %dma_start3A_265 = arith.constant 0 : i32
    %dma_start3A_266 = arith.constant 0 : i32
    %dma_start3A_267 = tpu.memref_slice %arg15[%dma_start3A_264, %dma_start3A_265, %dma_start3A_266] : memref<16x8x64xf32, #tpu.memory_space<vmem>> -> memref<1x8x64xf32, #tpu.memory_space<vmem>>
    %dma_start3A_268 = arith.constant 0 : i32
    %dma_start3A_269 = arith.constant 0 : i32
    %dma_start3A_270 = tpu.memref_slice %arg5[%squeeze3A_256, %dma_start3A_268, %dma_start3A_269] : memref<125000x8x64xf32, #tpu.memory_space<hbm>> -> memref<1x8x64xf32, #tpu.memory_space<hbm>>
    tpu.enqueue_dma source(%dma_start3A_270 : memref<1x8x64xf32, #tpu.memory_space<hbm>>) target(%dma_start3A_267 : memref<1x8x64xf32, #tpu.memory_space<vmem>>) target_semaphore(%arg22 : memref<!tpu.dma_semaphore, #tpu.memory_space<semaphore_mem>>)
    %slice3A_271 = vector.extract_strided_slice %get3A_14 {offsets = [8], sizes = [1], strides = [1]} : vector<16xi32> to vector<1xi32>
    %squeeze3A_272 = vector.extract %slice3A_271[0] : i32 from vector<1xi32>
    %dma_start3A_273 = arith.constant 8 : i32
    %dma_start3A_274 = arith.constant 0 : i32
    %dma_start3A_275 = arith.constant 0 : i32
    %dma_start3A_276 = tpu.memref_slice %arg13[%dma_start3A_273, %dma_start3A_274, %dma_start3A_275] : memref<16x8x64xf32, #tpu.memory_space<vmem>> -> memref<1x8x64xf32, #tpu.memory_space<vmem>>
    %dma_start3A_277 = arith.constant 0 : i32
    %dma_start3A_278 = arith.constant 0 : i32
    %dma_start3A_279 = tpu.memref_slice %arg4[%squeeze3A_272, %dma_start3A_277, %dma_start3A_278] : memref<125000x8x64xf32, #tpu.memory_space<hbm>> -> memref<1x8x64xf32, #tpu.memory_space<hbm>>
    %dma_start3A_280 = arith.constant 8 : i32
    %dma_start3A_281 = arith.constant 0 : i32
    %dma_start3A_282 = arith.constant 0 : i32
    %dma_start3A_283 = tpu.memref_slice %arg13[%dma_start3A_280, %dma_start3A_281, %dma_start3A_282] : memref<16x8x64xf32, #tpu.memory_space<vmem>> -> memref<1x8x64xf32, #tpu.memory_space<vmem>>
    %dma_start3A_284 = arith.constant 0 : i32
    %dma_start3A_285 = arith.constant 0 : i32
    %dma_start3A_286 = tpu.memref_slice %arg4[%squeeze3A_272, %dma_start3A_284, %dma_start3A_285] : memref<125000x8x64xf32, #tpu.memory_space<hbm>> -> memref<1x8x64xf32, #tpu.memory_space<hbm>>
    tpu.enqueue_dma source(%dma_start3A_286 : memref<1x8x64xf32, #tpu.memory_space<hbm>>) target(%dma_start3A_283 : memref<1x8x64xf32, #tpu.memory_space<vmem>>) target_semaphore(%arg20 : memref<!tpu.dma_semaphore, #tpu.memory_space<semaphore_mem>>)
    %slice3A_287 = vector.extract_strided_slice %get3A_16 {offsets = [8], sizes = [1], strides = [1]} : vector<16xi32> to vector<1xi32>
    %squeeze3A_288 = vector.extract %slice3A_287[0] : i32 from vector<1xi32>
    %dma_start3A_289 = arith.constant 8 : i32
    %dma_start3A_290 = arith.constant 0 : i32
    %dma_start3A_291 = arith.constant 0 : i32
    %dma_start3A_292 = tpu.memref_slice %arg15[%dma_start3A_289, %dma_start3A_290, %dma_start3A_291] : memref<16x8x64xf32, #tpu.memory_space<vmem>> -> memref<1x8x64xf32, #tpu.memory_space<vmem>>
    %dma_start3A_293 = arith.constant 0 : i32
    %dma_start3A_294 = arith.constant 0 : i32
    %dma_start3A_295 = tpu.memref_slice %arg5[%squeeze3A_288, %dma_start3A_293, %dma_start3A_294] : memref<125000x8x64xf32, #tpu.memory_space<hbm>> -> memref<1x8x64xf32, #tpu.memory_space<hbm>>
    %dma_start3A_296 = arith.constant 8 : i32
    %dma_start3A_297 = arith.constant 0 : i32
    %dma_start3A_298 = arith.constant 0 : i32
    %dma_start3A_299 = tpu.memref_slice %arg15[%dma_start3A_296, %dma_start3A_297, %dma_start3A_298] : memref<16x8x64xf32, #tpu.memory_space<vmem>> -> memref<1x8x64xf32, #tpu.memory_space<vmem>>
    %dma_start3A_300 = arith.constant 0 : i32
    %dma_start3A_301 = arith.constant 0 : i32
    %dma_start3A_302 = tpu.memref_slice %arg5[%squeeze3A_288, %dma_start3A_300, %dma_start3A_301] : memref<125000x8x64xf32, #tpu.memory_space<hbm>> -> memref<1x8x64xf32, #tpu.memory_space<hbm>>
    tpu.enqueue_dma source(%dma_start3A_302 : memref<1x8x64xf32, #tpu.memory_space<hbm>>) target(%dma_start3A_299 : memref<1x8x64xf32, #tpu.memory_space<vmem>>) target_semaphore(%arg22 : memref<!tpu.dma_semaphore, #tpu.memory_space<semaphore_mem>>)
    %slice3A_303 = vector.extract_strided_slice %get3A_14 {offsets = [9], sizes = [1], strides = [1]} : vector<16xi32> to vector<1xi32>
    %squeeze3A_304 = vector.extract %slice3A_303[0] : i32 from vector<1xi32>
    %dma_start3A_305 = arith.constant 9 : i32
    %dma_start3A_306 = arith.constant 0 : i32
    %dma_start3A_307 = arith.constant 0 : i32
    %dma_start3A_308 = tpu.memref_slice %arg13[%dma_start3A_305, %dma_start3A_306, %dma_start3A_307] : memref<16x8x64xf32, #tpu.memory_space<vmem>> -> memref<1x8x64xf32, #tpu.memory_space<vmem>>
    %dma_start3A_309 = arith.constant 0 : i32
    %dma_start3A_310 = arith.constant 0 : i32
    %dma_start3A_311 = tpu.memref_slice %arg4[%squeeze3A_304, %dma_start3A_309, %dma_start3A_310] : memref<125000x8x64xf32, #tpu.memory_space<hbm>> -> memref<1x8x64xf32, #tpu.memory_space<hbm>>
    %dma_start3A_312 = arith.constant 9 : i32
    %dma_start3A_313 = arith.constant 0 : i32
    %dma_start3A_314 = arith.constant 0 : i32
    %dma_start3A_315 = tpu.memref_slice %arg13[%dma_start3A_312, %dma_start3A_313, %dma_start3A_314] : memref<16x8x64xf32, #tpu.memory_space<vmem>> -> memref<1x8x64xf32, #tpu.memory_space<vmem>>
    %dma_start3A_316 = arith.constant 0 : i32
    %dma_start3A_317 = arith.constant 0 : i32
    %dma_start3A_318 = tpu.memref_slice %arg4[%squeeze3A_304, %dma_start3A_316, %dma_start3A_317] : memref<125000x8x64xf32, #tpu.memory_space<hbm>> -> memref<1x8x64xf32, #tpu.memory_space<hbm>>
    tpu.enqueue_dma source(%dma_start3A_318 : memref<1x8x64xf32, #tpu.memory_space<hbm>>) target(%dma_start3A_315 : memref<1x8x64xf32, #tpu.memory_space<vmem>>) target_semaphore(%arg20 : memref<!tpu.dma_semaphore, #tpu.memory_space<semaphore_mem>>)
    %slice3A_319 = vector.extract_strided_slice %get3A_16 {offsets = [9], sizes = [1], strides = [1]} : vector<16xi32> to vector<1xi32>
    %squeeze3A_320 = vector.extract %slice3A_319[0] : i32 from vector<1xi32>
    %dma_start3A_321 = arith.constant 9 : i32
    %dma_start3A_322 = arith.constant 0 : i32
    %dma_start3A_323 = arith.constant 0 : i32
    %dma_start3A_324 = tpu.memref_slice %arg15[%dma_start3A_321, %dma_start3A_322, %dma_start3A_323] : memref<16x8x64xf32, #tpu.memory_space<vmem>> -> memref<1x8x64xf32, #tpu.memory_space<vmem>>
    %dma_start3A_325 = arith.constant 0 : i32
    %dma_start3A_326 = arith.constant 0 : i32
    %dma_start3A_327 = tpu.memref_slice %arg5[%squeeze3A_320, %dma_start3A_325, %dma_start3A_326] : memref<125000x8x64xf32, #tpu.memory_space<hbm>> -> memref<1x8x64xf32, #tpu.memory_space<hbm>>
    %dma_start3A_328 = arith.constant 9 : i32
    %dma_start3A_329 = arith.constant 0 : i32
    %dma_start3A_330 = arith.constant 0 : i32
    %dma_start3A_331 = tpu.memref_slice %arg15[%dma_start3A_328, %dma_start3A_329, %dma_start3A_330] : memref<16x8x64xf32, #tpu.memory_space<vmem>> -> memref<1x8x64xf32, #tpu.memory_space<vmem>>
    %dma_start3A_332 = arith.constant 0 : i32
    %dma_start3A_333 = arith.constant 0 : i32
    %dma_start3A_334 = tpu.memref_slice %arg5[%squeeze3A_320, %dma_start3A_332, %dma_start3A_333] : memref<125000x8x64xf32, #tpu.memory_space<hbm>> -> memref<1x8x64xf32, #tpu.memory_space<hbm>>
    tpu.enqueue_dma source(%dma_start3A_334 : memref<1x8x64xf32, #tpu.memory_space<hbm>>) target(%dma_start3A_331 : memref<1x8x64xf32, #tpu.memory_space<vmem>>) target_semaphore(%arg22 : memref<!tpu.dma_semaphore, #tpu.memory_space<semaphore_mem>>)
    %slice3A_335 = vector.extract_strided_slice %get3A_14 {offsets = [10], sizes = [1], strides = [1]} : vector<16xi32> to vector<1xi32>
    %squeeze3A_336 = vector.extract %slice3A_335[0] : i32 from vector<1xi32>
    %dma_start3A_337 = arith.constant 10 : i32
    %dma_start3A_338 = arith.constant 0 : i32
    %dma_start3A_339 = arith.constant 0 : i32
    %dma_start3A_340 = tpu.memref_slice %arg13[%dma_start3A_337, %dma_start3A_338, %dma_start3A_339] : memref<16x8x64xf32, #tpu.memory_space<vmem>> -> memref<1x8x64xf32, #tpu.memory_space<vmem>>
    %dma_start3A_341 = arith.constant 0 : i32
    %dma_start3A_342 = arith.constant 0 : i32
    %dma_start3A_343 = tpu.memref_slice %arg4[%squeeze3A_336, %dma_start3A_341, %dma_start3A_342] : memref<125000x8x64xf32, #tpu.memory_space<hbm>> -> memref<1x8x64xf32, #tpu.memory_space<hbm>>
    %dma_start3A_344 = arith.constant 10 : i32
    %dma_start3A_345 = arith.constant 0 : i32
    %dma_start3A_346 = arith.constant 0 : i32
    %dma_start3A_347 = tpu.memref_slice %arg13[%dma_start3A_344, %dma_start3A_345, %dma_start3A_346] : memref<16x8x64xf32, #tpu.memory_space<vmem>> -> memref<1x8x64xf32, #tpu.memory_space<vmem>>
    %dma_start3A_348 = arith.constant 0 : i32
    %dma_start3A_349 = arith.constant 0 : i32
    %dma_start3A_350 = tpu.memref_slice %arg4[%squeeze3A_336, %dma_start3A_348, %dma_start3A_349] : memref<125000x8x64xf32, #tpu.memory_space<hbm>> -> memref<1x8x64xf32, #tpu.memory_space<hbm>>
    tpu.enqueue_dma source(%dma_start3A_350 : memref<1x8x64xf32, #tpu.memory_space<hbm>>) target(%dma_start3A_347 : memref<1x8x64xf32, #tpu.memory_space<vmem>>) target_semaphore(%arg20 : memref<!tpu.dma_semaphore, #tpu.memory_space<semaphore_mem>>)
    %slice3A_351 = vector.extract_strided_slice %get3A_16 {offsets = [10], sizes = [1], strides = [1]} : vector<16xi32> to vector<1xi32>
    %squeeze3A_352 = vector.extract %slice3A_351[0] : i32 from vector<1xi32>
    %dma_start3A_353 = arith.constant 10 : i32
    %dma_start3A_354 = arith.constant 0 : i32
    %dma_start3A_355 = arith.constant 0 : i32
    %dma_start3A_356 = tpu.memref_slice %arg15[%dma_start3A_353, %dma_start3A_354, %dma_start3A_355] : memref<16x8x64xf32, #tpu.memory_space<vmem>> -> memref<1x8x64xf32, #tpu.memory_space<vmem>>
    %dma_start3A_357 = arith.constant 0 : i32
    %dma_start3A_358 = arith.constant 0 : i32
    %dma_start3A_359 = tpu.memref_slice %arg5[%squeeze3A_352, %dma_start3A_357, %dma_start3A_358] : memref<125000x8x64xf32, #tpu.memory_space<hbm>> -> memref<1x8x64xf32, #tpu.memory_space<hbm>>
    %dma_start3A_360 = arith.constant 10 : i32
    %dma_start3A_361 = arith.constant 0 : i32
    %dma_start3A_362 = arith.constant 0 : i32
    %dma_start3A_363 = tpu.memref_slice %arg15[%dma_start3A_360, %dma_start3A_361, %dma_start3A_362] : memref<16x8x64xf32, #tpu.memory_space<vmem>> -> memref<1x8x64xf32, #tpu.memory_space<vmem>>
    %dma_start3A_364 = arith.constant 0 : i32
    %dma_start3A_365 = arith.constant 0 : i32
    %dma_start3A_366 = tpu.memref_slice %arg5[%squeeze3A_352, %dma_start3A_364, %dma_start3A_365] : memref<125000x8x64xf32, #tpu.memory_space<hbm>> -> memref<1x8x64xf32, #tpu.memory_space<hbm>>
    tpu.enqueue_dma source(%dma_start3A_366 : memref<1x8x64xf32, #tpu.memory_space<hbm>>) target(%dma_start3A_363 : memref<1x8x64xf32, #tpu.memory_space<vmem>>) target_semaphore(%arg22 : memref<!tpu.dma_semaphore, #tpu.memory_space<semaphore_mem>>)
    %slice3A_367 = vector.extract_strided_slice %get3A_14 {offsets = [11], sizes = [1], strides = [1]} : vector<16xi32> to vector<1xi32>
    %squeeze3A_368 = vector.extract %slice3A_367[0] : i32 from vector<1xi32>
    %dma_start3A_369 = arith.constant 11 : i32
    %dma_start3A_370 = arith.constant 0 : i32
    %dma_start3A_371 = arith.constant 0 : i32
    %dma_start3A_372 = tpu.memref_slice %arg13[%dma_start3A_369, %dma_start3A_370, %dma_start3A_371] : memref<16x8x64xf32, #tpu.memory_space<vmem>> -> memref<1x8x64xf32, #tpu.memory_space<vmem>>
    %dma_start3A_373 = arith.constant 0 : i32
    %dma_start3A_374 = arith.constant 0 : i32
    %dma_start3A_375 = tpu.memref_slice %arg4[%squeeze3A_368, %dma_start3A_373, %dma_start3A_374] : memref<125000x8x64xf32, #tpu.memory_space<hbm>> -> memref<1x8x64xf32, #tpu.memory_space<hbm>>
    %dma_start3A_376 = arith.constant 11 : i32
    %dma_start3A_377 = arith.constant 0 : i32
    %dma_start3A_378 = arith.constant 0 : i32
    %dma_start3A_379 = tpu.memref_slice %arg13[%dma_start3A_376, %dma_start3A_377, %dma_start3A_378] : memref<16x8x64xf32, #tpu.memory_space<vmem>> -> memref<1x8x64xf32, #tpu.memory_space<vmem>>
    %dma_start3A_380 = arith.constant 0 : i32
    %dma_start3A_381 = arith.constant 0 : i32
    %dma_start3A_382 = tpu.memref_slice %arg4[%squeeze3A_368, %dma_start3A_380, %dma_start3A_381] : memref<125000x8x64xf32, #tpu.memory_space<hbm>> -> memref<1x8x64xf32, #tpu.memory_space<hbm>>
    tpu.enqueue_dma source(%dma_start3A_382 : memref<1x8x64xf32, #tpu.memory_space<hbm>>) target(%dma_start3A_379 : memref<1x8x64xf32, #tpu.memory_space<vmem>>) target_semaphore(%arg20 : memref<!tpu.dma_semaphore, #tpu.memory_space<semaphore_mem>>)
    %slice3A_383 = vector.extract_strided_slice %get3A_16 {offsets = [11], sizes = [1], strides = [1]} : vector<16xi32> to vector<1xi32>
    %squeeze3A_384 = vector.extract %slice3A_383[0] : i32 from vector<1xi32>
    %dma_start3A_385 = arith.constant 11 : i32
    %dma_start3A_386 = arith.constant 0 : i32
    %dma_start3A_387 = arith.constant 0 : i32
    %dma_start3A_388 = tpu.memref_slice %arg15[%dma_start3A_385, %dma_start3A_386, %dma_start3A_387] : memref<16x8x64xf32, #tpu.memory_space<vmem>> -> memref<1x8x64xf32, #tpu.memory_space<vmem>>
    %dma_start3A_389 = arith.constant 0 : i32
    %dma_start3A_390 = arith.constant 0 : i32
    %dma_start3A_391 = tpu.memref_slice %arg5[%squeeze3A_384, %dma_start3A_389, %dma_start3A_390] : memref<125000x8x64xf32, #tpu.memory_space<hbm>> -> memref<1x8x64xf32, #tpu.memory_space<hbm>>
    %dma_start3A_392 = arith.constant 11 : i32
    %dma_start3A_393 = arith.constant 0 : i32
    %dma_start3A_394 = arith.constant 0 : i32
    %dma_start3A_395 = tpu.memref_slice %arg15[%dma_start3A_392, %dma_start3A_393, %dma_start3A_394] : memref<16x8x64xf32, #tpu.memory_space<vmem>> -> memref<1x8x64xf32, #tpu.memory_space<vmem>>
    %dma_start3A_396 = arith.constant 0 : i32
    %dma_start3A_397 = arith.constant 0 : i32
    %dma_start3A_398 = tpu.memref_slice %arg5[%squeeze3A_384, %dma_start3A_396, %dma_start3A_397] : memref<125000x8x64xf32, #tpu.memory_space<hbm>> -> memref<1x8x64xf32, #tpu.memory_space<hbm>>
    tpu.enqueue_dma source(%dma_start3A_398 : memref<1x8x64xf32, #tpu.memory_space<hbm>>) target(%dma_start3A_395 : memref<1x8x64xf32, #tpu.memory_space<vmem>>) target_semaphore(%arg22 : memref<!tpu.dma_semaphore, #tpu.memory_space<semaphore_mem>>)
    %slice3A_399 = vector.extract_strided_slice %get3A_14 {offsets = [12], sizes = [1], strides = [1]} : vector<16xi32> to vector<1xi32>
    %squeeze3A_400 = vector.extract %slice3A_399[0] : i32 from vector<1xi32>
    %dma_start3A_401 = arith.constant 12 : i32
    %dma_start3A_402 = arith.constant 0 : i32
    %dma_start3A_403 = arith.constant 0 : i32
    %dma_start3A_404 = tpu.memref_slice %arg13[%dma_start3A_401, %dma_start3A_402, %dma_start3A_403] : memref<16x8x64xf32, #tpu.memory_space<vmem>> -> memref<1x8x64xf32, #tpu.memory_space<vmem>>
    %dma_start3A_405 = arith.constant 0 : i32
    %dma_start3A_406 = arith.constant 0 : i32
    %dma_start3A_407 = tpu.memref_slice %arg4[%squeeze3A_400, %dma_start3A_405, %dma_start3A_406] : memref<125000x8x64xf32, #tpu.memory_space<hbm>> -> memref<1x8x64xf32, #tpu.memory_space<hbm>>
    %dma_start3A_408 = arith.constant 12 : i32
    %dma_start3A_409 = arith.constant 0 : i32
    %dma_start3A_410 = arith.constant 0 : i32
    %dma_start3A_411 = tpu.memref_slice %arg13[%dma_start3A_408, %dma_start3A_409, %dma_start3A_410] : memref<16x8x64xf32, #tpu.memory_space<vmem>> -> memref<1x8x64xf32, #tpu.memory_space<vmem>>
    %dma_start3A_412 = arith.constant 0 : i32
    %dma_start3A_413 = arith.constant 0 : i32
    %dma_start3A_414 = tpu.memref_slice %arg4[%squeeze3A_400, %dma_start3A_412, %dma_start3A_413] : memref<125000x8x64xf32, #tpu.memory_space<hbm>> -> memref<1x8x64xf32, #tpu.memory_space<hbm>>
    tpu.enqueue_dma source(%dma_start3A_414 : memref<1x8x64xf32, #tpu.memory_space<hbm>>) target(%dma_start3A_411 : memref<1x8x64xf32, #tpu.memory_space<vmem>>) target_semaphore(%arg20 : memref<!tpu.dma_semaphore, #tpu.memory_space<semaphore_mem>>)
    %slice3A_415 = vector.extract_strided_slice %get3A_16 {offsets = [12], sizes = [1], strides = [1]} : vector<16xi32> to vector<1xi32>
    %squeeze3A_416 = vector.extract %slice3A_415[0] : i32 from vector<1xi32>
    %dma_start3A_417 = arith.constant 12 : i32
    %dma_start3A_418 = arith.constant 0 : i32
    %dma_start3A_419 = arith.constant 0 : i32
    %dma_start3A_420 = tpu.memref_slice %arg15[%dma_start3A_417, %dma_start3A_418, %dma_start3A_419] : memref<16x8x64xf32, #tpu.memory_space<vmem>> -> memref<1x8x64xf32, #tpu.memory_space<vmem>>
    %dma_start3A_421 = arith.constant 0 : i32
    %dma_start3A_422 = arith.constant 0 : i32
    %dma_start3A_423 = tpu.memref_slice %arg5[%squeeze3A_416, %dma_start3A_421, %dma_start3A_422] : memref<125000x8x64xf32, #tpu.memory_space<hbm>> -> memref<1x8x64xf32, #tpu.memory_space<hbm>>
    %dma_start3A_424 = arith.constant 12 : i32
    %dma_start3A_425 = arith.constant 0 : i32
    %dma_start3A_426 = arith.constant 0 : i32
    %dma_start3A_427 = tpu.memref_slice %arg15[%dma_start3A_424, %dma_start3A_425, %dma_start3A_426] : memref<16x8x64xf32, #tpu.memory_space<vmem>> -> memref<1x8x64xf32, #tpu.memory_space<vmem>>
    %dma_start3A_428 = arith.constant 0 : i32
    %dma_start3A_429 = arith.constant 0 : i32
    %dma_start3A_430 = tpu.memref_slice %arg5[%squeeze3A_416, %dma_start3A_428, %dma_start3A_429] : memref<125000x8x64xf32, #tpu.memory_space<hbm>> -> memref<1x8x64xf32, #tpu.memory_space<hbm>>
    tpu.enqueue_dma source(%dma_start3A_430 : memref<1x8x64xf32, #tpu.memory_space<hbm>>) target(%dma_start3A_427 : memref<1x8x64xf32, #tpu.memory_space<vmem>>) target_semaphore(%arg22 : memref<!tpu.dma_semaphore, #tpu.memory_space<semaphore_mem>>)
    %slice3A_431 = vector.extract_strided_slice %get3A_14 {offsets = [13], sizes = [1], strides = [1]} : vector<16xi32> to vector<1xi32>
    %squeeze3A_432 = vector.extract %slice3A_431[0] : i32 from vector<1xi32>
    %dma_start3A_433 = arith.constant 13 : i32
    %dma_start3A_434 = arith.constant 0 : i32
    %dma_start3A_435 = arith.constant 0 : i32
    %dma_start3A_436 = tpu.memref_slice %arg13[%dma_start3A_433, %dma_start3A_434, %dma_start3A_435] : memref<16x8x64xf32, #tpu.memory_space<vmem>> -> memref<1x8x64xf32, #tpu.memory_space<vmem>>
    %dma_start3A_437 = arith.constant 0 : i32
    %dma_start3A_438 = arith.constant 0 : i32
    %dma_start3A_439 = tpu.memref_slice %arg4[%squeeze3A_432, %dma_start3A_437, %dma_start3A_438] : memref<125000x8x64xf32, #tpu.memory_space<hbm>> -> memref<1x8x64xf32, #tpu.memory_space<hbm>>
    %dma_start3A_440 = arith.constant 13 : i32
    %dma_start3A_441 = arith.constant 0 : i32
    %dma_start3A_442 = arith.constant 0 : i32
    %dma_start3A_443 = tpu.memref_slice %arg13[%dma_start3A_440, %dma_start3A_441, %dma_start3A_442] : memref<16x8x64xf32, #tpu.memory_space<vmem>> -> memref<1x8x64xf32, #tpu.memory_space<vmem>>
    %dma_start3A_444 = arith.constant 0 : i32
    %dma_start3A_445 = arith.constant 0 : i32
    %dma_start3A_446 = tpu.memref_slice %arg4[%squeeze3A_432, %dma_start3A_444, %dma_start3A_445] : memref<125000x8x64xf32, #tpu.memory_space<hbm>> -> memref<1x8x64xf32, #tpu.memory_space<hbm>>
    tpu.enqueue_dma source(%dma_start3A_446 : memref<1x8x64xf32, #tpu.memory_space<hbm>>) target(%dma_start3A_443 : memref<1x8x64xf32, #tpu.memory_space<vmem>>) target_semaphore(%arg20 : memref<!tpu.dma_semaphore, #tpu.memory_space<semaphore_mem>>)
    %slice3A_447 = vector.extract_strided_slice %get3A_16 {offsets = [13], sizes = [1], strides = [1]} : vector<16xi32> to vector<1xi32>
    %squeeze3A_448 = vector.extract %slice3A_447[0] : i32 from vector<1xi32>
    %dma_start3A_449 = arith.constant 13 : i32
    %dma_start3A_450 = arith.constant 0 : i32
    %dma_start3A_451 = arith.constant 0 : i32
    %dma_start3A_452 = tpu.memref_slice %arg15[%dma_start3A_449, %dma_start3A_450, %dma_start3A_451] : memref<16x8x64xf32, #tpu.memory_space<vmem>> -> memref<1x8x64xf32, #tpu.memory_space<vmem>>
    %dma_start3A_453 = arith.constant 0 : i32
    %dma_start3A_454 = arith.constant 0 : i32
    %dma_start3A_455 = tpu.memref_slice %arg5[%squeeze3A_448, %dma_start3A_453, %dma_start3A_454] : memref<125000x8x64xf32, #tpu.memory_space<hbm>> -> memref<1x8x64xf32, #tpu.memory_space<hbm>>
    %dma_start3A_456 = arith.constant 13 : i32
    %dma_start3A_457 = arith.constant 0 : i32
    %dma_start3A_458 = arith.constant 0 : i32
    %dma_start3A_459 = tpu.memref_slice %arg15[%dma_start3A_456, %dma_start3A_457, %dma_start3A_458] : memref<16x8x64xf32, #tpu.memory_space<vmem>> -> memref<1x8x64xf32, #tpu.memory_space<vmem>>
    %dma_start3A_460 = arith.constant 0 : i32
    %dma_start3A_461 = arith.constant 0 : i32
    %dma_start3A_462 = tpu.memref_slice %arg5[%squeeze3A_448, %dma_start3A_460, %dma_start3A_461] : memref<125000x8x64xf32, #tpu.memory_space<hbm>> -> memref<1x8x64xf32, #tpu.memory_space<hbm>>
    tpu.enqueue_dma source(%dma_start3A_462 : memref<1x8x64xf32, #tpu.memory_space<hbm>>) target(%dma_start3A_459 : memref<1x8x64xf32, #tpu.memory_space<vmem>>) target_semaphore(%arg22 : memref<!tpu.dma_semaphore, #tpu.memory_space<semaphore_mem>>)
    %slice3A_463 = vector.extract_strided_slice %get3A_14 {offsets = [14], sizes = [1], strides = [1]} : vector<16xi32> to vector<1xi32>
    %squeeze3A_464 = vector.extract %slice3A_463[0] : i32 from vector<1xi32>
    %dma_start3A_465 = arith.constant 14 : i32
    %dma_start3A_466 = arith.constant 0 : i32
    %dma_start3A_467 = arith.constant 0 : i32
    %dma_start3A_468 = tpu.memref_slice %arg13[%dma_start3A_465, %dma_start3A_466, %dma_start3A_467] : memref<16x8x64xf32, #tpu.memory_space<vmem>> -> memref<1x8x64xf32, #tpu.memory_space<vmem>>
    %dma_start3A_469 = arith.constant 0 : i32
    %dma_start3A_470 = arith.constant 0 : i32
    %dma_start3A_471 = tpu.memref_slice %arg4[%squeeze3A_464, %dma_start3A_469, %dma_start3A_470] : memref<125000x8x64xf32, #tpu.memory_space<hbm>> -> memref<1x8x64xf32, #tpu.memory_space<hbm>>
    %dma_start3A_472 = arith.constant 14 : i32
    %dma_start3A_473 = arith.constant 0 : i32
    %dma_start3A_474 = arith.constant 0 : i32
    %dma_start3A_475 = tpu.memref_slice %arg13[%dma_start3A_472, %dma_start3A_473, %dma_start3A_474] : memref<16x8x64xf32, #tpu.memory_space<vmem>> -> memref<1x8x64xf32, #tpu.memory_space<vmem>>
    %dma_start3A_476 = arith.constant 0 : i32
    %dma_start3A_477 = arith.constant 0 : i32
    %dma_start3A_478 = tpu.memref_slice %arg4[%squeeze3A_464, %dma_start3A_476, %dma_start3A_477] : memref<125000x8x64xf32, #tpu.memory_space<hbm>> -> memref<1x8x64xf32, #tpu.memory_space<hbm>>
    tpu.enqueue_dma source(%dma_start3A_478 : memref<1x8x64xf32, #tpu.memory_space<hbm>>) target(%dma_start3A_475 : memref<1x8x64xf32, #tpu.memory_space<vmem>>) target_semaphore(%arg20 : memref<!tpu.dma_semaphore, #tpu.memory_space<semaphore_mem>>)
    %slice3A_479 = vector.extract_strided_slice %get3A_16 {offsets = [14], sizes = [1], strides = [1]} : vector<16xi32> to vector<1xi32>
    %squeeze3A_480 = vector.extract %slice3A_479[0] : i32 from vector<1xi32>
    %dma_start3A_481 = arith.constant 14 : i32
    %dma_start3A_482 = arith.constant 0 : i32
    %dma_start3A_483 = arith.constant 0 : i32
    %dma_start3A_484 = tpu.memref_slice %arg15[%dma_start3A_481, %dma_start3A_482, %dma_start3A_483] : memref<16x8x64xf32, #tpu.memory_space<vmem>> -> memref<1x8x64xf32, #tpu.memory_space<vmem>>
    %dma_start3A_485 = arith.constant 0 : i32
    %dma_start3A_486 = arith.constant 0 : i32
    %dma_start3A_487 = tpu.memref_slice %arg5[%squeeze3A_480, %dma_start3A_485, %dma_start3A_486] : memref<125000x8x64xf32, #tpu.memory_space<hbm>> -> memref<1x8x64xf32, #tpu.memory_space<hbm>>
    %dma_start3A_488 = arith.constant 14 : i32
    %dma_start3A_489 = arith.constant 0 : i32
    %dma_start3A_490 = arith.constant 0 : i32
    %dma_start3A_491 = tpu.memref_slice %arg15[%dma_start3A_488, %dma_start3A_489, %dma_start3A_490] : memref<16x8x64xf32, #tpu.memory_space<vmem>> -> memref<1x8x64xf32, #tpu.memory_space<vmem>>
    %dma_start3A_492 = arith.constant 0 : i32
    %dma_start3A_493 = arith.constant 0 : i32
    %dma_start3A_494 = tpu.memref_slice %arg5[%squeeze3A_480, %dma_start3A_492, %dma_start3A_493] : memref<125000x8x64xf32, #tpu.memory_space<hbm>> -> memref<1x8x64xf32, #tpu.memory_space<hbm>>
    tpu.enqueue_dma source(%dma_start3A_494 : memref<1x8x64xf32, #tpu.memory_space<hbm>>) target(%dma_start3A_491 : memref<1x8x64xf32, #tpu.memory_space<vmem>>) target_semaphore(%arg22 : memref<!tpu.dma_semaphore, #tpu.memory_space<semaphore_mem>>)
    %slice3A_495 = vector.extract_strided_slice %get3A_14 {offsets = [15], sizes = [1], strides = [1]} : vector<16xi32> to vector<1xi32>
    %squeeze3A_496 = vector.extract %slice3A_495[0] : i32 from vector<1xi32>
    %dma_start3A_497 = arith.constant 15 : i32
    %dma_start3A_498 = arith.constant 0 : i32
    %dma_start3A_499 = arith.constant 0 : i32
    %dma_start3A_500 = tpu.memref_slice %arg13[%dma_start3A_497, %dma_start3A_498, %dma_start3A_499] : memref<16x8x64xf32, #tpu.memory_space<vmem>> -> memref<1x8x64xf32, #tpu.memory_space<vmem>>
    %dma_start3A_501 = arith.constant 0 : i32
    %dma_start3A_502 = arith.constant 0 : i32
    %dma_start3A_503 = tpu.memref_slice %arg4[%squeeze3A_496, %dma_start3A_501, %dma_start3A_502] : memref<125000x8x64xf32, #tpu.memory_space<hbm>> -> memref<1x8x64xf32, #tpu.memory_space<hbm>>
    %dma_start3A_504 = arith.constant 15 : i32
    %dma_start3A_505 = arith.constant 0 : i32
    %dma_start3A_506 = arith.constant 0 : i32
    %dma_start3A_507 = tpu.memref_slice %arg13[%dma_start3A_504, %dma_start3A_505, %dma_start3A_506] : memref<16x8x64xf32, #tpu.memory_space<vmem>> -> memref<1x8x64xf32, #tpu.memory_space<vmem>>
    %dma_start3A_508 = arith.constant 0 : i32
    %dma_start3A_509 = arith.constant 0 : i32
    %dma_start3A_510 = tpu.memref_slice %arg4[%squeeze3A_496, %dma_start3A_508, %dma_start3A_509] : memref<125000x8x64xf32, #tpu.memory_space<hbm>> -> memref<1x8x64xf32, #tpu.memory_space<hbm>>
    tpu.enqueue_dma source(%dma_start3A_510 : memref<1x8x64xf32, #tpu.memory_space<hbm>>) target(%dma_start3A_507 : memref<1x8x64xf32, #tpu.memory_space<vmem>>) target_semaphore(%arg20 : memref<!tpu.dma_semaphore, #tpu.memory_space<semaphore_mem>>)
    %slice3A_511 = vector.extract_strided_slice %get3A_16 {offsets = [15], sizes = [1], strides = [1]} : vector<16xi32> to vector<1xi32>
    %squeeze3A_512 = vector.extract %slice3A_511[0] : i32 from vector<1xi32>
    %dma_start3A_513 = arith.constant 15 : i32
    %dma_start3A_514 = arith.constant 0 : i32
    %dma_start3A_515 = arith.constant 0 : i32
    %dma_start3A_516 = tpu.memref_slice %arg15[%dma_start3A_513, %dma_start3A_514, %dma_start3A_515] : memref<16x8x64xf32, #tpu.memory_space<vmem>> -> memref<1x8x64xf32, #tpu.memory_space<vmem>>
    %dma_start3A_517 = arith.constant 0 : i32
    %dma_start3A_518 = arith.constant 0 : i32
    %dma_start3A_519 = tpu.memref_slice %arg5[%squeeze3A_512, %dma_start3A_517, %dma_start3A_518] : memref<125000x8x64xf32, #tpu.memory_space<hbm>> -> memref<1x8x64xf32, #tpu.memory_space<hbm>>
    %dma_start3A_520 = arith.constant 15 : i32
    %dma_start3A_521 = arith.constant 0 : i32
    %dma_start3A_522 = arith.constant 0 : i32
    %dma_start3A_523 = tpu.memref_slice %arg15[%dma_start3A_520, %dma_start3A_521, %dma_start3A_522] : memref<16x8x64xf32, #tpu.memory_space<vmem>> -> memref<1x8x64xf32, #tpu.memory_space<vmem>>
    %dma_start3A_524 = arith.constant 0 : i32
    %dma_start3A_525 = arith.constant 0 : i32
    %dma_start3A_526 = tpu.memref_slice %arg5[%squeeze3A_512, %dma_start3A_524, %dma_start3A_525] : memref<125000x8x64xf32, #tpu.memory_space<hbm>> -> memref<1x8x64xf32, #tpu.memory_space<hbm>>
    tpu.enqueue_dma source(%dma_start3A_526 : memref<1x8x64xf32, #tpu.memory_space<hbm>>) target(%dma_start3A_523 : memref<1x8x64xf32, #tpu.memory_space<vmem>>) target_semaphore(%arg22 : memref<!tpu.dma_semaphore, #tpu.memory_space<semaphore_mem>>)
    %scan3A_527 = arith.constant 0 : i32
    %scan3A_528 = arith.constant 0 : i32
    %scan3A_529 = arith.constant 16 : i32
    %scan3A_530 = arith.addi %scan3A_528, %scan3A_529 : i32
    %scan3A_531 = arith.constant 1 : i32
    scf.for %scan3A_533 = %scan3A_528 to %scan3A_530 step %scan3A_531  : i32 {
      %mul3A_534 = arith.constant 2 : i32
      %mul3A_535 = arith.muli %mul3A_534, %scan3A_533 : i32
      %add3A_536 = arith.constant 1 : i32
      %add3A_537 = arith.addi %mul3A_535, %add3A_536 : i32
      %mul3A_538 = arith.constant 16 : i32
      %mul3A_539 = arith.muli %add3A_537, %mul3A_538 : i32
      %get3A_540 = arith.index_cast %mul3A_539 : i32 to index
      %get3A_541 = tpu.vector_load %arg11[%get3A_540] {strides = array<i32>} : memref<512xi32, #tpu.memory_space<vmem>>, vector<16xi32>,
      %get3A_542 = arith.index_cast %mul3A_539 : i32 to index
      %get3A_543 = tpu.vector_load %arg12[%get3A_542] {strides = array<i32>} : memref<512xi32, #tpu.memory_space<vmem>>, vector<16xi32>,
      %slice3A_544 = vector.extract_strided_slice %get3A_541 {offsets = [0], sizes = [1], strides = [1]} : vector<16xi32> to vector<1xi32>
      %squeeze3A_545 = vector.extract %slice3A_544[0] : i32 from vector<1xi32>
      %dma_start3A_546 = arith.constant 0 : i32
      %dma_start3A_547 = arith.constant 0 : i32
      %dma_start3A_548 = arith.constant 0 : i32
      %dma_start3A_549 = tpu.memref_slice %arg14[%dma_start3A_546, %dma_start3A_547, %dma_start3A_548] : memref<16x8x64xf32, #tpu.memory_space<vmem>> -> memref<1x8x64xf32, #tpu.memory_space<vmem>>
      %dma_start3A_550 = arith.constant 0 : i32
      %dma_start3A_551 = arith.constant 0 : i32
      %dma_start3A_552 = tpu.memref_slice %arg4[%squeeze3A_545, %dma_start3A_550, %dma_start3A_551] : memref<125000x8x64xf32, #tpu.memory_space<hbm>> -> memref<1x8x64xf32, #tpu.memory_space<hbm>>
      %dma_start3A_553 = arith.constant 0 : i32
      %dma_start3A_554 = arith.constant 0 : i32
      %dma_start3A_555 = arith.constant 0 : i32
      %dma_start3A_556 = tpu.memref_slice %arg14[%dma_start3A_553, %dma_start3A_554, %dma_start3A_555] : memref<16x8x64xf32, #tpu.memory_space<vmem>> -> memref<1x8x64xf32, #tpu.memory_space<vmem>>
      %dma_start3A_557 = arith.constant 0 : i32
      %dma_start3A_558 = arith.constant 0 : i32
      %dma_start3A_559 = tpu.memref_slice %arg4[%squeeze3A_545, %dma_start3A_557, %dma_start3A_558] : memref<125000x8x64xf32, #tpu.memory_space<hbm>> -> memref<1x8x64xf32, #tpu.memory_space<hbm>>
      tpu.enqueue_dma source(%dma_start3A_559 : memref<1x8x64xf32, #tpu.memory_space<hbm>>) target(%dma_start3A_556 : memref<1x8x64xf32, #tpu.memory_space<vmem>>) target_semaphore(%arg21 : memref<!tpu.dma_semaphore, #tpu.memory_space<semaphore_mem>>)
      %slice3A_560 = vector.extract_strided_slice %get3A_543 {offsets = [0], sizes = [1], strides = [1]} : vector<16xi32> to vector<1xi32>
      %squeeze3A_561 = vector.extract %slice3A_560[0] : i32 from vector<1xi32>
      %dma_start3A_562 = arith.constant 0 : i32
      %dma_start3A_563 = arith.constant 0 : i32
      %dma_start3A_564 = arith.constant 0 : i32
      %dma_start3A_565 = tpu.memref_slice %arg16[%dma_start3A_562, %dma_start3A_563, %dma_start3A_564] : memref<16x8x64xf32, #tpu.memory_space<vmem>> -> memref<1x8x64xf32, #tpu.memory_space<vmem>>
      %dma_start3A_566 = arith.constant 0 : i32
      %dma_start3A_567 = arith.constant 0 : i32
      %dma_start3A_568 = tpu.memref_slice %arg5[%squeeze3A_561, %dma_start3A_566, %dma_start3A_567] : memref<125000x8x64xf32, #tpu.memory_space<hbm>> -> memref<1x8x64xf32, #tpu.memory_space<hbm>>
      %dma_start3A_569 = arith.constant 0 : i32
      %dma_start3A_570 = arith.constant 0 : i32
      %dma_start3A_571 = arith.constant 0 : i32
      %dma_start3A_572 = tpu.memref_slice %arg16[%dma_start3A_569, %dma_start3A_570, %dma_start3A_571] : memref<16x8x64xf32, #tpu.memory_space<vmem>> -> memref<1x8x64xf32, #tpu.memory_space<vmem>>
      %dma_start3A_573 = arith.constant 0 : i32
      %dma_start3A_574 = arith.constant 0 : i32
      %dma_start3A_575 = tpu.memref_slice %arg5[%squeeze3A_561, %dma_start3A_573, %dma_start3A_574] : memref<125000x8x64xf32, #tpu.memory_space<hbm>> -> memref<1x8x64xf32, #tpu.memory_space<hbm>>
      tpu.enqueue_dma source(%dma_start3A_575 : memref<1x8x64xf32, #tpu.memory_space<hbm>>) target(%dma_start3A_572 : memref<1x8x64xf32, #tpu.memory_space<vmem>>) target_semaphore(%arg23 : memref<!tpu.dma_semaphore, #tpu.memory_space<semaphore_mem>>)
      %slice3A_576 = vector.extract_strided_slice %get3A_541 {offsets = [1], sizes = [1], strides = [1]} : vector<16xi32> to vector<1xi32>
      %squeeze3A_577 = vector.extract %slice3A_576[0] : i32 from vector<1xi32>
      %dma_start3A_578 = arith.constant 1 : i32
      %dma_start3A_579 = arith.constant 0 : i32
      %dma_start3A_580 = arith.constant 0 : i32
      %dma_start3A_581 = tpu.memref_slice %arg14[%dma_start3A_578, %dma_start3A_579, %dma_start3A_580] : memref<16x8x64xf32, #tpu.memory_space<vmem>> -> memref<1x8x64xf32, #tpu.memory_space<vmem>>
      %dma_start3A_582 = arith.constant 0 : i32
      %dma_start3A_583 = arith.constant 0 : i32
      %dma_start3A_584 = tpu.memref_slice %arg4[%squeeze3A_577, %dma_start3A_582, %dma_start3A_583] : memref<125000x8x64xf32, #tpu.memory_space<hbm>> -> memref<1x8x64xf32, #tpu.memory_space<hbm>>
      %dma_start3A_585 = arith.constant 1 : i32
      %dma_start3A_586 = arith.constant 0 : i32
      %dma_start3A_587 = arith.constant 0 : i32
      %dma_start3A_588 = tpu.memref_slice %arg14[%dma_start3A_585, %dma_start3A_586, %dma_start3A_587] : memref<16x8x64xf32, #tpu.memory_space<vmem>> -> memref<1x8x64xf32, #tpu.memory_space<vmem>>
      %dma_start3A_589 = arith.constant 0 : i32
      %dma_start3A_590 = arith.constant 0 : i32
      %dma_start3A_591 = tpu.memref_slice %arg4[%squeeze3A_577, %dma_start3A_589, %dma_start3A_590] : memref<125000x8x64xf32, #tpu.memory_space<hbm>> -> memref<1x8x64xf32, #tpu.memory_space<hbm>>
      tpu.enqueue_dma source(%dma_start3A_591 : memref<1x8x64xf32, #tpu.memory_space<hbm>>) target(%dma_start3A_588 : memref<1x8x64xf32, #tpu.memory_space<vmem>>) target_semaphore(%arg21 : memref<!tpu.dma_semaphore, #tpu.memory_space<semaphore_mem>>)
      %slice3A_592 = vector.extract_strided_slice %get3A_543 {offsets = [1], sizes = [1], strides = [1]} : vector<16xi32> to vector<1xi32>
      %squeeze3A_593 = vector.extract %slice3A_592[0] : i32 from vector<1xi32>
      %dma_start3A_594 = arith.constant 1 : i32
      %dma_start3A_595 = arith.constant 0 : i32
      %dma_start3A_596 = arith.constant 0 : i32
      %dma_start3A_597 = tpu.memref_slice %arg16[%dma_start3A_594, %dma_start3A_595, %dma_start3A_596] : memref<16x8x64xf32, #tpu.memory_space<vmem>> -> memref<1x8x64xf32, #tpu.memory_space<vmem>>
      %dma_start3A_598 = arith.constant 0 : i32
      %dma_start3A_599 = arith.constant 0 : i32
      %dma_start3A_600 = tpu.memref_slice %arg5[%squeeze3A_593, %dma_start3A_598, %dma_start3A_599] : memref<125000x8x64xf32, #tpu.memory_space<hbm>> -> memref<1x8x64xf32, #tpu.memory_space<hbm>>
      %dma_start3A_601 = arith.constant 1 : i32
      %dma_start3A_602 = arith.constant 0 : i32
      %dma_start3A_603 = arith.constant 0 : i32
      %dma_start3A_604 = tpu.memref_slice %arg16[%dma_start3A_601, %dma_start3A_602, %dma_start3A_603] : memref<16x8x64xf32, #tpu.memory_space<vmem>> -> memref<1x8x64xf32, #tpu.memory_space<vmem>>
      %dma_start3A_605 = arith.constant 0 : i32
      %dma_start3A_606 = arith.constant 0 : i32
      %dma_start3A_607 = tpu.memref_slice %arg5[%squeeze3A_593, %dma_start3A_605, %dma_start3A_606] : memref<125000x8x64xf32, #tpu.memory_space<hbm>> -> memref<1x8x64xf32, #tpu.memory_space<hbm>>
      tpu.enqueue_dma source(%dma_start3A_607 : memref<1x8x64xf32, #tpu.memory_space<hbm>>) target(%dma_start3A_604 : memref<1x8x64xf32, #tpu.memory_space<vmem>>) target_semaphore(%arg23 : memref<!tpu.dma_semaphore, #tpu.memory_space<semaphore_mem>>)
      %slice3A_608 = vector.extract_strided_slice %get3A_541 {offsets = [2], sizes = [1], strides = [1]} : vector<16xi32> to vector<1xi32>
      %squeeze3A_609 = vector.extract %slice3A_608[0] : i32 from vector<1xi32>
      %dma_start3A_610 = arith.constant 2 : i32
      %dma_start3A_611 = arith.constant 0 : i32
      %dma_start3A_612 = arith.constant 0 : i32
      %dma_start3A_613 = tpu.memref_slice %arg14[%dma_start3A_610, %dma_start3A_611, %dma_start3A_612] : memref<16x8x64xf32, #tpu.memory_space<vmem>> -> memref<1x8x64xf32, #tpu.memory_space<vmem>>
      %dma_start3A_614 = arith.constant 0 : i32
      %dma_start3A_615 = arith.constant 0 : i32
      %dma_start3A_616 = tpu.memref_slice %arg4[%squeeze3A_609, %dma_start3A_614, %dma_start3A_615] : memref<125000x8x64xf32, #tpu.memory_space<hbm>> -> memref<1x8x64xf32, #tpu.memory_space<hbm>>
      %dma_start3A_617 = arith.constant 2 : i32
      %dma_start3A_618 = arith.constant 0 : i32
      %dma_start3A_619 = arith.constant 0 : i32
      %dma_start3A_620 = tpu.memref_slice %arg14[%dma_start3A_617, %dma_start3A_618, %dma_start3A_619] : memref<16x8x64xf32, #tpu.memory_space<vmem>> -> memref<1x8x64xf32, #tpu.memory_space<vmem>>
      %dma_start3A_621 = arith.constant 0 : i32
      %dma_start3A_622 = arith.constant 0 : i32
      %dma_start3A_623 = tpu.memref_slice %arg4[%squeeze3A_609, %dma_start3A_621, %dma_start3A_622] : memref<125000x8x64xf32, #tpu.memory_space<hbm>> -> memref<1x8x64xf32, #tpu.memory_space<hbm>>
      tpu.enqueue_dma source(%dma_start3A_623 : memref<1x8x64xf32, #tpu.memory_space<hbm>>) target(%dma_start3A_620 : memref<1x8x64xf32, #tpu.memory_space<vmem>>) target_semaphore(%arg21 : memref<!tpu.dma_semaphore, #tpu.memory_space<semaphore_mem>>)
      %slice3A_624 = vector.extract_strided_slice %get3A_543 {offsets = [2], sizes = [1], strides = [1]} : vector<16xi32> to vector<1xi32>
      %squeeze3A_625 = vector.extract %slice3A_624[0] : i32 from vector<1xi32>
      %dma_start3A_626 = arith.constant 2 : i32
      %dma_start3A_627 = arith.constant 0 : i32
      %dma_start3A_628 = arith.constant 0 : i32
      %dma_start3A_629 = tpu.memref_slice %arg16[%dma_start3A_626, %dma_start3A_627, %dma_start3A_628] : memref<16x8x64xf32, #tpu.memory_space<vmem>> -> memref<1x8x64xf32, #tpu.memory_space<vmem>>
      %dma_start3A_630 = arith.constant 0 : i32
      %dma_start3A_631 = arith.constant 0 : i32
      %dma_start3A_632 = tpu.memref_slice %arg5[%squeeze3A_625, %dma_start3A_630, %dma_start3A_631] : memref<125000x8x64xf32, #tpu.memory_space<hbm>> -> memref<1x8x64xf32, #tpu.memory_space<hbm>>
      %dma_start3A_633 = arith.constant 2 : i32
      %dma_start3A_634 = arith.constant 0 : i32
      %dma_start3A_635 = arith.constant 0 : i32
      %dma_start3A_636 = tpu.memref_slice %arg16[%dma_start3A_633, %dma_start3A_634, %dma_start3A_635] : memref<16x8x64xf32, #tpu.memory_space<vmem>> -> memref<1x8x64xf32, #tpu.memory_space<vmem>>
      %dma_start3A_637 = arith.constant 0 : i32
      %dma_start3A_638 = arith.constant 0 : i32
      %dma_start3A_639 = tpu.memref_slice %arg5[%squeeze3A_625, %dma_start3A_637, %dma_start3A_638] : memref<125000x8x64xf32, #tpu.memory_space<hbm>> -> memref<1x8x64xf32, #tpu.memory_space<hbm>>
      tpu.enqueue_dma source(%dma_start3A_639 : memref<1x8x64xf32, #tpu.memory_space<hbm>>) target(%dma_start3A_636 : memref<1x8x64xf32, #tpu.memory_space<vmem>>) target_semaphore(%arg23 : memref<!tpu.dma_semaphore, #tpu.memory_space<semaphore_mem>>)
      %slice3A_640 = vector.extract_strided_slice %get3A_541 {offsets = [3], sizes = [1], strides = [1]} : vector<16xi32> to vector<1xi32>
      %squeeze3A_641 = vector.extract %slice3A_640[0] : i32 from vector<1xi32>
      %dma_start3A_642 = arith.constant 3 : i32
      %dma_start3A_643 = arith.constant 0 : i32
      %dma_start3A_644 = arith.constant 0 : i32
      %dma_start3A_645 = tpu.memref_slice %arg14[%dma_start3A_642, %dma_start3A_643, %dma_start3A_644] : memref<16x8x64xf32, #tpu.memory_space<vmem>> -> memref<1x8x64xf32, #tpu.memory_space<vmem>>
      %dma_start3A_646 = arith.constant 0 : i32
      %dma_start3A_647 = arith.constant 0 : i32
      %dma_start3A_648 = tpu.memref_slice %arg4[%squeeze3A_641, %dma_start3A_646, %dma_start3A_647] : memref<125000x8x64xf32, #tpu.memory_space<hbm>> -> memref<1x8x64xf32, #tpu.memory_space<hbm>>
      %dma_start3A_649 = arith.constant 3 : i32
      %dma_start3A_650 = arith.constant 0 : i32
      %dma_start3A_651 = arith.constant 0 : i32
      %dma_start3A_652 = tpu.memref_slice %arg14[%dma_start3A_649, %dma_start3A_650, %dma_start3A_651] : memref<16x8x64xf32, #tpu.memory_space<vmem>> -> memref<1x8x64xf32, #tpu.memory_space<vmem>>
      %dma_start3A_653 = arith.constant 0 : i32
      %dma_start3A_654 = arith.constant 0 : i32
      %dma_start3A_655 = tpu.memref_slice %arg4[%squeeze3A_641, %dma_start3A_653, %dma_start3A_654] : memref<125000x8x64xf32, #tpu.memory_space<hbm>> -> memref<1x8x64xf32, #tpu.memory_space<hbm>>
      tpu.enqueue_dma source(%dma_start3A_655 : memref<1x8x64xf32, #tpu.memory_space<hbm>>) target(%dma_start3A_652 : memref<1x8x64xf32, #tpu.memory_space<vmem>>) target_semaphore(%arg21 : memref<!tpu.dma_semaphore, #tpu.memory_space<semaphore_mem>>)
      %slice3A_656 = vector.extract_strided_slice %get3A_543 {offsets = [3], sizes = [1], strides = [1]} : vector<16xi32> to vector<1xi32>
      %squeeze3A_657 = vector.extract %slice3A_656[0] : i32 from vector<1xi32>
      %dma_start3A_658 = arith.constant 3 : i32
      %dma_start3A_659 = arith.constant 0 : i32
      %dma_start3A_660 = arith.constant 0 : i32
      %dma_start3A_661 = tpu.memref_slice %arg16[%dma_start3A_658, %dma_start3A_659, %dma_start3A_660] : memref<16x8x64xf32, #tpu.memory_space<vmem>> -> memref<1x8x64xf32, #tpu.memory_space<vmem>>
      %dma_start3A_662 = arith.constant 0 : i32
      %dma_start3A_663 = arith.constant 0 : i32
      %dma_start3A_664 = tpu.memref_slice %arg5[%squeeze3A_657, %dma_start3A_662, %dma_start3A_663] : memref<125000x8x64xf32, #tpu.memory_space<hbm>> -> memref<1x8x64xf32, #tpu.memory_space<hbm>>
      %dma_start3A_665 = arith.constant 3 : i32
      %dma_start3A_666 = arith.constant 0 : i32
      %dma_start3A_667 = arith.constant 0 : i32
      %dma_start3A_668 = tpu.memref_slice %arg16[%dma_start3A_665, %dma_start3A_666, %dma_start3A_667] : memref<16x8x64xf32, #tpu.memory_space<vmem>> -> memref<1x8x64xf32, #tpu.memory_space<vmem>>
      %dma_start3A_669 = arith.constant 0 : i32
      %dma_start3A_670 = arith.constant 0 : i32
      %dma_start3A_671 = tpu.memref_slice %arg5[%squeeze3A_657, %dma_start3A_669, %dma_start3A_670] : memref<125000x8x64xf32, #tpu.memory_space<hbm>> -> memref<1x8x64xf32, #tpu.memory_space<hbm>>
      tpu.enqueue_dma source(%dma_start3A_671 : memref<1x8x64xf32, #tpu.memory_space<hbm>>) target(%dma_start3A_668 : memref<1x8x64xf32, #tpu.memory_space<vmem>>) target_semaphore(%arg23 : memref<!tpu.dma_semaphore, #tpu.memory_space<semaphore_mem>>)
      %slice3A_672 = vector.extract_strided_slice %get3A_541 {offsets = [4], sizes = [1], strides = [1]} : vector<16xi32> to vector<1xi32>
      %squeeze3A_673 = vector.extract %slice3A_672[0] : i32 from vector<1xi32>
      %dma_start3A_674 = arith.constant 4 : i32
      %dma_start3A_675 = arith.constant 0 : i32
      %dma_start3A_676 = arith.constant 0 : i32
      %dma_start3A_677 = tpu.memref_slice %arg14[%dma_start3A_674, %dma_start3A_675, %dma_start3A_676] : memref<16x8x64xf32, #tpu.memory_space<vmem>> -> memref<1x8x64xf32, #tpu.memory_space<vmem>>
      %dma_start3A_678 = arith.constant 0 : i32
      %dma_start3A_679 = arith.constant 0 : i32
      %dma_start3A_680 = tpu.memref_slice %arg4[%squeeze3A_673, %dma_start3A_678, %dma_start3A_679] : memref<125000x8x64xf32, #tpu.memory_space<hbm>> -> memref<1x8x64xf32, #tpu.memory_space<hbm>>
      %dma_start3A_681 = arith.constant 4 : i32
      %dma_start3A_682 = arith.constant 0 : i32
      %dma_start3A_683 = arith.constant 0 : i32
      %dma_start3A_684 = tpu.memref_slice %arg14[%dma_start3A_681, %dma_start3A_682, %dma_start3A_683] : memref<16x8x64xf32, #tpu.memory_space<vmem>> -> memref<1x8x64xf32, #tpu.memory_space<vmem>>
      %dma_start3A_685 = arith.constant 0 : i32
      %dma_start3A_686 = arith.constant 0 : i32
      %dma_start3A_687 = tpu.memref_slice %arg4[%squeeze3A_673, %dma_start3A_685, %dma_start3A_686] : memref<125000x8x64xf32, #tpu.memory_space<hbm>> -> memref<1x8x64xf32, #tpu.memory_space<hbm>>
      tpu.enqueue_dma source(%dma_start3A_687 : memref<1x8x64xf32, #tpu.memory_space<hbm>>) target(%dma_start3A_684 : memref<1x8x64xf32, #tpu.memory_space<vmem>>) target_semaphore(%arg21 : memref<!tpu.dma_semaphore, #tpu.memory_space<semaphore_mem>>)
      %slice3A_688 = vector.extract_strided_slice %get3A_543 {offsets = [4], sizes = [1], strides = [1]} : vector<16xi32> to vector<1xi32>
      %squeeze3A_689 = vector.extract %slice3A_688[0] : i32 from vector<1xi32>
      %dma_start3A_690 = arith.constant 4 : i32
      %dma_start3A_691 = arith.constant 0 : i32
      %dma_start3A_692 = arith.constant 0 : i32
      %dma_start3A_693 = tpu.memref_slice %arg16[%dma_start3A_690, %dma_start3A_691, %dma_start3A_692] : memref<16x8x64xf32, #tpu.memory_space<vmem>> -> memref<1x8x64xf32, #tpu.memory_space<vmem>>
      %dma_start3A_694 = arith.constant 0 : i32
      %dma_start3A_695 = arith.constant 0 : i32
      %dma_start3A_696 = tpu.memref_slice %arg5[%squeeze3A_689, %dma_start3A_694, %dma_start3A_695] : memref<125000x8x64xf32, #tpu.memory_space<hbm>> -> memref<1x8x64xf32, #tpu.memory_space<hbm>>
      %dma_start3A_697 = arith.constant 4 : i32
      %dma_start3A_698 = arith.constant 0 : i32
      %dma_start3A_699 = arith.constant 0 : i32
      %dma_start3A_700 = tpu.memref_slice %arg16[%dma_start3A_697, %dma_start3A_698, %dma_start3A_699] : memref<16x8x64xf32, #tpu.memory_space<vmem>> -> memref<1x8x64xf32, #tpu.memory_space<vmem>>
      %dma_start3A_701 = arith.constant 0 : i32
      %dma_start3A_702 = arith.constant 0 : i32
      %dma_start3A_703 = tpu.memref_slice %arg5[%squeeze3A_689, %dma_start3A_701, %dma_start3A_702] : memref<125000x8x64xf32, #tpu.memory_space<hbm>> -> memref<1x8x64xf32, #tpu.memory_space<hbm>>
      tpu.enqueue_dma source(%dma_start3A_703 : memref<1x8x64xf32, #tpu.memory_space<hbm>>) target(%dma_start3A_700 : memref<1x8x64xf32, #tpu.memory_space<vmem>>) target_semaphore(%arg23 : memref<!tpu.dma_semaphore, #tpu.memory_space<semaphore_mem>>)
      %slice3A_704 = vector.extract_strided_slice %get3A_541 {offsets = [5], sizes = [1], strides = [1]} : vector<16xi32> to vector<1xi32>
      %squeeze3A_705 = vector.extract %slice3A_704[0] : i32 from vector<1xi32>
      %dma_start3A_706 = arith.constant 5 : i32
      %dma_start3A_707 = arith.constant 0 : i32
      %dma_start3A_708 = arith.constant 0 : i32
      %dma_start3A_709 = tpu.memref_slice %arg14[%dma_start3A_706, %dma_start3A_707, %dma_start3A_708] : memref<16x8x64xf32, #tpu.memory_space<vmem>> -> memref<1x8x64xf32, #tpu.memory_space<vmem>>
      %dma_start3A_710 = arith.constant 0 : i32
      %dma_start3A_711 = arith.constant 0 : i32
      %dma_start3A_712 = tpu.memref_slice %arg4[%squeeze3A_705, %dma_start3A_710, %dma_start3A_711] : memref<125000x8x64xf32, #tpu.memory_space<hbm>> -> memref<1x8x64xf32, #tpu.memory_space<hbm>>
      %dma_start3A_713 = arith.constant 5 : i32
      %dma_start3A_714 = arith.constant 0 : i32
      %dma_start3A_715 = arith.constant 0 : i32
      %dma_start3A_716 = tpu.memref_slice %arg14[%dma_start3A_713, %dma_start3A_714, %dma_start3A_715] : memref<16x8x64xf32, #tpu.memory_space<vmem>> -> memref<1x8x64xf32, #tpu.memory_space<vmem>>
      %dma_start3A_717 = arith.constant 0 : i32
      %dma_start3A_718 = arith.constant 0 : i32
      %dma_start3A_719 = tpu.memref_slice %arg4[%squeeze3A_705, %dma_start3A_717, %dma_start3A_718] : memref<125000x8x64xf32, #tpu.memory_space<hbm>> -> memref<1x8x64xf32, #tpu.memory_space<hbm>>
      tpu.enqueue_dma source(%dma_start3A_719 : memref<1x8x64xf32, #tpu.memory_space<hbm>>) target(%dma_start3A_716 : memref<1x8x64xf32, #tpu.memory_space<vmem>>) target_semaphore(%arg21 : memref<!tpu.dma_semaphore, #tpu.memory_space<semaphore_mem>>)
      %slice3A_720 = vector.extract_strided_slice %get3A_543 {offsets = [5], sizes = [1], strides = [1]} : vector<16xi32> to vector<1xi32>
      %squeeze3A_721 = vector.extract %slice3A_720[0] : i32 from vector<1xi32>
      %dma_start3A_722 = arith.constant 5 : i32
      %dma_start3A_723 = arith.constant 0 : i32
      %dma_start3A_724 = arith.constant 0 : i32
      %dma_start3A_725 = tpu.memref_slice %arg16[%dma_start3A_722, %dma_start3A_723, %dma_start3A_724] : memref<16x8x64xf32, #tpu.memory_space<vmem>> -> memref<1x8x64xf32, #tpu.memory_space<vmem>>
      %dma_start3A_726 = arith.constant 0 : i32
      %dma_start3A_727 = arith.constant 0 : i32
      %dma_start3A_728 = tpu.memref_slice %arg5[%squeeze3A_721, %dma_start3A_726, %dma_start3A_727] : memref<125000x8x64xf32, #tpu.memory_space<hbm>> -> memref<1x8x64xf32, #tpu.memory_space<hbm>>
      %dma_start3A_729 = arith.constant 5 : i32
      %dma_start3A_730 = arith.constant 0 : i32
      %dma_start3A_731 = arith.constant 0 : i32
      %dma_start3A_732 = tpu.memref_slice %arg16[%dma_start3A_729, %dma_start3A_730, %dma_start3A_731] : memref<16x8x64xf32, #tpu.memory_space<vmem>> -> memref<1x8x64xf32, #tpu.memory_space<vmem>>
      %dma_start3A_733 = arith.constant 0 : i32
      %dma_start3A_734 = arith.constant 0 : i32
      %dma_start3A_735 = tpu.memref_slice %arg5[%squeeze3A_721, %dma_start3A_733, %dma_start3A_734] : memref<125000x8x64xf32, #tpu.memory_space<hbm>> -> memref<1x8x64xf32, #tpu.memory_space<hbm>>
      tpu.enqueue_dma source(%dma_start3A_735 : memref<1x8x64xf32, #tpu.memory_space<hbm>>) target(%dma_start3A_732 : memref<1x8x64xf32, #tpu.memory_space<vmem>>) target_semaphore(%arg23 : memref<!tpu.dma_semaphore, #tpu.memory_space<semaphore_mem>>)
      %slice3A_736 = vector.extract_strided_slice %get3A_541 {offsets = [6], sizes = [1], strides = [1]} : vector<16xi32> to vector<1xi32>
      %squeeze3A_737 = vector.extract %slice3A_736[0] : i32 from vector<1xi32>
      %dma_start3A_738 = arith.constant 6 : i32
      %dma_start3A_739 = arith.constant 0 : i32
      %dma_start3A_740 = arith.constant 0 : i32
      %dma_start3A_741 = tpu.memref_slice %arg14[%dma_start3A_738, %dma_start3A_739, %dma_start3A_740] : memref<16x8x64xf32, #tpu.memory_space<vmem>> -> memref<1x8x64xf32, #tpu.memory_space<vmem>>
      %dma_start3A_742 = arith.constant 0 : i32
      %dma_start3A_743 = arith.constant 0 : i32
      %dma_start3A_744 = tpu.memref_slice %arg4[%squeeze3A_737, %dma_start3A_742, %dma_start3A_743] : memref<125000x8x64xf32, #tpu.memory_space<hbm>> -> memref<1x8x64xf32, #tpu.memory_space<hbm>>
      %dma_start3A_745 = arith.constant 6 : i32
      %dma_start3A_746 = arith.constant 0 : i32
      %dma_start3A_747 = arith.constant 0 : i32
      %dma_start3A_748 = tpu.memref_slice %arg14[%dma_start3A_745, %dma_start3A_746, %dma_start3A_747] : memref<16x8x64xf32, #tpu.memory_space<vmem>> -> memref<1x8x64xf32, #tpu.memory_space<vmem>>
      %dma_start3A_749 = arith.constant 0 : i32
      %dma_start3A_750 = arith.constant 0 : i32
      %dma_start3A_751 = tpu.memref_slice %arg4[%squeeze3A_737, %dma_start3A_749, %dma_start3A_750] : memref<125000x8x64xf32, #tpu.memory_space<hbm>> -> memref<1x8x64xf32, #tpu.memory_space<hbm>>
      tpu.enqueue_dma source(%dma_start3A_751 : memref<1x8x64xf32, #tpu.memory_space<hbm>>) target(%dma_start3A_748 : memref<1x8x64xf32, #tpu.memory_space<vmem>>) target_semaphore(%arg21 : memref<!tpu.dma_semaphore, #tpu.memory_space<semaphore_mem>>)
      %slice3A_752 = vector.extract_strided_slice %get3A_543 {offsets = [6], sizes = [1], strides = [1]} : vector<16xi32> to vector<1xi32>
      %squeeze3A_753 = vector.extract %slice3A_752[0] : i32 from vector<1xi32>
      %dma_start3A_754 = arith.constant 6 : i32
      %dma_start3A_755 = arith.constant 0 : i32
      %dma_start3A_756 = arith.constant 0 : i32
      %dma_start3A_757 = tpu.memref_slice %arg16[%dma_start3A_754, %dma_start3A_755, %dma_start3A_756] : memref<16x8x64xf32, #tpu.memory_space<vmem>> -> memref<1x8x64xf32, #tpu.memory_space<vmem>>
      %dma_start3A_758 = arith.constant 0 : i32
      %dma_start3A_759 = arith.constant 0 : i32
      %dma_start3A_760 = tpu.memref_slice %arg5[%squeeze3A_753, %dma_start3A_758, %dma_start3A_759] : memref<125000x8x64xf32, #tpu.memory_space<hbm>> -> memref<1x8x64xf32, #tpu.memory_space<hbm>>
      %dma_start3A_761 = arith.constant 6 : i32
      %dma_start3A_762 = arith.constant 0 : i32
      %dma_start3A_763 = arith.constant 0 : i32
      %dma_start3A_764 = tpu.memref_slice %arg16[%dma_start3A_761, %dma_start3A_762, %dma_start3A_763] : memref<16x8x64xf32, #tpu.memory_space<vmem>> -> memref<1x8x64xf32, #tpu.memory_space<vmem>>
      %dma_start3A_765 = arith.constant 0 : i32
      %dma_start3A_766 = arith.constant 0 : i32
      %dma_start3A_767 = tpu.memref_slice %arg5[%squeeze3A_753, %dma_start3A_765, %dma_start3A_766] : memref<125000x8x64xf32, #tpu.memory_space<hbm>> -> memref<1x8x64xf32, #tpu.memory_space<hbm>>
      tpu.enqueue_dma source(%dma_start3A_767 : memref<1x8x64xf32, #tpu.memory_space<hbm>>) target(%dma_start3A_764 : memref<1x8x64xf32, #tpu.memory_space<vmem>>) target_semaphore(%arg23 : memref<!tpu.dma_semaphore, #tpu.memory_space<semaphore_mem>>)
      %slice3A_768 = vector.extract_strided_slice %get3A_541 {offsets = [7], sizes = [1], strides = [1]} : vector<16xi32> to vector<1xi32>
      %squeeze3A_769 = vector.extract %slice3A_768[0] : i32 from vector<1xi32>
      %dma_start3A_770 = arith.constant 7 : i32
      %dma_start3A_771 = arith.constant 0 : i32
      %dma_start3A_772 = arith.constant 0 : i32
      %dma_start3A_773 = tpu.memref_slice %arg14[%dma_start3A_770, %dma_start3A_771, %dma_start3A_772] : memref<16x8x64xf32, #tpu.memory_space<vmem>> -> memref<1x8x64xf32, #tpu.memory_space<vmem>>
      %dma_start3A_774 = arith.constant 0 : i32
      %dma_start3A_775 = arith.constant 0 : i32
      %dma_start3A_776 = tpu.memref_slice %arg4[%squeeze3A_769, %dma_start3A_774, %dma_start3A_775] : memref<125000x8x64xf32, #tpu.memory_space<hbm>> -> memref<1x8x64xf32, #tpu.memory_space<hbm>>
      %dma_start3A_777 = arith.constant 7 : i32
      %dma_start3A_778 = arith.constant 0 : i32
      %dma_start3A_779 = arith.constant 0 : i32
      %dma_start3A_780 = tpu.memref_slice %arg14[%dma_start3A_777, %dma_start3A_778, %dma_start3A_779] : memref<16x8x64xf32, #tpu.memory_space<vmem>> -> memref<1x8x64xf32, #tpu.memory_space<vmem>>
      %dma_start3A_781 = arith.constant 0 : i32
      %dma_start3A_782 = arith.constant 0 : i32
      %dma_start3A_783 = tpu.memref_slice %arg4[%squeeze3A_769, %dma_start3A_781, %dma_start3A_782] : memref<125000x8x64xf32, #tpu.memory_space<hbm>> -> memref<1x8x64xf32, #tpu.memory_space<hbm>>
      tpu.enqueue_dma source(%dma_start3A_783 : memref<1x8x64xf32, #tpu.memory_space<hbm>>) target(%dma_start3A_780 : memref<1x8x64xf32, #tpu.memory_space<vmem>>) target_semaphore(%arg21 : memref<!tpu.dma_semaphore, #tpu.memory_space<semaphore_mem>>)
      %slice3A_784 = vector.extract_strided_slice %get3A_543 {offsets = [7], sizes = [1], strides = [1]} : vector<16xi32> to vector<1xi32>
      %squeeze3A_785 = vector.extract %slice3A_784[0] : i32 from vector<1xi32>
      %dma_start3A_786 = arith.constant 7 : i32
      %dma_start3A_787 = arith.constant 0 : i32
      %dma_start3A_788 = arith.constant 0 : i32
      %dma_start3A_789 = tpu.memref_slice %arg16[%dma_start3A_786, %dma_start3A_787, %dma_start3A_788] : memref<16x8x64xf32, #tpu.memory_space<vmem>> -> memref<1x8x64xf32, #tpu.memory_space<vmem>>
      %dma_start3A_790 = arith.constant 0 : i32
      %dma_start3A_791 = arith.constant 0 : i32
      %dma_start3A_792 = tpu.memref_slice %arg5[%squeeze3A_785, %dma_start3A_790, %dma_start3A_791] : memref<125000x8x64xf32, #tpu.memory_space<hbm>> -> memref<1x8x64xf32, #tpu.memory_space<hbm>>
      %dma_start3A_793 = arith.constant 7 : i32
      %dma_start3A_794 = arith.constant 0 : i32
      %dma_start3A_795 = arith.constant 0 : i32
      %dma_start3A_796 = tpu.memref_slice %arg16[%dma_start3A_793, %dma_start3A_794, %dma_start3A_795] : memref<16x8x64xf32, #tpu.memory_space<vmem>> -> memref<1x8x64xf32, #tpu.memory_space<vmem>>
      %dma_start3A_797 = arith.constant 0 : i32
      %dma_start3A_798 = arith.constant 0 : i32
      %dma_start3A_799 = tpu.memref_slice %arg5[%squeeze3A_785, %dma_start3A_797, %dma_start3A_798] : memref<125000x8x64xf32, #tpu.memory_space<hbm>> -> memref<1x8x64xf32, #tpu.memory_space<hbm>>
      tpu.enqueue_dma source(%dma_start3A_799 : memref<1x8x64xf32, #tpu.memory_space<hbm>>) target(%dma_start3A_796 : memref<1x8x64xf32, #tpu.memory_space<vmem>>) target_semaphore(%arg23 : memref<!tpu.dma_semaphore, #tpu.memory_space<semaphore_mem>>)
      %slice3A_800 = vector.extract_strided_slice %get3A_541 {offsets = [8], sizes = [1], strides = [1]} : vector<16xi32> to vector<1xi32>
      %squeeze3A_801 = vector.extract %slice3A_800[0] : i32 from vector<1xi32>
      %dma_start3A_802 = arith.constant 8 : i32
      %dma_start3A_803 = arith.constant 0 : i32
      %dma_start3A_804 = arith.constant 0 : i32
      %dma_start3A_805 = tpu.memref_slice %arg14[%dma_start3A_802, %dma_start3A_803, %dma_start3A_804] : memref<16x8x64xf32, #tpu.memory_space<vmem>> -> memref<1x8x64xf32, #tpu.memory_space<vmem>>
      %dma_start3A_806 = arith.constant 0 : i32
      %dma_start3A_807 = arith.constant 0 : i32
      %dma_start3A_808 = tpu.memref_slice %arg4[%squeeze3A_801, %dma_start3A_806, %dma_start3A_807] : memref<125000x8x64xf32, #tpu.memory_space<hbm>> -> memref<1x8x64xf32, #tpu.memory_space<hbm>>
      %dma_start3A_809 = arith.constant 8 : i32
      %dma_start3A_810 = arith.constant 0 : i32
      %dma_start3A_811 = arith.constant 0 : i32
      %dma_start3A_812 = tpu.memref_slice %arg14[%dma_start3A_809, %dma_start3A_810, %dma_start3A_811] : memref<16x8x64xf32, #tpu.memory_space<vmem>> -> memref<1x8x64xf32, #tpu.memory_space<vmem>>
      %dma_start3A_813 = arith.constant 0 : i32
      %dma_start3A_814 = arith.constant 0 : i32
      %dma_start3A_815 = tpu.memref_slice %arg4[%squeeze3A_801, %dma_start3A_813, %dma_start3A_814] : memref<125000x8x64xf32, #tpu.memory_space<hbm>> -> memref<1x8x64xf32, #tpu.memory_space<hbm>>
      tpu.enqueue_dma source(%dma_start3A_815 : memref<1x8x64xf32, #tpu.memory_space<hbm>>) target(%dma_start3A_812 : memref<1x8x64xf32, #tpu.memory_space<vmem>>) target_semaphore(%arg21 : memref<!tpu.dma_semaphore, #tpu.memory_space<semaphore_mem>>)
      %slice3A_816 = vector.extract_strided_slice %get3A_543 {offsets = [8], sizes = [1], strides = [1]} : vector<16xi32> to vector<1xi32>
      %squeeze3A_817 = vector.extract %slice3A_816[0] : i32 from vector<1xi32>
      %dma_start3A_818 = arith.constant 8 : i32
      %dma_start3A_819 = arith.constant 0 : i32
      %dma_start3A_820 = arith.constant 0 : i32
      %dma_start3A_821 = tpu.memref_slice %arg16[%dma_start3A_818, %dma_start3A_819, %dma_start3A_820] : memref<16x8x64xf32, #tpu.memory_space<vmem>> -> memref<1x8x64xf32, #tpu.memory_space<vmem>>
      %dma_start3A_822 = arith.constant 0 : i32
      %dma_start3A_823 = arith.constant 0 : i32
      %dma_start3A_824 = tpu.memref_slice %arg5[%squeeze3A_817, %dma_start3A_822, %dma_start3A_823] : memref<125000x8x64xf32, #tpu.memory_space<hbm>> -> memref<1x8x64xf32, #tpu.memory_space<hbm>>
      %dma_start3A_825 = arith.constant 8 : i32
      %dma_start3A_826 = arith.constant 0 : i32
      %dma_start3A_827 = arith.constant 0 : i32
      %dma_start3A_828 = tpu.memref_slice %arg16[%dma_start3A_825, %dma_start3A_826, %dma_start3A_827] : memref<16x8x64xf32, #tpu.memory_space<vmem>> -> memref<1x8x64xf32, #tpu.memory_space<vmem>>
      %dma_start3A_829 = arith.constant 0 : i32
      %dma_start3A_830 = arith.constant 0 : i32
      %dma_start3A_831 = tpu.memref_slice %arg5[%squeeze3A_817, %dma_start3A_829, %dma_start3A_830] : memref<125000x8x64xf32, #tpu.memory_space<hbm>> -> memref<1x8x64xf32, #tpu.memory_space<hbm>>
      tpu.enqueue_dma source(%dma_start3A_831 : memref<1x8x64xf32, #tpu.memory_space<hbm>>) target(%dma_start3A_828 : memref<1x8x64xf32, #tpu.memory_space<vmem>>) target_semaphore(%arg23 : memref<!tpu.dma_semaphore, #tpu.memory_space<semaphore_mem>>)
      %slice3A_832 = vector.extract_strided_slice %get3A_541 {offsets = [9], sizes = [1], strides = [1]} : vector<16xi32> to vector<1xi32>
      %squeeze3A_833 = vector.extract %slice3A_832[0] : i32 from vector<1xi32>
      %dma_start3A_834 = arith.constant 9 : i32
      %dma_start3A_835 = arith.constant 0 : i32
      %dma_start3A_836 = arith.constant 0 : i32
      %dma_start3A_837 = tpu.memref_slice %arg14[%dma_start3A_834, %dma_start3A_835, %dma_start3A_836] : memref<16x8x64xf32, #tpu.memory_space<vmem>> -> memref<1x8x64xf32, #tpu.memory_space<vmem>>
      %dma_start3A_838 = arith.constant 0 : i32
      %dma_start3A_839 = arith.constant 0 : i32
      %dma_start3A_840 = tpu.memref_slice %arg4[%squeeze3A_833, %dma_start3A_838, %dma_start3A_839] : memref<125000x8x64xf32, #tpu.memory_space<hbm>> -> memref<1x8x64xf32, #tpu.memory_space<hbm>>
      %dma_start3A_841 = arith.constant 9 : i32
      %dma_start3A_842 = arith.constant 0 : i32
      %dma_start3A_843 = arith.constant 0 : i32
      %dma_start3A_844 = tpu.memref_slice %arg14[%dma_start3A_841, %dma_start3A_842, %dma_start3A_843] : memref<16x8x64xf32, #tpu.memory_space<vmem>> -> memref<1x8x64xf32, #tpu.memory_space<vmem>>
      %dma_start3A_845 = arith.constant 0 : i32
      %dma_start3A_846 = arith.constant 0 : i32
      %dma_start3A_847 = tpu.memref_slice %arg4[%squeeze3A_833, %dma_start3A_845, %dma_start3A_846] : memref<125000x8x64xf32, #tpu.memory_space<hbm>> -> memref<1x8x64xf32, #tpu.memory_space<hbm>>
      tpu.enqueue_dma source(%dma_start3A_847 : memref<1x8x64xf32, #tpu.memory_space<hbm>>) target(%dma_start3A_844 : memref<1x8x64xf32, #tpu.memory_space<vmem>>) target_semaphore(%arg21 : memref<!tpu.dma_semaphore, #tpu.memory_space<semaphore_mem>>)
      %slice3A_848 = vector.extract_strided_slice %get3A_543 {offsets = [9], sizes = [1], strides = [1]} : vector<16xi32> to vector<1xi32>
      %squeeze3A_849 = vector.extract %slice3A_848[0] : i32 from vector<1xi32>
      %dma_start3A_850 = arith.constant 9 : i32
      %dma_start3A_851 = arith.constant 0 : i32
      %dma_start3A_852 = arith.constant 0 : i32
      %dma_start3A_853 = tpu.memref_slice %arg16[%dma_start3A_850, %dma_start3A_851, %dma_start3A_852] : memref<16x8x64xf32, #tpu.memory_space<vmem>> -> memref<1x8x64xf32, #tpu.memory_space<vmem>>
      %dma_start3A_854 = arith.constant 0 : i32
      %dma_start3A_855 = arith.constant 0 : i32
      %dma_start3A_856 = tpu.memref_slice %arg5[%squeeze3A_849, %dma_start3A_854, %dma_start3A_855] : memref<125000x8x64xf32, #tpu.memory_space<hbm>> -> memref<1x8x64xf32, #tpu.memory_space<hbm>>
      %dma_start3A_857 = arith.constant 9 : i32
      %dma_start3A_858 = arith.constant 0 : i32
      %dma_start3A_859 = arith.constant 0 : i32
      %dma_start3A_860 = tpu.memref_slice %arg16[%dma_start3A_857, %dma_start3A_858, %dma_start3A_859] : memref<16x8x64xf32, #tpu.memory_space<vmem>> -> memref<1x8x64xf32, #tpu.memory_space<vmem>>
      %dma_start3A_861 = arith.constant 0 : i32
      %dma_start3A_862 = arith.constant 0 : i32
      %dma_start3A_863 = tpu.memref_slice %arg5[%squeeze3A_849, %dma_start3A_861, %dma_start3A_862] : memref<125000x8x64xf32, #tpu.memory_space<hbm>> -> memref<1x8x64xf32, #tpu.memory_space<hbm>>
      tpu.enqueue_dma source(%dma_start3A_863 : memref<1x8x64xf32, #tpu.memory_space<hbm>>) target(%dma_start3A_860 : memref<1x8x64xf32, #tpu.memory_space<vmem>>) target_semaphore(%arg23 : memref<!tpu.dma_semaphore, #tpu.memory_space<semaphore_mem>>)
      %slice3A_864 = vector.extract_strided_slice %get3A_541 {offsets = [10], sizes = [1], strides = [1]} : vector<16xi32> to vector<1xi32>
      %squeeze3A_865 = vector.extract %slice3A_864[0] : i32 from vector<1xi32>
      %dma_start3A_866 = arith.constant 10 : i32
      %dma_start3A_867 = arith.constant 0 : i32
      %dma_start3A_868 = arith.constant 0 : i32
      %dma_start3A_869 = tpu.memref_slice %arg14[%dma_start3A_866, %dma_start3A_867, %dma_start3A_868] : memref<16x8x64xf32, #tpu.memory_space<vmem>> -> memref<1x8x64xf32, #tpu.memory_space<vmem>>
      %dma_start3A_870 = arith.constant 0 : i32
      %dma_start3A_871 = arith.constant 0 : i32
      %dma_start3A_872 = tpu.memref_slice %arg4[%squeeze3A_865, %dma_start3A_870, %dma_start3A_871] : memref<125000x8x64xf32, #tpu.memory_space<hbm>> -> memref<1x8x64xf32, #tpu.memory_space<hbm>>
      %dma_start3A_873 = arith.constant 10 : i32
      %dma_start3A_874 = arith.constant 0 : i32
      %dma_start3A_875 = arith.constant 0 : i32
      %dma_start3A_876 = tpu.memref_slice %arg14[%dma_start3A_873, %dma_start3A_874, %dma_start3A_875] : memref<16x8x64xf32, #tpu.memory_space<vmem>> -> memref<1x8x64xf32, #tpu.memory_space<vmem>>
      %dma_start3A_877 = arith.constant 0 : i32
      %dma_start3A_878 = arith.constant 0 : i32
      %dma_start3A_879 = tpu.memref_slice %arg4[%squeeze3A_865, %dma_start3A_877, %dma_start3A_878] : memref<125000x8x64xf32, #tpu.memory_space<hbm>> -> memref<1x8x64xf32, #tpu.memory_space<hbm>>
      tpu.enqueue_dma source(%dma_start3A_879 : memref<1x8x64xf32, #tpu.memory_space<hbm>>) target(%dma_start3A_876 : memref<1x8x64xf32, #tpu.memory_space<vmem>>) target_semaphore(%arg21 : memref<!tpu.dma_semaphore, #tpu.memory_space<semaphore_mem>>)
      %slice3A_880 = vector.extract_strided_slice %get3A_543 {offsets = [10], sizes = [1], strides = [1]} : vector<16xi32> to vector<1xi32>
      %squeeze3A_881 = vector.extract %slice3A_880[0] : i32 from vector<1xi32>
      %dma_start3A_882 = arith.constant 10 : i32
      %dma_start3A_883 = arith.constant 0 : i32
      %dma_start3A_884 = arith.constant 0 : i32
      %dma_start3A_885 = tpu.memref_slice %arg16[%dma_start3A_882, %dma_start3A_883, %dma_start3A_884] : memref<16x8x64xf32, #tpu.memory_space<vmem>> -> memref<1x8x64xf32, #tpu.memory_space<vmem>>
      %dma_start3A_886 = arith.constant 0 : i32
      %dma_start3A_887 = arith.constant 0 : i32
      %dma_start3A_888 = tpu.memref_slice %arg5[%squeeze3A_881, %dma_start3A_886, %dma_start3A_887] : memref<125000x8x64xf32, #tpu.memory_space<hbm>> -> memref<1x8x64xf32, #tpu.memory_space<hbm>>
      %dma_start3A_889 = arith.constant 10 : i32
      %dma_start3A_890 = arith.constant 0 : i32
      %dma_start3A_891 = arith.constant 0 : i32
      %dma_start3A_892 = tpu.memref_slice %arg16[%dma_start3A_889, %dma_start3A_890, %dma_start3A_891] : memref<16x8x64xf32, #tpu.memory_space<vmem>> -> memref<1x8x64xf32, #tpu.memory_space<vmem>>
      %dma_start3A_893 = arith.constant 0 : i32
      %dma_start3A_894 = arith.constant 0 : i32
      %dma_start3A_895 = tpu.memref_slice %arg5[%squeeze3A_881, %dma_start3A_893, %dma_start3A_894] : memref<125000x8x64xf32, #tpu.memory_space<hbm>> -> memref<1x8x64xf32, #tpu.memory_space<hbm>>
      tpu.enqueue_dma source(%dma_start3A_895 : memref<1x8x64xf32, #tpu.memory_space<hbm>>) target(%dma_start3A_892 : memref<1x8x64xf32, #tpu.memory_space<vmem>>) target_semaphore(%arg23 : memref<!tpu.dma_semaphore, #tpu.memory_space<semaphore_mem>>)
      %slice3A_896 = vector.extract_strided_slice %get3A_541 {offsets = [11], sizes = [1], strides = [1]} : vector<16xi32> to vector<1xi32>
      %squeeze3A_897 = vector.extract %slice3A_896[0] : i32 from vector<1xi32>
      %dma_start3A_898 = arith.constant 11 : i32
      %dma_start3A_899 = arith.constant 0 : i32
      %dma_start3A_900 = arith.constant 0 : i32
      %dma_start3A_901 = tpu.memref_slice %arg14[%dma_start3A_898, %dma_start3A_899, %dma_start3A_900] : memref<16x8x64xf32, #tpu.memory_space<vmem>> -> memref<1x8x64xf32, #tpu.memory_space<vmem>>
      %dma_start3A_902 = arith.constant 0 : i32
      %dma_start3A_903 = arith.constant 0 : i32
      %dma_start3A_904 = tpu.memref_slice %arg4[%squeeze3A_897, %dma_start3A_902, %dma_start3A_903] : memref<125000x8x64xf32, #tpu.memory_space<hbm>> -> memref<1x8x64xf32, #tpu.memory_space<hbm>>
      %dma_start3A_905 = arith.constant 11 : i32
      %dma_start3A_906 = arith.constant 0 : i32
      %dma_start3A_907 = arith.constant 0 : i32
      %dma_start3A_908 = tpu.memref_slice %arg14[%dma_start3A_905, %dma_start3A_906, %dma_start3A_907] : memref<16x8x64xf32, #tpu.memory_space<vmem>> -> memref<1x8x64xf32, #tpu.memory_space<vmem>>
      %dma_start3A_909 = arith.constant 0 : i32
      %dma_start3A_910 = arith.constant 0 : i32
      %dma_start3A_911 = tpu.memref_slice %arg4[%squeeze3A_897, %dma_start3A_909, %dma_start3A_910] : memref<125000x8x64xf32, #tpu.memory_space<hbm>> -> memref<1x8x64xf32, #tpu.memory_space<hbm>>
      tpu.enqueue_dma source(%dma_start3A_911 : memref<1x8x64xf32, #tpu.memory_space<hbm>>) target(%dma_start3A_908 : memref<1x8x64xf32, #tpu.memory_space<vmem>>) target_semaphore(%arg21 : memref<!tpu.dma_semaphore, #tpu.memory_space<semaphore_mem>>)
      %slice3A_912 = vector.extract_strided_slice %get3A_543 {offsets = [11], sizes = [1], strides = [1]} : vector<16xi32> to vector<1xi32>
      %squeeze3A_913 = vector.extract %slice3A_912[0] : i32 from vector<1xi32>
      %dma_start3A_914 = arith.constant 11 : i32
      %dma_start3A_915 = arith.constant 0 : i32
      %dma_start3A_916 = arith.constant 0 : i32
      %dma_start3A_917 = tpu.memref_slice %arg16[%dma_start3A_914, %dma_start3A_915, %dma_start3A_916] : memref<16x8x64xf32, #tpu.memory_space<vmem>> -> memref<1x8x64xf32, #tpu.memory_space<vmem>>
      %dma_start3A_918 = arith.constant 0 : i32
      %dma_start3A_919 = arith.constant 0 : i32
      %dma_start3A_920 = tpu.memref_slice %arg5[%squeeze3A_913, %dma_start3A_918, %dma_start3A_919] : memref<125000x8x64xf32, #tpu.memory_space<hbm>> -> memref<1x8x64xf32, #tpu.memory_space<hbm>>
      %dma_start3A_921 = arith.constant 11 : i32
      %dma_start3A_922 = arith.constant 0 : i32
      %dma_start3A_923 = arith.constant 0 : i32
      %dma_start3A_924 = tpu.memref_slice %arg16[%dma_start3A_921, %dma_start3A_922, %dma_start3A_923] : memref<16x8x64xf32, #tpu.memory_space<vmem>> -> memref<1x8x64xf32, #tpu.memory_space<vmem>>
      %dma_start3A_925 = arith.constant 0 : i32
      %dma_start3A_926 = arith.constant 0 : i32
      %dma_start3A_927 = tpu.memref_slice %arg5[%squeeze3A_913, %dma_start3A_925, %dma_start3A_926] : memref<125000x8x64xf32, #tpu.memory_space<hbm>> -> memref<1x8x64xf32, #tpu.memory_space<hbm>>
      tpu.enqueue_dma source(%dma_start3A_927 : memref<1x8x64xf32, #tpu.memory_space<hbm>>) target(%dma_start3A_924 : memref<1x8x64xf32, #tpu.memory_space<vmem>>) target_semaphore(%arg23 : memref<!tpu.dma_semaphore, #tpu.memory_space<semaphore_mem>>)
      %slice3A_928 = vector.extract_strided_slice %get3A_541 {offsets = [12], sizes = [1], strides = [1]} : vector<16xi32> to vector<1xi32>
      %squeeze3A_929 = vector.extract %slice3A_928[0] : i32 from vector<1xi32>
      %dma_start3A_930 = arith.constant 12 : i32
      %dma_start3A_931 = arith.constant 0 : i32
      %dma_start3A_932 = arith.constant 0 : i32
      %dma_start3A_933 = tpu.memref_slice %arg14[%dma_start3A_930, %dma_start3A_931, %dma_start3A_932] : memref<16x8x64xf32, #tpu.memory_space<vmem>> -> memref<1x8x64xf32, #tpu.memory_space<vmem>>
      %dma_start3A_934 = arith.constant 0 : i32
      %dma_start3A_935 = arith.constant 0 : i32
      %dma_start3A_936 = tpu.memref_slice %arg4[%squeeze3A_929, %dma_start3A_934, %dma_start3A_935] : memref<125000x8x64xf32, #tpu.memory_space<hbm>> -> memref<1x8x64xf32, #tpu.memory_space<hbm>>
      %dma_start3A_937 = arith.constant 12 : i32
      %dma_start3A_938 = arith.constant 0 : i32
      %dma_start3A_939 = arith.constant 0 : i32
      %dma_start3A_940 = tpu.memref_slice %arg14[%dma_start3A_937, %dma_start3A_938, %dma_start3A_939] : memref<16x8x64xf32, #tpu.memory_space<vmem>> -> memref<1x8x64xf32, #tpu.memory_space<vmem>>
      %dma_start3A_941 = arith.constant 0 : i32
      %dma_start3A_942 = arith.constant 0 : i32
      %dma_start3A_943 = tpu.memref_slice %arg4[%squeeze3A_929, %dma_start3A_941, %dma_start3A_942] : memref<125000x8x64xf32, #tpu.memory_space<hbm>> -> memref<1x8x64xf32, #tpu.memory_space<hbm>>
      tpu.enqueue_dma source(%dma_start3A_943 : memref<1x8x64xf32, #tpu.memory_space<hbm>>) target(%dma_start3A_940 : memref<1x8x64xf32, #tpu.memory_space<vmem>>) target_semaphore(%arg21 : memref<!tpu.dma_semaphore, #tpu.memory_space<semaphore_mem>>)
      %slice3A_944 = vector.extract_strided_slice %get3A_543 {offsets = [12], sizes = [1], strides = [1]} : vector<16xi32> to vector<1xi32>
      %squeeze3A_945 = vector.extract %slice3A_944[0] : i32 from vector<1xi32>
      %dma_start3A_946 = arith.constant 12 : i32
      %dma_start3A_947 = arith.constant 0 : i32
      %dma_start3A_948 = arith.constant 0 : i32
      %dma_start3A_949 = tpu.memref_slice %arg16[%dma_start3A_946, %dma_start3A_947, %dma_start3A_948] : memref<16x8x64xf32, #tpu.memory_space<vmem>> -> memref<1x8x64xf32, #tpu.memory_space<vmem>>
      %dma_start3A_950 = arith.constant 0 : i32
      %dma_start3A_951 = arith.constant 0 : i32
      %dma_start3A_952 = tpu.memref_slice %arg5[%squeeze3A_945, %dma_start3A_950, %dma_start3A_951] : memref<125000x8x64xf32, #tpu.memory_space<hbm>> -> memref<1x8x64xf32, #tpu.memory_space<hbm>>
      %dma_start3A_953 = arith.constant 12 : i32
      %dma_start3A_954 = arith.constant 0 : i32
      %dma_start3A_955 = arith.constant 0 : i32
      %dma_start3A_956 = tpu.memref_slice %arg16[%dma_start3A_953, %dma_start3A_954, %dma_start3A_955] : memref<16x8x64xf32, #tpu.memory_space<vmem>> -> memref<1x8x64xf32, #tpu.memory_space<vmem>>
      %dma_start3A_957 = arith.constant 0 : i32
      %dma_start3A_958 = arith.constant 0 : i32
      %dma_start3A_959 = tpu.memref_slice %arg5[%squeeze3A_945, %dma_start3A_957, %dma_start3A_958] : memref<125000x8x64xf32, #tpu.memory_space<hbm>> -> memref<1x8x64xf32, #tpu.memory_space<hbm>>
      tpu.enqueue_dma source(%dma_start3A_959 : memref<1x8x64xf32, #tpu.memory_space<hbm>>) target(%dma_start3A_956 : memref<1x8x64xf32, #tpu.memory_space<vmem>>) target_semaphore(%arg23 : memref<!tpu.dma_semaphore, #tpu.memory_space<semaphore_mem>>)
      %slice3A_960 = vector.extract_strided_slice %get3A_541 {offsets = [13], sizes = [1], strides = [1]} : vector<16xi32> to vector<1xi32>
      %squeeze3A_961 = vector.extract %slice3A_960[0] : i32 from vector<1xi32>
      %dma_start3A_962 = arith.constant 13 : i32
      %dma_start3A_963 = arith.constant 0 : i32
      %dma_start3A_964 = arith.constant 0 : i32
      %dma_start3A_965 = tpu.memref_slice %arg14[%dma_start3A_962, %dma_start3A_963, %dma_start3A_964] : memref<16x8x64xf32, #tpu.memory_space<vmem>> -> memref<1x8x64xf32, #tpu.memory_space<vmem>>
      %dma_start3A_966 = arith.constant 0 : i32
      %dma_start3A_967 = arith.constant 0 : i32
      %dma_start3A_968 = tpu.memref_slice %arg4[%squeeze3A_961, %dma_start3A_966, %dma_start3A_967] : memref<125000x8x64xf32, #tpu.memory_space<hbm>> -> memref<1x8x64xf32, #tpu.memory_space<hbm>>
      %dma_start3A_969 = arith.constant 13 : i32
      %dma_start3A_970 = arith.constant 0 : i32
      %dma_start3A_971 = arith.constant 0 : i32
      %dma_start3A_972 = tpu.memref_slice %arg14[%dma_start3A_969, %dma_start3A_970, %dma_start3A_971] : memref<16x8x64xf32, #tpu.memory_space<vmem>> -> memref<1x8x64xf32, #tpu.memory_space<vmem>>
      %dma_start3A_973 = arith.constant 0 : i32
      %dma_start3A_974 = arith.constant 0 : i32
      %dma_start3A_975 = tpu.memref_slice %arg4[%squeeze3A_961, %dma_start3A_973, %dma_start3A_974] : memref<125000x8x64xf32, #tpu.memory_space<hbm>> -> memref<1x8x64xf32, #tpu.memory_space<hbm>>
      tpu.enqueue_dma source(%dma_start3A_975 : memref<1x8x64xf32, #tpu.memory_space<hbm>>) target(%dma_start3A_972 : memref<1x8x64xf32, #tpu.memory_space<vmem>>) target_semaphore(%arg21 : memref<!tpu.dma_semaphore, #tpu.memory_space<semaphore_mem>>)
      %slice3A_976 = vector.extract_strided_slice %get3A_543 {offsets = [13], sizes = [1], strides = [1]} : vector<16xi32> to vector<1xi32>
      %squeeze3A_977 = vector.extract %slice3A_976[0] : i32 from vector<1xi32>
      %dma_start3A_978 = arith.constant 13 : i32
      %dma_start3A_979 = arith.constant 0 : i32
      %dma_start3A_980 = arith.constant 0 : i32
      %dma_start3A_981 = tpu.memref_slice %arg16[%dma_start3A_978, %dma_start3A_979, %dma_start3A_980] : memref<16x8x64xf32, #tpu.memory_space<vmem>> -> memref<1x8x64xf32, #tpu.memory_space<vmem>>
      %dma_start3A_982 = arith.constant 0 : i32
      %dma_start3A_983 = arith.constant 0 : i32
      %dma_start3A_984 = tpu.memref_slice %arg5[%squeeze3A_977, %dma_start3A_982, %dma_start3A_983] : memref<125000x8x64xf32, #tpu.memory_space<hbm>> -> memref<1x8x64xf32, #tpu.memory_space<hbm>>
      %dma_start3A_985 = arith.constant 13 : i32
      %dma_start3A_986 = arith.constant 0 : i32
      %dma_start3A_987 = arith.constant 0 : i32
      %dma_start3A_988 = tpu.memref_slice %arg16[%dma_start3A_985, %dma_start3A_986, %dma_start3A_987] : memref<16x8x64xf32, #tpu.memory_space<vmem>> -> memref<1x8x64xf32, #tpu.memory_space<vmem>>
      %dma_start3A_989 = arith.constant 0 : i32
      %dma_start3A_990 = arith.constant 0 : i32
      %dma_start3A_991 = tpu.memref_slice %arg5[%squeeze3A_977, %dma_start3A_989, %dma_start3A_990] : memref<125000x8x64xf32, #tpu.memory_space<hbm>> -> memref<1x8x64xf32, #tpu.memory_space<hbm>>
      tpu.enqueue_dma source(%dma_start3A_991 : memref<1x8x64xf32, #tpu.memory_space<hbm>>) target(%dma_start3A_988 : memref<1x8x64xf32, #tpu.memory_space<vmem>>) target_semaphore(%arg23 : memref<!tpu.dma_semaphore, #tpu.memory_space<semaphore_mem>>)
      %slice3A_992 = vector.extract_strided_slice %get3A_541 {offsets = [14], sizes = [1], strides = [1]} : vector<16xi32> to vector<1xi32>
      %squeeze3A_993 = vector.extract %slice3A_992[0] : i32 from vector<1xi32>
      %dma_start3A_994 = arith.constant 14 : i32
      %dma_start3A_995 = arith.constant 0 : i32
      %dma_start3A_996 = arith.constant 0 : i32
      %dma_start3A_997 = tpu.memref_slice %arg14[%dma_start3A_994, %dma_start3A_995, %dma_start3A_996] : memref<16x8x64xf32, #tpu.memory_space<vmem>> -> memref<1x8x64xf32, #tpu.memory_space<vmem>>
      %dma_start3A_998 = arith.constant 0 : i32
      %dma_start3A_999 = arith.constant 0 : i32
      %dma_start3A_1000 = tpu.memref_slice %arg4[%squeeze3A_993, %dma_start3A_998, %dma_start3A_999] : memref<125000x8x64xf32, #tpu.memory_space<hbm>> -> memref<1x8x64xf32, #tpu.memory_space<hbm>>
      %dma_start3A_1001 = arith.constant 14 : i32
      %dma_start3A_1002 = arith.constant 0 : i32
      %dma_start3A_1003 = arith.constant 0 : i32
      %dma_start3A_1004 = tpu.memref_slice %arg14[%dma_start3A_1001, %dma_start3A_1002, %dma_start3A_1003] : memref<16x8x64xf32, #tpu.memory_space<vmem>> -> memref<1x8x64xf32, #tpu.memory_space<vmem>>
      %dma_start3A_1005 = arith.constant 0 : i32
      %dma_start3A_1006 = arith.constant 0 : i32
      %dma_start3A_1007 = tpu.memref_slice %arg4[%squeeze3A_993, %dma_start3A_1005, %dma_start3A_1006] : memref<125000x8x64xf32, #tpu.memory_space<hbm>> -> memref<1x8x64xf32, #tpu.memory_space<hbm>>
      tpu.enqueue_dma source(%dma_start3A_1007 : memref<1x8x64xf32, #tpu.memory_space<hbm>>) target(%dma_start3A_1004 : memref<1x8x64xf32, #tpu.memory_space<vmem>>) target_semaphore(%arg21 : memref<!tpu.dma_semaphore, #tpu.memory_space<semaphore_mem>>)
      %slice3A_1008 = vector.extract_strided_slice %get3A_543 {offsets = [14], sizes = [1], strides = [1]} : vector<16xi32> to vector<1xi32>
      %squeeze3A_1009 = vector.extract %slice3A_1008[0] : i32 from vector<1xi32>
      %dma_start3A_1010 = arith.constant 14 : i32
      %dma_start3A_1011 = arith.constant 0 : i32
      %dma_start3A_1012 = arith.constant 0 : i32
      %dma_start3A_1013 = tpu.memref_slice %arg16[%dma_start3A_1010, %dma_start3A_1011, %dma_start3A_1012] : memref<16x8x64xf32, #tpu.memory_space<vmem>> -> memref<1x8x64xf32, #tpu.memory_space<vmem>>
      %dma_start3A_1014 = arith.constant 0 : i32
      %dma_start3A_1015 = arith.constant 0 : i32
      %dma_start3A_1016 = tpu.memref_slice %arg5[%squeeze3A_1009, %dma_start3A_1014, %dma_start3A_1015] : memref<125000x8x64xf32, #tpu.memory_space<hbm>> -> memref<1x8x64xf32, #tpu.memory_space<hbm>>
      %dma_start3A_1017 = arith.constant 14 : i32
      %dma_start3A_1018 = arith.constant 0 : i32
      %dma_start3A_1019 = arith.constant 0 : i32
      %dma_start3A_1020 = tpu.memref_slice %arg16[%dma_start3A_1017, %dma_start3A_1018, %dma_start3A_1019] : memref<16x8x64xf32, #tpu.memory_space<vmem>> -> memref<1x8x64xf32, #tpu.memory_space<vmem>>
      %dma_start3A_1021 = arith.constant 0 : i32
      %dma_start3A_1022 = arith.constant 0 : i32
      %dma_start3A_1023 = tpu.memref_slice %arg5[%squeeze3A_1009, %dma_start3A_1021, %dma_start3A_1022] : memref<125000x8x64xf32, #tpu.memory_space<hbm>> -> memref<1x8x64xf32, #tpu.memory_space<hbm>>
      tpu.enqueue_dma source(%dma_start3A_1023 : memref<1x8x64xf32, #tpu.memory_space<hbm>>) target(%dma_start3A_1020 : memref<1x8x64xf32, #tpu.memory_space<vmem>>) target_semaphore(%arg23 : memref<!tpu.dma_semaphore, #tpu.memory_space<semaphore_mem>>)
      %slice3A_1024 = vector.extract_strided_slice %get3A_541 {offsets = [15], sizes = [1], strides = [1]} : vector<16xi32> to vector<1xi32>
      %squeeze3A_1025 = vector.extract %slice3A_1024[0] : i32 from vector<1xi32>
      %dma_start3A_1026 = arith.constant 15 : i32
      %dma_start3A_1027 = arith.constant 0 : i32
      %dma_start3A_1028 = arith.constant 0 : i32
      %dma_start3A_1029 = tpu.memref_slice %arg14[%dma_start3A_1026, %dma_start3A_1027, %dma_start3A_1028] : memref<16x8x64xf32, #tpu.memory_space<vmem>> -> memref<1x8x64xf32, #tpu.memory_space<vmem>>
      %dma_start3A_1030 = arith.constant 0 : i32
      %dma_start3A_1031 = arith.constant 0 : i32
      %dma_start3A_1032 = tpu.memref_slice %arg4[%squeeze3A_1025, %dma_start3A_1030, %dma_start3A_1031] : memref<125000x8x64xf32, #tpu.memory_space<hbm>> -> memref<1x8x64xf32, #tpu.memory_space<hbm>>
      %dma_start3A_1033 = arith.constant 15 : i32
      %dma_start3A_1034 = arith.constant 0 : i32
      %dma_start3A_1035 = arith.constant 0 : i32
      %dma_start3A_1036 = tpu.memref_slice %arg14[%dma_start3A_1033, %dma_start3A_1034, %dma_start3A_1035] : memref<16x8x64xf32, #tpu.memory_space<vmem>> -> memref<1x8x64xf32, #tpu.memory_space<vmem>>
      %dma_start3A_1037 = arith.constant 0 : i32
      %dma_start3A_1038 = arith.constant 0 : i32
      %dma_start3A_1039 = tpu.memref_slice %arg4[%squeeze3A_1025, %dma_start3A_1037, %dma_start3A_1038] : memref<125000x8x64xf32, #tpu.memory_space<hbm>> -> memref<1x8x64xf32, #tpu.memory_space<hbm>>
      tpu.enqueue_dma source(%dma_start3A_1039 : memref<1x8x64xf32, #tpu.memory_space<hbm>>) target(%dma_start3A_1036 : memref<1x8x64xf32, #tpu.memory_space<vmem>>) target_semaphore(%arg21 : memref<!tpu.dma_semaphore, #tpu.memory_space<semaphore_mem>>)
      %slice3A_1040 = vector.extract_strided_slice %get3A_543 {offsets = [15], sizes = [1], strides = [1]} : vector<16xi32> to vector<1xi32>
      %squeeze3A_1041 = vector.extract %slice3A_1040[0] : i32 from vector<1xi32>
      %dma_start3A_1042 = arith.constant 15 : i32
      %dma_start3A_1043 = arith.constant 0 : i32
      %dma_start3A_1044 = arith.constant 0 : i32
      %dma_start3A_1045 = tpu.memref_slice %arg16[%dma_start3A_1042, %dma_start3A_1043, %dma_start3A_1044] : memref<16x8x64xf32, #tpu.memory_space<vmem>> -> memref<1x8x64xf32, #tpu.memory_space<vmem>>
      %dma_start3A_1046 = arith.constant 0 : i32
      %dma_start3A_1047 = arith.constant 0 : i32
      %dma_start3A_1048 = tpu.memref_slice %arg5[%squeeze3A_1041, %dma_start3A_1046, %dma_start3A_1047] : memref<125000x8x64xf32, #tpu.memory_space<hbm>> -> memref<1x8x64xf32, #tpu.memory_space<hbm>>
      %dma_start3A_1049 = arith.constant 15 : i32
      %dma_start3A_1050 = arith.constant 0 : i32
      %dma_start3A_1051 = arith.constant 0 : i32
      %dma_start3A_1052 = tpu.memref_slice %arg16[%dma_start3A_1049, %dma_start3A_1050, %dma_start3A_1051] : memref<16x8x64xf32, #tpu.memory_space<vmem>> -> memref<1x8x64xf32, #tpu.memory_space<vmem>>
      %dma_start3A_1053 = arith.constant 0 : i32
      %dma_start3A_1054 = arith.constant 0 : i32
      %dma_start3A_1055 = tpu.memref_slice %arg5[%squeeze3A_1041, %dma_start3A_1053, %dma_start3A_1054] : memref<125000x8x64xf32, #tpu.memory_space<hbm>> -> memref<1x8x64xf32, #tpu.memory_space<hbm>>
      tpu.enqueue_dma source(%dma_start3A_1055 : memref<1x8x64xf32, #tpu.memory_space<hbm>>) target(%dma_start3A_1052 : memref<1x8x64xf32, #tpu.memory_space<vmem>>) target_semaphore(%arg23 : memref<!tpu.dma_semaphore, #tpu.memory_space<semaphore_mem>>)
      %dma_wait3A_1056 = arith.constant 0 : i32
      %dma_wait3A_1057 = arith.constant 0 : i32
      %dma_wait3A_1058 = arith.constant 0 : i32
      %dma_wait3A_1059 = tpu.memref_slice %arg4[%dma_wait3A_1056, %dma_wait3A_1057, %dma_wait3A_1058] : memref<125000x8x64xf32, #tpu.memory_space<hbm>> -> memref<16x8x64xf32, #tpu.memory_space<hbm>>
      %dma_wait3A_1060 = arith.constant 0 : i32
      %dma_wait3A_1061 = arith.constant 0 : i32
      %dma_wait3A_1062 = arith.constant 0 : i32
      %dma_wait3A_1063 = tpu.memref_slice %arg4[%dma_wait3A_1060, %dma_wait3A_1061, %dma_wait3A_1062] : memref<125000x8x64xf32, #tpu.memory_space<hbm>> -> memref<16x8x64xf32, #tpu.memory_space<hbm>>
      tpu.wait_dma2 semaphore(%arg20 : memref<!tpu.dma_semaphore, #tpu.memory_space<semaphore_mem>>) src(%dma_wait3A_1063 : memref<16x8x64xf32, #tpu.memory_space<hbm>>) dst(%arg13 : memref<16x8x64xf32, #tpu.memory_space<vmem>>)
      %dma_wait3A_1064 = arith.constant 0 : i32
      %dma_wait3A_1065 = arith.constant 0 : i32
      %dma_wait3A_1066 = arith.constant 0 : i32
      %dma_wait3A_1067 = tpu.memref_slice %arg5[%dma_wait3A_1064, %dma_wait3A_1065, %dma_wait3A_1066] : memref<125000x8x64xf32, #tpu.memory_space<hbm>> -> memref<16x8x64xf32, #tpu.memory_space<hbm>>
      %dma_wait3A_1068 = arith.constant 0 : i32
      %dma_wait3A_1069 = arith.constant 0 : i32
      %dma_wait3A_1070 = arith.constant 0 : i32
      %dma_wait3A_1071 = tpu.memref_slice %arg5[%dma_wait3A_1068, %dma_wait3A_1069, %dma_wait3A_1070] : memref<125000x8x64xf32, #tpu.memory_space<hbm>> -> memref<16x8x64xf32, #tpu.memory_space<hbm>>
      tpu.wait_dma2 semaphore(%arg22 : memref<!tpu.dma_semaphore, #tpu.memory_space<semaphore_mem>>) src(%dma_wait3A_1071 : memref<16x8x64xf32, #tpu.memory_space<hbm>>) dst(%arg15 : memref<16x8x64xf32, #tpu.memory_space<vmem>>)
      %mul3A_1072 = arith.constant 16 : i32
      %mul3A_1073 = arith.muli %mul3A_535, %mul3A_1072 : i32
      %get3A_1074 = arith.index_cast %mul3A_1073 : i32 to index
      %get3A_1075 = tpu.vector_load %arg9[%get3A_1074] {strides = array<i32>} : memref<512xi32, #tpu.memory_space<vmem>>, vector<16xi32>,
      %and3A = arith.constant 7 : i32
      %and3A_1076 = vector.broadcast %and3A : i32 to vector<16xi32>
      %and3A_1077 = arith.andi %get3A_1075, %and3A_1076 : vector<16xi32>
      %get3A_1078 = arith.index_cast %mul3A_1073 : i32 to index
      %get3A_1079 = tpu.vector_load %arg10[%get3A_1078] {strides = array<i32>} : memref<512xi32, #tpu.memory_space<vmem>>, vector<16xi32>,
      %and3A_1080 = arith.constant 7 : i32
      %and3A_1081 = vector.broadcast %and3A_1080 : i32 to vector<16xi32>
      %and3A_1082 = arith.andi %get3A_1079, %and3A_1081 : vector<16xi32>
      %broadcast_in_dim3A = arith.constant 0.000000e+00 : f32
      %broadcast_in_dim3A_1083 = vector.broadcast %broadcast_in_dim3A : f32 to vector<16xf32>
      %broadcast_in_dim3A_1084 = arith.constant 0 : i32
      %broadcast_in_dim3A_1085 = vector.broadcast %broadcast_in_dim3A_1084 : i32 to vector<16xi32>
      %gather3A = tpu.vector_load_idx %arg13[%iota3A, %and3A_1077, %broadcast_in_dim3A_1085] : memref<16x8x64xf32, #tpu.memory_space<vmem>>[vector<16xi32>, vector<16xi32>, vector<16xi32>], vector<16xf32>,
      %gather3A_1086 = tpu.vector_load_idx %arg15[%iota3A, %and3A_1082, %broadcast_in_dim3A_1085] : memref<16x8x64xf32, #tpu.memory_space<vmem>>[vector<16xi32>, vector<16xi32>, vector<16xi32>], vector<16xf32>,
      %mul3A_1087 = arith.mulf %gather3A, %gather3A_1086 : vector<16xf32>
      %add3A_1088 = arith.addf %broadcast_in_dim3A_1083, %mul3A_1087 : vector<16xf32>
      %broadcast_in_dim3A_1089 = arith.constant 1 : i32
      %broadcast_in_dim3A_1090 = vector.broadcast %broadcast_in_dim3A_1089 : i32 to vector<16xi32>
      %gather3A_1091 = tpu.vector_load_idx %arg13[%iota3A, %and3A_1077, %broadcast_in_dim3A_1090] : memref<16x8x64xf32, #tpu.memory_space<vmem>>[vector<16xi32>, vector<16xi32>, vector<16xi32>], vector<16xf32>,
      %gather3A_1092 = tpu.vector_load_idx %arg15[%iota3A, %and3A_1082, %broadcast_in_dim3A_1090] : memref<16x8x64xf32, #tpu.memory_space<vmem>>[vector<16xi32>, vector<16xi32>, vector<16xi32>], vector<16xf32>,
      %mul3A_1093 = arith.mulf %gather3A_1091, %gather3A_1092 : vector<16xf32>
      %add3A_1094 = arith.addf %add3A_1088, %mul3A_1093 : vector<16xf32>
      %broadcast_in_dim3A_1095 = arith.constant 2 : i32
      %broadcast_in_dim3A_1096 = vector.broadcast %broadcast_in_dim3A_1095 : i32 to vector<16xi32>
      %gather3A_1097 = tpu.vector_load_idx %arg13[%iota3A, %and3A_1077, %broadcast_in_dim3A_1096] : memref<16x8x64xf32, #tpu.memory_space<vmem>>[vector<16xi32>, vector<16xi32>, vector<16xi32>], vector<16xf32>,
      %gather3A_1098 = tpu.vector_load_idx %arg15[%iota3A, %and3A_1082, %broadcast_in_dim3A_1096] : memref<16x8x64xf32, #tpu.memory_space<vmem>>[vector<16xi32>, vector<16xi32>, vector<16xi32>], vector<16xf32>,
      %mul3A_1099 = arith.mulf %gather3A_1097, %gather3A_1098 : vector<16xf32>
      %add3A_1100 = arith.addf %add3A_1094, %mul3A_1099 : vector<16xf32>
      %broadcast_in_dim3A_1101 = arith.constant 3 : i32
      %broadcast_in_dim3A_1102 = vector.broadcast %broadcast_in_dim3A_1101 : i32 to vector<16xi32>
      %gather3A_1103 = tpu.vector_load_idx %arg13[%iota3A, %and3A_1077, %broadcast_in_dim3A_1102] : memref<16x8x64xf32, #tpu.memory_space<vmem>>[vector<16xi32>, vector<16xi32>, vector<16xi32>], vector<16xf32>,
      %gather3A_1104 = tpu.vector_load_idx %arg15[%iota3A, %and3A_1082, %broadcast_in_dim3A_1102] : memref<16x8x64xf32, #tpu.memory_space<vmem>>[vector<16xi32>, vector<16xi32>, vector<16xi32>], vector<16xf32>,
      %mul3A_1105 = arith.mulf %gather3A_1103, %gather3A_1104 : vector<16xf32>
      %add3A_1106 = arith.addf %add3A_1100, %mul3A_1105 : vector<16xf32>
      %broadcast_in_dim3A_1107 = arith.constant 4 : i32
      %broadcast_in_dim3A_1108 = vector.broadcast %broadcast_in_dim3A_1107 : i32 to vector<16xi32>
      %gather3A_1109 = tpu.vector_load_idx %arg13[%iota3A, %and3A_1077, %broadcast_in_dim3A_1108] : memref<16x8x64xf32, #tpu.memory_space<vmem>>[vector<16xi32>, vector<16xi32>, vector<16xi32>], vector<16xf32>,
      %gather3A_1110 = tpu.vector_load_idx %arg15[%iota3A, %and3A_1082, %broadcast_in_dim3A_1108] : memref<16x8x64xf32, #tpu.memory_space<vmem>>[vector<16xi32>, vector<16xi32>, vector<16xi32>], vector<16xf32>,
      %mul3A_1111 = arith.mulf %gather3A_1109, %gather3A_1110 : vector<16xf32>
      %add3A_1112 = arith.addf %add3A_1106, %mul3A_1111 : vector<16xf32>
      %broadcast_in_dim3A_1113 = arith.constant 5 : i32
      %broadcast_in_dim3A_1114 = vector.broadcast %broadcast_in_dim3A_1113 : i32 to vector<16xi32>
      %gather3A_1115 = tpu.vector_load_idx %arg13[%iota3A, %and3A_1077, %broadcast_in_dim3A_1114] : memref<16x8x64xf32, #tpu.memory_space<vmem>>[vector<16xi32>, vector<16xi32>, vector<16xi32>], vector<16xf32>,
      %gather3A_1116 = tpu.vector_load_idx %arg15[%iota3A, %and3A_1082, %broadcast_in_dim3A_1114] : memref<16x8x64xf32, #tpu.memory_space<vmem>>[vector<16xi32>, vector<16xi32>, vector<16xi32>], vector<16xf32>,
      %mul3A_1117 = arith.mulf %gather3A_1115, %gather3A_1116 : vector<16xf32>
      %add3A_1118 = arith.addf %add3A_1112, %mul3A_1117 : vector<16xf32>
      %broadcast_in_dim3A_1119 = arith.constant 6 : i32
      %broadcast_in_dim3A_1120 = vector.broadcast %broadcast_in_dim3A_1119 : i32 to vector<16xi32>
      %gather3A_1121 = tpu.vector_load_idx %arg13[%iota3A, %and3A_1077, %broadcast_in_dim3A_1120] : memref<16x8x64xf32, #tpu.memory_space<vmem>>[vector<16xi32>, vector<16xi32>, vector<16xi32>], vector<16xf32>,
      %gather3A_1122 = tpu.vector_load_idx %arg15[%iota3A, %and3A_1082, %broadcast_in_dim3A_1120] : memref<16x8x64xf32, #tpu.memory_space<vmem>>[vector<16xi32>, vector<16xi32>, vector<16xi32>], vector<16xf32>,
      %mul3A_1123 = arith.mulf %gather3A_1121, %gather3A_1122 : vector<16xf32>
      %add3A_1124 = arith.addf %add3A_1118, %mul3A_1123 : vector<16xf32>
      %broadcast_in_dim3A_1125 = arith.constant 7 : i32
      %broadcast_in_dim3A_1126 = vector.broadcast %broadcast_in_dim3A_1125 : i32 to vector<16xi32>
      %gather3A_1127 = tpu.vector_load_idx %arg13[%iota3A, %and3A_1077, %broadcast_in_dim3A_1126] : memref<16x8x64xf32, #tpu.memory_space<vmem>>[vector<16xi32>, vector<16xi32>, vector<16xi32>], vector<16xf32>,
      %gather3A_1128 = tpu.vector_load_idx %arg15[%iota3A, %and3A_1082, %broadcast_in_dim3A_1126] : memref<16x8x64xf32, #tpu.memory_space<vmem>>[vector<16xi32>, vector<16xi32>, vector<16xi32>], vector<16xf32>,
      %mul3A_1129 = arith.mulf %gather3A_1127, %gather3A_1128 : vector<16xf32>
      %add3A_1130 = arith.addf %add3A_1124, %mul3A_1129 : vector<16xf32>
      %broadcast_in_dim3A_1131 = arith.constant 8 : i32
      %broadcast_in_dim3A_1132 = vector.broadcast %broadcast_in_dim3A_1131 : i32 to vector<16xi32>
      %gather3A_1133 = tpu.vector_load_idx %arg13[%iota3A, %and3A_1077, %broadcast_in_dim3A_1132] : memref<16x8x64xf32, #tpu.memory_space<vmem>>[vector<16xi32>, vector<16xi32>, vector<16xi32>], vector<16xf32>,
      %gather3A_1134 = tpu.vector_load_idx %arg15[%iota3A, %and3A_1082, %broadcast_in_dim3A_1132] : memref<16x8x64xf32, #tpu.memory_space<vmem>>[vector<16xi32>, vector<16xi32>, vector<16xi32>], vector<16xf32>,
      %mul3A_1135 = arith.mulf %gather3A_1133, %gather3A_1134 : vector<16xf32>
      %add3A_1136 = arith.addf %add3A_1130, %mul3A_1135 : vector<16xf32>
      %broadcast_in_dim3A_1137 = arith.constant 9 : i32
      %broadcast_in_dim3A_1138 = vector.broadcast %broadcast_in_dim3A_1137 : i32 to vector<16xi32>
      %gather3A_1139 = tpu.vector_load_idx %arg13[%iota3A, %and3A_1077, %broadcast_in_dim3A_1138] : memref<16x8x64xf32, #tpu.memory_space<vmem>>[vector<16xi32>, vector<16xi32>, vector<16xi32>], vector<16xf32>,
      %gather3A_1140 = tpu.vector_load_idx %arg15[%iota3A, %and3A_1082, %broadcast_in_dim3A_1138] : memref<16x8x64xf32, #tpu.memory_space<vmem>>[vector<16xi32>, vector<16xi32>, vector<16xi32>], vector<16xf32>,
      %mul3A_1141 = arith.mulf %gather3A_1139, %gather3A_1140 : vector<16xf32>
      %add3A_1142 = arith.addf %add3A_1136, %mul3A_1141 : vector<16xf32>
      %broadcast_in_dim3A_1143 = arith.constant 10 : i32
      %broadcast_in_dim3A_1144 = vector.broadcast %broadcast_in_dim3A_1143 : i32 to vector<16xi32>
      %gather3A_1145 = tpu.vector_load_idx %arg13[%iota3A, %and3A_1077, %broadcast_in_dim3A_1144] : memref<16x8x64xf32, #tpu.memory_space<vmem>>[vector<16xi32>, vector<16xi32>, vector<16xi32>], vector<16xf32>,
      %gather3A_1146 = tpu.vector_load_idx %arg15[%iota3A, %and3A_1082, %broadcast_in_dim3A_1144] : memref<16x8x64xf32, #tpu.memory_space<vmem>>[vector<16xi32>, vector<16xi32>, vector<16xi32>], vector<16xf32>,
      %mul3A_1147 = arith.mulf %gather3A_1145, %gather3A_1146 : vector<16xf32>
      %add3A_1148 = arith.addf %add3A_1142, %mul3A_1147 : vector<16xf32>
      %broadcast_in_dim3A_1149 = arith.constant 11 : i32
      %broadcast_in_dim3A_1150 = vector.broadcast %broadcast_in_dim3A_1149 : i32 to vector<16xi32>
      %gather3A_1151 = tpu.vector_load_idx %arg13[%iota3A, %and3A_1077, %broadcast_in_dim3A_1150] : memref<16x8x64xf32, #tpu.memory_space<vmem>>[vector<16xi32>, vector<16xi32>, vector<16xi32>], vector<16xf32>,
      %gather3A_1152 = tpu.vector_load_idx %arg15[%iota3A, %and3A_1082, %broadcast_in_dim3A_1150] : memref<16x8x64xf32, #tpu.memory_space<vmem>>[vector<16xi32>, vector<16xi32>, vector<16xi32>], vector<16xf32>,
      %mul3A_1153 = arith.mulf %gather3A_1151, %gather3A_1152 : vector<16xf32>
      %add3A_1154 = arith.addf %add3A_1148, %mul3A_1153 : vector<16xf32>
      %broadcast_in_dim3A_1155 = arith.constant 12 : i32
      %broadcast_in_dim3A_1156 = vector.broadcast %broadcast_in_dim3A_1155 : i32 to vector<16xi32>
      %gather3A_1157 = tpu.vector_load_idx %arg13[%iota3A, %and3A_1077, %broadcast_in_dim3A_1156] : memref<16x8x64xf32, #tpu.memory_space<vmem>>[vector<16xi32>, vector<16xi32>, vector<16xi32>], vector<16xf32>,
      %gather3A_1158 = tpu.vector_load_idx %arg15[%iota3A, %and3A_1082, %broadcast_in_dim3A_1156] : memref<16x8x64xf32, #tpu.memory_space<vmem>>[vector<16xi32>, vector<16xi32>, vector<16xi32>], vector<16xf32>,
      %mul3A_1159 = arith.mulf %gather3A_1157, %gather3A_1158 : vector<16xf32>
      %add3A_1160 = arith.addf %add3A_1154, %mul3A_1159 : vector<16xf32>
      %broadcast_in_dim3A_1161 = arith.constant 13 : i32
      %broadcast_in_dim3A_1162 = vector.broadcast %broadcast_in_dim3A_1161 : i32 to vector<16xi32>
      %gather3A_1163 = tpu.vector_load_idx %arg13[%iota3A, %and3A_1077, %broadcast_in_dim3A_1162] : memref<16x8x64xf32, #tpu.memory_space<vmem>>[vector<16xi32>, vector<16xi32>, vector<16xi32>], vector<16xf32>,
      %gather3A_1164 = tpu.vector_load_idx %arg15[%iota3A, %and3A_1082, %broadcast_in_dim3A_1162] : memref<16x8x64xf32, #tpu.memory_space<vmem>>[vector<16xi32>, vector<16xi32>, vector<16xi32>], vector<16xf32>,
      %mul3A_1165 = arith.mulf %gather3A_1163, %gather3A_1164 : vector<16xf32>
      %add3A_1166 = arith.addf %add3A_1160, %mul3A_1165 : vector<16xf32>
      %broadcast_in_dim3A_1167 = arith.constant 14 : i32
      %broadcast_in_dim3A_1168 = vector.broadcast %broadcast_in_dim3A_1167 : i32 to vector<16xi32>
      %gather3A_1169 = tpu.vector_load_idx %arg13[%iota3A, %and3A_1077, %broadcast_in_dim3A_1168] : memref<16x8x64xf32, #tpu.memory_space<vmem>>[vector<16xi32>, vector<16xi32>, vector<16xi32>], vector<16xf32>,
      %gather3A_1170 = tpu.vector_load_idx %arg15[%iota3A, %and3A_1082, %broadcast_in_dim3A_1168] : memref<16x8x64xf32, #tpu.memory_space<vmem>>[vector<16xi32>, vector<16xi32>, vector<16xi32>], vector<16xf32>,
      %mul3A_1171 = arith.mulf %gather3A_1169, %gather3A_1170 : vector<16xf32>
      %add3A_1172 = arith.addf %add3A_1166, %mul3A_1171 : vector<16xf32>
      %broadcast_in_dim3A_1173 = arith.constant 15 : i32
      %broadcast_in_dim3A_1174 = vector.broadcast %broadcast_in_dim3A_1173 : i32 to vector<16xi32>
      %gather3A_1175 = tpu.vector_load_idx %arg13[%iota3A, %and3A_1077, %broadcast_in_dim3A_1174] : memref<16x8x64xf32, #tpu.memory_space<vmem>>[vector<16xi32>, vector<16xi32>, vector<16xi32>], vector<16xf32>,
      %gather3A_1176 = tpu.vector_load_idx %arg15[%iota3A, %and3A_1082, %broadcast_in_dim3A_1174] : memref<16x8x64xf32, #tpu.memory_space<vmem>>[vector<16xi32>, vector<16xi32>, vector<16xi32>], vector<16xf32>,
      %mul3A_1177 = arith.mulf %gather3A_1175, %gather3A_1176 : vector<16xf32>
      %add3A_1178 = arith.addf %add3A_1172, %mul3A_1177 : vector<16xf32>
      %broadcast_in_dim3A_1179 = arith.constant 16 : i32
      %broadcast_in_dim3A_1180 = vector.broadcast %broadcast_in_dim3A_1179 : i32 to vector<16xi32>
      %gather3A_1181 = tpu.vector_load_idx %arg13[%iota3A, %and3A_1077, %broadcast_in_dim3A_1180] : memref<16x8x64xf32, #tpu.memory_space<vmem>>[vector<16xi32>, vector<16xi32>, vector<16xi32>], vector<16xf32>,
      %gather3A_1182 = tpu.vector_load_idx %arg15[%iota3A, %and3A_1082, %broadcast_in_dim3A_1180] : memref<16x8x64xf32, #tpu.memory_space<vmem>>[vector<16xi32>, vector<16xi32>, vector<16xi32>], vector<16xf32>,
      %mul3A_1183 = arith.mulf %gather3A_1181, %gather3A_1182 : vector<16xf32>
      %add3A_1184 = arith.addf %add3A_1178, %mul3A_1183 : vector<16xf32>
      %broadcast_in_dim3A_1185 = arith.constant 17 : i32
      %broadcast_in_dim3A_1186 = vector.broadcast %broadcast_in_dim3A_1185 : i32 to vector<16xi32>
      %gather3A_1187 = tpu.vector_load_idx %arg13[%iota3A, %and3A_1077, %broadcast_in_dim3A_1186] : memref<16x8x64xf32, #tpu.memory_space<vmem>>[vector<16xi32>, vector<16xi32>, vector<16xi32>], vector<16xf32>,
      %gather3A_1188 = tpu.vector_load_idx %arg15[%iota3A, %and3A_1082, %broadcast_in_dim3A_1186] : memref<16x8x64xf32, #tpu.memory_space<vmem>>[vector<16xi32>, vector<16xi32>, vector<16xi32>], vector<16xf32>,
      %mul3A_1189 = arith.mulf %gather3A_1187, %gather3A_1188 : vector<16xf32>
      %add3A_1190 = arith.addf %add3A_1184, %mul3A_1189 : vector<16xf32>
      %broadcast_in_dim3A_1191 = arith.constant 18 : i32
      %broadcast_in_dim3A_1192 = vector.broadcast %broadcast_in_dim3A_1191 : i32 to vector<16xi32>
      %gather3A_1193 = tpu.vector_load_idx %arg13[%iota3A, %and3A_1077, %broadcast_in_dim3A_1192] : memref<16x8x64xf32, #tpu.memory_space<vmem>>[vector<16xi32>, vector<16xi32>, vector<16xi32>], vector<16xf32>,
      %gather3A_1194 = tpu.vector_load_idx %arg15[%iota3A, %and3A_1082, %broadcast_in_dim3A_1192] : memref<16x8x64xf32, #tpu.memory_space<vmem>>[vector<16xi32>, vector<16xi32>, vector<16xi32>], vector<16xf32>,
      %mul3A_1195 = arith.mulf %gather3A_1193, %gather3A_1194 : vector<16xf32>
      %add3A_1196 = arith.addf %add3A_1190, %mul3A_1195 : vector<16xf32>
      %broadcast_in_dim3A_1197 = arith.constant 19 : i32
      %broadcast_in_dim3A_1198 = vector.broadcast %broadcast_in_dim3A_1197 : i32 to vector<16xi32>
      %gather3A_1199 = tpu.vector_load_idx %arg13[%iota3A, %and3A_1077, %broadcast_in_dim3A_1198] : memref<16x8x64xf32, #tpu.memory_space<vmem>>[vector<16xi32>, vector<16xi32>, vector<16xi32>], vector<16xf32>,
      %gather3A_1200 = tpu.vector_load_idx %arg15[%iota3A, %and3A_1082, %broadcast_in_dim3A_1198] : memref<16x8x64xf32, #tpu.memory_space<vmem>>[vector<16xi32>, vector<16xi32>, vector<16xi32>], vector<16xf32>,
      %mul3A_1201 = arith.mulf %gather3A_1199, %gather3A_1200 : vector<16xf32>
      %add3A_1202 = arith.addf %add3A_1196, %mul3A_1201 : vector<16xf32>
      %broadcast_in_dim3A_1203 = arith.constant 20 : i32
      %broadcast_in_dim3A_1204 = vector.broadcast %broadcast_in_dim3A_1203 : i32 to vector<16xi32>
      %gather3A_1205 = tpu.vector_load_idx %arg13[%iota3A, %and3A_1077, %broadcast_in_dim3A_1204] : memref<16x8x64xf32, #tpu.memory_space<vmem>>[vector<16xi32>, vector<16xi32>, vector<16xi32>], vector<16xf32>,
      %gather3A_1206 = tpu.vector_load_idx %arg15[%iota3A, %and3A_1082, %broadcast_in_dim3A_1204] : memref<16x8x64xf32, #tpu.memory_space<vmem>>[vector<16xi32>, vector<16xi32>, vector<16xi32>], vector<16xf32>,
      %mul3A_1207 = arith.mulf %gather3A_1205, %gather3A_1206 : vector<16xf32>
      %add3A_1208 = arith.addf %add3A_1202, %mul3A_1207 : vector<16xf32>
      %broadcast_in_dim3A_1209 = arith.constant 21 : i32
      %broadcast_in_dim3A_1210 = vector.broadcast %broadcast_in_dim3A_1209 : i32 to vector<16xi32>
      %gather3A_1211 = tpu.vector_load_idx %arg13[%iota3A, %and3A_1077, %broadcast_in_dim3A_1210] : memref<16x8x64xf32, #tpu.memory_space<vmem>>[vector<16xi32>, vector<16xi32>, vector<16xi32>], vector<16xf32>,
      %gather3A_1212 = tpu.vector_load_idx %arg15[%iota3A, %and3A_1082, %broadcast_in_dim3A_1210] : memref<16x8x64xf32, #tpu.memory_space<vmem>>[vector<16xi32>, vector<16xi32>, vector<16xi32>], vector<16xf32>,
      %mul3A_1213 = arith.mulf %gather3A_1211, %gather3A_1212 : vector<16xf32>
      %add3A_1214 = arith.addf %add3A_1208, %mul3A_1213 : vector<16xf32>
      %broadcast_in_dim3A_1215 = arith.constant 22 : i32
      %broadcast_in_dim3A_1216 = vector.broadcast %broadcast_in_dim3A_1215 : i32 to vector<16xi32>
      %gather3A_1217 = tpu.vector_load_idx %arg13[%iota3A, %and3A_1077, %broadcast_in_dim3A_1216] : memref<16x8x64xf32, #tpu.memory_space<vmem>>[vector<16xi32>, vector<16xi32>, vector<16xi32>], vector<16xf32>,
      %gather3A_1218 = tpu.vector_load_idx %arg15[%iota3A, %and3A_1082, %broadcast_in_dim3A_1216] : memref<16x8x64xf32, #tpu.memory_space<vmem>>[vector<16xi32>, vector<16xi32>, vector<16xi32>], vector<16xf32>,
      %mul3A_1219 = arith.mulf %gather3A_1217, %gather3A_1218 : vector<16xf32>
      %add3A_1220 = arith.addf %add3A_1214, %mul3A_1219 : vector<16xf32>
      %broadcast_in_dim3A_1221 = arith.constant 23 : i32
      %broadcast_in_dim3A_1222 = vector.broadcast %broadcast_in_dim3A_1221 : i32 to vector<16xi32>
      %gather3A_1223 = tpu.vector_load_idx %arg13[%iota3A, %and3A_1077, %broadcast_in_dim3A_1222] : memref<16x8x64xf32, #tpu.memory_space<vmem>>[vector<16xi32>, vector<16xi32>, vector<16xi32>], vector<16xf32>,
      %gather3A_1224 = tpu.vector_load_idx %arg15[%iota3A, %and3A_1082, %broadcast_in_dim3A_1222] : memref<16x8x64xf32, #tpu.memory_space<vmem>>[vector<16xi32>, vector<16xi32>, vector<16xi32>], vector<16xf32>,
      %mul3A_1225 = arith.mulf %gather3A_1223, %gather3A_1224 : vector<16xf32>
      %add3A_1226 = arith.addf %add3A_1220, %mul3A_1225 : vector<16xf32>
      %broadcast_in_dim3A_1227 = arith.constant 24 : i32
      %broadcast_in_dim3A_1228 = vector.broadcast %broadcast_in_dim3A_1227 : i32 to vector<16xi32>
      %gather3A_1229 = tpu.vector_load_idx %arg13[%iota3A, %and3A_1077, %broadcast_in_dim3A_1228] : memref<16x8x64xf32, #tpu.memory_space<vmem>>[vector<16xi32>, vector<16xi32>, vector<16xi32>], vector<16xf32>,
      %gather3A_1230 = tpu.vector_load_idx %arg15[%iota3A, %and3A_1082, %broadcast_in_dim3A_1228] : memref<16x8x64xf32, #tpu.memory_space<vmem>>[vector<16xi32>, vector<16xi32>, vector<16xi32>], vector<16xf32>,
      %mul3A_1231 = arith.mulf %gather3A_1229, %gather3A_1230 : vector<16xf32>
      %add3A_1232 = arith.addf %add3A_1226, %mul3A_1231 : vector<16xf32>
      %broadcast_in_dim3A_1233 = arith.constant 25 : i32
      %broadcast_in_dim3A_1234 = vector.broadcast %broadcast_in_dim3A_1233 : i32 to vector<16xi32>
      %gather3A_1235 = tpu.vector_load_idx %arg13[%iota3A, %and3A_1077, %broadcast_in_dim3A_1234] : memref<16x8x64xf32, #tpu.memory_space<vmem>>[vector<16xi32>, vector<16xi32>, vector<16xi32>], vector<16xf32>,
      %gather3A_1236 = tpu.vector_load_idx %arg15[%iota3A, %and3A_1082, %broadcast_in_dim3A_1234] : memref<16x8x64xf32, #tpu.memory_space<vmem>>[vector<16xi32>, vector<16xi32>, vector<16xi32>], vector<16xf32>,
      %mul3A_1237 = arith.mulf %gather3A_1235, %gather3A_1236 : vector<16xf32>
      %add3A_1238 = arith.addf %add3A_1232, %mul3A_1237 : vector<16xf32>
      %broadcast_in_dim3A_1239 = arith.constant 26 : i32
      %broadcast_in_dim3A_1240 = vector.broadcast %broadcast_in_dim3A_1239 : i32 to vector<16xi32>
      %gather3A_1241 = tpu.vector_load_idx %arg13[%iota3A, %and3A_1077, %broadcast_in_dim3A_1240] : memref<16x8x64xf32, #tpu.memory_space<vmem>>[vector<16xi32>, vector<16xi32>, vector<16xi32>], vector<16xf32>,
      %gather3A_1242 = tpu.vector_load_idx %arg15[%iota3A, %and3A_1082, %broadcast_in_dim3A_1240] : memref<16x8x64xf32, #tpu.memory_space<vmem>>[vector<16xi32>, vector<16xi32>, vector<16xi32>], vector<16xf32>,
      %mul3A_1243 = arith.mulf %gather3A_1241, %gather3A_1242 : vector<16xf32>
      %add3A_1244 = arith.addf %add3A_1238, %mul3A_1243 : vector<16xf32>
      %broadcast_in_dim3A_1245 = arith.constant 27 : i32
      %broadcast_in_dim3A_1246 = vector.broadcast %broadcast_in_dim3A_1245 : i32 to vector<16xi32>
      %gather3A_1247 = tpu.vector_load_idx %arg13[%iota3A, %and3A_1077, %broadcast_in_dim3A_1246] : memref<16x8x64xf32, #tpu.memory_space<vmem>>[vector<16xi32>, vector<16xi32>, vector<16xi32>], vector<16xf32>,
      %gather3A_1248 = tpu.vector_load_idx %arg15[%iota3A, %and3A_1082, %broadcast_in_dim3A_1246] : memref<16x8x64xf32, #tpu.memory_space<vmem>>[vector<16xi32>, vector<16xi32>, vector<16xi32>], vector<16xf32>,
      %mul3A_1249 = arith.mulf %gather3A_1247, %gather3A_1248 : vector<16xf32>
      %add3A_1250 = arith.addf %add3A_1244, %mul3A_1249 : vector<16xf32>
      %broadcast_in_dim3A_1251 = arith.constant 28 : i32
      %broadcast_in_dim3A_1252 = vector.broadcast %broadcast_in_dim3A_1251 : i32 to vector<16xi32>
      %gather3A_1253 = tpu.vector_load_idx %arg13[%iota3A, %and3A_1077, %broadcast_in_dim3A_1252] : memref<16x8x64xf32, #tpu.memory_space<vmem>>[vector<16xi32>, vector<16xi32>, vector<16xi32>], vector<16xf32>,
      %gather3A_1254 = tpu.vector_load_idx %arg15[%iota3A, %and3A_1082, %broadcast_in_dim3A_1252] : memref<16x8x64xf32, #tpu.memory_space<vmem>>[vector<16xi32>, vector<16xi32>, vector<16xi32>], vector<16xf32>,
      %mul3A_1255 = arith.mulf %gather3A_1253, %gather3A_1254 : vector<16xf32>
      %add3A_1256 = arith.addf %add3A_1250, %mul3A_1255 : vector<16xf32>
      %broadcast_in_dim3A_1257 = arith.constant 29 : i32
      %broadcast_in_dim3A_1258 = vector.broadcast %broadcast_in_dim3A_1257 : i32 to vector<16xi32>
      %gather3A_1259 = tpu.vector_load_idx %arg13[%iota3A, %and3A_1077, %broadcast_in_dim3A_1258] : memref<16x8x64xf32, #tpu.memory_space<vmem>>[vector<16xi32>, vector<16xi32>, vector<16xi32>], vector<16xf32>,
      %gather3A_1260 = tpu.vector_load_idx %arg15[%iota3A, %and3A_1082, %broadcast_in_dim3A_1258] : memref<16x8x64xf32, #tpu.memory_space<vmem>>[vector<16xi32>, vector<16xi32>, vector<16xi32>], vector<16xf32>,
      %mul3A_1261 = arith.mulf %gather3A_1259, %gather3A_1260 : vector<16xf32>
      %add3A_1262 = arith.addf %add3A_1256, %mul3A_1261 : vector<16xf32>
      %broadcast_in_dim3A_1263 = arith.constant 30 : i32
      %broadcast_in_dim3A_1264 = vector.broadcast %broadcast_in_dim3A_1263 : i32 to vector<16xi32>
      %gather3A_1265 = tpu.vector_load_idx %arg13[%iota3A, %and3A_1077, %broadcast_in_dim3A_1264] : memref<16x8x64xf32, #tpu.memory_space<vmem>>[vector<16xi32>, vector<16xi32>, vector<16xi32>], vector<16xf32>,
      %gather3A_1266 = tpu.vector_load_idx %arg15[%iota3A, %and3A_1082, %broadcast_in_dim3A_1264] : memref<16x8x64xf32, #tpu.memory_space<vmem>>[vector<16xi32>, vector<16xi32>, vector<16xi32>], vector<16xf32>,
      %mul3A_1267 = arith.mulf %gather3A_1265, %gather3A_1266 : vector<16xf32>
      %add3A_1268 = arith.addf %add3A_1262, %mul3A_1267 : vector<16xf32>
      %broadcast_in_dim3A_1269 = arith.constant 31 : i32
      %broadcast_in_dim3A_1270 = vector.broadcast %broadcast_in_dim3A_1269 : i32 to vector<16xi32>
      %gather3A_1271 = tpu.vector_load_idx %arg13[%iota3A, %and3A_1077, %broadcast_in_dim3A_1270] : memref<16x8x64xf32, #tpu.memory_space<vmem>>[vector<16xi32>, vector<16xi32>, vector<16xi32>], vector<16xf32>,
      %gather3A_1272 = tpu.vector_load_idx %arg15[%iota3A, %and3A_1082, %broadcast_in_dim3A_1270] : memref<16x8x64xf32, #tpu.memory_space<vmem>>[vector<16xi32>, vector<16xi32>, vector<16xi32>], vector<16xf32>,
      %mul3A_1273 = arith.mulf %gather3A_1271, %gather3A_1272 : vector<16xf32>
      %add3A_1274 = arith.addf %add3A_1268, %mul3A_1273 : vector<16xf32>
      %broadcast_in_dim3A_1275 = arith.constant 32 : i32
      %broadcast_in_dim3A_1276 = vector.broadcast %broadcast_in_dim3A_1275 : i32 to vector<16xi32>
      %gather3A_1277 = tpu.vector_load_idx %arg13[%iota3A, %and3A_1077, %broadcast_in_dim3A_1276] : memref<16x8x64xf32, #tpu.memory_space<vmem>>[vector<16xi32>, vector<16xi32>, vector<16xi32>], vector<16xf32>,
      %gather3A_1278 = tpu.vector_load_idx %arg15[%iota3A, %and3A_1082, %broadcast_in_dim3A_1276] : memref<16x8x64xf32, #tpu.memory_space<vmem>>[vector<16xi32>, vector<16xi32>, vector<16xi32>], vector<16xf32>,
      %mul3A_1279 = arith.mulf %gather3A_1277, %gather3A_1278 : vector<16xf32>
      %add3A_1280 = arith.addf %add3A_1274, %mul3A_1279 : vector<16xf32>
      %broadcast_in_dim3A_1281 = arith.constant 33 : i32
      %broadcast_in_dim3A_1282 = vector.broadcast %broadcast_in_dim3A_1281 : i32 to vector<16xi32>
      %gather3A_1283 = tpu.vector_load_idx %arg13[%iota3A, %and3A_1077, %broadcast_in_dim3A_1282] : memref<16x8x64xf32, #tpu.memory_space<vmem>>[vector<16xi32>, vector<16xi32>, vector<16xi32>], vector<16xf32>,
      %gather3A_1284 = tpu.vector_load_idx %arg15[%iota3A, %and3A_1082, %broadcast_in_dim3A_1282] : memref<16x8x64xf32, #tpu.memory_space<vmem>>[vector<16xi32>, vector<16xi32>, vector<16xi32>], vector<16xf32>,
      %mul3A_1285 = arith.mulf %gather3A_1283, %gather3A_1284 : vector<16xf32>
      %add3A_1286 = arith.addf %add3A_1280, %mul3A_1285 : vector<16xf32>
      %broadcast_in_dim3A_1287 = arith.constant 34 : i32
      %broadcast_in_dim3A_1288 = vector.broadcast %broadcast_in_dim3A_1287 : i32 to vector<16xi32>
      %gather3A_1289 = tpu.vector_load_idx %arg13[%iota3A, %and3A_1077, %broadcast_in_dim3A_1288] : memref<16x8x64xf32, #tpu.memory_space<vmem>>[vector<16xi32>, vector<16xi32>, vector<16xi32>], vector<16xf32>,
      %gather3A_1290 = tpu.vector_load_idx %arg15[%iota3A, %and3A_1082, %broadcast_in_dim3A_1288] : memref<16x8x64xf32, #tpu.memory_space<vmem>>[vector<16xi32>, vector<16xi32>, vector<16xi32>], vector<16xf32>,
      %mul3A_1291 = arith.mulf %gather3A_1289, %gather3A_1290 : vector<16xf32>
      %add3A_1292 = arith.addf %add3A_1286, %mul3A_1291 : vector<16xf32>
      %broadcast_in_dim3A_1293 = arith.constant 35 : i32
      %broadcast_in_dim3A_1294 = vector.broadcast %broadcast_in_dim3A_1293 : i32 to vector<16xi32>
      %gather3A_1295 = tpu.vector_load_idx %arg13[%iota3A, %and3A_1077, %broadcast_in_dim3A_1294] : memref<16x8x64xf32, #tpu.memory_space<vmem>>[vector<16xi32>, vector<16xi32>, vector<16xi32>], vector<16xf32>,
      %gather3A_1296 = tpu.vector_load_idx %arg15[%iota3A, %and3A_1082, %broadcast_in_dim3A_1294] : memref<16x8x64xf32, #tpu.memory_space<vmem>>[vector<16xi32>, vector<16xi32>, vector<16xi32>], vector<16xf32>,
      %mul3A_1297 = arith.mulf %gather3A_1295, %gather3A_1296 : vector<16xf32>
      %add3A_1298 = arith.addf %add3A_1292, %mul3A_1297 : vector<16xf32>
      %broadcast_in_dim3A_1299 = arith.constant 36 : i32
      %broadcast_in_dim3A_1300 = vector.broadcast %broadcast_in_dim3A_1299 : i32 to vector<16xi32>
      %gather3A_1301 = tpu.vector_load_idx %arg13[%iota3A, %and3A_1077, %broadcast_in_dim3A_1300] : memref<16x8x64xf32, #tpu.memory_space<vmem>>[vector<16xi32>, vector<16xi32>, vector<16xi32>], vector<16xf32>,
      %gather3A_1302 = tpu.vector_load_idx %arg15[%iota3A, %and3A_1082, %broadcast_in_dim3A_1300] : memref<16x8x64xf32, #tpu.memory_space<vmem>>[vector<16xi32>, vector<16xi32>, vector<16xi32>], vector<16xf32>,
      %mul3A_1303 = arith.mulf %gather3A_1301, %gather3A_1302 : vector<16xf32>
      %add3A_1304 = arith.addf %add3A_1298, %mul3A_1303 : vector<16xf32>
      %broadcast_in_dim3A_1305 = arith.constant 37 : i32
      %broadcast_in_dim3A_1306 = vector.broadcast %broadcast_in_dim3A_1305 : i32 to vector<16xi32>
      %gather3A_1307 = tpu.vector_load_idx %arg13[%iota3A, %and3A_1077, %broadcast_in_dim3A_1306] : memref<16x8x64xf32, #tpu.memory_space<vmem>>[vector<16xi32>, vector<16xi32>, vector<16xi32>], vector<16xf32>,
      %gather3A_1308 = tpu.vector_load_idx %arg15[%iota3A, %and3A_1082, %broadcast_in_dim3A_1306] : memref<16x8x64xf32, #tpu.memory_space<vmem>>[vector<16xi32>, vector<16xi32>, vector<16xi32>], vector<16xf32>,
      %mul3A_1309 = arith.mulf %gather3A_1307, %gather3A_1308 : vector<16xf32>
      %add3A_1310 = arith.addf %add3A_1304, %mul3A_1309 : vector<16xf32>
      %broadcast_in_dim3A_1311 = arith.constant 38 : i32
      %broadcast_in_dim3A_1312 = vector.broadcast %broadcast_in_dim3A_1311 : i32 to vector<16xi32>
      %gather3A_1313 = tpu.vector_load_idx %arg13[%iota3A, %and3A_1077, %broadcast_in_dim3A_1312] : memref<16x8x64xf32, #tpu.memory_space<vmem>>[vector<16xi32>, vector<16xi32>, vector<16xi32>], vector<16xf32>,
      %gather3A_1314 = tpu.vector_load_idx %arg15[%iota3A, %and3A_1082, %broadcast_in_dim3A_1312] : memref<16x8x64xf32, #tpu.memory_space<vmem>>[vector<16xi32>, vector<16xi32>, vector<16xi32>], vector<16xf32>,
      %mul3A_1315 = arith.mulf %gather3A_1313, %gather3A_1314 : vector<16xf32>
      %add3A_1316 = arith.addf %add3A_1310, %mul3A_1315 : vector<16xf32>
      %broadcast_in_dim3A_1317 = arith.constant 39 : i32
      %broadcast_in_dim3A_1318 = vector.broadcast %broadcast_in_dim3A_1317 : i32 to vector<16xi32>
      %gather3A_1319 = tpu.vector_load_idx %arg13[%iota3A, %and3A_1077, %broadcast_in_dim3A_1318] : memref<16x8x64xf32, #tpu.memory_space<vmem>>[vector<16xi32>, vector<16xi32>, vector<16xi32>], vector<16xf32>,
      %gather3A_1320 = tpu.vector_load_idx %arg15[%iota3A, %and3A_1082, %broadcast_in_dim3A_1318] : memref<16x8x64xf32, #tpu.memory_space<vmem>>[vector<16xi32>, vector<16xi32>, vector<16xi32>], vector<16xf32>,
      %mul3A_1321 = arith.mulf %gather3A_1319, %gather3A_1320 : vector<16xf32>
      %add3A_1322 = arith.addf %add3A_1316, %mul3A_1321 : vector<16xf32>
      %broadcast_in_dim3A_1323 = arith.constant 40 : i32
      %broadcast_in_dim3A_1324 = vector.broadcast %broadcast_in_dim3A_1323 : i32 to vector<16xi32>
      %gather3A_1325 = tpu.vector_load_idx %arg13[%iota3A, %and3A_1077, %broadcast_in_dim3A_1324] : memref<16x8x64xf32, #tpu.memory_space<vmem>>[vector<16xi32>, vector<16xi32>, vector<16xi32>], vector<16xf32>,
      %gather3A_1326 = tpu.vector_load_idx %arg15[%iota3A, %and3A_1082, %broadcast_in_dim3A_1324] : memref<16x8x64xf32, #tpu.memory_space<vmem>>[vector<16xi32>, vector<16xi32>, vector<16xi32>], vector<16xf32>,
      %mul3A_1327 = arith.mulf %gather3A_1325, %gather3A_1326 : vector<16xf32>
      %add3A_1328 = arith.addf %add3A_1322, %mul3A_1327 : vector<16xf32>
      %broadcast_in_dim3A_1329 = arith.constant 41 : i32
      %broadcast_in_dim3A_1330 = vector.broadcast %broadcast_in_dim3A_1329 : i32 to vector<16xi32>
      %gather3A_1331 = tpu.vector_load_idx %arg13[%iota3A, %and3A_1077, %broadcast_in_dim3A_1330] : memref<16x8x64xf32, #tpu.memory_space<vmem>>[vector<16xi32>, vector<16xi32>, vector<16xi32>], vector<16xf32>,
      %gather3A_1332 = tpu.vector_load_idx %arg15[%iota3A, %and3A_1082, %broadcast_in_dim3A_1330] : memref<16x8x64xf32, #tpu.memory_space<vmem>>[vector<16xi32>, vector<16xi32>, vector<16xi32>], vector<16xf32>,
      %mul3A_1333 = arith.mulf %gather3A_1331, %gather3A_1332 : vector<16xf32>
      %add3A_1334 = arith.addf %add3A_1328, %mul3A_1333 : vector<16xf32>
      %broadcast_in_dim3A_1335 = arith.constant 42 : i32
      %broadcast_in_dim3A_1336 = vector.broadcast %broadcast_in_dim3A_1335 : i32 to vector<16xi32>
      %gather3A_1337 = tpu.vector_load_idx %arg13[%iota3A, %and3A_1077, %broadcast_in_dim3A_1336] : memref<16x8x64xf32, #tpu.memory_space<vmem>>[vector<16xi32>, vector<16xi32>, vector<16xi32>], vector<16xf32>,
      %gather3A_1338 = tpu.vector_load_idx %arg15[%iota3A, %and3A_1082, %broadcast_in_dim3A_1336] : memref<16x8x64xf32, #tpu.memory_space<vmem>>[vector<16xi32>, vector<16xi32>, vector<16xi32>], vector<16xf32>,
      %mul3A_1339 = arith.mulf %gather3A_1337, %gather3A_1338 : vector<16xf32>
      %add3A_1340 = arith.addf %add3A_1334, %mul3A_1339 : vector<16xf32>
      %broadcast_in_dim3A_1341 = arith.constant 43 : i32
      %broadcast_in_dim3A_1342 = vector.broadcast %broadcast_in_dim3A_1341 : i32 to vector<16xi32>
      %gather3A_1343 = tpu.vector_load_idx %arg13[%iota3A, %and3A_1077, %broadcast_in_dim3A_1342] : memref<16x8x64xf32, #tpu.memory_space<vmem>>[vector<16xi32>, vector<16xi32>, vector<16xi32>], vector<16xf32>,
      %gather3A_1344 = tpu.vector_load_idx %arg15[%iota3A, %and3A_1082, %broadcast_in_dim3A_1342] : memref<16x8x64xf32, #tpu.memory_space<vmem>>[vector<16xi32>, vector<16xi32>, vector<16xi32>], vector<16xf32>,
      %mul3A_1345 = arith.mulf %gather3A_1343, %gather3A_1344 : vector<16xf32>
      %add3A_1346 = arith.addf %add3A_1340, %mul3A_1345 : vector<16xf32>
      %broadcast_in_dim3A_1347 = arith.constant 44 : i32
      %broadcast_in_dim3A_1348 = vector.broadcast %broadcast_in_dim3A_1347 : i32 to vector<16xi32>
      %gather3A_1349 = tpu.vector_load_idx %arg13[%iota3A, %and3A_1077, %broadcast_in_dim3A_1348] : memref<16x8x64xf32, #tpu.memory_space<vmem>>[vector<16xi32>, vector<16xi32>, vector<16xi32>], vector<16xf32>,
      %gather3A_1350 = tpu.vector_load_idx %arg15[%iota3A, %and3A_1082, %broadcast_in_dim3A_1348] : memref<16x8x64xf32, #tpu.memory_space<vmem>>[vector<16xi32>, vector<16xi32>, vector<16xi32>], vector<16xf32>,
      %mul3A_1351 = arith.mulf %gather3A_1349, %gather3A_1350 : vector<16xf32>
      %add3A_1352 = arith.addf %add3A_1346, %mul3A_1351 : vector<16xf32>
      %broadcast_in_dim3A_1353 = arith.constant 45 : i32
      %broadcast_in_dim3A_1354 = vector.broadcast %broadcast_in_dim3A_1353 : i32 to vector<16xi32>
      %gather3A_1355 = tpu.vector_load_idx %arg13[%iota3A, %and3A_1077, %broadcast_in_dim3A_1354] : memref<16x8x64xf32, #tpu.memory_space<vmem>>[vector<16xi32>, vector<16xi32>, vector<16xi32>], vector<16xf32>,
      %gather3A_1356 = tpu.vector_load_idx %arg15[%iota3A, %and3A_1082, %broadcast_in_dim3A_1354] : memref<16x8x64xf32, #tpu.memory_space<vmem>>[vector<16xi32>, vector<16xi32>, vector<16xi32>], vector<16xf32>,
      %mul3A_1357 = arith.mulf %gather3A_1355, %gather3A_1356 : vector<16xf32>
      %add3A_1358 = arith.addf %add3A_1352, %mul3A_1357 : vector<16xf32>
      %broadcast_in_dim3A_1359 = arith.constant 46 : i32
      %broadcast_in_dim3A_1360 = vector.broadcast %broadcast_in_dim3A_1359 : i32 to vector<16xi32>
      %gather3A_1361 = tpu.vector_load_idx %arg13[%iota3A, %and3A_1077, %broadcast_in_dim3A_1360] : memref<16x8x64xf32, #tpu.memory_space<vmem>>[vector<16xi32>, vector<16xi32>, vector<16xi32>], vector<16xf32>,
      %gather3A_1362 = tpu.vector_load_idx %arg15[%iota3A, %and3A_1082, %broadcast_in_dim3A_1360] : memref<16x8x64xf32, #tpu.memory_space<vmem>>[vector<16xi32>, vector<16xi32>, vector<16xi32>], vector<16xf32>,
      %mul3A_1363 = arith.mulf %gather3A_1361, %gather3A_1362 : vector<16xf32>
      %add3A_1364 = arith.addf %add3A_1358, %mul3A_1363 : vector<16xf32>
      %broadcast_in_dim3A_1365 = arith.constant 47 : i32
      %broadcast_in_dim3A_1366 = vector.broadcast %broadcast_in_dim3A_1365 : i32 to vector<16xi32>
      %gather3A_1367 = tpu.vector_load_idx %arg13[%iota3A, %and3A_1077, %broadcast_in_dim3A_1366] : memref<16x8x64xf32, #tpu.memory_space<vmem>>[vector<16xi32>, vector<16xi32>, vector<16xi32>], vector<16xf32>,
      %gather3A_1368 = tpu.vector_load_idx %arg15[%iota3A, %and3A_1082, %broadcast_in_dim3A_1366] : memref<16x8x64xf32, #tpu.memory_space<vmem>>[vector<16xi32>, vector<16xi32>, vector<16xi32>], vector<16xf32>,
      %mul3A_1369 = arith.mulf %gather3A_1367, %gather3A_1368 : vector<16xf32>
      %add3A_1370 = arith.addf %add3A_1364, %mul3A_1369 : vector<16xf32>
      %broadcast_in_dim3A_1371 = arith.constant 48 : i32
      %broadcast_in_dim3A_1372 = vector.broadcast %broadcast_in_dim3A_1371 : i32 to vector<16xi32>
      %gather3A_1373 = tpu.vector_load_idx %arg13[%iota3A, %and3A_1077, %broadcast_in_dim3A_1372] : memref<16x8x64xf32, #tpu.memory_space<vmem>>[vector<16xi32>, vector<16xi32>, vector<16xi32>], vector<16xf32>,
      %gather3A_1374 = tpu.vector_load_idx %arg15[%iota3A, %and3A_1082, %broadcast_in_dim3A_1372] : memref<16x8x64xf32, #tpu.memory_space<vmem>>[vector<16xi32>, vector<16xi32>, vector<16xi32>], vector<16xf32>,
      %mul3A_1375 = arith.mulf %gather3A_1373, %gather3A_1374 : vector<16xf32>
      %add3A_1376 = arith.addf %add3A_1370, %mul3A_1375 : vector<16xf32>
      %broadcast_in_dim3A_1377 = arith.constant 49 : i32
      %broadcast_in_dim3A_1378 = vector.broadcast %broadcast_in_dim3A_1377 : i32 to vector<16xi32>
      %gather3A_1379 = tpu.vector_load_idx %arg13[%iota3A, %and3A_1077, %broadcast_in_dim3A_1378] : memref<16x8x64xf32, #tpu.memory_space<vmem>>[vector<16xi32>, vector<16xi32>, vector<16xi32>], vector<16xf32>,
      %gather3A_1380 = tpu.vector_load_idx %arg15[%iota3A, %and3A_1082, %broadcast_in_dim3A_1378] : memref<16x8x64xf32, #tpu.memory_space<vmem>>[vector<16xi32>, vector<16xi32>, vector<16xi32>], vector<16xf32>,
      %mul3A_1381 = arith.mulf %gather3A_1379, %gather3A_1380 : vector<16xf32>
      %add3A_1382 = arith.addf %add3A_1376, %mul3A_1381 : vector<16xf32>
      %broadcast_in_dim3A_1383 = arith.constant 50 : i32
      %broadcast_in_dim3A_1384 = vector.broadcast %broadcast_in_dim3A_1383 : i32 to vector<16xi32>
      %gather3A_1385 = tpu.vector_load_idx %arg13[%iota3A, %and3A_1077, %broadcast_in_dim3A_1384] : memref<16x8x64xf32, #tpu.memory_space<vmem>>[vector<16xi32>, vector<16xi32>, vector<16xi32>], vector<16xf32>,
      %gather3A_1386 = tpu.vector_load_idx %arg15[%iota3A, %and3A_1082, %broadcast_in_dim3A_1384] : memref<16x8x64xf32, #tpu.memory_space<vmem>>[vector<16xi32>, vector<16xi32>, vector<16xi32>], vector<16xf32>,
      %mul3A_1387 = arith.mulf %gather3A_1385, %gather3A_1386 : vector<16xf32>
      %add3A_1388 = arith.addf %add3A_1382, %mul3A_1387 : vector<16xf32>
      %broadcast_in_dim3A_1389 = arith.constant 51 : i32
      %broadcast_in_dim3A_1390 = vector.broadcast %broadcast_in_dim3A_1389 : i32 to vector<16xi32>
      %gather3A_1391 = tpu.vector_load_idx %arg13[%iota3A, %and3A_1077, %broadcast_in_dim3A_1390] : memref<16x8x64xf32, #tpu.memory_space<vmem>>[vector<16xi32>, vector<16xi32>, vector<16xi32>], vector<16xf32>,
      %gather3A_1392 = tpu.vector_load_idx %arg15[%iota3A, %and3A_1082, %broadcast_in_dim3A_1390] : memref<16x8x64xf32, #tpu.memory_space<vmem>>[vector<16xi32>, vector<16xi32>, vector<16xi32>], vector<16xf32>,
      %mul3A_1393 = arith.mulf %gather3A_1391, %gather3A_1392 : vector<16xf32>
      %add3A_1394 = arith.addf %add3A_1388, %mul3A_1393 : vector<16xf32>
      %broadcast_in_dim3A_1395 = arith.constant 52 : i32
      %broadcast_in_dim3A_1396 = vector.broadcast %broadcast_in_dim3A_1395 : i32 to vector<16xi32>
      %gather3A_1397 = tpu.vector_load_idx %arg13[%iota3A, %and3A_1077, %broadcast_in_dim3A_1396] : memref<16x8x64xf32, #tpu.memory_space<vmem>>[vector<16xi32>, vector<16xi32>, vector<16xi32>], vector<16xf32>,
      %gather3A_1398 = tpu.vector_load_idx %arg15[%iota3A, %and3A_1082, %broadcast_in_dim3A_1396] : memref<16x8x64xf32, #tpu.memory_space<vmem>>[vector<16xi32>, vector<16xi32>, vector<16xi32>], vector<16xf32>,
      %mul3A_1399 = arith.mulf %gather3A_1397, %gather3A_1398 : vector<16xf32>
      %add3A_1400 = arith.addf %add3A_1394, %mul3A_1399 : vector<16xf32>
      %broadcast_in_dim3A_1401 = arith.constant 53 : i32
      %broadcast_in_dim3A_1402 = vector.broadcast %broadcast_in_dim3A_1401 : i32 to vector<16xi32>
      %gather3A_1403 = tpu.vector_load_idx %arg13[%iota3A, %and3A_1077, %broadcast_in_dim3A_1402] : memref<16x8x64xf32, #tpu.memory_space<vmem>>[vector<16xi32>, vector<16xi32>, vector<16xi32>], vector<16xf32>,
      %gather3A_1404 = tpu.vector_load_idx %arg15[%iota3A, %and3A_1082, %broadcast_in_dim3A_1402] : memref<16x8x64xf32, #tpu.memory_space<vmem>>[vector<16xi32>, vector<16xi32>, vector<16xi32>], vector<16xf32>,
      %mul3A_1405 = arith.mulf %gather3A_1403, %gather3A_1404 : vector<16xf32>
      %add3A_1406 = arith.addf %add3A_1400, %mul3A_1405 : vector<16xf32>
      %broadcast_in_dim3A_1407 = arith.constant 54 : i32
      %broadcast_in_dim3A_1408 = vector.broadcast %broadcast_in_dim3A_1407 : i32 to vector<16xi32>
      %gather3A_1409 = tpu.vector_load_idx %arg13[%iota3A, %and3A_1077, %broadcast_in_dim3A_1408] : memref<16x8x64xf32, #tpu.memory_space<vmem>>[vector<16xi32>, vector<16xi32>, vector<16xi32>], vector<16xf32>,
      %gather3A_1410 = tpu.vector_load_idx %arg15[%iota3A, %and3A_1082, %broadcast_in_dim3A_1408] : memref<16x8x64xf32, #tpu.memory_space<vmem>>[vector<16xi32>, vector<16xi32>, vector<16xi32>], vector<16xf32>,
      %mul3A_1411 = arith.mulf %gather3A_1409, %gather3A_1410 : vector<16xf32>
      %add3A_1412 = arith.addf %add3A_1406, %mul3A_1411 : vector<16xf32>
      %broadcast_in_dim3A_1413 = arith.constant 55 : i32
      %broadcast_in_dim3A_1414 = vector.broadcast %broadcast_in_dim3A_1413 : i32 to vector<16xi32>
      %gather3A_1415 = tpu.vector_load_idx %arg13[%iota3A, %and3A_1077, %broadcast_in_dim3A_1414] : memref<16x8x64xf32, #tpu.memory_space<vmem>>[vector<16xi32>, vector<16xi32>, vector<16xi32>], vector<16xf32>,
      %gather3A_1416 = tpu.vector_load_idx %arg15[%iota3A, %and3A_1082, %broadcast_in_dim3A_1414] : memref<16x8x64xf32, #tpu.memory_space<vmem>>[vector<16xi32>, vector<16xi32>, vector<16xi32>], vector<16xf32>,
      %mul3A_1417 = arith.mulf %gather3A_1415, %gather3A_1416 : vector<16xf32>
      %add3A_1418 = arith.addf %add3A_1412, %mul3A_1417 : vector<16xf32>
      %broadcast_in_dim3A_1419 = arith.constant 56 : i32
      %broadcast_in_dim3A_1420 = vector.broadcast %broadcast_in_dim3A_1419 : i32 to vector<16xi32>
      %gather3A_1421 = tpu.vector_load_idx %arg13[%iota3A, %and3A_1077, %broadcast_in_dim3A_1420] : memref<16x8x64xf32, #tpu.memory_space<vmem>>[vector<16xi32>, vector<16xi32>, vector<16xi32>], vector<16xf32>,
      %gather3A_1422 = tpu.vector_load_idx %arg15[%iota3A, %and3A_1082, %broadcast_in_dim3A_1420] : memref<16x8x64xf32, #tpu.memory_space<vmem>>[vector<16xi32>, vector<16xi32>, vector<16xi32>], vector<16xf32>,
      %mul3A_1423 = arith.mulf %gather3A_1421, %gather3A_1422 : vector<16xf32>
      %add3A_1424 = arith.addf %add3A_1418, %mul3A_1423 : vector<16xf32>
      %broadcast_in_dim3A_1425 = arith.constant 57 : i32
      %broadcast_in_dim3A_1426 = vector.broadcast %broadcast_in_dim3A_1425 : i32 to vector<16xi32>
      %gather3A_1427 = tpu.vector_load_idx %arg13[%iota3A, %and3A_1077, %broadcast_in_dim3A_1426] : memref<16x8x64xf32, #tpu.memory_space<vmem>>[vector<16xi32>, vector<16xi32>, vector<16xi32>], vector<16xf32>,
      %gather3A_1428 = tpu.vector_load_idx %arg15[%iota3A, %and3A_1082, %broadcast_in_dim3A_1426] : memref<16x8x64xf32, #tpu.memory_space<vmem>>[vector<16xi32>, vector<16xi32>, vector<16xi32>], vector<16xf32>,
      %mul3A_1429 = arith.mulf %gather3A_1427, %gather3A_1428 : vector<16xf32>
      %add3A_1430 = arith.addf %add3A_1424, %mul3A_1429 : vector<16xf32>
      %broadcast_in_dim3A_1431 = arith.constant 58 : i32
      %broadcast_in_dim3A_1432 = vector.broadcast %broadcast_in_dim3A_1431 : i32 to vector<16xi32>
      %gather3A_1433 = tpu.vector_load_idx %arg13[%iota3A, %and3A_1077, %broadcast_in_dim3A_1432] : memref<16x8x64xf32, #tpu.memory_space<vmem>>[vector<16xi32>, vector<16xi32>, vector<16xi32>], vector<16xf32>,
      %gather3A_1434 = tpu.vector_load_idx %arg15[%iota3A, %and3A_1082, %broadcast_in_dim3A_1432] : memref<16x8x64xf32, #tpu.memory_space<vmem>>[vector<16xi32>, vector<16xi32>, vector<16xi32>], vector<16xf32>,
      %mul3A_1435 = arith.mulf %gather3A_1433, %gather3A_1434 : vector<16xf32>
      %add3A_1436 = arith.addf %add3A_1430, %mul3A_1435 : vector<16xf32>
      %broadcast_in_dim3A_1437 = arith.constant 59 : i32
      %broadcast_in_dim3A_1438 = vector.broadcast %broadcast_in_dim3A_1437 : i32 to vector<16xi32>
      %gather3A_1439 = tpu.vector_load_idx %arg13[%iota3A, %and3A_1077, %broadcast_in_dim3A_1438] : memref<16x8x64xf32, #tpu.memory_space<vmem>>[vector<16xi32>, vector<16xi32>, vector<16xi32>], vector<16xf32>,
      %gather3A_1440 = tpu.vector_load_idx %arg15[%iota3A, %and3A_1082, %broadcast_in_dim3A_1438] : memref<16x8x64xf32, #tpu.memory_space<vmem>>[vector<16xi32>, vector<16xi32>, vector<16xi32>], vector<16xf32>,
      %mul3A_1441 = arith.mulf %gather3A_1439, %gather3A_1440 : vector<16xf32>
      %add3A_1442 = arith.addf %add3A_1436, %mul3A_1441 : vector<16xf32>
      %broadcast_in_dim3A_1443 = arith.constant 60 : i32
      %broadcast_in_dim3A_1444 = vector.broadcast %broadcast_in_dim3A_1443 : i32 to vector<16xi32>
      %gather3A_1445 = tpu.vector_load_idx %arg13[%iota3A, %and3A_1077, %broadcast_in_dim3A_1444] : memref<16x8x64xf32, #tpu.memory_space<vmem>>[vector<16xi32>, vector<16xi32>, vector<16xi32>], vector<16xf32>,
      %gather3A_1446 = tpu.vector_load_idx %arg15[%iota3A, %and3A_1082, %broadcast_in_dim3A_1444] : memref<16x8x64xf32, #tpu.memory_space<vmem>>[vector<16xi32>, vector<16xi32>, vector<16xi32>], vector<16xf32>,
      %mul3A_1447 = arith.mulf %gather3A_1445, %gather3A_1446 : vector<16xf32>
      %add3A_1448 = arith.addf %add3A_1442, %mul3A_1447 : vector<16xf32>
      %broadcast_in_dim3A_1449 = arith.constant 61 : i32
      %broadcast_in_dim3A_1450 = vector.broadcast %broadcast_in_dim3A_1449 : i32 to vector<16xi32>
      %gather3A_1451 = tpu.vector_load_idx %arg13[%iota3A, %and3A_1077, %broadcast_in_dim3A_1450] : memref<16x8x64xf32, #tpu.memory_space<vmem>>[vector<16xi32>, vector<16xi32>, vector<16xi32>], vector<16xf32>,
      %gather3A_1452 = tpu.vector_load_idx %arg15[%iota3A, %and3A_1082, %broadcast_in_dim3A_1450] : memref<16x8x64xf32, #tpu.memory_space<vmem>>[vector<16xi32>, vector<16xi32>, vector<16xi32>], vector<16xf32>,
      %mul3A_1453 = arith.mulf %gather3A_1451, %gather3A_1452 : vector<16xf32>
      %add3A_1454 = arith.addf %add3A_1448, %mul3A_1453 : vector<16xf32>
      %broadcast_in_dim3A_1455 = arith.constant 62 : i32
      %broadcast_in_dim3A_1456 = vector.broadcast %broadcast_in_dim3A_1455 : i32 to vector<16xi32>
      %gather3A_1457 = tpu.vector_load_idx %arg13[%iota3A, %and3A_1077, %broadcast_in_dim3A_1456] : memref<16x8x64xf32, #tpu.memory_space<vmem>>[vector<16xi32>, vector<16xi32>, vector<16xi32>], vector<16xf32>,
      %gather3A_1458 = tpu.vector_load_idx %arg15[%iota3A, %and3A_1082, %broadcast_in_dim3A_1456] : memref<16x8x64xf32, #tpu.memory_space<vmem>>[vector<16xi32>, vector<16xi32>, vector<16xi32>], vector<16xf32>,
      %mul3A_1459 = arith.mulf %gather3A_1457, %gather3A_1458 : vector<16xf32>
      %add3A_1460 = arith.addf %add3A_1454, %mul3A_1459 : vector<16xf32>
      %broadcast_in_dim3A_1461 = arith.constant 63 : i32
      %broadcast_in_dim3A_1462 = vector.broadcast %broadcast_in_dim3A_1461 : i32 to vector<16xi32>
      %gather3A_1463 = tpu.vector_load_idx %arg13[%iota3A, %and3A_1077, %broadcast_in_dim3A_1462] : memref<16x8x64xf32, #tpu.memory_space<vmem>>[vector<16xi32>, vector<16xi32>, vector<16xi32>], vector<16xf32>,
      %gather3A_1464 = tpu.vector_load_idx %arg15[%iota3A, %and3A_1082, %broadcast_in_dim3A_1462] : memref<16x8x64xf32, #tpu.memory_space<vmem>>[vector<16xi32>, vector<16xi32>, vector<16xi32>], vector<16xf32>,
      %mul3A_1465 = arith.mulf %gather3A_1463, %gather3A_1464 : vector<16xf32>
      %add3A_1466 = arith.addf %add3A_1460, %mul3A_1465 : vector<16xf32>
      %get3A_1467 = arith.index_cast %mul3A_1073 : i32 to index
      %get3A_1468 = tpu.vector_load %arg17[%get3A_1467] {strides = array<i32>} : memref<512xf32, #tpu.memory_space<vmem>>, vector<16xf32>,
      %add3A_1469 = arith.addf %add3A_1466, %get3A_1468 : vector<16xf32>
      %get3A_1470 = arith.index_cast %mul3A_1073 : i32 to index
      %get3A_1471 = tpu.vector_load %arg18[%get3A_1470] {strides = array<i32>} : memref<512xf32, #tpu.memory_space<vmem>>, vector<16xf32>,
      %add3A_1472 = arith.addf %add3A_1469, %get3A_1471 : vector<16xf32>
      %swap3A = arith.index_cast %mul3A_1073 : i32 to index
      %swap3A_1473 = tpu.vector_load %arg19[%swap3A] {strides = array<i32>} : memref<512xf32, #tpu.memory_space<vmem>>, vector<16xf32>,
      tpu.vector_store %arg19[%swap3A], %add3A_1472 {strides = array<i32>} : memref<512xf32, #tpu.memory_space<vmem>>, vector<16xf32>,
      %lt3A = arith.constant 15 : i32
      %lt3A_1474 = arith.cmpi slt, %scan3A_533, %lt3A : i32
      %convert_element_type3A = arith.extui %lt3A_1474 : i1 to i32
      %cond3A = arith.constant 0 : i32
      %cond3A_1475 = arith.cmpi ne, %convert_element_type3A, %cond3A : i32
      scf.if %cond3A_1475 {
        %add3A_1900 = arith.constant 2 : i32
        %add3A_1901 = arith.addi %mul3A_535, %add3A_1900 : i32
        %mul3A_1902 = arith.constant 16 : i32
        %mul3A_1903 = arith.muli %add3A_1901, %mul3A_1902 : i32
        %get3A_1904 = arith.index_cast %mul3A_1903 : i32 to index
        %get3A_1905 = tpu.vector_load %arg11[%get3A_1904] {strides = array<i32>} : memref<512xi32, #tpu.memory_space<vmem>>, vector<16xi32>,
        %get3A_1906 = arith.index_cast %mul3A_1903 : i32 to index
        %get3A_1907 = tpu.vector_load %arg12[%get3A_1906] {strides = array<i32>} : memref<512xi32, #tpu.memory_space<vmem>>, vector<16xi32>,
        %slice3A_1908 = vector.extract_strided_slice %get3A_1905 {offsets = [0], sizes = [1], strides = [1]} : vector<16xi32> to vector<1xi32>
        %squeeze3A_1909 = vector.extract %slice3A_1908[0] : i32 from vector<1xi32>
        %dma_start3A_1910 = arith.constant 0 : i32
        %dma_start3A_1911 = arith.constant 0 : i32
        %dma_start3A_1912 = arith.constant 0 : i32
        %dma_start3A_1913 = tpu.memref_slice %arg13[%dma_start3A_1910, %dma_start3A_1911, %dma_start3A_1912] : memref<16x8x64xf32, #tpu.memory_space<vmem>> -> memref<1x8x64xf32, #tpu.memory_space<vmem>>
        %dma_start3A_1914 = arith.constant 0 : i32
        %dma_start3A_1915 = arith.constant 0 : i32
        %dma_start3A_1916 = tpu.memref_slice %arg4[%squeeze3A_1909, %dma_start3A_1914, %dma_start3A_1915] : memref<125000x8x64xf32, #tpu.memory_space<hbm>> -> memref<1x8x64xf32, #tpu.memory_space<hbm>>
        %dma_start3A_1917 = arith.constant 0 : i32
        %dma_start3A_1918 = arith.constant 0 : i32
        %dma_start3A_1919 = arith.constant 0 : i32
        %dma_start3A_1920 = tpu.memref_slice %arg13[%dma_start3A_1917, %dma_start3A_1918, %dma_start3A_1919] : memref<16x8x64xf32, #tpu.memory_space<vmem>> -> memref<1x8x64xf32, #tpu.memory_space<vmem>>
        %dma_start3A_1921 = arith.constant 0 : i32
        %dma_start3A_1922 = arith.constant 0 : i32
        %dma_start3A_1923 = tpu.memref_slice %arg4[%squeeze3A_1909, %dma_start3A_1921, %dma_start3A_1922] : memref<125000x8x64xf32, #tpu.memory_space<hbm>> -> memref<1x8x64xf32, #tpu.memory_space<hbm>>
        tpu.enqueue_dma source(%dma_start3A_1923 : memref<1x8x64xf32, #tpu.memory_space<hbm>>) target(%dma_start3A_1920 : memref<1x8x64xf32, #tpu.memory_space<vmem>>) target_semaphore(%arg20 : memref<!tpu.dma_semaphore, #tpu.memory_space<semaphore_mem>>)
        %slice3A_1924 = vector.extract_strided_slice %get3A_1907 {offsets = [0], sizes = [1], strides = [1]} : vector<16xi32> to vector<1xi32>
        %squeeze3A_1925 = vector.extract %slice3A_1924[0] : i32 from vector<1xi32>
        %dma_start3A_1926 = arith.constant 0 : i32
        %dma_start3A_1927 = arith.constant 0 : i32
        %dma_start3A_1928 = arith.constant 0 : i32
        %dma_start3A_1929 = tpu.memref_slice %arg15[%dma_start3A_1926, %dma_start3A_1927, %dma_start3A_1928] : memref<16x8x64xf32, #tpu.memory_space<vmem>> -> memref<1x8x64xf32, #tpu.memory_space<vmem>>
        %dma_start3A_1930 = arith.constant 0 : i32
        %dma_start3A_1931 = arith.constant 0 : i32
        %dma_start3A_1932 = tpu.memref_slice %arg5[%squeeze3A_1925, %dma_start3A_1930, %dma_start3A_1931] : memref<125000x8x64xf32, #tpu.memory_space<hbm>> -> memref<1x8x64xf32, #tpu.memory_space<hbm>>
        %dma_start3A_1933 = arith.constant 0 : i32
        %dma_start3A_1934 = arith.constant 0 : i32
        %dma_start3A_1935 = arith.constant 0 : i32
        %dma_start3A_1936 = tpu.memref_slice %arg15[%dma_start3A_1933, %dma_start3A_1934, %dma_start3A_1935] : memref<16x8x64xf32, #tpu.memory_space<vmem>> -> memref<1x8x64xf32, #tpu.memory_space<vmem>>
        %dma_start3A_1937 = arith.constant 0 : i32
        %dma_start3A_1938 = arith.constant 0 : i32
        %dma_start3A_1939 = tpu.memref_slice %arg5[%squeeze3A_1925, %dma_start3A_1937, %dma_start3A_1938] : memref<125000x8x64xf32, #tpu.memory_space<hbm>> -> memref<1x8x64xf32, #tpu.memory_space<hbm>>
        tpu.enqueue_dma source(%dma_start3A_1939 : memref<1x8x64xf32, #tpu.memory_space<hbm>>) target(%dma_start3A_1936 : memref<1x8x64xf32, #tpu.memory_space<vmem>>) target_semaphore(%arg22 : memref<!tpu.dma_semaphore, #tpu.memory_space<semaphore_mem>>)
        %slice3A_1940 = vector.extract_strided_slice %get3A_1905 {offsets = [1], sizes = [1], strides = [1]} : vector<16xi32> to vector<1xi32>
        %squeeze3A_1941 = vector.extract %slice3A_1940[0] : i32 from vector<1xi32>
        %dma_start3A_1942 = arith.constant 1 : i32
        %dma_start3A_1943 = arith.constant 0 : i32
        %dma_start3A_1944 = arith.constant 0 : i32
        %dma_start3A_1945 = tpu.memref_slice %arg13[%dma_start3A_1942, %dma_start3A_1943, %dma_start3A_1944] : memref<16x8x64xf32, #tpu.memory_space<vmem>> -> memref<1x8x64xf32, #tpu.memory_space<vmem>>
        %dma_start3A_1946 = arith.constant 0 : i32
        %dma_start3A_1947 = arith.constant 0 : i32
        %dma_start3A_1948 = tpu.memref_slice %arg4[%squeeze3A_1941, %dma_start3A_1946, %dma_start3A_1947] : memref<125000x8x64xf32, #tpu.memory_space<hbm>> -> memref<1x8x64xf32, #tpu.memory_space<hbm>>
        %dma_start3A_1949 = arith.constant 1 : i32
        %dma_start3A_1950 = arith.constant 0 : i32
        %dma_start3A_1951 = arith.constant 0 : i32
        %dma_start3A_1952 = tpu.memref_slice %arg13[%dma_start3A_1949, %dma_start3A_1950, %dma_start3A_1951] : memref<16x8x64xf32, #tpu.memory_space<vmem>> -> memref<1x8x64xf32, #tpu.memory_space<vmem>>
        %dma_start3A_1953 = arith.constant 0 : i32
        %dma_start3A_1954 = arith.constant 0 : i32
        %dma_start3A_1955 = tpu.memref_slice %arg4[%squeeze3A_1941, %dma_start3A_1953, %dma_start3A_1954] : memref<125000x8x64xf32, #tpu.memory_space<hbm>> -> memref<1x8x64xf32, #tpu.memory_space<hbm>>
        tpu.enqueue_dma source(%dma_start3A_1955 : memref<1x8x64xf32, #tpu.memory_space<hbm>>) target(%dma_start3A_1952 : memref<1x8x64xf32, #tpu.memory_space<vmem>>) target_semaphore(%arg20 : memref<!tpu.dma_semaphore, #tpu.memory_space<semaphore_mem>>)
        %slice3A_1956 = vector.extract_strided_slice %get3A_1907 {offsets = [1], sizes = [1], strides = [1]} : vector<16xi32> to vector<1xi32>
        %squeeze3A_1957 = vector.extract %slice3A_1956[0] : i32 from vector<1xi32>
        %dma_start3A_1958 = arith.constant 1 : i32
        %dma_start3A_1959 = arith.constant 0 : i32
        %dma_start3A_1960 = arith.constant 0 : i32
        %dma_start3A_1961 = tpu.memref_slice %arg15[%dma_start3A_1958, %dma_start3A_1959, %dma_start3A_1960] : memref<16x8x64xf32, #tpu.memory_space<vmem>> -> memref<1x8x64xf32, #tpu.memory_space<vmem>>
        %dma_start3A_1962 = arith.constant 0 : i32
        %dma_start3A_1963 = arith.constant 0 : i32
        %dma_start3A_1964 = tpu.memref_slice %arg5[%squeeze3A_1957, %dma_start3A_1962, %dma_start3A_1963] : memref<125000x8x64xf32, #tpu.memory_space<hbm>> -> memref<1x8x64xf32, #tpu.memory_space<hbm>>
        %dma_start3A_1965 = arith.constant 1 : i32
        %dma_start3A_1966 = arith.constant 0 : i32
        %dma_start3A_1967 = arith.constant 0 : i32
        %dma_start3A_1968 = tpu.memref_slice %arg15[%dma_start3A_1965, %dma_start3A_1966, %dma_start3A_1967] : memref<16x8x64xf32, #tpu.memory_space<vmem>> -> memref<1x8x64xf32, #tpu.memory_space<vmem>>
        %dma_start3A_1969 = arith.constant 0 : i32
        %dma_start3A_1970 = arith.constant 0 : i32
        %dma_start3A_1971 = tpu.memref_slice %arg5[%squeeze3A_1957, %dma_start3A_1969, %dma_start3A_1970] : memref<125000x8x64xf32, #tpu.memory_space<hbm>> -> memref<1x8x64xf32, #tpu.memory_space<hbm>>
        tpu.enqueue_dma source(%dma_start3A_1971 : memref<1x8x64xf32, #tpu.memory_space<hbm>>) target(%dma_start3A_1968 : memref<1x8x64xf32, #tpu.memory_space<vmem>>) target_semaphore(%arg22 : memref<!tpu.dma_semaphore, #tpu.memory_space<semaphore_mem>>)
        %slice3A_1972 = vector.extract_strided_slice %get3A_1905 {offsets = [2], sizes = [1], strides = [1]} : vector<16xi32> to vector<1xi32>
        %squeeze3A_1973 = vector.extract %slice3A_1972[0] : i32 from vector<1xi32>
        %dma_start3A_1974 = arith.constant 2 : i32
        %dma_start3A_1975 = arith.constant 0 : i32
        %dma_start3A_1976 = arith.constant 0 : i32
        %dma_start3A_1977 = tpu.memref_slice %arg13[%dma_start3A_1974, %dma_start3A_1975, %dma_start3A_1976] : memref<16x8x64xf32, #tpu.memory_space<vmem>> -> memref<1x8x64xf32, #tpu.memory_space<vmem>>
        %dma_start3A_1978 = arith.constant 0 : i32
        %dma_start3A_1979 = arith.constant 0 : i32
        %dma_start3A_1980 = tpu.memref_slice %arg4[%squeeze3A_1973, %dma_start3A_1978, %dma_start3A_1979] : memref<125000x8x64xf32, #tpu.memory_space<hbm>> -> memref<1x8x64xf32, #tpu.memory_space<hbm>>
        %dma_start3A_1981 = arith.constant 2 : i32
        %dma_start3A_1982 = arith.constant 0 : i32
        %dma_start3A_1983 = arith.constant 0 : i32
        %dma_start3A_1984 = tpu.memref_slice %arg13[%dma_start3A_1981, %dma_start3A_1982, %dma_start3A_1983] : memref<16x8x64xf32, #tpu.memory_space<vmem>> -> memref<1x8x64xf32, #tpu.memory_space<vmem>>
        %dma_start3A_1985 = arith.constant 0 : i32
        %dma_start3A_1986 = arith.constant 0 : i32
        %dma_start3A_1987 = tpu.memref_slice %arg4[%squeeze3A_1973, %dma_start3A_1985, %dma_start3A_1986] : memref<125000x8x64xf32, #tpu.memory_space<hbm>> -> memref<1x8x64xf32, #tpu.memory_space<hbm>>
        tpu.enqueue_dma source(%dma_start3A_1987 : memref<1x8x64xf32, #tpu.memory_space<hbm>>) target(%dma_start3A_1984 : memref<1x8x64xf32, #tpu.memory_space<vmem>>) target_semaphore(%arg20 : memref<!tpu.dma_semaphore, #tpu.memory_space<semaphore_mem>>)
        %slice3A_1988 = vector.extract_strided_slice %get3A_1907 {offsets = [2], sizes = [1], strides = [1]} : vector<16xi32> to vector<1xi32>
        %squeeze3A_1989 = vector.extract %slice3A_1988[0] : i32 from vector<1xi32>
        %dma_start3A_1990 = arith.constant 2 : i32
        %dma_start3A_1991 = arith.constant 0 : i32
        %dma_start3A_1992 = arith.constant 0 : i32
        %dma_start3A_1993 = tpu.memref_slice %arg15[%dma_start3A_1990, %dma_start3A_1991, %dma_start3A_1992] : memref<16x8x64xf32, #tpu.memory_space<vmem>> -> memref<1x8x64xf32, #tpu.memory_space<vmem>>
        %dma_start3A_1994 = arith.constant 0 : i32
        %dma_start3A_1995 = arith.constant 0 : i32
        %dma_start3A_1996 = tpu.memref_slice %arg5[%squeeze3A_1989, %dma_start3A_1994, %dma_start3A_1995] : memref<125000x8x64xf32, #tpu.memory_space<hbm>> -> memref<1x8x64xf32, #tpu.memory_space<hbm>>
        %dma_start3A_1997 = arith.constant 2 : i32
        %dma_start3A_1998 = arith.constant 0 : i32
        %dma_start3A_1999 = arith.constant 0 : i32
        %dma_start3A_2000 = tpu.memref_slice %arg15[%dma_start3A_1997, %dma_start3A_1998, %dma_start3A_1999] : memref<16x8x64xf32, #tpu.memory_space<vmem>> -> memref<1x8x64xf32, #tpu.memory_space<vmem>>
        %dma_start3A_2001 = arith.constant 0 : i32
        %dma_start3A_2002 = arith.constant 0 : i32
        %dma_start3A_2003 = tpu.memref_slice %arg5[%squeeze3A_1989, %dma_start3A_2001, %dma_start3A_2002] : memref<125000x8x64xf32, #tpu.memory_space<hbm>> -> memref<1x8x64xf32, #tpu.memory_space<hbm>>
        tpu.enqueue_dma source(%dma_start3A_2003 : memref<1x8x64xf32, #tpu.memory_space<hbm>>) target(%dma_start3A_2000 : memref<1x8x64xf32, #tpu.memory_space<vmem>>) target_semaphore(%arg22 : memref<!tpu.dma_semaphore, #tpu.memory_space<semaphore_mem>>)
        %slice3A_2004 = vector.extract_strided_slice %get3A_1905 {offsets = [3], sizes = [1], strides = [1]} : vector<16xi32> to vector<1xi32>
        %squeeze3A_2005 = vector.extract %slice3A_2004[0] : i32 from vector<1xi32>
        %dma_start3A_2006 = arith.constant 3 : i32
        %dma_start3A_2007 = arith.constant 0 : i32
        %dma_start3A_2008 = arith.constant 0 : i32
        %dma_start3A_2009 = tpu.memref_slice %arg13[%dma_start3A_2006, %dma_start3A_2007, %dma_start3A_2008] : memref<16x8x64xf32, #tpu.memory_space<vmem>> -> memref<1x8x64xf32, #tpu.memory_space<vmem>>
        %dma_start3A_2010 = arith.constant 0 : i32
        %dma_start3A_2011 = arith.constant 0 : i32
        %dma_start3A_2012 = tpu.memref_slice %arg4[%squeeze3A_2005, %dma_start3A_2010, %dma_start3A_2011] : memref<125000x8x64xf32, #tpu.memory_space<hbm>> -> memref<1x8x64xf32, #tpu.memory_space<hbm>>
        %dma_start3A_2013 = arith.constant 3 : i32
        %dma_start3A_2014 = arith.constant 0 : i32
        %dma_start3A_2015 = arith.constant 0 : i32
        %dma_start3A_2016 = tpu.memref_slice %arg13[%dma_start3A_2013, %dma_start3A_2014, %dma_start3A_2015] : memref<16x8x64xf32, #tpu.memory_space<vmem>> -> memref<1x8x64xf32, #tpu.memory_space<vmem>>
        %dma_start3A_2017 = arith.constant 0 : i32
        %dma_start3A_2018 = arith.constant 0 : i32
        %dma_start3A_2019 = tpu.memref_slice %arg4[%squeeze3A_2005, %dma_start3A_2017, %dma_start3A_2018] : memref<125000x8x64xf32, #tpu.memory_space<hbm>> -> memref<1x8x64xf32, #tpu.memory_space<hbm>>
        tpu.enqueue_dma source(%dma_start3A_2019 : memref<1x8x64xf32, #tpu.memory_space<hbm>>) target(%dma_start3A_2016 : memref<1x8x64xf32, #tpu.memory_space<vmem>>) target_semaphore(%arg20 : memref<!tpu.dma_semaphore, #tpu.memory_space<semaphore_mem>>)
        %slice3A_2020 = vector.extract_strided_slice %get3A_1907 {offsets = [3], sizes = [1], strides = [1]} : vector<16xi32> to vector<1xi32>
        %squeeze3A_2021 = vector.extract %slice3A_2020[0] : i32 from vector<1xi32>
        %dma_start3A_2022 = arith.constant 3 : i32
        %dma_start3A_2023 = arith.constant 0 : i32
        %dma_start3A_2024 = arith.constant 0 : i32
        %dma_start3A_2025 = tpu.memref_slice %arg15[%dma_start3A_2022, %dma_start3A_2023, %dma_start3A_2024] : memref<16x8x64xf32, #tpu.memory_space<vmem>> -> memref<1x8x64xf32, #tpu.memory_space<vmem>>
        %dma_start3A_2026 = arith.constant 0 : i32
        %dma_start3A_2027 = arith.constant 0 : i32
        %dma_start3A_2028 = tpu.memref_slice %arg5[%squeeze3A_2021, %dma_start3A_2026, %dma_start3A_2027] : memref<125000x8x64xf32, #tpu.memory_space<hbm>> -> memref<1x8x64xf32, #tpu.memory_space<hbm>>
        %dma_start3A_2029 = arith.constant 3 : i32
        %dma_start3A_2030 = arith.constant 0 : i32
        %dma_start3A_2031 = arith.constant 0 : i32
        %dma_start3A_2032 = tpu.memref_slice %arg15[%dma_start3A_2029, %dma_start3A_2030, %dma_start3A_2031] : memref<16x8x64xf32, #tpu.memory_space<vmem>> -> memref<1x8x64xf32, #tpu.memory_space<vmem>>
        %dma_start3A_2033 = arith.constant 0 : i32
        %dma_start3A_2034 = arith.constant 0 : i32
        %dma_start3A_2035 = tpu.memref_slice %arg5[%squeeze3A_2021, %dma_start3A_2033, %dma_start3A_2034] : memref<125000x8x64xf32, #tpu.memory_space<hbm>> -> memref<1x8x64xf32, #tpu.memory_space<hbm>>
        tpu.enqueue_dma source(%dma_start3A_2035 : memref<1x8x64xf32, #tpu.memory_space<hbm>>) target(%dma_start3A_2032 : memref<1x8x64xf32, #tpu.memory_space<vmem>>) target_semaphore(%arg22 : memref<!tpu.dma_semaphore, #tpu.memory_space<semaphore_mem>>)
        %slice3A_2036 = vector.extract_strided_slice %get3A_1905 {offsets = [4], sizes = [1], strides = [1]} : vector<16xi32> to vector<1xi32>
        %squeeze3A_2037 = vector.extract %slice3A_2036[0] : i32 from vector<1xi32>
        %dma_start3A_2038 = arith.constant 4 : i32
        %dma_start3A_2039 = arith.constant 0 : i32
        %dma_start3A_2040 = arith.constant 0 : i32
        %dma_start3A_2041 = tpu.memref_slice %arg13[%dma_start3A_2038, %dma_start3A_2039, %dma_start3A_2040] : memref<16x8x64xf32, #tpu.memory_space<vmem>> -> memref<1x8x64xf32, #tpu.memory_space<vmem>>
        %dma_start3A_2042 = arith.constant 0 : i32
        %dma_start3A_2043 = arith.constant 0 : i32
        %dma_start3A_2044 = tpu.memref_slice %arg4[%squeeze3A_2037, %dma_start3A_2042, %dma_start3A_2043] : memref<125000x8x64xf32, #tpu.memory_space<hbm>> -> memref<1x8x64xf32, #tpu.memory_space<hbm>>
        %dma_start3A_2045 = arith.constant 4 : i32
        %dma_start3A_2046 = arith.constant 0 : i32
        %dma_start3A_2047 = arith.constant 0 : i32
        %dma_start3A_2048 = tpu.memref_slice %arg13[%dma_start3A_2045, %dma_start3A_2046, %dma_start3A_2047] : memref<16x8x64xf32, #tpu.memory_space<vmem>> -> memref<1x8x64xf32, #tpu.memory_space<vmem>>
        %dma_start3A_2049 = arith.constant 0 : i32
        %dma_start3A_2050 = arith.constant 0 : i32
        %dma_start3A_2051 = tpu.memref_slice %arg4[%squeeze3A_2037, %dma_start3A_2049, %dma_start3A_2050] : memref<125000x8x64xf32, #tpu.memory_space<hbm>> -> memref<1x8x64xf32, #tpu.memory_space<hbm>>
        tpu.enqueue_dma source(%dma_start3A_2051 : memref<1x8x64xf32, #tpu.memory_space<hbm>>) target(%dma_start3A_2048 : memref<1x8x64xf32, #tpu.memory_space<vmem>>) target_semaphore(%arg20 : memref<!tpu.dma_semaphore, #tpu.memory_space<semaphore_mem>>)
        %slice3A_2052 = vector.extract_strided_slice %get3A_1907 {offsets = [4], sizes = [1], strides = [1]} : vector<16xi32> to vector<1xi32>
        %squeeze3A_2053 = vector.extract %slice3A_2052[0] : i32 from vector<1xi32>
        %dma_start3A_2054 = arith.constant 4 : i32
        %dma_start3A_2055 = arith.constant 0 : i32
        %dma_start3A_2056 = arith.constant 0 : i32
        %dma_start3A_2057 = tpu.memref_slice %arg15[%dma_start3A_2054, %dma_start3A_2055, %dma_start3A_2056] : memref<16x8x64xf32, #tpu.memory_space<vmem>> -> memref<1x8x64xf32, #tpu.memory_space<vmem>>
        %dma_start3A_2058 = arith.constant 0 : i32
        %dma_start3A_2059 = arith.constant 0 : i32
        %dma_start3A_2060 = tpu.memref_slice %arg5[%squeeze3A_2053, %dma_start3A_2058, %dma_start3A_2059] : memref<125000x8x64xf32, #tpu.memory_space<hbm>> -> memref<1x8x64xf32, #tpu.memory_space<hbm>>
        %dma_start3A_2061 = arith.constant 4 : i32
        %dma_start3A_2062 = arith.constant 0 : i32
        %dma_start3A_2063 = arith.constant 0 : i32
        %dma_start3A_2064 = tpu.memref_slice %arg15[%dma_start3A_2061, %dma_start3A_2062, %dma_start3A_2063] : memref<16x8x64xf32, #tpu.memory_space<vmem>> -> memref<1x8x64xf32, #tpu.memory_space<vmem>>
        %dma_start3A_2065 = arith.constant 0 : i32
        %dma_start3A_2066 = arith.constant 0 : i32
        %dma_start3A_2067 = tpu.memref_slice %arg5[%squeeze3A_2053, %dma_start3A_2065, %dma_start3A_2066] : memref<125000x8x64xf32, #tpu.memory_space<hbm>> -> memref<1x8x64xf32, #tpu.memory_space<hbm>>
        tpu.enqueue_dma source(%dma_start3A_2067 : memref<1x8x64xf32, #tpu.memory_space<hbm>>) target(%dma_start3A_2064 : memref<1x8x64xf32, #tpu.memory_space<vmem>>) target_semaphore(%arg22 : memref<!tpu.dma_semaphore, #tpu.memory_space<semaphore_mem>>)
        %slice3A_2068 = vector.extract_strided_slice %get3A_1905 {offsets = [5], sizes = [1], strides = [1]} : vector<16xi32> to vector<1xi32>
        %squeeze3A_2069 = vector.extract %slice3A_2068[0] : i32 from vector<1xi32>
        %dma_start3A_2070 = arith.constant 5 : i32
        %dma_start3A_2071 = arith.constant 0 : i32
        %dma_start3A_2072 = arith.constant 0 : i32
        %dma_start3A_2073 = tpu.memref_slice %arg13[%dma_start3A_2070, %dma_start3A_2071, %dma_start3A_2072] : memref<16x8x64xf32, #tpu.memory_space<vmem>> -> memref<1x8x64xf32, #tpu.memory_space<vmem>>
        %dma_start3A_2074 = arith.constant 0 : i32
        %dma_start3A_2075 = arith.constant 0 : i32
        %dma_start3A_2076 = tpu.memref_slice %arg4[%squeeze3A_2069, %dma_start3A_2074, %dma_start3A_2075] : memref<125000x8x64xf32, #tpu.memory_space<hbm>> -> memref<1x8x64xf32, #tpu.memory_space<hbm>>
        %dma_start3A_2077 = arith.constant 5 : i32
        %dma_start3A_2078 = arith.constant 0 : i32
        %dma_start3A_2079 = arith.constant 0 : i32
        %dma_start3A_2080 = tpu.memref_slice %arg13[%dma_start3A_2077, %dma_start3A_2078, %dma_start3A_2079] : memref<16x8x64xf32, #tpu.memory_space<vmem>> -> memref<1x8x64xf32, #tpu.memory_space<vmem>>
        %dma_start3A_2081 = arith.constant 0 : i32
        %dma_start3A_2082 = arith.constant 0 : i32
        %dma_start3A_2083 = tpu.memref_slice %arg4[%squeeze3A_2069, %dma_start3A_2081, %dma_start3A_2082] : memref<125000x8x64xf32, #tpu.memory_space<hbm>> -> memref<1x8x64xf32, #tpu.memory_space<hbm>>
        tpu.enqueue_dma source(%dma_start3A_2083 : memref<1x8x64xf32, #tpu.memory_space<hbm>>) target(%dma_start3A_2080 : memref<1x8x64xf32, #tpu.memory_space<vmem>>) target_semaphore(%arg20 : memref<!tpu.dma_semaphore, #tpu.memory_space<semaphore_mem>>)
        %slice3A_2084 = vector.extract_strided_slice %get3A_1907 {offsets = [5], sizes = [1], strides = [1]} : vector<16xi32> to vector<1xi32>
        %squeeze3A_2085 = vector.extract %slice3A_2084[0] : i32 from vector<1xi32>
        %dma_start3A_2086 = arith.constant 5 : i32
        %dma_start3A_2087 = arith.constant 0 : i32
        %dma_start3A_2088 = arith.constant 0 : i32
        %dma_start3A_2089 = tpu.memref_slice %arg15[%dma_start3A_2086, %dma_start3A_2087, %dma_start3A_2088] : memref<16x8x64xf32, #tpu.memory_space<vmem>> -> memref<1x8x64xf32, #tpu.memory_space<vmem>>
        %dma_start3A_2090 = arith.constant 0 : i32
        %dma_start3A_2091 = arith.constant 0 : i32
        %dma_start3A_2092 = tpu.memref_slice %arg5[%squeeze3A_2085, %dma_start3A_2090, %dma_start3A_2091] : memref<125000x8x64xf32, #tpu.memory_space<hbm>> -> memref<1x8x64xf32, #tpu.memory_space<hbm>>
        %dma_start3A_2093 = arith.constant 5 : i32
        %dma_start3A_2094 = arith.constant 0 : i32
        %dma_start3A_2095 = arith.constant 0 : i32
        %dma_start3A_2096 = tpu.memref_slice %arg15[%dma_start3A_2093, %dma_start3A_2094, %dma_start3A_2095] : memref<16x8x64xf32, #tpu.memory_space<vmem>> -> memref<1x8x64xf32, #tpu.memory_space<vmem>>
        %dma_start3A_2097 = arith.constant 0 : i32
        %dma_start3A_2098 = arith.constant 0 : i32
        %dma_start3A_2099 = tpu.memref_slice %arg5[%squeeze3A_2085, %dma_start3A_2097, %dma_start3A_2098] : memref<125000x8x64xf32, #tpu.memory_space<hbm>> -> memref<1x8x64xf32, #tpu.memory_space<hbm>>
        tpu.enqueue_dma source(%dma_start3A_2099 : memref<1x8x64xf32, #tpu.memory_space<hbm>>) target(%dma_start3A_2096 : memref<1x8x64xf32, #tpu.memory_space<vmem>>) target_semaphore(%arg22 : memref<!tpu.dma_semaphore, #tpu.memory_space<semaphore_mem>>)
        %slice3A_2100 = vector.extract_strided_slice %get3A_1905 {offsets = [6], sizes = [1], strides = [1]} : vector<16xi32> to vector<1xi32>
        %squeeze3A_2101 = vector.extract %slice3A_2100[0] : i32 from vector<1xi32>
        %dma_start3A_2102 = arith.constant 6 : i32
        %dma_start3A_2103 = arith.constant 0 : i32
        %dma_start3A_2104 = arith.constant 0 : i32
        %dma_start3A_2105 = tpu.memref_slice %arg13[%dma_start3A_2102, %dma_start3A_2103, %dma_start3A_2104] : memref<16x8x64xf32, #tpu.memory_space<vmem>> -> memref<1x8x64xf32, #tpu.memory_space<vmem>>
        %dma_start3A_2106 = arith.constant 0 : i32
        %dma_start3A_2107 = arith.constant 0 : i32
        %dma_start3A_2108 = tpu.memref_slice %arg4[%squeeze3A_2101, %dma_start3A_2106, %dma_start3A_2107] : memref<125000x8x64xf32, #tpu.memory_space<hbm>> -> memref<1x8x64xf32, #tpu.memory_space<hbm>>
        %dma_start3A_2109 = arith.constant 6 : i32
        %dma_start3A_2110 = arith.constant 0 : i32
        %dma_start3A_2111 = arith.constant 0 : i32
        %dma_start3A_2112 = tpu.memref_slice %arg13[%dma_start3A_2109, %dma_start3A_2110, %dma_start3A_2111] : memref<16x8x64xf32, #tpu.memory_space<vmem>> -> memref<1x8x64xf32, #tpu.memory_space<vmem>>
        %dma_start3A_2113 = arith.constant 0 : i32
        %dma_start3A_2114 = arith.constant 0 : i32
        %dma_start3A_2115 = tpu.memref_slice %arg4[%squeeze3A_2101, %dma_start3A_2113, %dma_start3A_2114] : memref<125000x8x64xf32, #tpu.memory_space<hbm>> -> memref<1x8x64xf32, #tpu.memory_space<hbm>>
        tpu.enqueue_dma source(%dma_start3A_2115 : memref<1x8x64xf32, #tpu.memory_space<hbm>>) target(%dma_start3A_2112 : memref<1x8x64xf32, #tpu.memory_space<vmem>>) target_semaphore(%arg20 : memref<!tpu.dma_semaphore, #tpu.memory_space<semaphore_mem>>)
        %slice3A_2116 = vector.extract_strided_slice %get3A_1907 {offsets = [6], sizes = [1], strides = [1]} : vector<16xi32> to vector<1xi32>
        %squeeze3A_2117 = vector.extract %slice3A_2116[0] : i32 from vector<1xi32>
        %dma_start3A_2118 = arith.constant 6 : i32
        %dma_start3A_2119 = arith.constant 0 : i32
        %dma_start3A_2120 = arith.constant 0 : i32
        %dma_start3A_2121 = tpu.memref_slice %arg15[%dma_start3A_2118, %dma_start3A_2119, %dma_start3A_2120] : memref<16x8x64xf32, #tpu.memory_space<vmem>> -> memref<1x8x64xf32, #tpu.memory_space<vmem>>
        %dma_start3A_2122 = arith.constant 0 : i32
        %dma_start3A_2123 = arith.constant 0 : i32
        %dma_start3A_2124 = tpu.memref_slice %arg5[%squeeze3A_2117, %dma_start3A_2122, %dma_start3A_2123] : memref<125000x8x64xf32, #tpu.memory_space<hbm>> -> memref<1x8x64xf32, #tpu.memory_space<hbm>>
        %dma_start3A_2125 = arith.constant 6 : i32
        %dma_start3A_2126 = arith.constant 0 : i32
        %dma_start3A_2127 = arith.constant 0 : i32
        %dma_start3A_2128 = tpu.memref_slice %arg15[%dma_start3A_2125, %dma_start3A_2126, %dma_start3A_2127] : memref<16x8x64xf32, #tpu.memory_space<vmem>> -> memref<1x8x64xf32, #tpu.memory_space<vmem>>
        %dma_start3A_2129 = arith.constant 0 : i32
        %dma_start3A_2130 = arith.constant 0 : i32
        %dma_start3A_2131 = tpu.memref_slice %arg5[%squeeze3A_2117, %dma_start3A_2129, %dma_start3A_2130] : memref<125000x8x64xf32, #tpu.memory_space<hbm>> -> memref<1x8x64xf32, #tpu.memory_space<hbm>>
        tpu.enqueue_dma source(%dma_start3A_2131 : memref<1x8x64xf32, #tpu.memory_space<hbm>>) target(%dma_start3A_2128 : memref<1x8x64xf32, #tpu.memory_space<vmem>>) target_semaphore(%arg22 : memref<!tpu.dma_semaphore, #tpu.memory_space<semaphore_mem>>)
        %slice3A_2132 = vector.extract_strided_slice %get3A_1905 {offsets = [7], sizes = [1], strides = [1]} : vector<16xi32> to vector<1xi32>
        %squeeze3A_2133 = vector.extract %slice3A_2132[0] : i32 from vector<1xi32>
        %dma_start3A_2134 = arith.constant 7 : i32
        %dma_start3A_2135 = arith.constant 0 : i32
        %dma_start3A_2136 = arith.constant 0 : i32
        %dma_start3A_2137 = tpu.memref_slice %arg13[%dma_start3A_2134, %dma_start3A_2135, %dma_start3A_2136] : memref<16x8x64xf32, #tpu.memory_space<vmem>> -> memref<1x8x64xf32, #tpu.memory_space<vmem>>
        %dma_start3A_2138 = arith.constant 0 : i32
        %dma_start3A_2139 = arith.constant 0 : i32
        %dma_start3A_2140 = tpu.memref_slice %arg4[%squeeze3A_2133, %dma_start3A_2138, %dma_start3A_2139] : memref<125000x8x64xf32, #tpu.memory_space<hbm>> -> memref<1x8x64xf32, #tpu.memory_space<hbm>>
        %dma_start3A_2141 = arith.constant 7 : i32
        %dma_start3A_2142 = arith.constant 0 : i32
        %dma_start3A_2143 = arith.constant 0 : i32
        %dma_start3A_2144 = tpu.memref_slice %arg13[%dma_start3A_2141, %dma_start3A_2142, %dma_start3A_2143] : memref<16x8x64xf32, #tpu.memory_space<vmem>> -> memref<1x8x64xf32, #tpu.memory_space<vmem>>
        %dma_start3A_2145 = arith.constant 0 : i32
        %dma_start3A_2146 = arith.constant 0 : i32
        %dma_start3A_2147 = tpu.memref_slice %arg4[%squeeze3A_2133, %dma_start3A_2145, %dma_start3A_2146] : memref<125000x8x64xf32, #tpu.memory_space<hbm>> -> memref<1x8x64xf32, #tpu.memory_space<hbm>>
        tpu.enqueue_dma source(%dma_start3A_2147 : memref<1x8x64xf32, #tpu.memory_space<hbm>>) target(%dma_start3A_2144 : memref<1x8x64xf32, #tpu.memory_space<vmem>>) target_semaphore(%arg20 : memref<!tpu.dma_semaphore, #tpu.memory_space<semaphore_mem>>)
        %slice3A_2148 = vector.extract_strided_slice %get3A_1907 {offsets = [7], sizes = [1], strides = [1]} : vector<16xi32> to vector<1xi32>
        %squeeze3A_2149 = vector.extract %slice3A_2148[0] : i32 from vector<1xi32>
        %dma_start3A_2150 = arith.constant 7 : i32
        %dma_start3A_2151 = arith.constant 0 : i32
        %dma_start3A_2152 = arith.constant 0 : i32
        %dma_start3A_2153 = tpu.memref_slice %arg15[%dma_start3A_2150, %dma_start3A_2151, %dma_start3A_2152] : memref<16x8x64xf32, #tpu.memory_space<vmem>> -> memref<1x8x64xf32, #tpu.memory_space<vmem>>
        %dma_start3A_2154 = arith.constant 0 : i32
        %dma_start3A_2155 = arith.constant 0 : i32
        %dma_start3A_2156 = tpu.memref_slice %arg5[%squeeze3A_2149, %dma_start3A_2154, %dma_start3A_2155] : memref<125000x8x64xf32, #tpu.memory_space<hbm>> -> memref<1x8x64xf32, #tpu.memory_space<hbm>>
        %dma_start3A_2157 = arith.constant 7 : i32
        %dma_start3A_2158 = arith.constant 0 : i32
        %dma_start3A_2159 = arith.constant 0 : i32
        %dma_start3A_2160 = tpu.memref_slice %arg15[%dma_start3A_2157, %dma_start3A_2158, %dma_start3A_2159] : memref<16x8x64xf32, #tpu.memory_space<vmem>> -> memref<1x8x64xf32, #tpu.memory_space<vmem>>
        %dma_start3A_2161 = arith.constant 0 : i32
        %dma_start3A_2162 = arith.constant 0 : i32
        %dma_start3A_2163 = tpu.memref_slice %arg5[%squeeze3A_2149, %dma_start3A_2161, %dma_start3A_2162] : memref<125000x8x64xf32, #tpu.memory_space<hbm>> -> memref<1x8x64xf32, #tpu.memory_space<hbm>>
        tpu.enqueue_dma source(%dma_start3A_2163 : memref<1x8x64xf32, #tpu.memory_space<hbm>>) target(%dma_start3A_2160 : memref<1x8x64xf32, #tpu.memory_space<vmem>>) target_semaphore(%arg22 : memref<!tpu.dma_semaphore, #tpu.memory_space<semaphore_mem>>)
        %slice3A_2164 = vector.extract_strided_slice %get3A_1905 {offsets = [8], sizes = [1], strides = [1]} : vector<16xi32> to vector<1xi32>
        %squeeze3A_2165 = vector.extract %slice3A_2164[0] : i32 from vector<1xi32>
        %dma_start3A_2166 = arith.constant 8 : i32
        %dma_start3A_2167 = arith.constant 0 : i32
        %dma_start3A_2168 = arith.constant 0 : i32
        %dma_start3A_2169 = tpu.memref_slice %arg13[%dma_start3A_2166, %dma_start3A_2167, %dma_start3A_2168] : memref<16x8x64xf32, #tpu.memory_space<vmem>> -> memref<1x8x64xf32, #tpu.memory_space<vmem>>
        %dma_start3A_2170 = arith.constant 0 : i32
        %dma_start3A_2171 = arith.constant 0 : i32
        %dma_start3A_2172 = tpu.memref_slice %arg4[%squeeze3A_2165, %dma_start3A_2170, %dma_start3A_2171] : memref<125000x8x64xf32, #tpu.memory_space<hbm>> -> memref<1x8x64xf32, #tpu.memory_space<hbm>>
        %dma_start3A_2173 = arith.constant 8 : i32
        %dma_start3A_2174 = arith.constant 0 : i32
        %dma_start3A_2175 = arith.constant 0 : i32
        %dma_start3A_2176 = tpu.memref_slice %arg13[%dma_start3A_2173, %dma_start3A_2174, %dma_start3A_2175] : memref<16x8x64xf32, #tpu.memory_space<vmem>> -> memref<1x8x64xf32, #tpu.memory_space<vmem>>
        %dma_start3A_2177 = arith.constant 0 : i32
        %dma_start3A_2178 = arith.constant 0 : i32
        %dma_start3A_2179 = tpu.memref_slice %arg4[%squeeze3A_2165, %dma_start3A_2177, %dma_start3A_2178] : memref<125000x8x64xf32, #tpu.memory_space<hbm>> -> memref<1x8x64xf32, #tpu.memory_space<hbm>>
        tpu.enqueue_dma source(%dma_start3A_2179 : memref<1x8x64xf32, #tpu.memory_space<hbm>>) target(%dma_start3A_2176 : memref<1x8x64xf32, #tpu.memory_space<vmem>>) target_semaphore(%arg20 : memref<!tpu.dma_semaphore, #tpu.memory_space<semaphore_mem>>)
        %slice3A_2180 = vector.extract_strided_slice %get3A_1907 {offsets = [8], sizes = [1], strides = [1]} : vector<16xi32> to vector<1xi32>
        %squeeze3A_2181 = vector.extract %slice3A_2180[0] : i32 from vector<1xi32>
        %dma_start3A_2182 = arith.constant 8 : i32
        %dma_start3A_2183 = arith.constant 0 : i32
        %dma_start3A_2184 = arith.constant 0 : i32
        %dma_start3A_2185 = tpu.memref_slice %arg15[%dma_start3A_2182, %dma_start3A_2183, %dma_start3A_2184] : memref<16x8x64xf32, #tpu.memory_space<vmem>> -> memref<1x8x64xf32, #tpu.memory_space<vmem>>
        %dma_start3A_2186 = arith.constant 0 : i32
        %dma_start3A_2187 = arith.constant 0 : i32
        %dma_start3A_2188 = tpu.memref_slice %arg5[%squeeze3A_2181, %dma_start3A_2186, %dma_start3A_2187] : memref<125000x8x64xf32, #tpu.memory_space<hbm>> -> memref<1x8x64xf32, #tpu.memory_space<hbm>>
        %dma_start3A_2189 = arith.constant 8 : i32
        %dma_start3A_2190 = arith.constant 0 : i32
        %dma_start3A_2191 = arith.constant 0 : i32
        %dma_start3A_2192 = tpu.memref_slice %arg15[%dma_start3A_2189, %dma_start3A_2190, %dma_start3A_2191] : memref<16x8x64xf32, #tpu.memory_space<vmem>> -> memref<1x8x64xf32, #tpu.memory_space<vmem>>
        %dma_start3A_2193 = arith.constant 0 : i32
        %dma_start3A_2194 = arith.constant 0 : i32
        %dma_start3A_2195 = tpu.memref_slice %arg5[%squeeze3A_2181, %dma_start3A_2193, %dma_start3A_2194] : memref<125000x8x64xf32, #tpu.memory_space<hbm>> -> memref<1x8x64xf32, #tpu.memory_space<hbm>>
        tpu.enqueue_dma source(%dma_start3A_2195 : memref<1x8x64xf32, #tpu.memory_space<hbm>>) target(%dma_start3A_2192 : memref<1x8x64xf32, #tpu.memory_space<vmem>>) target_semaphore(%arg22 : memref<!tpu.dma_semaphore, #tpu.memory_space<semaphore_mem>>)
        %slice3A_2196 = vector.extract_strided_slice %get3A_1905 {offsets = [9], sizes = [1], strides = [1]} : vector<16xi32> to vector<1xi32>
        %squeeze3A_2197 = vector.extract %slice3A_2196[0] : i32 from vector<1xi32>
        %dma_start3A_2198 = arith.constant 9 : i32
        %dma_start3A_2199 = arith.constant 0 : i32
        %dma_start3A_2200 = arith.constant 0 : i32
        %dma_start3A_2201 = tpu.memref_slice %arg13[%dma_start3A_2198, %dma_start3A_2199, %dma_start3A_2200] : memref<16x8x64xf32, #tpu.memory_space<vmem>> -> memref<1x8x64xf32, #tpu.memory_space<vmem>>
        %dma_start3A_2202 = arith.constant 0 : i32
        %dma_start3A_2203 = arith.constant 0 : i32
        %dma_start3A_2204 = tpu.memref_slice %arg4[%squeeze3A_2197, %dma_start3A_2202, %dma_start3A_2203] : memref<125000x8x64xf32, #tpu.memory_space<hbm>> -> memref<1x8x64xf32, #tpu.memory_space<hbm>>
        %dma_start3A_2205 = arith.constant 9 : i32
        %dma_start3A_2206 = arith.constant 0 : i32
        %dma_start3A_2207 = arith.constant 0 : i32
        %dma_start3A_2208 = tpu.memref_slice %arg13[%dma_start3A_2205, %dma_start3A_2206, %dma_start3A_2207] : memref<16x8x64xf32, #tpu.memory_space<vmem>> -> memref<1x8x64xf32, #tpu.memory_space<vmem>>
        %dma_start3A_2209 = arith.constant 0 : i32
        %dma_start3A_2210 = arith.constant 0 : i32
        %dma_start3A_2211 = tpu.memref_slice %arg4[%squeeze3A_2197, %dma_start3A_2209, %dma_start3A_2210] : memref<125000x8x64xf32, #tpu.memory_space<hbm>> -> memref<1x8x64xf32, #tpu.memory_space<hbm>>
        tpu.enqueue_dma source(%dma_start3A_2211 : memref<1x8x64xf32, #tpu.memory_space<hbm>>) target(%dma_start3A_2208 : memref<1x8x64xf32, #tpu.memory_space<vmem>>) target_semaphore(%arg20 : memref<!tpu.dma_semaphore, #tpu.memory_space<semaphore_mem>>)
        %slice3A_2212 = vector.extract_strided_slice %get3A_1907 {offsets = [9], sizes = [1], strides = [1]} : vector<16xi32> to vector<1xi32>
        %squeeze3A_2213 = vector.extract %slice3A_2212[0] : i32 from vector<1xi32>
        %dma_start3A_2214 = arith.constant 9 : i32
        %dma_start3A_2215 = arith.constant 0 : i32
        %dma_start3A_2216 = arith.constant 0 : i32
        %dma_start3A_2217 = tpu.memref_slice %arg15[%dma_start3A_2214, %dma_start3A_2215, %dma_start3A_2216] : memref<16x8x64xf32, #tpu.memory_space<vmem>> -> memref<1x8x64xf32, #tpu.memory_space<vmem>>
        %dma_start3A_2218 = arith.constant 0 : i32
        %dma_start3A_2219 = arith.constant 0 : i32
        %dma_start3A_2220 = tpu.memref_slice %arg5[%squeeze3A_2213, %dma_start3A_2218, %dma_start3A_2219] : memref<125000x8x64xf32, #tpu.memory_space<hbm>> -> memref<1x8x64xf32, #tpu.memory_space<hbm>>
        %dma_start3A_2221 = arith.constant 9 : i32
        %dma_start3A_2222 = arith.constant 0 : i32
        %dma_start3A_2223 = arith.constant 0 : i32
        %dma_start3A_2224 = tpu.memref_slice %arg15[%dma_start3A_2221, %dma_start3A_2222, %dma_start3A_2223] : memref<16x8x64xf32, #tpu.memory_space<vmem>> -> memref<1x8x64xf32, #tpu.memory_space<vmem>>
        %dma_start3A_2225 = arith.constant 0 : i32
        %dma_start3A_2226 = arith.constant 0 : i32
        %dma_start3A_2227 = tpu.memref_slice %arg5[%squeeze3A_2213, %dma_start3A_2225, %dma_start3A_2226] : memref<125000x8x64xf32, #tpu.memory_space<hbm>> -> memref<1x8x64xf32, #tpu.memory_space<hbm>>
        tpu.enqueue_dma source(%dma_start3A_2227 : memref<1x8x64xf32, #tpu.memory_space<hbm>>) target(%dma_start3A_2224 : memref<1x8x64xf32, #tpu.memory_space<vmem>>) target_semaphore(%arg22 : memref<!tpu.dma_semaphore, #tpu.memory_space<semaphore_mem>>)
        %slice3A_2228 = vector.extract_strided_slice %get3A_1905 {offsets = [10], sizes = [1], strides = [1]} : vector<16xi32> to vector<1xi32>
        %squeeze3A_2229 = vector.extract %slice3A_2228[0] : i32 from vector<1xi32>
        %dma_start3A_2230 = arith.constant 10 : i32
        %dma_start3A_2231 = arith.constant 0 : i32
        %dma_start3A_2232 = arith.constant 0 : i32
        %dma_start3A_2233 = tpu.memref_slice %arg13[%dma_start3A_2230, %dma_start3A_2231, %dma_start3A_2232] : memref<16x8x64xf32, #tpu.memory_space<vmem>> -> memref<1x8x64xf32, #tpu.memory_space<vmem>>
        %dma_start3A_2234 = arith.constant 0 : i32
        %dma_start3A_2235 = arith.constant 0 : i32
        %dma_start3A_2236 = tpu.memref_slice %arg4[%squeeze3A_2229, %dma_start3A_2234, %dma_start3A_2235] : memref<125000x8x64xf32, #tpu.memory_space<hbm>> -> memref<1x8x64xf32, #tpu.memory_space<hbm>>
        %dma_start3A_2237 = arith.constant 10 : i32
        %dma_start3A_2238 = arith.constant 0 : i32
        %dma_start3A_2239 = arith.constant 0 : i32
        %dma_start3A_2240 = tpu.memref_slice %arg13[%dma_start3A_2237, %dma_start3A_2238, %dma_start3A_2239] : memref<16x8x64xf32, #tpu.memory_space<vmem>> -> memref<1x8x64xf32, #tpu.memory_space<vmem>>
        %dma_start3A_2241 = arith.constant 0 : i32
        %dma_start3A_2242 = arith.constant 0 : i32
        %dma_start3A_2243 = tpu.memref_slice %arg4[%squeeze3A_2229, %dma_start3A_2241, %dma_start3A_2242] : memref<125000x8x64xf32, #tpu.memory_space<hbm>> -> memref<1x8x64xf32, #tpu.memory_space<hbm>>
        tpu.enqueue_dma source(%dma_start3A_2243 : memref<1x8x64xf32, #tpu.memory_space<hbm>>) target(%dma_start3A_2240 : memref<1x8x64xf32, #tpu.memory_space<vmem>>) target_semaphore(%arg20 : memref<!tpu.dma_semaphore, #tpu.memory_space<semaphore_mem>>)
        %slice3A_2244 = vector.extract_strided_slice %get3A_1907 {offsets = [10], sizes = [1], strides = [1]} : vector<16xi32> to vector<1xi32>
        %squeeze3A_2245 = vector.extract %slice3A_2244[0] : i32 from vector<1xi32>
        %dma_start3A_2246 = arith.constant 10 : i32
        %dma_start3A_2247 = arith.constant 0 : i32
        %dma_start3A_2248 = arith.constant 0 : i32
        %dma_start3A_2249 = tpu.memref_slice %arg15[%dma_start3A_2246, %dma_start3A_2247, %dma_start3A_2248] : memref<16x8x64xf32, #tpu.memory_space<vmem>> -> memref<1x8x64xf32, #tpu.memory_space<vmem>>
        %dma_start3A_2250 = arith.constant 0 : i32
        %dma_start3A_2251 = arith.constant 0 : i32
        %dma_start3A_2252 = tpu.memref_slice %arg5[%squeeze3A_2245, %dma_start3A_2250, %dma_start3A_2251] : memref<125000x8x64xf32, #tpu.memory_space<hbm>> -> memref<1x8x64xf32, #tpu.memory_space<hbm>>
        %dma_start3A_2253 = arith.constant 10 : i32
        %dma_start3A_2254 = arith.constant 0 : i32
        %dma_start3A_2255 = arith.constant 0 : i32
        %dma_start3A_2256 = tpu.memref_slice %arg15[%dma_start3A_2253, %dma_start3A_2254, %dma_start3A_2255] : memref<16x8x64xf32, #tpu.memory_space<vmem>> -> memref<1x8x64xf32, #tpu.memory_space<vmem>>
        %dma_start3A_2257 = arith.constant 0 : i32
        %dma_start3A_2258 = arith.constant 0 : i32
        %dma_start3A_2259 = tpu.memref_slice %arg5[%squeeze3A_2245, %dma_start3A_2257, %dma_start3A_2258] : memref<125000x8x64xf32, #tpu.memory_space<hbm>> -> memref<1x8x64xf32, #tpu.memory_space<hbm>>
        tpu.enqueue_dma source(%dma_start3A_2259 : memref<1x8x64xf32, #tpu.memory_space<hbm>>) target(%dma_start3A_2256 : memref<1x8x64xf32, #tpu.memory_space<vmem>>) target_semaphore(%arg22 : memref<!tpu.dma_semaphore, #tpu.memory_space<semaphore_mem>>)
        %slice3A_2260 = vector.extract_strided_slice %get3A_1905 {offsets = [11], sizes = [1], strides = [1]} : vector<16xi32> to vector<1xi32>
        %squeeze3A_2261 = vector.extract %slice3A_2260[0] : i32 from vector<1xi32>
        %dma_start3A_2262 = arith.constant 11 : i32
        %dma_start3A_2263 = arith.constant 0 : i32
        %dma_start3A_2264 = arith.constant 0 : i32
        %dma_start3A_2265 = tpu.memref_slice %arg13[%dma_start3A_2262, %dma_start3A_2263, %dma_start3A_2264] : memref<16x8x64xf32, #tpu.memory_space<vmem>> -> memref<1x8x64xf32, #tpu.memory_space<vmem>>
        %dma_start3A_2266 = arith.constant 0 : i32
        %dma_start3A_2267 = arith.constant 0 : i32
        %dma_start3A_2268 = tpu.memref_slice %arg4[%squeeze3A_2261, %dma_start3A_2266, %dma_start3A_2267] : memref<125000x8x64xf32, #tpu.memory_space<hbm>> -> memref<1x8x64xf32, #tpu.memory_space<hbm>>
        %dma_start3A_2269 = arith.constant 11 : i32
        %dma_start3A_2270 = arith.constant 0 : i32
        %dma_start3A_2271 = arith.constant 0 : i32
        %dma_start3A_2272 = tpu.memref_slice %arg13[%dma_start3A_2269, %dma_start3A_2270, %dma_start3A_2271] : memref<16x8x64xf32, #tpu.memory_space<vmem>> -> memref<1x8x64xf32, #tpu.memory_space<vmem>>
        %dma_start3A_2273 = arith.constant 0 : i32
        %dma_start3A_2274 = arith.constant 0 : i32
        %dma_start3A_2275 = tpu.memref_slice %arg4[%squeeze3A_2261, %dma_start3A_2273, %dma_start3A_2274] : memref<125000x8x64xf32, #tpu.memory_space<hbm>> -> memref<1x8x64xf32, #tpu.memory_space<hbm>>
        tpu.enqueue_dma source(%dma_start3A_2275 : memref<1x8x64xf32, #tpu.memory_space<hbm>>) target(%dma_start3A_2272 : memref<1x8x64xf32, #tpu.memory_space<vmem>>) target_semaphore(%arg20 : memref<!tpu.dma_semaphore, #tpu.memory_space<semaphore_mem>>)
        %slice3A_2276 = vector.extract_strided_slice %get3A_1907 {offsets = [11], sizes = [1], strides = [1]} : vector<16xi32> to vector<1xi32>
        %squeeze3A_2277 = vector.extract %slice3A_2276[0] : i32 from vector<1xi32>
        %dma_start3A_2278 = arith.constant 11 : i32
        %dma_start3A_2279 = arith.constant 0 : i32
        %dma_start3A_2280 = arith.constant 0 : i32
        %dma_start3A_2281 = tpu.memref_slice %arg15[%dma_start3A_2278, %dma_start3A_2279, %dma_start3A_2280] : memref<16x8x64xf32, #tpu.memory_space<vmem>> -> memref<1x8x64xf32, #tpu.memory_space<vmem>>
        %dma_start3A_2282 = arith.constant 0 : i32
        %dma_start3A_2283 = arith.constant 0 : i32
        %dma_start3A_2284 = tpu.memref_slice %arg5[%squeeze3A_2277, %dma_start3A_2282, %dma_start3A_2283] : memref<125000x8x64xf32, #tpu.memory_space<hbm>> -> memref<1x8x64xf32, #tpu.memory_space<hbm>>
        %dma_start3A_2285 = arith.constant 11 : i32
        %dma_start3A_2286 = arith.constant 0 : i32
        %dma_start3A_2287 = arith.constant 0 : i32
        %dma_start3A_2288 = tpu.memref_slice %arg15[%dma_start3A_2285, %dma_start3A_2286, %dma_start3A_2287] : memref<16x8x64xf32, #tpu.memory_space<vmem>> -> memref<1x8x64xf32, #tpu.memory_space<vmem>>
        %dma_start3A_2289 = arith.constant 0 : i32
        %dma_start3A_2290 = arith.constant 0 : i32
        %dma_start3A_2291 = tpu.memref_slice %arg5[%squeeze3A_2277, %dma_start3A_2289, %dma_start3A_2290] : memref<125000x8x64xf32, #tpu.memory_space<hbm>> -> memref<1x8x64xf32, #tpu.memory_space<hbm>>
        tpu.enqueue_dma source(%dma_start3A_2291 : memref<1x8x64xf32, #tpu.memory_space<hbm>>) target(%dma_start3A_2288 : memref<1x8x64xf32, #tpu.memory_space<vmem>>) target_semaphore(%arg22 : memref<!tpu.dma_semaphore, #tpu.memory_space<semaphore_mem>>)
        %slice3A_2292 = vector.extract_strided_slice %get3A_1905 {offsets = [12], sizes = [1], strides = [1]} : vector<16xi32> to vector<1xi32>
        %squeeze3A_2293 = vector.extract %slice3A_2292[0] : i32 from vector<1xi32>
        %dma_start3A_2294 = arith.constant 12 : i32
        %dma_start3A_2295 = arith.constant 0 : i32
        %dma_start3A_2296 = arith.constant 0 : i32
        %dma_start3A_2297 = tpu.memref_slice %arg13[%dma_start3A_2294, %dma_start3A_2295, %dma_start3A_2296] : memref<16x8x64xf32, #tpu.memory_space<vmem>> -> memref<1x8x64xf32, #tpu.memory_space<vmem>>
        %dma_start3A_2298 = arith.constant 0 : i32
        %dma_start3A_2299 = arith.constant 0 : i32
        %dma_start3A_2300 = tpu.memref_slice %arg4[%squeeze3A_2293, %dma_start3A_2298, %dma_start3A_2299] : memref<125000x8x64xf32, #tpu.memory_space<hbm>> -> memref<1x8x64xf32, #tpu.memory_space<hbm>>
        %dma_start3A_2301 = arith.constant 12 : i32
        %dma_start3A_2302 = arith.constant 0 : i32
        %dma_start3A_2303 = arith.constant 0 : i32
        %dma_start3A_2304 = tpu.memref_slice %arg13[%dma_start3A_2301, %dma_start3A_2302, %dma_start3A_2303] : memref<16x8x64xf32, #tpu.memory_space<vmem>> -> memref<1x8x64xf32, #tpu.memory_space<vmem>>
        %dma_start3A_2305 = arith.constant 0 : i32
        %dma_start3A_2306 = arith.constant 0 : i32
        %dma_start3A_2307 = tpu.memref_slice %arg4[%squeeze3A_2293, %dma_start3A_2305, %dma_start3A_2306] : memref<125000x8x64xf32, #tpu.memory_space<hbm>> -> memref<1x8x64xf32, #tpu.memory_space<hbm>>
        tpu.enqueue_dma source(%dma_start3A_2307 : memref<1x8x64xf32, #tpu.memory_space<hbm>>) target(%dma_start3A_2304 : memref<1x8x64xf32, #tpu.memory_space<vmem>>) target_semaphore(%arg20 : memref<!tpu.dma_semaphore, #tpu.memory_space<semaphore_mem>>)
        %slice3A_2308 = vector.extract_strided_slice %get3A_1907 {offsets = [12], sizes = [1], strides = [1]} : vector<16xi32> to vector<1xi32>
        %squeeze3A_2309 = vector.extract %slice3A_2308[0] : i32 from vector<1xi32>
        %dma_start3A_2310 = arith.constant 12 : i32
        %dma_start3A_2311 = arith.constant 0 : i32
        %dma_start3A_2312 = arith.constant 0 : i32
        %dma_start3A_2313 = tpu.memref_slice %arg15[%dma_start3A_2310, %dma_start3A_2311, %dma_start3A_2312] : memref<16x8x64xf32, #tpu.memory_space<vmem>> -> memref<1x8x64xf32, #tpu.memory_space<vmem>>
        %dma_start3A_2314 = arith.constant 0 : i32
        %dma_start3A_2315 = arith.constant 0 : i32
        %dma_start3A_2316 = tpu.memref_slice %arg5[%squeeze3A_2309, %dma_start3A_2314, %dma_start3A_2315] : memref<125000x8x64xf32, #tpu.memory_space<hbm>> -> memref<1x8x64xf32, #tpu.memory_space<hbm>>
        %dma_start3A_2317 = arith.constant 12 : i32
        %dma_start3A_2318 = arith.constant 0 : i32
        %dma_start3A_2319 = arith.constant 0 : i32
        %dma_start3A_2320 = tpu.memref_slice %arg15[%dma_start3A_2317, %dma_start3A_2318, %dma_start3A_2319] : memref<16x8x64xf32, #tpu.memory_space<vmem>> -> memref<1x8x64xf32, #tpu.memory_space<vmem>>
        %dma_start3A_2321 = arith.constant 0 : i32
        %dma_start3A_2322 = arith.constant 0 : i32
        %dma_start3A_2323 = tpu.memref_slice %arg5[%squeeze3A_2309, %dma_start3A_2321, %dma_start3A_2322] : memref<125000x8x64xf32, #tpu.memory_space<hbm>> -> memref<1x8x64xf32, #tpu.memory_space<hbm>>
        tpu.enqueue_dma source(%dma_start3A_2323 : memref<1x8x64xf32, #tpu.memory_space<hbm>>) target(%dma_start3A_2320 : memref<1x8x64xf32, #tpu.memory_space<vmem>>) target_semaphore(%arg22 : memref<!tpu.dma_semaphore, #tpu.memory_space<semaphore_mem>>)
        %slice3A_2324 = vector.extract_strided_slice %get3A_1905 {offsets = [13], sizes = [1], strides = [1]} : vector<16xi32> to vector<1xi32>
        %squeeze3A_2325 = vector.extract %slice3A_2324[0] : i32 from vector<1xi32>
        %dma_start3A_2326 = arith.constant 13 : i32
        %dma_start3A_2327 = arith.constant 0 : i32
        %dma_start3A_2328 = arith.constant 0 : i32
        %dma_start3A_2329 = tpu.memref_slice %arg13[%dma_start3A_2326, %dma_start3A_2327, %dma_start3A_2328] : memref<16x8x64xf32, #tpu.memory_space<vmem>> -> memref<1x8x64xf32, #tpu.memory_space<vmem>>
        %dma_start3A_2330 = arith.constant 0 : i32
        %dma_start3A_2331 = arith.constant 0 : i32
        %dma_start3A_2332 = tpu.memref_slice %arg4[%squeeze3A_2325, %dma_start3A_2330, %dma_start3A_2331] : memref<125000x8x64xf32, #tpu.memory_space<hbm>> -> memref<1x8x64xf32, #tpu.memory_space<hbm>>
        %dma_start3A_2333 = arith.constant 13 : i32
        %dma_start3A_2334 = arith.constant 0 : i32
        %dma_start3A_2335 = arith.constant 0 : i32
        %dma_start3A_2336 = tpu.memref_slice %arg13[%dma_start3A_2333, %dma_start3A_2334, %dma_start3A_2335] : memref<16x8x64xf32, #tpu.memory_space<vmem>> -> memref<1x8x64xf32, #tpu.memory_space<vmem>>
        %dma_start3A_2337 = arith.constant 0 : i32
        %dma_start3A_2338 = arith.constant 0 : i32
        %dma_start3A_2339 = tpu.memref_slice %arg4[%squeeze3A_2325, %dma_start3A_2337, %dma_start3A_2338] : memref<125000x8x64xf32, #tpu.memory_space<hbm>> -> memref<1x8x64xf32, #tpu.memory_space<hbm>>
        tpu.enqueue_dma source(%dma_start3A_2339 : memref<1x8x64xf32, #tpu.memory_space<hbm>>) target(%dma_start3A_2336 : memref<1x8x64xf32, #tpu.memory_space<vmem>>) target_semaphore(%arg20 : memref<!tpu.dma_semaphore, #tpu.memory_space<semaphore_mem>>)
        %slice3A_2340 = vector.extract_strided_slice %get3A_1907 {offsets = [13], sizes = [1], strides = [1]} : vector<16xi32> to vector<1xi32>
        %squeeze3A_2341 = vector.extract %slice3A_2340[0] : i32 from vector<1xi32>
        %dma_start3A_2342 = arith.constant 13 : i32
        %dma_start3A_2343 = arith.constant 0 : i32
        %dma_start3A_2344 = arith.constant 0 : i32
        %dma_start3A_2345 = tpu.memref_slice %arg15[%dma_start3A_2342, %dma_start3A_2343, %dma_start3A_2344] : memref<16x8x64xf32, #tpu.memory_space<vmem>> -> memref<1x8x64xf32, #tpu.memory_space<vmem>>
        %dma_start3A_2346 = arith.constant 0 : i32
        %dma_start3A_2347 = arith.constant 0 : i32
        %dma_start3A_2348 = tpu.memref_slice %arg5[%squeeze3A_2341, %dma_start3A_2346, %dma_start3A_2347] : memref<125000x8x64xf32, #tpu.memory_space<hbm>> -> memref<1x8x64xf32, #tpu.memory_space<hbm>>
        %dma_start3A_2349 = arith.constant 13 : i32
        %dma_start3A_2350 = arith.constant 0 : i32
        %dma_start3A_2351 = arith.constant 0 : i32
        %dma_start3A_2352 = tpu.memref_slice %arg15[%dma_start3A_2349, %dma_start3A_2350, %dma_start3A_2351] : memref<16x8x64xf32, #tpu.memory_space<vmem>> -> memref<1x8x64xf32, #tpu.memory_space<vmem>>
        %dma_start3A_2353 = arith.constant 0 : i32
        %dma_start3A_2354 = arith.constant 0 : i32
        %dma_start3A_2355 = tpu.memref_slice %arg5[%squeeze3A_2341, %dma_start3A_2353, %dma_start3A_2354] : memref<125000x8x64xf32, #tpu.memory_space<hbm>> -> memref<1x8x64xf32, #tpu.memory_space<hbm>>
        tpu.enqueue_dma source(%dma_start3A_2355 : memref<1x8x64xf32, #tpu.memory_space<hbm>>) target(%dma_start3A_2352 : memref<1x8x64xf32, #tpu.memory_space<vmem>>) target_semaphore(%arg22 : memref<!tpu.dma_semaphore, #tpu.memory_space<semaphore_mem>>)
        %slice3A_2356 = vector.extract_strided_slice %get3A_1905 {offsets = [14], sizes = [1], strides = [1]} : vector<16xi32> to vector<1xi32>
        %squeeze3A_2357 = vector.extract %slice3A_2356[0] : i32 from vector<1xi32>
        %dma_start3A_2358 = arith.constant 14 : i32
        %dma_start3A_2359 = arith.constant 0 : i32
        %dma_start3A_2360 = arith.constant 0 : i32
        %dma_start3A_2361 = tpu.memref_slice %arg13[%dma_start3A_2358, %dma_start3A_2359, %dma_start3A_2360] : memref<16x8x64xf32, #tpu.memory_space<vmem>> -> memref<1x8x64xf32, #tpu.memory_space<vmem>>
        %dma_start3A_2362 = arith.constant 0 : i32
        %dma_start3A_2363 = arith.constant 0 : i32
        %dma_start3A_2364 = tpu.memref_slice %arg4[%squeeze3A_2357, %dma_start3A_2362, %dma_start3A_2363] : memref<125000x8x64xf32, #tpu.memory_space<hbm>> -> memref<1x8x64xf32, #tpu.memory_space<hbm>>
        %dma_start3A_2365 = arith.constant 14 : i32
        %dma_start3A_2366 = arith.constant 0 : i32
        %dma_start3A_2367 = arith.constant 0 : i32
        %dma_start3A_2368 = tpu.memref_slice %arg13[%dma_start3A_2365, %dma_start3A_2366, %dma_start3A_2367] : memref<16x8x64xf32, #tpu.memory_space<vmem>> -> memref<1x8x64xf32, #tpu.memory_space<vmem>>
        %dma_start3A_2369 = arith.constant 0 : i32
        %dma_start3A_2370 = arith.constant 0 : i32
        %dma_start3A_2371 = tpu.memref_slice %arg4[%squeeze3A_2357, %dma_start3A_2369, %dma_start3A_2370] : memref<125000x8x64xf32, #tpu.memory_space<hbm>> -> memref<1x8x64xf32, #tpu.memory_space<hbm>>
        tpu.enqueue_dma source(%dma_start3A_2371 : memref<1x8x64xf32, #tpu.memory_space<hbm>>) target(%dma_start3A_2368 : memref<1x8x64xf32, #tpu.memory_space<vmem>>) target_semaphore(%arg20 : memref<!tpu.dma_semaphore, #tpu.memory_space<semaphore_mem>>)
        %slice3A_2372 = vector.extract_strided_slice %get3A_1907 {offsets = [14], sizes = [1], strides = [1]} : vector<16xi32> to vector<1xi32>
        %squeeze3A_2373 = vector.extract %slice3A_2372[0] : i32 from vector<1xi32>
        %dma_start3A_2374 = arith.constant 14 : i32
        %dma_start3A_2375 = arith.constant 0 : i32
        %dma_start3A_2376 = arith.constant 0 : i32
        %dma_start3A_2377 = tpu.memref_slice %arg15[%dma_start3A_2374, %dma_start3A_2375, %dma_start3A_2376] : memref<16x8x64xf32, #tpu.memory_space<vmem>> -> memref<1x8x64xf32, #tpu.memory_space<vmem>>
        %dma_start3A_2378 = arith.constant 0 : i32
        %dma_start3A_2379 = arith.constant 0 : i32
        %dma_start3A_2380 = tpu.memref_slice %arg5[%squeeze3A_2373, %dma_start3A_2378, %dma_start3A_2379] : memref<125000x8x64xf32, #tpu.memory_space<hbm>> -> memref<1x8x64xf32, #tpu.memory_space<hbm>>
        %dma_start3A_2381 = arith.constant 14 : i32
        %dma_start3A_2382 = arith.constant 0 : i32
        %dma_start3A_2383 = arith.constant 0 : i32
        %dma_start3A_2384 = tpu.memref_slice %arg15[%dma_start3A_2381, %dma_start3A_2382, %dma_start3A_2383] : memref<16x8x64xf32, #tpu.memory_space<vmem>> -> memref<1x8x64xf32, #tpu.memory_space<vmem>>
        %dma_start3A_2385 = arith.constant 0 : i32
        %dma_start3A_2386 = arith.constant 0 : i32
        %dma_start3A_2387 = tpu.memref_slice %arg5[%squeeze3A_2373, %dma_start3A_2385, %dma_start3A_2386] : memref<125000x8x64xf32, #tpu.memory_space<hbm>> -> memref<1x8x64xf32, #tpu.memory_space<hbm>>
        tpu.enqueue_dma source(%dma_start3A_2387 : memref<1x8x64xf32, #tpu.memory_space<hbm>>) target(%dma_start3A_2384 : memref<1x8x64xf32, #tpu.memory_space<vmem>>) target_semaphore(%arg22 : memref<!tpu.dma_semaphore, #tpu.memory_space<semaphore_mem>>)
        %slice3A_2388 = vector.extract_strided_slice %get3A_1905 {offsets = [15], sizes = [1], strides = [1]} : vector<16xi32> to vector<1xi32>
        %squeeze3A_2389 = vector.extract %slice3A_2388[0] : i32 from vector<1xi32>
        %dma_start3A_2390 = arith.constant 15 : i32
        %dma_start3A_2391 = arith.constant 0 : i32
        %dma_start3A_2392 = arith.constant 0 : i32
        %dma_start3A_2393 = tpu.memref_slice %arg13[%dma_start3A_2390, %dma_start3A_2391, %dma_start3A_2392] : memref<16x8x64xf32, #tpu.memory_space<vmem>> -> memref<1x8x64xf32, #tpu.memory_space<vmem>>
        %dma_start3A_2394 = arith.constant 0 : i32
        %dma_start3A_2395 = arith.constant 0 : i32
        %dma_start3A_2396 = tpu.memref_slice %arg4[%squeeze3A_2389, %dma_start3A_2394, %dma_start3A_2395] : memref<125000x8x64xf32, #tpu.memory_space<hbm>> -> memref<1x8x64xf32, #tpu.memory_space<hbm>>
        %dma_start3A_2397 = arith.constant 15 : i32
        %dma_start3A_2398 = arith.constant 0 : i32
        %dma_start3A_2399 = arith.constant 0 : i32
        %dma_start3A_2400 = tpu.memref_slice %arg13[%dma_start3A_2397, %dma_start3A_2398, %dma_start3A_2399] : memref<16x8x64xf32, #tpu.memory_space<vmem>> -> memref<1x8x64xf32, #tpu.memory_space<vmem>>
        %dma_start3A_2401 = arith.constant 0 : i32
        %dma_start3A_2402 = arith.constant 0 : i32
        %dma_start3A_2403 = tpu.memref_slice %arg4[%squeeze3A_2389, %dma_start3A_2401, %dma_start3A_2402] : memref<125000x8x64xf32, #tpu.memory_space<hbm>> -> memref<1x8x64xf32, #tpu.memory_space<hbm>>
        tpu.enqueue_dma source(%dma_start3A_2403 : memref<1x8x64xf32, #tpu.memory_space<hbm>>) target(%dma_start3A_2400 : memref<1x8x64xf32, #tpu.memory_space<vmem>>) target_semaphore(%arg20 : memref<!tpu.dma_semaphore, #tpu.memory_space<semaphore_mem>>)
        %slice3A_2404 = vector.extract_strided_slice %get3A_1907 {offsets = [15], sizes = [1], strides = [1]} : vector<16xi32> to vector<1xi32>
        %squeeze3A_2405 = vector.extract %slice3A_2404[0] : i32 from vector<1xi32>
        %dma_start3A_2406 = arith.constant 15 : i32
        %dma_start3A_2407 = arith.constant 0 : i32
        %dma_start3A_2408 = arith.constant 0 : i32
        %dma_start3A_2409 = tpu.memref_slice %arg15[%dma_start3A_2406, %dma_start3A_2407, %dma_start3A_2408] : memref<16x8x64xf32, #tpu.memory_space<vmem>> -> memref<1x8x64xf32, #tpu.memory_space<vmem>>
        %dma_start3A_2410 = arith.constant 0 : i32
        %dma_start3A_2411 = arith.constant 0 : i32
        %dma_start3A_2412 = tpu.memref_slice %arg5[%squeeze3A_2405, %dma_start3A_2410, %dma_start3A_2411] : memref<125000x8x64xf32, #tpu.memory_space<hbm>> -> memref<1x8x64xf32, #tpu.memory_space<hbm>>
        %dma_start3A_2413 = arith.constant 15 : i32
        %dma_start3A_2414 = arith.constant 0 : i32
        %dma_start3A_2415 = arith.constant 0 : i32
        %dma_start3A_2416 = tpu.memref_slice %arg15[%dma_start3A_2413, %dma_start3A_2414, %dma_start3A_2415] : memref<16x8x64xf32, #tpu.memory_space<vmem>> -> memref<1x8x64xf32, #tpu.memory_space<vmem>>
        %dma_start3A_2417 = arith.constant 0 : i32
        %dma_start3A_2418 = arith.constant 0 : i32
        %dma_start3A_2419 = tpu.memref_slice %arg5[%squeeze3A_2405, %dma_start3A_2417, %dma_start3A_2418] : memref<125000x8x64xf32, #tpu.memory_space<hbm>> -> memref<1x8x64xf32, #tpu.memory_space<hbm>>
        tpu.enqueue_dma source(%dma_start3A_2419 : memref<1x8x64xf32, #tpu.memory_space<hbm>>) target(%dma_start3A_2416 : memref<1x8x64xf32, #tpu.memory_space<vmem>>) target_semaphore(%arg22 : memref<!tpu.dma_semaphore, #tpu.memory_space<semaphore_mem>>)
      } else {
      }
      %dma_wait3A_1476 = arith.constant 0 : i32
      %dma_wait3A_1477 = arith.constant 0 : i32
      %dma_wait3A_1478 = arith.constant 0 : i32
      %dma_wait3A_1479 = tpu.memref_slice %arg4[%dma_wait3A_1476, %dma_wait3A_1477, %dma_wait3A_1478] : memref<125000x8x64xf32, #tpu.memory_space<hbm>> -> memref<16x8x64xf32, #tpu.memory_space<hbm>>
      %dma_wait3A_1480 = arith.constant 0 : i32
      %dma_wait3A_1481 = arith.constant 0 : i32
      %dma_wait3A_1482 = arith.constant 0 : i32
      %dma_wait3A_1483 = tpu.memref_slice %arg4[%dma_wait3A_1480, %dma_wait3A_1481, %dma_wait3A_1482] : memref<125000x8x64xf32, #tpu.memory_space<hbm>> -> memref<16x8x64xf32, #tpu.memory_space<hbm>>
      tpu.wait_dma2 semaphore(%arg21 : memref<!tpu.dma_semaphore, #tpu.memory_space<semaphore_mem>>) src(%dma_wait3A_1483 : memref<16x8x64xf32, #tpu.memory_space<hbm>>) dst(%arg14 : memref<16x8x64xf32, #tpu.memory_space<vmem>>)
      %dma_wait3A_1484 = arith.constant 0 : i32
      %dma_wait3A_1485 = arith.constant 0 : i32
      %dma_wait3A_1486 = arith.constant 0 : i32
      %dma_wait3A_1487 = tpu.memref_slice %arg5[%dma_wait3A_1484, %dma_wait3A_1485, %dma_wait3A_1486] : memref<125000x8x64xf32, #tpu.memory_space<hbm>> -> memref<16x8x64xf32, #tpu.memory_space<hbm>>
      %dma_wait3A_1488 = arith.constant 0 : i32
      %dma_wait3A_1489 = arith.constant 0 : i32
      %dma_wait3A_1490 = arith.constant 0 : i32
      %dma_wait3A_1491 = tpu.memref_slice %arg5[%dma_wait3A_1488, %dma_wait3A_1489, %dma_wait3A_1490] : memref<125000x8x64xf32, #tpu.memory_space<hbm>> -> memref<16x8x64xf32, #tpu.memory_space<hbm>>
      tpu.wait_dma2 semaphore(%arg23 : memref<!tpu.dma_semaphore, #tpu.memory_space<semaphore_mem>>) src(%dma_wait3A_1491 : memref<16x8x64xf32, #tpu.memory_space<hbm>>) dst(%arg16 : memref<16x8x64xf32, #tpu.memory_space<vmem>>)
      %add3A_1492 = arith.constant 1 : i32
      %add3A_1493 = arith.addi %mul3A_535, %add3A_1492 : i32
      %mul3A_1494 = arith.constant 16 : i32
      %mul3A_1495 = arith.muli %add3A_1493, %mul3A_1494 : i32
      %get3A_1496 = arith.index_cast %mul3A_1495 : i32 to index
      %get3A_1497 = tpu.vector_load %arg9[%get3A_1496] {strides = array<i32>} : memref<512xi32, #tpu.memory_space<vmem>>, vector<16xi32>,
      %and3A_1498 = arith.constant 7 : i32
      %and3A_1499 = vector.broadcast %and3A_1498 : i32 to vector<16xi32>
      %and3A_1500 = arith.andi %get3A_1497, %and3A_1499 : vector<16xi32>
      %get3A_1501 = arith.index_cast %mul3A_1495 : i32 to index
      %get3A_1502 = tpu.vector_load %arg10[%get3A_1501] {strides = array<i32>} : memref<512xi32, #tpu.memory_space<vmem>>, vector<16xi32>,
      %and3A_1503 = arith.constant 7 : i32
      %and3A_1504 = vector.broadcast %and3A_1503 : i32 to vector<16xi32>
      %and3A_1505 = arith.andi %get3A_1502, %and3A_1504 : vector<16xi32>
      %broadcast_in_dim3A_1506 = arith.constant 0.000000e+00 : f32
      %broadcast_in_dim3A_1507 = vector.broadcast %broadcast_in_dim3A_1506 : f32 to vector<16xf32>
      %broadcast_in_dim3A_1508 = arith.constant 0 : i32
      %broadcast_in_dim3A_1509 = vector.broadcast %broadcast_in_dim3A_1508 : i32 to vector<16xi32>
      %gather3A_1510 = tpu.vector_load_idx %arg14[%iota3A, %and3A_1500, %broadcast_in_dim3A_1509] : memref<16x8x64xf32, #tpu.memory_space<vmem>>[vector<16xi32>, vector<16xi32>, vector<16xi32>], vector<16xf32>,
      %gather3A_1511 = tpu.vector_load_idx %arg16[%iota3A, %and3A_1505, %broadcast_in_dim3A_1509] : memref<16x8x64xf32, #tpu.memory_space<vmem>>[vector<16xi32>, vector<16xi32>, vector<16xi32>], vector<16xf32>,
      %mul3A_1512 = arith.mulf %gather3A_1510, %gather3A_1511 : vector<16xf32>
      %add3A_1513 = arith.addf %broadcast_in_dim3A_1507, %mul3A_1512 : vector<16xf32>
      %broadcast_in_dim3A_1514 = arith.constant 1 : i32
      %broadcast_in_dim3A_1515 = vector.broadcast %broadcast_in_dim3A_1514 : i32 to vector<16xi32>
      %gather3A_1516 = tpu.vector_load_idx %arg14[%iota3A, %and3A_1500, %broadcast_in_dim3A_1515] : memref<16x8x64xf32, #tpu.memory_space<vmem>>[vector<16xi32>, vector<16xi32>, vector<16xi32>], vector<16xf32>,
      %gather3A_1517 = tpu.vector_load_idx %arg16[%iota3A, %and3A_1505, %broadcast_in_dim3A_1515] : memref<16x8x64xf32, #tpu.memory_space<vmem>>[vector<16xi32>, vector<16xi32>, vector<16xi32>], vector<16xf32>,
      %mul3A_1518 = arith.mulf %gather3A_1516, %gather3A_1517 : vector<16xf32>
      %add3A_1519 = arith.addf %add3A_1513, %mul3A_1518 : vector<16xf32>
      %broadcast_in_dim3A_1520 = arith.constant 2 : i32
      %broadcast_in_dim3A_1521 = vector.broadcast %broadcast_in_dim3A_1520 : i32 to vector<16xi32>
      %gather3A_1522 = tpu.vector_load_idx %arg14[%iota3A, %and3A_1500, %broadcast_in_dim3A_1521] : memref<16x8x64xf32, #tpu.memory_space<vmem>>[vector<16xi32>, vector<16xi32>, vector<16xi32>], vector<16xf32>,
      %gather3A_1523 = tpu.vector_load_idx %arg16[%iota3A, %and3A_1505, %broadcast_in_dim3A_1521] : memref<16x8x64xf32, #tpu.memory_space<vmem>>[vector<16xi32>, vector<16xi32>, vector<16xi32>], vector<16xf32>,
      %mul3A_1524 = arith.mulf %gather3A_1522, %gather3A_1523 : vector<16xf32>
      %add3A_1525 = arith.addf %add3A_1519, %mul3A_1524 : vector<16xf32>
      %broadcast_in_dim3A_1526 = arith.constant 3 : i32
      %broadcast_in_dim3A_1527 = vector.broadcast %broadcast_in_dim3A_1526 : i32 to vector<16xi32>
      %gather3A_1528 = tpu.vector_load_idx %arg14[%iota3A, %and3A_1500, %broadcast_in_dim3A_1527] : memref<16x8x64xf32, #tpu.memory_space<vmem>>[vector<16xi32>, vector<16xi32>, vector<16xi32>], vector<16xf32>,
      %gather3A_1529 = tpu.vector_load_idx %arg16[%iota3A, %and3A_1505, %broadcast_in_dim3A_1527] : memref<16x8x64xf32, #tpu.memory_space<vmem>>[vector<16xi32>, vector<16xi32>, vector<16xi32>], vector<16xf32>,
      %mul3A_1530 = arith.mulf %gather3A_1528, %gather3A_1529 : vector<16xf32>
      %add3A_1531 = arith.addf %add3A_1525, %mul3A_1530 : vector<16xf32>
      %broadcast_in_dim3A_1532 = arith.constant 4 : i32
      %broadcast_in_dim3A_1533 = vector.broadcast %broadcast_in_dim3A_1532 : i32 to vector<16xi32>
      %gather3A_1534 = tpu.vector_load_idx %arg14[%iota3A, %and3A_1500, %broadcast_in_dim3A_1533] : memref<16x8x64xf32, #tpu.memory_space<vmem>>[vector<16xi32>, vector<16xi32>, vector<16xi32>], vector<16xf32>,
      %gather3A_1535 = tpu.vector_load_idx %arg16[%iota3A, %and3A_1505, %broadcast_in_dim3A_1533] : memref<16x8x64xf32, #tpu.memory_space<vmem>>[vector<16xi32>, vector<16xi32>, vector<16xi32>], vector<16xf32>,
      %mul3A_1536 = arith.mulf %gather3A_1534, %gather3A_1535 : vector<16xf32>
      %add3A_1537 = arith.addf %add3A_1531, %mul3A_1536 : vector<16xf32>
      %broadcast_in_dim3A_1538 = arith.constant 5 : i32
      %broadcast_in_dim3A_1539 = vector.broadcast %broadcast_in_dim3A_1538 : i32 to vector<16xi32>
      %gather3A_1540 = tpu.vector_load_idx %arg14[%iota3A, %and3A_1500, %broadcast_in_dim3A_1539] : memref<16x8x64xf32, #tpu.memory_space<vmem>>[vector<16xi32>, vector<16xi32>, vector<16xi32>], vector<16xf32>,
      %gather3A_1541 = tpu.vector_load_idx %arg16[%iota3A, %and3A_1505, %broadcast_in_dim3A_1539] : memref<16x8x64xf32, #tpu.memory_space<vmem>>[vector<16xi32>, vector<16xi32>, vector<16xi32>], vector<16xf32>,
      %mul3A_1542 = arith.mulf %gather3A_1540, %gather3A_1541 : vector<16xf32>
      %add3A_1543 = arith.addf %add3A_1537, %mul3A_1542 : vector<16xf32>
      %broadcast_in_dim3A_1544 = arith.constant 6 : i32
      %broadcast_in_dim3A_1545 = vector.broadcast %broadcast_in_dim3A_1544 : i32 to vector<16xi32>
      %gather3A_1546 = tpu.vector_load_idx %arg14[%iota3A, %and3A_1500, %broadcast_in_dim3A_1545] : memref<16x8x64xf32, #tpu.memory_space<vmem>>[vector<16xi32>, vector<16xi32>, vector<16xi32>], vector<16xf32>,
      %gather3A_1547 = tpu.vector_load_idx %arg16[%iota3A, %and3A_1505, %broadcast_in_dim3A_1545] : memref<16x8x64xf32, #tpu.memory_space<vmem>>[vector<16xi32>, vector<16xi32>, vector<16xi32>], vector<16xf32>,
      %mul3A_1548 = arith.mulf %gather3A_1546, %gather3A_1547 : vector<16xf32>
      %add3A_1549 = arith.addf %add3A_1543, %mul3A_1548 : vector<16xf32>
      %broadcast_in_dim3A_1550 = arith.constant 7 : i32
      %broadcast_in_dim3A_1551 = vector.broadcast %broadcast_in_dim3A_1550 : i32 to vector<16xi32>
      %gather3A_1552 = tpu.vector_load_idx %arg14[%iota3A, %and3A_1500, %broadcast_in_dim3A_1551] : memref<16x8x64xf32, #tpu.memory_space<vmem>>[vector<16xi32>, vector<16xi32>, vector<16xi32>], vector<16xf32>,
      %gather3A_1553 = tpu.vector_load_idx %arg16[%iota3A, %and3A_1505, %broadcast_in_dim3A_1551] : memref<16x8x64xf32, #tpu.memory_space<vmem>>[vector<16xi32>, vector<16xi32>, vector<16xi32>], vector<16xf32>,
      %mul3A_1554 = arith.mulf %gather3A_1552, %gather3A_1553 : vector<16xf32>
      %add3A_1555 = arith.addf %add3A_1549, %mul3A_1554 : vector<16xf32>
      %broadcast_in_dim3A_1556 = arith.constant 8 : i32
      %broadcast_in_dim3A_1557 = vector.broadcast %broadcast_in_dim3A_1556 : i32 to vector<16xi32>
      %gather3A_1558 = tpu.vector_load_idx %arg14[%iota3A, %and3A_1500, %broadcast_in_dim3A_1557] : memref<16x8x64xf32, #tpu.memory_space<vmem>>[vector<16xi32>, vector<16xi32>, vector<16xi32>], vector<16xf32>,
      %gather3A_1559 = tpu.vector_load_idx %arg16[%iota3A, %and3A_1505, %broadcast_in_dim3A_1557] : memref<16x8x64xf32, #tpu.memory_space<vmem>>[vector<16xi32>, vector<16xi32>, vector<16xi32>], vector<16xf32>,
      %mul3A_1560 = arith.mulf %gather3A_1558, %gather3A_1559 : vector<16xf32>
      %add3A_1561 = arith.addf %add3A_1555, %mul3A_1560 : vector<16xf32>
      %broadcast_in_dim3A_1562 = arith.constant 9 : i32
      %broadcast_in_dim3A_1563 = vector.broadcast %broadcast_in_dim3A_1562 : i32 to vector<16xi32>
      %gather3A_1564 = tpu.vector_load_idx %arg14[%iota3A, %and3A_1500, %broadcast_in_dim3A_1563] : memref<16x8x64xf32, #tpu.memory_space<vmem>>[vector<16xi32>, vector<16xi32>, vector<16xi32>], vector<16xf32>,
      %gather3A_1565 = tpu.vector_load_idx %arg16[%iota3A, %and3A_1505, %broadcast_in_dim3A_1563] : memref<16x8x64xf32, #tpu.memory_space<vmem>>[vector<16xi32>, vector<16xi32>, vector<16xi32>], vector<16xf32>,
      %mul3A_1566 = arith.mulf %gather3A_1564, %gather3A_1565 : vector<16xf32>
      %add3A_1567 = arith.addf %add3A_1561, %mul3A_1566 : vector<16xf32>
      %broadcast_in_dim3A_1568 = arith.constant 10 : i32
      %broadcast_in_dim3A_1569 = vector.broadcast %broadcast_in_dim3A_1568 : i32 to vector<16xi32>
      %gather3A_1570 = tpu.vector_load_idx %arg14[%iota3A, %and3A_1500, %broadcast_in_dim3A_1569] : memref<16x8x64xf32, #tpu.memory_space<vmem>>[vector<16xi32>, vector<16xi32>, vector<16xi32>], vector<16xf32>,
      %gather3A_1571 = tpu.vector_load_idx %arg16[%iota3A, %and3A_1505, %broadcast_in_dim3A_1569] : memref<16x8x64xf32, #tpu.memory_space<vmem>>[vector<16xi32>, vector<16xi32>, vector<16xi32>], vector<16xf32>,
      %mul3A_1572 = arith.mulf %gather3A_1570, %gather3A_1571 : vector<16xf32>
      %add3A_1573 = arith.addf %add3A_1567, %mul3A_1572 : vector<16xf32>
      %broadcast_in_dim3A_1574 = arith.constant 11 : i32
      %broadcast_in_dim3A_1575 = vector.broadcast %broadcast_in_dim3A_1574 : i32 to vector<16xi32>
      %gather3A_1576 = tpu.vector_load_idx %arg14[%iota3A, %and3A_1500, %broadcast_in_dim3A_1575] : memref<16x8x64xf32, #tpu.memory_space<vmem>>[vector<16xi32>, vector<16xi32>, vector<16xi32>], vector<16xf32>,
      %gather3A_1577 = tpu.vector_load_idx %arg16[%iota3A, %and3A_1505, %broadcast_in_dim3A_1575] : memref<16x8x64xf32, #tpu.memory_space<vmem>>[vector<16xi32>, vector<16xi32>, vector<16xi32>], vector<16xf32>,
      %mul3A_1578 = arith.mulf %gather3A_1576, %gather3A_1577 : vector<16xf32>
      %add3A_1579 = arith.addf %add3A_1573, %mul3A_1578 : vector<16xf32>
      %broadcast_in_dim3A_1580 = arith.constant 12 : i32
      %broadcast_in_dim3A_1581 = vector.broadcast %broadcast_in_dim3A_1580 : i32 to vector<16xi32>
      %gather3A_1582 = tpu.vector_load_idx %arg14[%iota3A, %and3A_1500, %broadcast_in_dim3A_1581] : memref<16x8x64xf32, #tpu.memory_space<vmem>>[vector<16xi32>, vector<16xi32>, vector<16xi32>], vector<16xf32>,
      %gather3A_1583 = tpu.vector_load_idx %arg16[%iota3A, %and3A_1505, %broadcast_in_dim3A_1581] : memref<16x8x64xf32, #tpu.memory_space<vmem>>[vector<16xi32>, vector<16xi32>, vector<16xi32>], vector<16xf32>,
      %mul3A_1584 = arith.mulf %gather3A_1582, %gather3A_1583 : vector<16xf32>
      %add3A_1585 = arith.addf %add3A_1579, %mul3A_1584 : vector<16xf32>
      %broadcast_in_dim3A_1586 = arith.constant 13 : i32
      %broadcast_in_dim3A_1587 = vector.broadcast %broadcast_in_dim3A_1586 : i32 to vector<16xi32>
      %gather3A_1588 = tpu.vector_load_idx %arg14[%iota3A, %and3A_1500, %broadcast_in_dim3A_1587] : memref<16x8x64xf32, #tpu.memory_space<vmem>>[vector<16xi32>, vector<16xi32>, vector<16xi32>], vector<16xf32>,
      %gather3A_1589 = tpu.vector_load_idx %arg16[%iota3A, %and3A_1505, %broadcast_in_dim3A_1587] : memref<16x8x64xf32, #tpu.memory_space<vmem>>[vector<16xi32>, vector<16xi32>, vector<16xi32>], vector<16xf32>,
      %mul3A_1590 = arith.mulf %gather3A_1588, %gather3A_1589 : vector<16xf32>
      %add3A_1591 = arith.addf %add3A_1585, %mul3A_1590 : vector<16xf32>
      %broadcast_in_dim3A_1592 = arith.constant 14 : i32
      %broadcast_in_dim3A_1593 = vector.broadcast %broadcast_in_dim3A_1592 : i32 to vector<16xi32>
      %gather3A_1594 = tpu.vector_load_idx %arg14[%iota3A, %and3A_1500, %broadcast_in_dim3A_1593] : memref<16x8x64xf32, #tpu.memory_space<vmem>>[vector<16xi32>, vector<16xi32>, vector<16xi32>], vector<16xf32>,
      %gather3A_1595 = tpu.vector_load_idx %arg16[%iota3A, %and3A_1505, %broadcast_in_dim3A_1593] : memref<16x8x64xf32, #tpu.memory_space<vmem>>[vector<16xi32>, vector<16xi32>, vector<16xi32>], vector<16xf32>,
      %mul3A_1596 = arith.mulf %gather3A_1594, %gather3A_1595 : vector<16xf32>
      %add3A_1597 = arith.addf %add3A_1591, %mul3A_1596 : vector<16xf32>
      %broadcast_in_dim3A_1598 = arith.constant 15 : i32
      %broadcast_in_dim3A_1599 = vector.broadcast %broadcast_in_dim3A_1598 : i32 to vector<16xi32>
      %gather3A_1600 = tpu.vector_load_idx %arg14[%iota3A, %and3A_1500, %broadcast_in_dim3A_1599] : memref<16x8x64xf32, #tpu.memory_space<vmem>>[vector<16xi32>, vector<16xi32>, vector<16xi32>], vector<16xf32>,
      %gather3A_1601 = tpu.vector_load_idx %arg16[%iota3A, %and3A_1505, %broadcast_in_dim3A_1599] : memref<16x8x64xf32, #tpu.memory_space<vmem>>[vector<16xi32>, vector<16xi32>, vector<16xi32>], vector<16xf32>,
      %mul3A_1602 = arith.mulf %gather3A_1600, %gather3A_1601 : vector<16xf32>
      %add3A_1603 = arith.addf %add3A_1597, %mul3A_1602 : vector<16xf32>
      %broadcast_in_dim3A_1604 = arith.constant 16 : i32
      %broadcast_in_dim3A_1605 = vector.broadcast %broadcast_in_dim3A_1604 : i32 to vector<16xi32>
      %gather3A_1606 = tpu.vector_load_idx %arg14[%iota3A, %and3A_1500, %broadcast_in_dim3A_1605] : memref<16x8x64xf32, #tpu.memory_space<vmem>>[vector<16xi32>, vector<16xi32>, vector<16xi32>], vector<16xf32>,
      %gather3A_1607 = tpu.vector_load_idx %arg16[%iota3A, %and3A_1505, %broadcast_in_dim3A_1605] : memref<16x8x64xf32, #tpu.memory_space<vmem>>[vector<16xi32>, vector<16xi32>, vector<16xi32>], vector<16xf32>,
      %mul3A_1608 = arith.mulf %gather3A_1606, %gather3A_1607 : vector<16xf32>
      %add3A_1609 = arith.addf %add3A_1603, %mul3A_1608 : vector<16xf32>
      %broadcast_in_dim3A_1610 = arith.constant 17 : i32
      %broadcast_in_dim3A_1611 = vector.broadcast %broadcast_in_dim3A_1610 : i32 to vector<16xi32>
      %gather3A_1612 = tpu.vector_load_idx %arg14[%iota3A, %and3A_1500, %broadcast_in_dim3A_1611] : memref<16x8x64xf32, #tpu.memory_space<vmem>>[vector<16xi32>, vector<16xi32>, vector<16xi32>], vector<16xf32>,
      %gather3A_1613 = tpu.vector_load_idx %arg16[%iota3A, %and3A_1505, %broadcast_in_dim3A_1611] : memref<16x8x64xf32, #tpu.memory_space<vmem>>[vector<16xi32>, vector<16xi32>, vector<16xi32>], vector<16xf32>,
      %mul3A_1614 = arith.mulf %gather3A_1612, %gather3A_1613 : vector<16xf32>
      %add3A_1615 = arith.addf %add3A_1609, %mul3A_1614 : vector<16xf32>
      %broadcast_in_dim3A_1616 = arith.constant 18 : i32
      %broadcast_in_dim3A_1617 = vector.broadcast %broadcast_in_dim3A_1616 : i32 to vector<16xi32>
      %gather3A_1618 = tpu.vector_load_idx %arg14[%iota3A, %and3A_1500, %broadcast_in_dim3A_1617] : memref<16x8x64xf32, #tpu.memory_space<vmem>>[vector<16xi32>, vector<16xi32>, vector<16xi32>], vector<16xf32>,
      %gather3A_1619 = tpu.vector_load_idx %arg16[%iota3A, %and3A_1505, %broadcast_in_dim3A_1617] : memref<16x8x64xf32, #tpu.memory_space<vmem>>[vector<16xi32>, vector<16xi32>, vector<16xi32>], vector<16xf32>,
      %mul3A_1620 = arith.mulf %gather3A_1618, %gather3A_1619 : vector<16xf32>
      %add3A_1621 = arith.addf %add3A_1615, %mul3A_1620 : vector<16xf32>
      %broadcast_in_dim3A_1622 = arith.constant 19 : i32
      %broadcast_in_dim3A_1623 = vector.broadcast %broadcast_in_dim3A_1622 : i32 to vector<16xi32>
      %gather3A_1624 = tpu.vector_load_idx %arg14[%iota3A, %and3A_1500, %broadcast_in_dim3A_1623] : memref<16x8x64xf32, #tpu.memory_space<vmem>>[vector<16xi32>, vector<16xi32>, vector<16xi32>], vector<16xf32>,
      %gather3A_1625 = tpu.vector_load_idx %arg16[%iota3A, %and3A_1505, %broadcast_in_dim3A_1623] : memref<16x8x64xf32, #tpu.memory_space<vmem>>[vector<16xi32>, vector<16xi32>, vector<16xi32>], vector<16xf32>,
      %mul3A_1626 = arith.mulf %gather3A_1624, %gather3A_1625 : vector<16xf32>
      %add3A_1627 = arith.addf %add3A_1621, %mul3A_1626 : vector<16xf32>
      %broadcast_in_dim3A_1628 = arith.constant 20 : i32
      %broadcast_in_dim3A_1629 = vector.broadcast %broadcast_in_dim3A_1628 : i32 to vector<16xi32>
      %gather3A_1630 = tpu.vector_load_idx %arg14[%iota3A, %and3A_1500, %broadcast_in_dim3A_1629] : memref<16x8x64xf32, #tpu.memory_space<vmem>>[vector<16xi32>, vector<16xi32>, vector<16xi32>], vector<16xf32>,
      %gather3A_1631 = tpu.vector_load_idx %arg16[%iota3A, %and3A_1505, %broadcast_in_dim3A_1629] : memref<16x8x64xf32, #tpu.memory_space<vmem>>[vector<16xi32>, vector<16xi32>, vector<16xi32>], vector<16xf32>,
      %mul3A_1632 = arith.mulf %gather3A_1630, %gather3A_1631 : vector<16xf32>
      %add3A_1633 = arith.addf %add3A_1627, %mul3A_1632 : vector<16xf32>
      %broadcast_in_dim3A_1634 = arith.constant 21 : i32
      %broadcast_in_dim3A_1635 = vector.broadcast %broadcast_in_dim3A_1634 : i32 to vector<16xi32>
      %gather3A_1636 = tpu.vector_load_idx %arg14[%iota3A, %and3A_1500, %broadcast_in_dim3A_1635] : memref<16x8x64xf32, #tpu.memory_space<vmem>>[vector<16xi32>, vector<16xi32>, vector<16xi32>], vector<16xf32>,
      %gather3A_1637 = tpu.vector_load_idx %arg16[%iota3A, %and3A_1505, %broadcast_in_dim3A_1635] : memref<16x8x64xf32, #tpu.memory_space<vmem>>[vector<16xi32>, vector<16xi32>, vector<16xi32>], vector<16xf32>,
      %mul3A_1638 = arith.mulf %gather3A_1636, %gather3A_1637 : vector<16xf32>
      %add3A_1639 = arith.addf %add3A_1633, %mul3A_1638 : vector<16xf32>
      %broadcast_in_dim3A_1640 = arith.constant 22 : i32
      %broadcast_in_dim3A_1641 = vector.broadcast %broadcast_in_dim3A_1640 : i32 to vector<16xi32>
      %gather3A_1642 = tpu.vector_load_idx %arg14[%iota3A, %and3A_1500, %broadcast_in_dim3A_1641] : memref<16x8x64xf32, #tpu.memory_space<vmem>>[vector<16xi32>, vector<16xi32>, vector<16xi32>], vector<16xf32>,
      %gather3A_1643 = tpu.vector_load_idx %arg16[%iota3A, %and3A_1505, %broadcast_in_dim3A_1641] : memref<16x8x64xf32, #tpu.memory_space<vmem>>[vector<16xi32>, vector<16xi32>, vector<16xi32>], vector<16xf32>,
      %mul3A_1644 = arith.mulf %gather3A_1642, %gather3A_1643 : vector<16xf32>
      %add3A_1645 = arith.addf %add3A_1639, %mul3A_1644 : vector<16xf32>
      %broadcast_in_dim3A_1646 = arith.constant 23 : i32
      %broadcast_in_dim3A_1647 = vector.broadcast %broadcast_in_dim3A_1646 : i32 to vector<16xi32>
      %gather3A_1648 = tpu.vector_load_idx %arg14[%iota3A, %and3A_1500, %broadcast_in_dim3A_1647] : memref<16x8x64xf32, #tpu.memory_space<vmem>>[vector<16xi32>, vector<16xi32>, vector<16xi32>], vector<16xf32>,
      %gather3A_1649 = tpu.vector_load_idx %arg16[%iota3A, %and3A_1505, %broadcast_in_dim3A_1647] : memref<16x8x64xf32, #tpu.memory_space<vmem>>[vector<16xi32>, vector<16xi32>, vector<16xi32>], vector<16xf32>,
      %mul3A_1650 = arith.mulf %gather3A_1648, %gather3A_1649 : vector<16xf32>
      %add3A_1651 = arith.addf %add3A_1645, %mul3A_1650 : vector<16xf32>
      %broadcast_in_dim3A_1652 = arith.constant 24 : i32
      %broadcast_in_dim3A_1653 = vector.broadcast %broadcast_in_dim3A_1652 : i32 to vector<16xi32>
      %gather3A_1654 = tpu.vector_load_idx %arg14[%iota3A, %and3A_1500, %broadcast_in_dim3A_1653] : memref<16x8x64xf32, #tpu.memory_space<vmem>>[vector<16xi32>, vector<16xi32>, vector<16xi32>], vector<16xf32>,
      %gather3A_1655 = tpu.vector_load_idx %arg16[%iota3A, %and3A_1505, %broadcast_in_dim3A_1653] : memref<16x8x64xf32, #tpu.memory_space<vmem>>[vector<16xi32>, vector<16xi32>, vector<16xi32>], vector<16xf32>,
      %mul3A_1656 = arith.mulf %gather3A_1654, %gather3A_1655 : vector<16xf32>
      %add3A_1657 = arith.addf %add3A_1651, %mul3A_1656 : vector<16xf32>
      %broadcast_in_dim3A_1658 = arith.constant 25 : i32
      %broadcast_in_dim3A_1659 = vector.broadcast %broadcast_in_dim3A_1658 : i32 to vector<16xi32>
      %gather3A_1660 = tpu.vector_load_idx %arg14[%iota3A, %and3A_1500, %broadcast_in_dim3A_1659] : memref<16x8x64xf32, #tpu.memory_space<vmem>>[vector<16xi32>, vector<16xi32>, vector<16xi32>], vector<16xf32>,
      %gather3A_1661 = tpu.vector_load_idx %arg16[%iota3A, %and3A_1505, %broadcast_in_dim3A_1659] : memref<16x8x64xf32, #tpu.memory_space<vmem>>[vector<16xi32>, vector<16xi32>, vector<16xi32>], vector<16xf32>,
      %mul3A_1662 = arith.mulf %gather3A_1660, %gather3A_1661 : vector<16xf32>
      %add3A_1663 = arith.addf %add3A_1657, %mul3A_1662 : vector<16xf32>
      %broadcast_in_dim3A_1664 = arith.constant 26 : i32
      %broadcast_in_dim3A_1665 = vector.broadcast %broadcast_in_dim3A_1664 : i32 to vector<16xi32>
      %gather3A_1666 = tpu.vector_load_idx %arg14[%iota3A, %and3A_1500, %broadcast_in_dim3A_1665] : memref<16x8x64xf32, #tpu.memory_space<vmem>>[vector<16xi32>, vector<16xi32>, vector<16xi32>], vector<16xf32>,
      %gather3A_1667 = tpu.vector_load_idx %arg16[%iota3A, %and3A_1505, %broadcast_in_dim3A_1665] : memref<16x8x64xf32, #tpu.memory_space<vmem>>[vector<16xi32>, vector<16xi32>, vector<16xi32>], vector<16xf32>,
      %mul3A_1668 = arith.mulf %gather3A_1666, %gather3A_1667 : vector<16xf32>
      %add3A_1669 = arith.addf %add3A_1663, %mul3A_1668 : vector<16xf32>
      %broadcast_in_dim3A_1670 = arith.constant 27 : i32
      %broadcast_in_dim3A_1671 = vector.broadcast %broadcast_in_dim3A_1670 : i32 to vector<16xi32>
      %gather3A_1672 = tpu.vector_load_idx %arg14[%iota3A, %and3A_1500, %broadcast_in_dim3A_1671] : memref<16x8x64xf32, #tpu.memory_space<vmem>>[vector<16xi32>, vector<16xi32>, vector<16xi32>], vector<16xf32>,
      %gather3A_1673 = tpu.vector_load_idx %arg16[%iota3A, %and3A_1505, %broadcast_in_dim3A_1671] : memref<16x8x64xf32, #tpu.memory_space<vmem>>[vector<16xi32>, vector<16xi32>, vector<16xi32>], vector<16xf32>,
      %mul3A_1674 = arith.mulf %gather3A_1672, %gather3A_1673 : vector<16xf32>
      %add3A_1675 = arith.addf %add3A_1669, %mul3A_1674 : vector<16xf32>
      %broadcast_in_dim3A_1676 = arith.constant 28 : i32
      %broadcast_in_dim3A_1677 = vector.broadcast %broadcast_in_dim3A_1676 : i32 to vector<16xi32>
      %gather3A_1678 = tpu.vector_load_idx %arg14[%iota3A, %and3A_1500, %broadcast_in_dim3A_1677] : memref<16x8x64xf32, #tpu.memory_space<vmem>>[vector<16xi32>, vector<16xi32>, vector<16xi32>], vector<16xf32>,
      %gather3A_1679 = tpu.vector_load_idx %arg16[%iota3A, %and3A_1505, %broadcast_in_dim3A_1677] : memref<16x8x64xf32, #tpu.memory_space<vmem>>[vector<16xi32>, vector<16xi32>, vector<16xi32>], vector<16xf32>,
      %mul3A_1680 = arith.mulf %gather3A_1678, %gather3A_1679 : vector<16xf32>
      %add3A_1681 = arith.addf %add3A_1675, %mul3A_1680 : vector<16xf32>
      %broadcast_in_dim3A_1682 = arith.constant 29 : i32
      %broadcast_in_dim3A_1683 = vector.broadcast %broadcast_in_dim3A_1682 : i32 to vector<16xi32>
      %gather3A_1684 = tpu.vector_load_idx %arg14[%iota3A, %and3A_1500, %broadcast_in_dim3A_1683] : memref<16x8x64xf32, #tpu.memory_space<vmem>>[vector<16xi32>, vector<16xi32>, vector<16xi32>], vector<16xf32>,
      %gather3A_1685 = tpu.vector_load_idx %arg16[%iota3A, %and3A_1505, %broadcast_in_dim3A_1683] : memref<16x8x64xf32, #tpu.memory_space<vmem>>[vector<16xi32>, vector<16xi32>, vector<16xi32>], vector<16xf32>,
      %mul3A_1686 = arith.mulf %gather3A_1684, %gather3A_1685 : vector<16xf32>
      %add3A_1687 = arith.addf %add3A_1681, %mul3A_1686 : vector<16xf32>
      %broadcast_in_dim3A_1688 = arith.constant 30 : i32
      %broadcast_in_dim3A_1689 = vector.broadcast %broadcast_in_dim3A_1688 : i32 to vector<16xi32>
      %gather3A_1690 = tpu.vector_load_idx %arg14[%iota3A, %and3A_1500, %broadcast_in_dim3A_1689] : memref<16x8x64xf32, #tpu.memory_space<vmem>>[vector<16xi32>, vector<16xi32>, vector<16xi32>], vector<16xf32>,
      %gather3A_1691 = tpu.vector_load_idx %arg16[%iota3A, %and3A_1505, %broadcast_in_dim3A_1689] : memref<16x8x64xf32, #tpu.memory_space<vmem>>[vector<16xi32>, vector<16xi32>, vector<16xi32>], vector<16xf32>,
      %mul3A_1692 = arith.mulf %gather3A_1690, %gather3A_1691 : vector<16xf32>
      %add3A_1693 = arith.addf %add3A_1687, %mul3A_1692 : vector<16xf32>
      %broadcast_in_dim3A_1694 = arith.constant 31 : i32
      %broadcast_in_dim3A_1695 = vector.broadcast %broadcast_in_dim3A_1694 : i32 to vector<16xi32>
      %gather3A_1696 = tpu.vector_load_idx %arg14[%iota3A, %and3A_1500, %broadcast_in_dim3A_1695] : memref<16x8x64xf32, #tpu.memory_space<vmem>>[vector<16xi32>, vector<16xi32>, vector<16xi32>], vector<16xf32>,
      %gather3A_1697 = tpu.vector_load_idx %arg16[%iota3A, %and3A_1505, %broadcast_in_dim3A_1695] : memref<16x8x64xf32, #tpu.memory_space<vmem>>[vector<16xi32>, vector<16xi32>, vector<16xi32>], vector<16xf32>,
      %mul3A_1698 = arith.mulf %gather3A_1696, %gather3A_1697 : vector<16xf32>
      %add3A_1699 = arith.addf %add3A_1693, %mul3A_1698 : vector<16xf32>
      %broadcast_in_dim3A_1700 = arith.constant 32 : i32
      %broadcast_in_dim3A_1701 = vector.broadcast %broadcast_in_dim3A_1700 : i32 to vector<16xi32>
      %gather3A_1702 = tpu.vector_load_idx %arg14[%iota3A, %and3A_1500, %broadcast_in_dim3A_1701] : memref<16x8x64xf32, #tpu.memory_space<vmem>>[vector<16xi32>, vector<16xi32>, vector<16xi32>], vector<16xf32>,
      %gather3A_1703 = tpu.vector_load_idx %arg16[%iota3A, %and3A_1505, %broadcast_in_dim3A_1701] : memref<16x8x64xf32, #tpu.memory_space<vmem>>[vector<16xi32>, vector<16xi32>, vector<16xi32>], vector<16xf32>,
      %mul3A_1704 = arith.mulf %gather3A_1702, %gather3A_1703 : vector<16xf32>
      %add3A_1705 = arith.addf %add3A_1699, %mul3A_1704 : vector<16xf32>
      %broadcast_in_dim3A_1706 = arith.constant 33 : i32
      %broadcast_in_dim3A_1707 = vector.broadcast %broadcast_in_dim3A_1706 : i32 to vector<16xi32>
      %gather3A_1708 = tpu.vector_load_idx %arg14[%iota3A, %and3A_1500, %broadcast_in_dim3A_1707] : memref<16x8x64xf32, #tpu.memory_space<vmem>>[vector<16xi32>, vector<16xi32>, vector<16xi32>], vector<16xf32>,
      %gather3A_1709 = tpu.vector_load_idx %arg16[%iota3A, %and3A_1505, %broadcast_in_dim3A_1707] : memref<16x8x64xf32, #tpu.memory_space<vmem>>[vector<16xi32>, vector<16xi32>, vector<16xi32>], vector<16xf32>,
      %mul3A_1710 = arith.mulf %gather3A_1708, %gather3A_1709 : vector<16xf32>
      %add3A_1711 = arith.addf %add3A_1705, %mul3A_1710 : vector<16xf32>
      %broadcast_in_dim3A_1712 = arith.constant 34 : i32
      %broadcast_in_dim3A_1713 = vector.broadcast %broadcast_in_dim3A_1712 : i32 to vector<16xi32>
      %gather3A_1714 = tpu.vector_load_idx %arg14[%iota3A, %and3A_1500, %broadcast_in_dim3A_1713] : memref<16x8x64xf32, #tpu.memory_space<vmem>>[vector<16xi32>, vector<16xi32>, vector<16xi32>], vector<16xf32>,
      %gather3A_1715 = tpu.vector_load_idx %arg16[%iota3A, %and3A_1505, %broadcast_in_dim3A_1713] : memref<16x8x64xf32, #tpu.memory_space<vmem>>[vector<16xi32>, vector<16xi32>, vector<16xi32>], vector<16xf32>,
      %mul3A_1716 = arith.mulf %gather3A_1714, %gather3A_1715 : vector<16xf32>
      %add3A_1717 = arith.addf %add3A_1711, %mul3A_1716 : vector<16xf32>
      %broadcast_in_dim3A_1718 = arith.constant 35 : i32
      %broadcast_in_dim3A_1719 = vector.broadcast %broadcast_in_dim3A_1718 : i32 to vector<16xi32>
      %gather3A_1720 = tpu.vector_load_idx %arg14[%iota3A, %and3A_1500, %broadcast_in_dim3A_1719] : memref<16x8x64xf32, #tpu.memory_space<vmem>>[vector<16xi32>, vector<16xi32>, vector<16xi32>], vector<16xf32>,
      %gather3A_1721 = tpu.vector_load_idx %arg16[%iota3A, %and3A_1505, %broadcast_in_dim3A_1719] : memref<16x8x64xf32, #tpu.memory_space<vmem>>[vector<16xi32>, vector<16xi32>, vector<16xi32>], vector<16xf32>,
      %mul3A_1722 = arith.mulf %gather3A_1720, %gather3A_1721 : vector<16xf32>
      %add3A_1723 = arith.addf %add3A_1717, %mul3A_1722 : vector<16xf32>
      %broadcast_in_dim3A_1724 = arith.constant 36 : i32
      %broadcast_in_dim3A_1725 = vector.broadcast %broadcast_in_dim3A_1724 : i32 to vector<16xi32>
      %gather3A_1726 = tpu.vector_load_idx %arg14[%iota3A, %and3A_1500, %broadcast_in_dim3A_1725] : memref<16x8x64xf32, #tpu.memory_space<vmem>>[vector<16xi32>, vector<16xi32>, vector<16xi32>], vector<16xf32>,
      %gather3A_1727 = tpu.vector_load_idx %arg16[%iota3A, %and3A_1505, %broadcast_in_dim3A_1725] : memref<16x8x64xf32, #tpu.memory_space<vmem>>[vector<16xi32>, vector<16xi32>, vector<16xi32>], vector<16xf32>,
      %mul3A_1728 = arith.mulf %gather3A_1726, %gather3A_1727 : vector<16xf32>
      %add3A_1729 = arith.addf %add3A_1723, %mul3A_1728 : vector<16xf32>
      %broadcast_in_dim3A_1730 = arith.constant 37 : i32
      %broadcast_in_dim3A_1731 = vector.broadcast %broadcast_in_dim3A_1730 : i32 to vector<16xi32>
      %gather3A_1732 = tpu.vector_load_idx %arg14[%iota3A, %and3A_1500, %broadcast_in_dim3A_1731] : memref<16x8x64xf32, #tpu.memory_space<vmem>>[vector<16xi32>, vector<16xi32>, vector<16xi32>], vector<16xf32>,
      %gather3A_1733 = tpu.vector_load_idx %arg16[%iota3A, %and3A_1505, %broadcast_in_dim3A_1731] : memref<16x8x64xf32, #tpu.memory_space<vmem>>[vector<16xi32>, vector<16xi32>, vector<16xi32>], vector<16xf32>,
      %mul3A_1734 = arith.mulf %gather3A_1732, %gather3A_1733 : vector<16xf32>
      %add3A_1735 = arith.addf %add3A_1729, %mul3A_1734 : vector<16xf32>
      %broadcast_in_dim3A_1736 = arith.constant 38 : i32
      %broadcast_in_dim3A_1737 = vector.broadcast %broadcast_in_dim3A_1736 : i32 to vector<16xi32>
      %gather3A_1738 = tpu.vector_load_idx %arg14[%iota3A, %and3A_1500, %broadcast_in_dim3A_1737] : memref<16x8x64xf32, #tpu.memory_space<vmem>>[vector<16xi32>, vector<16xi32>, vector<16xi32>], vector<16xf32>,
      %gather3A_1739 = tpu.vector_load_idx %arg16[%iota3A, %and3A_1505, %broadcast_in_dim3A_1737] : memref<16x8x64xf32, #tpu.memory_space<vmem>>[vector<16xi32>, vector<16xi32>, vector<16xi32>], vector<16xf32>,
      %mul3A_1740 = arith.mulf %gather3A_1738, %gather3A_1739 : vector<16xf32>
      %add3A_1741 = arith.addf %add3A_1735, %mul3A_1740 : vector<16xf32>
      %broadcast_in_dim3A_1742 = arith.constant 39 : i32
      %broadcast_in_dim3A_1743 = vector.broadcast %broadcast_in_dim3A_1742 : i32 to vector<16xi32>
      %gather3A_1744 = tpu.vector_load_idx %arg14[%iota3A, %and3A_1500, %broadcast_in_dim3A_1743] : memref<16x8x64xf32, #tpu.memory_space<vmem>>[vector<16xi32>, vector<16xi32>, vector<16xi32>], vector<16xf32>,
      %gather3A_1745 = tpu.vector_load_idx %arg16[%iota3A, %and3A_1505, %broadcast_in_dim3A_1743] : memref<16x8x64xf32, #tpu.memory_space<vmem>>[vector<16xi32>, vector<16xi32>, vector<16xi32>], vector<16xf32>,
      %mul3A_1746 = arith.mulf %gather3A_1744, %gather3A_1745 : vector<16xf32>
      %add3A_1747 = arith.addf %add3A_1741, %mul3A_1746 : vector<16xf32>
      %broadcast_in_dim3A_1748 = arith.constant 40 : i32
      %broadcast_in_dim3A_1749 = vector.broadcast %broadcast_in_dim3A_1748 : i32 to vector<16xi32>
      %gather3A_1750 = tpu.vector_load_idx %arg14[%iota3A, %and3A_1500, %broadcast_in_dim3A_1749] : memref<16x8x64xf32, #tpu.memory_space<vmem>>[vector<16xi32>, vector<16xi32>, vector<16xi32>], vector<16xf32>,
      %gather3A_1751 = tpu.vector_load_idx %arg16[%iota3A, %and3A_1505, %broadcast_in_dim3A_1749] : memref<16x8x64xf32, #tpu.memory_space<vmem>>[vector<16xi32>, vector<16xi32>, vector<16xi32>], vector<16xf32>,
      %mul3A_1752 = arith.mulf %gather3A_1750, %gather3A_1751 : vector<16xf32>
      %add3A_1753 = arith.addf %add3A_1747, %mul3A_1752 : vector<16xf32>
      %broadcast_in_dim3A_1754 = arith.constant 41 : i32
      %broadcast_in_dim3A_1755 = vector.broadcast %broadcast_in_dim3A_1754 : i32 to vector<16xi32>
      %gather3A_1756 = tpu.vector_load_idx %arg14[%iota3A, %and3A_1500, %broadcast_in_dim3A_1755] : memref<16x8x64xf32, #tpu.memory_space<vmem>>[vector<16xi32>, vector<16xi32>, vector<16xi32>], vector<16xf32>,
      %gather3A_1757 = tpu.vector_load_idx %arg16[%iota3A, %and3A_1505, %broadcast_in_dim3A_1755] : memref<16x8x64xf32, #tpu.memory_space<vmem>>[vector<16xi32>, vector<16xi32>, vector<16xi32>], vector<16xf32>,
      %mul3A_1758 = arith.mulf %gather3A_1756, %gather3A_1757 : vector<16xf32>
      %add3A_1759 = arith.addf %add3A_1753, %mul3A_1758 : vector<16xf32>
      %broadcast_in_dim3A_1760 = arith.constant 42 : i32
      %broadcast_in_dim3A_1761 = vector.broadcast %broadcast_in_dim3A_1760 : i32 to vector<16xi32>
      %gather3A_1762 = tpu.vector_load_idx %arg14[%iota3A, %and3A_1500, %broadcast_in_dim3A_1761] : memref<16x8x64xf32, #tpu.memory_space<vmem>>[vector<16xi32>, vector<16xi32>, vector<16xi32>], vector<16xf32>,
      %gather3A_1763 = tpu.vector_load_idx %arg16[%iota3A, %and3A_1505, %broadcast_in_dim3A_1761] : memref<16x8x64xf32, #tpu.memory_space<vmem>>[vector<16xi32>, vector<16xi32>, vector<16xi32>], vector<16xf32>,
      %mul3A_1764 = arith.mulf %gather3A_1762, %gather3A_1763 : vector<16xf32>
      %add3A_1765 = arith.addf %add3A_1759, %mul3A_1764 : vector<16xf32>
      %broadcast_in_dim3A_1766 = arith.constant 43 : i32
      %broadcast_in_dim3A_1767 = vector.broadcast %broadcast_in_dim3A_1766 : i32 to vector<16xi32>
      %gather3A_1768 = tpu.vector_load_idx %arg14[%iota3A, %and3A_1500, %broadcast_in_dim3A_1767] : memref<16x8x64xf32, #tpu.memory_space<vmem>>[vector<16xi32>, vector<16xi32>, vector<16xi32>], vector<16xf32>,
      %gather3A_1769 = tpu.vector_load_idx %arg16[%iota3A, %and3A_1505, %broadcast_in_dim3A_1767] : memref<16x8x64xf32, #tpu.memory_space<vmem>>[vector<16xi32>, vector<16xi32>, vector<16xi32>], vector<16xf32>,
      %mul3A_1770 = arith.mulf %gather3A_1768, %gather3A_1769 : vector<16xf32>
      %add3A_1771 = arith.addf %add3A_1765, %mul3A_1770 : vector<16xf32>
      %broadcast_in_dim3A_1772 = arith.constant 44 : i32
      %broadcast_in_dim3A_1773 = vector.broadcast %broadcast_in_dim3A_1772 : i32 to vector<16xi32>
      %gather3A_1774 = tpu.vector_load_idx %arg14[%iota3A, %and3A_1500, %broadcast_in_dim3A_1773] : memref<16x8x64xf32, #tpu.memory_space<vmem>>[vector<16xi32>, vector<16xi32>, vector<16xi32>], vector<16xf32>,
      %gather3A_1775 = tpu.vector_load_idx %arg16[%iota3A, %and3A_1505, %broadcast_in_dim3A_1773] : memref<16x8x64xf32, #tpu.memory_space<vmem>>[vector<16xi32>, vector<16xi32>, vector<16xi32>], vector<16xf32>,
      %mul3A_1776 = arith.mulf %gather3A_1774, %gather3A_1775 : vector<16xf32>
      %add3A_1777 = arith.addf %add3A_1771, %mul3A_1776 : vector<16xf32>
      %broadcast_in_dim3A_1778 = arith.constant 45 : i32
      %broadcast_in_dim3A_1779 = vector.broadcast %broadcast_in_dim3A_1778 : i32 to vector<16xi32>
      %gather3A_1780 = tpu.vector_load_idx %arg14[%iota3A, %and3A_1500, %broadcast_in_dim3A_1779] : memref<16x8x64xf32, #tpu.memory_space<vmem>>[vector<16xi32>, vector<16xi32>, vector<16xi32>], vector<16xf32>,
      %gather3A_1781 = tpu.vector_load_idx %arg16[%iota3A, %and3A_1505, %broadcast_in_dim3A_1779] : memref<16x8x64xf32, #tpu.memory_space<vmem>>[vector<16xi32>, vector<16xi32>, vector<16xi32>], vector<16xf32>,
      %mul3A_1782 = arith.mulf %gather3A_1780, %gather3A_1781 : vector<16xf32>
      %add3A_1783 = arith.addf %add3A_1777, %mul3A_1782 : vector<16xf32>
      %broadcast_in_dim3A_1784 = arith.constant 46 : i32
      %broadcast_in_dim3A_1785 = vector.broadcast %broadcast_in_dim3A_1784 : i32 to vector<16xi32>
      %gather3A_1786 = tpu.vector_load_idx %arg14[%iota3A, %and3A_1500, %broadcast_in_dim3A_1785] : memref<16x8x64xf32, #tpu.memory_space<vmem>>[vector<16xi32>, vector<16xi32>, vector<16xi32>], vector<16xf32>,
      %gather3A_1787 = tpu.vector_load_idx %arg16[%iota3A, %and3A_1505, %broadcast_in_dim3A_1785] : memref<16x8x64xf32, #tpu.memory_space<vmem>>[vector<16xi32>, vector<16xi32>, vector<16xi32>], vector<16xf32>,
      %mul3A_1788 = arith.mulf %gather3A_1786, %gather3A_1787 : vector<16xf32>
      %add3A_1789 = arith.addf %add3A_1783, %mul3A_1788 : vector<16xf32>
      %broadcast_in_dim3A_1790 = arith.constant 47 : i32
      %broadcast_in_dim3A_1791 = vector.broadcast %broadcast_in_dim3A_1790 : i32 to vector<16xi32>
      %gather3A_1792 = tpu.vector_load_idx %arg14[%iota3A, %and3A_1500, %broadcast_in_dim3A_1791] : memref<16x8x64xf32, #tpu.memory_space<vmem>>[vector<16xi32>, vector<16xi32>, vector<16xi32>], vector<16xf32>,
      %gather3A_1793 = tpu.vector_load_idx %arg16[%iota3A, %and3A_1505, %broadcast_in_dim3A_1791] : memref<16x8x64xf32, #tpu.memory_space<vmem>>[vector<16xi32>, vector<16xi32>, vector<16xi32>], vector<16xf32>,
      %mul3A_1794 = arith.mulf %gather3A_1792, %gather3A_1793 : vector<16xf32>
      %add3A_1795 = arith.addf %add3A_1789, %mul3A_1794 : vector<16xf32>
      %broadcast_in_dim3A_1796 = arith.constant 48 : i32
      %broadcast_in_dim3A_1797 = vector.broadcast %broadcast_in_dim3A_1796 : i32 to vector<16xi32>
      %gather3A_1798 = tpu.vector_load_idx %arg14[%iota3A, %and3A_1500, %broadcast_in_dim3A_1797] : memref<16x8x64xf32, #tpu.memory_space<vmem>>[vector<16xi32>, vector<16xi32>, vector<16xi32>], vector<16xf32>,
      %gather3A_1799 = tpu.vector_load_idx %arg16[%iota3A, %and3A_1505, %broadcast_in_dim3A_1797] : memref<16x8x64xf32, #tpu.memory_space<vmem>>[vector<16xi32>, vector<16xi32>, vector<16xi32>], vector<16xf32>,
      %mul3A_1800 = arith.mulf %gather3A_1798, %gather3A_1799 : vector<16xf32>
      %add3A_1801 = arith.addf %add3A_1795, %mul3A_1800 : vector<16xf32>
      %broadcast_in_dim3A_1802 = arith.constant 49 : i32
      %broadcast_in_dim3A_1803 = vector.broadcast %broadcast_in_dim3A_1802 : i32 to vector<16xi32>
      %gather3A_1804 = tpu.vector_load_idx %arg14[%iota3A, %and3A_1500, %broadcast_in_dim3A_1803] : memref<16x8x64xf32, #tpu.memory_space<vmem>>[vector<16xi32>, vector<16xi32>, vector<16xi32>], vector<16xf32>,
      %gather3A_1805 = tpu.vector_load_idx %arg16[%iota3A, %and3A_1505, %broadcast_in_dim3A_1803] : memref<16x8x64xf32, #tpu.memory_space<vmem>>[vector<16xi32>, vector<16xi32>, vector<16xi32>], vector<16xf32>,
      %mul3A_1806 = arith.mulf %gather3A_1804, %gather3A_1805 : vector<16xf32>
      %add3A_1807 = arith.addf %add3A_1801, %mul3A_1806 : vector<16xf32>
      %broadcast_in_dim3A_1808 = arith.constant 50 : i32
      %broadcast_in_dim3A_1809 = vector.broadcast %broadcast_in_dim3A_1808 : i32 to vector<16xi32>
      %gather3A_1810 = tpu.vector_load_idx %arg14[%iota3A, %and3A_1500, %broadcast_in_dim3A_1809] : memref<16x8x64xf32, #tpu.memory_space<vmem>>[vector<16xi32>, vector<16xi32>, vector<16xi32>], vector<16xf32>,
      %gather3A_1811 = tpu.vector_load_idx %arg16[%iota3A, %and3A_1505, %broadcast_in_dim3A_1809] : memref<16x8x64xf32, #tpu.memory_space<vmem>>[vector<16xi32>, vector<16xi32>, vector<16xi32>], vector<16xf32>,
      %mul3A_1812 = arith.mulf %gather3A_1810, %gather3A_1811 : vector<16xf32>
      %add3A_1813 = arith.addf %add3A_1807, %mul3A_1812 : vector<16xf32>
      %broadcast_in_dim3A_1814 = arith.constant 51 : i32
      %broadcast_in_dim3A_1815 = vector.broadcast %broadcast_in_dim3A_1814 : i32 to vector<16xi32>
      %gather3A_1816 = tpu.vector_load_idx %arg14[%iota3A, %and3A_1500, %broadcast_in_dim3A_1815] : memref<16x8x64xf32, #tpu.memory_space<vmem>>[vector<16xi32>, vector<16xi32>, vector<16xi32>], vector<16xf32>,
      %gather3A_1817 = tpu.vector_load_idx %arg16[%iota3A, %and3A_1505, %broadcast_in_dim3A_1815] : memref<16x8x64xf32, #tpu.memory_space<vmem>>[vector<16xi32>, vector<16xi32>, vector<16xi32>], vector<16xf32>,
      %mul3A_1818 = arith.mulf %gather3A_1816, %gather3A_1817 : vector<16xf32>
      %add3A_1819 = arith.addf %add3A_1813, %mul3A_1818 : vector<16xf32>
      %broadcast_in_dim3A_1820 = arith.constant 52 : i32
      %broadcast_in_dim3A_1821 = vector.broadcast %broadcast_in_dim3A_1820 : i32 to vector<16xi32>
      %gather3A_1822 = tpu.vector_load_idx %arg14[%iota3A, %and3A_1500, %broadcast_in_dim3A_1821] : memref<16x8x64xf32, #tpu.memory_space<vmem>>[vector<16xi32>, vector<16xi32>, vector<16xi32>], vector<16xf32>,
      %gather3A_1823 = tpu.vector_load_idx %arg16[%iota3A, %and3A_1505, %broadcast_in_dim3A_1821] : memref<16x8x64xf32, #tpu.memory_space<vmem>>[vector<16xi32>, vector<16xi32>, vector<16xi32>], vector<16xf32>,
      %mul3A_1824 = arith.mulf %gather3A_1822, %gather3A_1823 : vector<16xf32>
      %add3A_1825 = arith.addf %add3A_1819, %mul3A_1824 : vector<16xf32>
      %broadcast_in_dim3A_1826 = arith.constant 53 : i32
      %broadcast_in_dim3A_1827 = vector.broadcast %broadcast_in_dim3A_1826 : i32 to vector<16xi32>
      %gather3A_1828 = tpu.vector_load_idx %arg14[%iota3A, %and3A_1500, %broadcast_in_dim3A_1827] : memref<16x8x64xf32, #tpu.memory_space<vmem>>[vector<16xi32>, vector<16xi32>, vector<16xi32>], vector<16xf32>,
      %gather3A_1829 = tpu.vector_load_idx %arg16[%iota3A, %and3A_1505, %broadcast_in_dim3A_1827] : memref<16x8x64xf32, #tpu.memory_space<vmem>>[vector<16xi32>, vector<16xi32>, vector<16xi32>], vector<16xf32>,
      %mul3A_1830 = arith.mulf %gather3A_1828, %gather3A_1829 : vector<16xf32>
      %add3A_1831 = arith.addf %add3A_1825, %mul3A_1830 : vector<16xf32>
      %broadcast_in_dim3A_1832 = arith.constant 54 : i32
      %broadcast_in_dim3A_1833 = vector.broadcast %broadcast_in_dim3A_1832 : i32 to vector<16xi32>
      %gather3A_1834 = tpu.vector_load_idx %arg14[%iota3A, %and3A_1500, %broadcast_in_dim3A_1833] : memref<16x8x64xf32, #tpu.memory_space<vmem>>[vector<16xi32>, vector<16xi32>, vector<16xi32>], vector<16xf32>,
      %gather3A_1835 = tpu.vector_load_idx %arg16[%iota3A, %and3A_1505, %broadcast_in_dim3A_1833] : memref<16x8x64xf32, #tpu.memory_space<vmem>>[vector<16xi32>, vector<16xi32>, vector<16xi32>], vector<16xf32>,
      %mul3A_1836 = arith.mulf %gather3A_1834, %gather3A_1835 : vector<16xf32>
      %add3A_1837 = arith.addf %add3A_1831, %mul3A_1836 : vector<16xf32>
      %broadcast_in_dim3A_1838 = arith.constant 55 : i32
      %broadcast_in_dim3A_1839 = vector.broadcast %broadcast_in_dim3A_1838 : i32 to vector<16xi32>
      %gather3A_1840 = tpu.vector_load_idx %arg14[%iota3A, %and3A_1500, %broadcast_in_dim3A_1839] : memref<16x8x64xf32, #tpu.memory_space<vmem>>[vector<16xi32>, vector<16xi32>, vector<16xi32>], vector<16xf32>,
      %gather3A_1841 = tpu.vector_load_idx %arg16[%iota3A, %and3A_1505, %broadcast_in_dim3A_1839] : memref<16x8x64xf32, #tpu.memory_space<vmem>>[vector<16xi32>, vector<16xi32>, vector<16xi32>], vector<16xf32>,
      %mul3A_1842 = arith.mulf %gather3A_1840, %gather3A_1841 : vector<16xf32>
      %add3A_1843 = arith.addf %add3A_1837, %mul3A_1842 : vector<16xf32>
      %broadcast_in_dim3A_1844 = arith.constant 56 : i32
      %broadcast_in_dim3A_1845 = vector.broadcast %broadcast_in_dim3A_1844 : i32 to vector<16xi32>
      %gather3A_1846 = tpu.vector_load_idx %arg14[%iota3A, %and3A_1500, %broadcast_in_dim3A_1845] : memref<16x8x64xf32, #tpu.memory_space<vmem>>[vector<16xi32>, vector<16xi32>, vector<16xi32>], vector<16xf32>,
      %gather3A_1847 = tpu.vector_load_idx %arg16[%iota3A, %and3A_1505, %broadcast_in_dim3A_1845] : memref<16x8x64xf32, #tpu.memory_space<vmem>>[vector<16xi32>, vector<16xi32>, vector<16xi32>], vector<16xf32>,
      %mul3A_1848 = arith.mulf %gather3A_1846, %gather3A_1847 : vector<16xf32>
      %add3A_1849 = arith.addf %add3A_1843, %mul3A_1848 : vector<16xf32>
      %broadcast_in_dim3A_1850 = arith.constant 57 : i32
      %broadcast_in_dim3A_1851 = vector.broadcast %broadcast_in_dim3A_1850 : i32 to vector<16xi32>
      %gather3A_1852 = tpu.vector_load_idx %arg14[%iota3A, %and3A_1500, %broadcast_in_dim3A_1851] : memref<16x8x64xf32, #tpu.memory_space<vmem>>[vector<16xi32>, vector<16xi32>, vector<16xi32>], vector<16xf32>,
      %gather3A_1853 = tpu.vector_load_idx %arg16[%iota3A, %and3A_1505, %broadcast_in_dim3A_1851] : memref<16x8x64xf32, #tpu.memory_space<vmem>>[vector<16xi32>, vector<16xi32>, vector<16xi32>], vector<16xf32>,
      %mul3A_1854 = arith.mulf %gather3A_1852, %gather3A_1853 : vector<16xf32>
      %add3A_1855 = arith.addf %add3A_1849, %mul3A_1854 : vector<16xf32>
      %broadcast_in_dim3A_1856 = arith.constant 58 : i32
      %broadcast_in_dim3A_1857 = vector.broadcast %broadcast_in_dim3A_1856 : i32 to vector<16xi32>
      %gather3A_1858 = tpu.vector_load_idx %arg14[%iota3A, %and3A_1500, %broadcast_in_dim3A_1857] : memref<16x8x64xf32, #tpu.memory_space<vmem>>[vector<16xi32>, vector<16xi32>, vector<16xi32>], vector<16xf32>,
      %gather3A_1859 = tpu.vector_load_idx %arg16[%iota3A, %and3A_1505, %broadcast_in_dim3A_1857] : memref<16x8x64xf32, #tpu.memory_space<vmem>>[vector<16xi32>, vector<16xi32>, vector<16xi32>], vector<16xf32>,
      %mul3A_1860 = arith.mulf %gather3A_1858, %gather3A_1859 : vector<16xf32>
      %add3A_1861 = arith.addf %add3A_1855, %mul3A_1860 : vector<16xf32>
      %broadcast_in_dim3A_1862 = arith.constant 59 : i32
      %broadcast_in_dim3A_1863 = vector.broadcast %broadcast_in_dim3A_1862 : i32 to vector<16xi32>
      %gather3A_1864 = tpu.vector_load_idx %arg14[%iota3A, %and3A_1500, %broadcast_in_dim3A_1863] : memref<16x8x64xf32, #tpu.memory_space<vmem>>[vector<16xi32>, vector<16xi32>, vector<16xi32>], vector<16xf32>,
      %gather3A_1865 = tpu.vector_load_idx %arg16[%iota3A, %and3A_1505, %broadcast_in_dim3A_1863] : memref<16x8x64xf32, #tpu.memory_space<vmem>>[vector<16xi32>, vector<16xi32>, vector<16xi32>], vector<16xf32>,
      %mul3A_1866 = arith.mulf %gather3A_1864, %gather3A_1865 : vector<16xf32>
      %add3A_1867 = arith.addf %add3A_1861, %mul3A_1866 : vector<16xf32>
      %broadcast_in_dim3A_1868 = arith.constant 60 : i32
      %broadcast_in_dim3A_1869 = vector.broadcast %broadcast_in_dim3A_1868 : i32 to vector<16xi32>
      %gather3A_1870 = tpu.vector_load_idx %arg14[%iota3A, %and3A_1500, %broadcast_in_dim3A_1869] : memref<16x8x64xf32, #tpu.memory_space<vmem>>[vector<16xi32>, vector<16xi32>, vector<16xi32>], vector<16xf32>,
      %gather3A_1871 = tpu.vector_load_idx %arg16[%iota3A, %and3A_1505, %broadcast_in_dim3A_1869] : memref<16x8x64xf32, #tpu.memory_space<vmem>>[vector<16xi32>, vector<16xi32>, vector<16xi32>], vector<16xf32>,
      %mul3A_1872 = arith.mulf %gather3A_1870, %gather3A_1871 : vector<16xf32>
      %add3A_1873 = arith.addf %add3A_1867, %mul3A_1872 : vector<16xf32>
      %broadcast_in_dim3A_1874 = arith.constant 61 : i32
      %broadcast_in_dim3A_1875 = vector.broadcast %broadcast_in_dim3A_1874 : i32 to vector<16xi32>
      %gather3A_1876 = tpu.vector_load_idx %arg14[%iota3A, %and3A_1500, %broadcast_in_dim3A_1875] : memref<16x8x64xf32, #tpu.memory_space<vmem>>[vector<16xi32>, vector<16xi32>, vector<16xi32>], vector<16xf32>,
      %gather3A_1877 = tpu.vector_load_idx %arg16[%iota3A, %and3A_1505, %broadcast_in_dim3A_1875] : memref<16x8x64xf32, #tpu.memory_space<vmem>>[vector<16xi32>, vector<16xi32>, vector<16xi32>], vector<16xf32>,
      %mul3A_1878 = arith.mulf %gather3A_1876, %gather3A_1877 : vector<16xf32>
      %add3A_1879 = arith.addf %add3A_1873, %mul3A_1878 : vector<16xf32>
      %broadcast_in_dim3A_1880 = arith.constant 62 : i32
      %broadcast_in_dim3A_1881 = vector.broadcast %broadcast_in_dim3A_1880 : i32 to vector<16xi32>
      %gather3A_1882 = tpu.vector_load_idx %arg14[%iota3A, %and3A_1500, %broadcast_in_dim3A_1881] : memref<16x8x64xf32, #tpu.memory_space<vmem>>[vector<16xi32>, vector<16xi32>, vector<16xi32>], vector<16xf32>,
      %gather3A_1883 = tpu.vector_load_idx %arg16[%iota3A, %and3A_1505, %broadcast_in_dim3A_1881] : memref<16x8x64xf32, #tpu.memory_space<vmem>>[vector<16xi32>, vector<16xi32>, vector<16xi32>], vector<16xf32>,
      %mul3A_1884 = arith.mulf %gather3A_1882, %gather3A_1883 : vector<16xf32>
      %add3A_1885 = arith.addf %add3A_1879, %mul3A_1884 : vector<16xf32>
      %broadcast_in_dim3A_1886 = arith.constant 63 : i32
      %broadcast_in_dim3A_1887 = vector.broadcast %broadcast_in_dim3A_1886 : i32 to vector<16xi32>
      %gather3A_1888 = tpu.vector_load_idx %arg14[%iota3A, %and3A_1500, %broadcast_in_dim3A_1887] : memref<16x8x64xf32, #tpu.memory_space<vmem>>[vector<16xi32>, vector<16xi32>, vector<16xi32>], vector<16xf32>,
      %gather3A_1889 = tpu.vector_load_idx %arg16[%iota3A, %and3A_1505, %broadcast_in_dim3A_1887] : memref<16x8x64xf32, #tpu.memory_space<vmem>>[vector<16xi32>, vector<16xi32>, vector<16xi32>], vector<16xf32>,
      %mul3A_1890 = arith.mulf %gather3A_1888, %gather3A_1889 : vector<16xf32>
      %add3A_1891 = arith.addf %add3A_1885, %mul3A_1890 : vector<16xf32>
      %get3A_1892 = arith.index_cast %mul3A_1495 : i32 to index
      %get3A_1893 = tpu.vector_load %arg17[%get3A_1892] {strides = array<i32>} : memref<512xf32, #tpu.memory_space<vmem>>, vector<16xf32>,
      %add3A_1894 = arith.addf %add3A_1891, %get3A_1893 : vector<16xf32>
      %get3A_1895 = arith.index_cast %mul3A_1495 : i32 to index
      %get3A_1896 = tpu.vector_load %arg18[%get3A_1895] {strides = array<i32>} : memref<512xf32, #tpu.memory_space<vmem>>, vector<16xf32>,
      %add3A_1897 = arith.addf %add3A_1894, %get3A_1896 : vector<16xf32>
      %swap3A_1898 = arith.index_cast %mul3A_1495 : i32 to index
      %swap3A_1899 = tpu.vector_load %arg19[%swap3A_1898] {strides = array<i32>} : memref<512xf32, #tpu.memory_space<vmem>>, vector<16xf32>,
      tpu.vector_store %arg19[%swap3A_1898], %add3A_1897 {strides = array<i32>} : memref<512xf32, #tpu.memory_space<vmem>>, vector<16xf32>,
    }
    %scan3A_532 = arith.constant 16 : i32
    "tpu.region"() ({
      %run_scoped3A = tpu.sem_alloc : memref<!tpu.dma_semaphore, #tpu.memory_space<semaphore_mem>>
      %dma_start3A_533 = tpu.memref_slice %arg8[%mul3A_2] : memref<16384xf32, #tpu.memory_space<hbm>> -> memref<512xf32, #tpu.memory_space<hbm>>
      %dma_start3A_534 = tpu.memref_slice %arg8[%mul3A_2] : memref<16384xf32, #tpu.memory_space<hbm>> -> memref<512xf32, #tpu.memory_space<hbm>>
      tpu.enqueue_dma source(%arg19 : memref<512xf32, #tpu.memory_space<vmem>>) target(%dma_start3A_534 : memref<512xf32, #tpu.memory_space<hbm>>) target_semaphore(%run_scoped3A : memref<!tpu.dma_semaphore, #tpu.memory_space<semaphore_mem>>)
      %dma_wait3A_535 = tpu.memref_slice %arg8[%mul3A_2] : memref<16384xf32, #tpu.memory_space<hbm>> -> memref<512xf32, #tpu.memory_space<hbm>>
      %dma_wait3A_536 = tpu.memref_slice %arg8[%mul3A_2] : memref<16384xf32, #tpu.memory_space<hbm>> -> memref<512xf32, #tpu.memory_space<hbm>>
      tpu.wait_dma2 semaphore(%run_scoped3A : memref<!tpu.dma_semaphore, #tpu.memory_space<semaphore_mem>>) src(%arg19 : memref<512xf32, #tpu.memory_space<vmem>>) dst(%dma_wait3A_536 : memref<512xf32, #tpu.memory_space<hbm>>)
      tpu.yield
    }) : () -> ()
    return
  }
}

</mosaic_0001>

<sc_bundles>
// kernel: _mf.3.cloned.1.call-start
scs
__scs_entry_jumppad:
0x0: {  	(pc) =	sbr.rel $0x88, $3  }
0x1: {  	(tag) =	ssettag $0x0;
	lr =	simm.s32 $0x1  }
0x2: {  	[smem:$0x3F9B] =	sst lr;
	_ =	strace $0xD0000000  }
0x3: {  	_ = 	snop  }
0x4: {  	_ = 	snop  }
0x5: {  	_ = 	snop  }
0x6: {  	_ = 	snop  }
0x7: {  	_ = 	snop  }
__scs_overlays_trampoline_lowered:
0x8: {  	[smem:$0x3FAA] =	sst s0  }
0x9: {  	[smem:$0x3FAB] =	sst s1  }
0xa: {  	[smem:$0x3FAC] =	sst s2  }
0xb: {  	[smem:$0x3FAD] =	sst s3  }
0xc: {  	[smem:$0x3FAE] =	sst s4  }
0xd: {  	[smem:$0x3FAF] =	sst s5  }
0xe: {  	[smem:$0x3FB0] =	sst s6  }
0xf: {  	[smem:$0x3FB1] =	sst s7  }
0x10: {  	[smem:$0x3FB2] =	sst s8  }
0x11: {  	[smem:$0x3FB3] =	sst s9;
	s0 =	simm.s32 @!p0 $0x0  }
0x12: {  	s1 =	sld [smem:$0x3F99];
	s0 =	simm.s32 @p0 $0x1  }
0x13: {  	[smem:$0x3FB4] =	sst s0;
	s0 =	simm.s32 @!p1 $0x0  }
0x14: {  	s2 =	sld [smem:$0x3F98];
	s0 =	simm.s32 @p1 $0x1  }
0x15: {  	[smem:$0x3FB5] =	sst s0;
	s0 =	simm.s32 @!p2 $0x0  }
0x16: {  	s3 =	sld [smem:$0x3FDB];
	s0 =	simm.s32 @p2 $0x1  }
0x17: {  	s4 =	simm.s32 $0x1BF5;
	[smem:$0x3FB7] =	sst s0  }
0x18: {  	s0 =	sld [smem:$0x3F9A];
	_ =	swait.ge [sflag:s4], $0x0  }
0x19: {  	s7 =	sld [smem:$0x3F9B]  }
0x1a: {  	s8 =	sadd.s32 $0xFFFFE003, lr  }
0x1b: {  	s9 =	sadd.s32 $0xFFFFFEF7, lr;
	s5 =	simm.s32 $0xFFFFFFFF;
	p2 =	slt.u32 s8, $0xFFFFF086  }
0x1c: {  	p1 =	slt.u32 s9, $0xF7A;
	s5 =	simm.s32 @!p2 $0x0  }
0x1d: {  	s5 =	simm.s32 @p1 $0x1;
	p0 =	seq.s32 s7, s2  }
0x1e: {  	s7 =	smul.u32 @!p0 $0xF7A, s2;
	p2 =	seq.s32 @!p0 s5, $0x0  }
0x1f: {  	s9 =	smul.u32 $0xF7A, s1;
	s8 =	simm.s32 @!p0 $0x1BF5;
	p2 =	por !p2, p0  }
0x20: {  	[sflag:s8] =	ssyncset.s32 @!p0 $0xFFFFF086;
	s6 =	sadd.s32 @!p0 s3, s7;
	s7 =	simm.s32 @!p0 $0x108  }
0x21: {  	s3 =	sadd.s32 s3, s9;
	s6 =	sadd.s32 @!p0 $0x88, s6;
	s7 =	simm.s32 @p2 $0x1082  }
0x22: {  	[simem:s7], [sflag:s8] =	dma.local @!p0 [hbm:s6], $0xF7A  }
0x23: {  	s9 =	sor.u32 $0xD0000000, s2;
	s6 =	simm.s32 $0x108;
	_ =	swait.ge @!p0 [sflag:s8], $0x0  }
0x24: {  	s3 =	sadd.s32 $0x88, s3;
	s6 =	simm.s32 @!p1 $0x1082;
	[sflag:s4] =	ssyncset.s32 $0xFFFFF086  }
0x25: {  	[simem:s6], [sflag:s4] =	dma.local [hbm:s3], $0xF7A  }
0x26: {  	[smem:$0x3F9B] =	sst s1;
	(tag) =	ssettag s2;
	_ =	strace s9  }
0x27: {  	s1 =	sld [smem:$0x3FAB]  }
0x28: {  	s2 =	sld [smem:$0x3FAC]  }
0x29: {  	s4 =	sld [smem:$0x3FAE]  }
0x2a: {  	p0 =	seq.s32 s5, $0x0;
	s5 =	sld [smem:$0x3FAF]  }
0x2b: {  	s6 =	sld [smem:$0x3FB0]  }
0x2c: {  	s7 =	sld [smem:$0x3FB1]  }
0x2d: {  	s3 =	simm.s32 $0x108;
	s8 =	sld [smem:$0x3FB2]  }
0x2e: {  	s3 =	simm.s32 @!p0 $0x1082;
	s9 =	sld [smem:$0x3FB3]  }
0x2f: {  	lr =	sadd.s32 s0, s3;
	s0 =	sld [smem:$0x3FAA]  }
0x30: {  	s3 =	sld [smem:$0x3FAD]  }
0x31: {  	[smem:$0x3FB6] =	sst s10  }
0x32: {  	s10 =	sld [smem:$0x3FB4];
	_ =	sdelay $0x3  }
0x33: {  	p0 =	seq.s32 s10, $0x1;
	s10 =	sld [smem:$0x3FB6];
	_ =	sdelay $0x3  }
0x34: {  	[smem:$0x3FB6] =	sst s10  }
0x35: {  	s10 =	sld [smem:$0x3FB5];
	_ =	sdelay $0x3  }
0x36: {  	p1 =	seq.s32 s10, $0x1;
	s10 =	sld [smem:$0x3FB6];
	_ =	sdelay $0x3  }
0x37: {  	[smem:$0x3FB6] =	sst s10  }
0x38: {  	s10 =	sld [smem:$0x3FB7]  }
0x39: {  	_ = 	snop;
	(pc) =	sbr.ind lr, $3  }
0x3a: {  	_ = 	snop  }
0x3b: {  	_ = 	snop  }
0x3c: {  	p2 =	seq.s32 s10, $0x1;
	s10 =	sld [smem:$0x3FB6]  }
0x3d: {  	_ =	shalt  }
0x3e: {  	_ =	shalt  }
0x3f: {  	_ =	shalt  }
0x40: {  	_ =	shalt  }
0x41: {  	_ =	shalt  }
0x42: {  	_ =	shalt  }
0x43: {  	_ =	shalt  }
0x44: {  	_ =	shalt  }
0x45: {  	_ =	shalt  }
0x46: {  	_ =	shalt  }
0x47: {  	_ =	shalt  }
0x48: {  	_ =	shalt  }
0x49: {  	_ =	shalt  }
0x4a: {  	_ =	shalt  }
0x4b: {  	_ =	shalt  }
0x4c: {  	_ =	shalt  }
0x4d: {  	_ =	shalt  }
0x4e: {  	_ =	shalt  }
0x4f: {  	_ =	shalt  }
0x50: {  	_ =	shalt  }
0x51: {  	_ =	shalt  }
0x52: {  	_ =	shalt  }
0x53: {  	_ =	shalt  }
0x54: {  	_ =	shalt  }
0x55: {  	_ =	shalt  }
0x56: {  	_ =	shalt  }
0x57: {  	_ =	shalt  }
0x58: {  	_ =	shalt  }
0x59: {  	_ =	shalt  }
0x5a: {  	_ =	shalt  }
0x5b: {  	_ =	shalt  }
0x5c: {  	_ =	shalt  }
0x5d: {  	_ =	shalt  }
0x5e: {  	_ =	shalt  }
0x5f: {  	_ =	shalt  }
0x60: {  	_ =	shalt  }
0x61: {  	_ =	shalt  }
0x62: {  	_ =	shalt  }
0x63: {  	_ =	shalt  }
0x64: {  	_ =	shalt  }
0x65: {  	_ =	shalt  }
0x66: {  	_ =	shalt  }
0x67: {  	_ =	shalt  }
0x68: {  	_ =	shalt  }
0x69: {  	_ =	shalt  }
0x6a: {  	_ =	shalt  }
0x6b: {  	_ =	shalt  }
0x6c: {  	_ =	shalt  }
0x6d: {  	_ =	shalt  }
0x6e: {  	_ =	shalt  }
0x6f: {  	_ =	shalt  }
0x70: {  	_ =	shalt  }
0x71: {  	_ =	shalt  }
0x72: {  	_ =	shalt  }
0x73: {  	_ =	shalt  }
0x74: {  	_ =	shalt  }
0x75: {  	_ =	shalt  }
0x76: {  	_ =	shalt  }
0x77: {  	_ =	shalt  }
0x78: {  	_ =	shalt  }
0x79: {  	_ =	shalt  }
0x7a: {  	_ =	shalt  }
0x7b: {  	_ =	shalt  }
0x7c: {  	_ =	shalt  }
0x7d: {  	_ =	shalt  }
0x7e: {  	_ =	shalt  }
0x7f: {  	_ =	shalt  }
0x80: {  	_ =	shalt  }
0x81: {  	_ =	shalt  }
0x82: {  	_ =	shalt  }
0x83: {  	_ =	shalt  }
0x84: {  	_ =	shalt  }
0x85: {  	_ =	shalt  }
0x86: {  	_ =	shalt  }
0x87: {  	_ =	shalt  }
.Lfunc_end0:
.L_simem_size_0:
called_computation_lowered:
.L_overlay_start_0:
0x88: {  	s2 =	sld [smem:$0x3FD9]  }
0x89: {  	s3 =	sld [smem:$0x3FFE];
	_ =	sdelay $0x1  }
0x8a: {  	s1 =	srdreg.scid  }
0x8b: {  	s0 =	sand.u32 $0x1, s1  }
0x8c: {  	s17 =	sshll.u32 s0, $0xA;
	s2 =	sadd.s32 s3, s2  }
0x8d: {  	s2 =	sadd.s32 s2, s17  }
0x8e: {  	[smem:$0x3FC2] =	sst s2  }
0x8f: {  	_ = 	snop  }
0x90: {  	s2 =	sld [smem:$0x3FC9]  }
0x91: {  	s18 =	sld [smem:$0x3FC8]  }
0x92: {  	s4 =	sld [smem:$0x3FC5]  }
0x93: {  	s5 =	sld [smem:$0x3FC4]  }
0x94: {  	s6 =	sld [smem:$0x3FD0];
	(tm) =	ssettm $0x1  }
0x95: {  	s7 =	sld [smem:$0x3FFB];
	_ =	sdelay $0x3  }
0x96: {  	_ =	strace s7  }
0x97: {  	s7 =	sld [smem:$0x3FFC];
	_ =	sdelay $0x3  }
0x98: {  	_ =	strace s7  }
0x99: {  	s7 =	sld [smem:$0x3FFD];
	_ =	sdelay $0x3  }
0x9a: {  	_ =	strace s7  }
0x9b: {  	_ =	strace $0x8FFFFFFF  }
0x9c: {  	s19 =	sld [smem:$0x3FDB];
	_ =	sdelay $0x1  }
0x9d: {  	s8 =	simm.s32 $_scs_section_size  }
0x9e: {  	s9 =	simm.s32 $_size__tile_overlayer_lowered;
	s10 =	simm.s32 $_tile_overlayer_lowered  }
0x9f: {  	s22 =	simm.s32 $0x1BFF;
	s21 =	sshll.u32 s10, $0x1;
	s7 =	sadd.s32 s8, s19  }
0xa0: {  	s11 =	simm.s32 $0x0;
	s20 =	sshll.u32 s9, $0x1;
	s9 =	sadd.s32 s21, s7  }
0xa1: {  	[timem:s11], [sflag:s22] =	dma.local [hbm:s9], s20  }
0xa2: {  	_ =	swait.ge [sflag:s22], s20  }
0xa3: {  	s8 =	ssub.s32 $0x0, s20;
	[sflag:s22] =	ssyncset.done $0x0  }
0xa4: {  	[sflag:s22] =	ssyncadd.s32 s8;
	_ =	sdelay $0x1  }
0xa5: {  	s23 =	simm.s32 $0x1B8B  }
0xa6: {  	_ =	swait.ge [sflag:s23], $0x1  }
0xa7: {  	[sflag:s23] =	ssyncset.done $0x0  }
0xa8: {  	s25 =	simm.s32 $0x1B8E;
	s24 =	sld [smem:$0x3FFE];
	[sflag:s23] =	ssyncadd.s32 $0xFFFFFFFF  }
0xa9: {  	s26 =	simm.s32 $execute0_lowered;
	[smem:$0x3FD2] =	sst s25  }
0xaa: {  	s9 =	sshll.u32 s26, $0x1;
	_ =	strace $0x80000046;
	[dreg:$0x1] =	wrdreg $0xFFFFFFFF  }
0xab: {  	s28 =	simm.s32 $_size_execute0_lowered;
	s7 =	sadd.s32 s7, s9;
	[dreg:$0x0] =	wrdreg $0x0  }
0xac: {  	s9 =	sshll.u32 s28, $0x1;
	[dreg:$0x2] =	wrdreg s7  }
0xad: {  	[dreg:$0x3] =	wrdreg s9  }
0xae: {  	[dreg:$0x4] =	wrdreg $0xC0  }
0xaf: {  	_ =	task [dreg:s11], $0x5FFFF  }
0xb0: {  	[dreg:$0x1] =	wrdreg $0xFFFFFFFF  }
0xb1: {  	[dreg:$0x0] =	wrdreg $0x60  }
0xb2: {  	[dreg:$0x2] =	wrdreg s2  }
0xb3: {  	[dreg:$0x3] =	wrdreg s18  }
0xb4: {  	[dreg:$0x4] =	wrdreg s24  }
0xb5: {  	[dreg:$0x5] =	wrdreg s4  }
0xb6: {  	[dreg:$0x6] =	wrdreg s5  }
0xb7: {  	[dreg:$0x7] =	wrdreg s6  }
0xb8: {  	[dreg:$0x8] =	wrdreg $0x9  }
0xb9: {  	_ =	task.clear_ibuf [dreg:s11], $0x9FFFF;
	_ =	strace $0x90000046  }
0xba: {  	s29 =	simm.s32 $0x9;
	_ =	strace $0x80000048  }
0xbb: {  	_ =	swait.ge [sflag:s29], $0x1  }
0xbc: {  	[sflag:s29] =	ssyncadd.s32 $0xFFFFFFFF  }
0xbd: {  	_ =	strace $0x90000048  }
0xbe: {  	_ =	sfence  }
0xbf: {  	s30 =	sld [smem:$0x0];
	_ =	sdelay $0x2  }
0xc0: {  	s31 =	sshll.u32 s1, $0xD;
	s1 =	sshrl.u32 s1, $0x2  }
0xc1: {  	s3 =	sand.u32 $0x4000, s31;
	s1 =	sadd.s32 s1, s30  }
0xc2: {  	s0 =	sor.u32 s3, s0;
	s1 =	sshll.u32 s1, $0x11  }
0xc3: {  	s0 =	sor.u32 s1, s0  }
0xc4: {  	s0 =	sadd.s32 $0x8F2B, s0  }
0xc5: {  	[sflag:s0] =	ssyncadd.remote.s32 $0x1  }
0xc6: {  	_ =	sfence.sel $0xFFFF  }
0xc7: {  	[dreg:$0x0] =	wrdreg $0xFFFFFFFF;
	(pc) =	sbr.abs _section_cstart, $3  }
0xc8: {  	[dreg:$0x1] =	wrdreg $0xFFFFFFFF  }
0xc9: {  	_ =	task.clear_ibuf [dreg:s11], $0x2FFFF;
	_ =	strace $0x9FFFFFFF  }
0xca: {  	(tm) =	ssettm $0x7FFFFFFF  }
0xcb: {  	_ =	shalt  }
tec
execute0_lowered:
.L_overlay_start_1:
0x0: {  	(tag) =	ssettag $0x1  }
0x1: {  	s0 =	rddreg [dreg:$0x0]  }
0x2: {  	s1 =	rddreg [dreg:$0x1];
	v0 =	vlaneseq.u32  }
0x3: {  	s2 =	rddreg [dreg:$0x2];
	s3 =	simm.s32 $0x0;
	v2 =	vmul.u32 $0x400, v0  }
0x4: {  	[smem:$0x7FF] =	sst s3  }
0x5: {  	s4 =	rddreg [dreg:$0x5];
	_ =	strace $0x80000047;
	v0 =	vor.u32 $0x1, v2;
	[tilespmem:$0x1FFC0] =	vst v2  }
0x6: {  	v61 =	vor.u32 $0x2, v2;
	[tilespmem:$0x1FC20] =	vst v0  }
0x7: {  	v62 =	vor.u32 $0x3, v2;
	[tilespmem:$0x1FC30] =	vst v61  }
0x8: {  	v63 =	vor.u32 $0x4, v2;
	[tilespmem:$0x1FC40] =	vst v62  }
0x9: {  	v4 =	vor.u32 $0x5, v2;
	[tilespmem:$0x1FC50] =	vst v63  }
0xa: {  	v5 =	vor.u32 $0x6, v2;
	[tilespmem:$0x1FC60] =	vst v4  }
0xb: {  	v1 =	vor.u32 $0x9, v2;
	[tilespmem:$0x1FC70] =	vst v5  }
0xc: {  	v6 =	vor.u32 $0xA, v2;
	[tilespmem:$0x1FC80] =	vst v1  }
0xd: {  	v7 =	vor.u32 $0xB, v2;
	[tilespmem:$0x1FC90] =	vst v6  }
0xe: {  	v8 =	vor.u32 $0xC, v2;
	[tilespmem:$0x1FCA0] =	vst v7  }
0xf: {  	v9 =	vor.u32 $0xD, v2;
	[tilespmem:$0x1FCB0] =	vst v8  }
0x10: {  	v10 =	vor.u32 $0xE, v2;
	[tilespmem:$0x1FCC0] =	vst v9  }
0x11: {  	v11 =	vor.u32 $0xF, v2;
	[tilespmem:$0x1FCD0] =	vst v10  }
0x12: {  	v18 =	vor.u32 $0x10, v2;
	[tilespmem:$0x1FCE0] =	vst v11  }
0x13: {  	v19 =	vor.u32 $0x11, v2;
	[tilespmem:$0x1FCF0] =	vst v18  }
0x14: {  	v20 =	vor.u32 $0x12, v2;
	[tilespmem:$0x1FD00] =	vst v19  }
0x15: {  	v21 =	vor.u32 $0x13, v2;
	[tilespmem:$0x1FD10] =	vst v20  }
0x16: {  	v22 =	vor.u32 $0x14, v2;
	[tilespmem:$0x1FD20] =	vst v21  }
0x17: {  	v23 =	vor.u32 $0x15, v2;
	[tilespmem:$0x1FD30] =	vst v22  }
0x18: {  	v24 =	vor.u32 $0x16, v2;
	[tilespmem:$0x1FD40] =	vst v23  }
0x19: {  	v25 =	vor.u32 $0x17, v2;
	[tilespmem:$0x1FD50] =	vst v24  }
0x1a: {  	v26 =	vor.u32 $0x18, v2;
	[tilespmem:$0x1FD60] =	vst v25  }
0x1b: {  	v27 =	vor.u32 $0x19, v2;
	[tilespmem:$0x1FD70] =	vst v26  }
0x1c: {  	v28 =	vor.u32 $0x1A, v2;
	[tilespmem:$0x1FD80] =	vst v27  }
0x1d: {  	v29 =	vor.u32 $0x1B, v2;
	[tilespmem:$0x1FD90] =	vst v28  }
0x1e: {  	v30 =	vor.u32 $0x1C, v2;
	[tilespmem:$0x1FDA0] =	vst v29  }
0x1f: {  	v31 =	vor.u32 $0x1D, v2;
	[tilespmem:$0x1FDB0] =	vst v30  }
0x20: {  	v32 =	vor.u32 $0x1E, v2;
	[tilespmem:$0x1FDC0] =	vst v31  }
0x21: {  	v33 =	vor.u32 $0x1F, v2;
	[tilespmem:$0x1FDD0] =	vst v32  }
0x22: {  	v34 =	vor.u32 $0x20, v2;
	[tilespmem:$0x1FDE0] =	vst v33  }
0x23: {  	v35 =	vor.u32 $0x21, v2;
	[tilespmem:$0x1FDF0] =	vst v34  }
0x24: {  	v36 =	vor.u32 $0x22, v2;
	[tilespmem:$0x1FE00] =	vst v35  }
0x25: {  	v37 =	vor.u32 $0x23, v2;
	[tilespmem:$0x1FE10] =	vst v36  }
0x26: {  	v38 =	vor.u32 $0x24, v2;
	[tilespmem:$0x1FE20] =	vst v37  }
0x27: {  	v39 =	vor.u32 $0x25, v2;
	[tilespmem:$0x1FE30] =	vst v38  }
0x28: {  	v40 =	vor.u32 $0x26, v2;
	[tilespmem:$0x1FE40] =	vst v39  }
0x29: {  	v41 =	vor.u32 $0x27, v2;
	[tilespmem:$0x1FE50] =	vst v40  }
0x2a: {  	v42 =	vor.u32 $0x28, v2;
	[tilespmem:$0x1FE60] =	vst v41  }
0x2b: {  	v43 =	vor.u32 $0x29, v2;
	[tilespmem:$0x1FE70] =	vst v42  }
0x2c: {  	v44 =	vor.u32 $0x2A, v2;
	[tilespmem:$0x1FE80] =	vst v43  }
0x2d: {  	v45 =	vor.u32 $0x2B, v2;
	[tilespmem:$0x1FE90] =	vst v44  }
0x2e: {  	v46 =	vor.u32 $0x2C, v2;
	[tilespmem:$0x1FEA0] =	vst v45  }
0x2f: {  	v47 =	vor.u32 $0x2D, v2;
	[tilespmem:$0x1FEB0] =	vst v46  }
0x30: {  	v48 =	vor.u32 $0x2E, v2;
	[tilespmem:$0x1FEC0] =	vst v47  }
0x31: {  	v49 =	vor.u32 $0x2F, v2;
	[tilespmem:$0x1FED0] =	vst v48  }
0x32: {  	v50 =	vor.u32 $0x30, v2;
	[tilespmem:$0x1FEE0] =	vst v49  }
0x33: {  	s6 =	srdreg.scid;
	v51 =	vor.u32 $0x31, v2;
	[tilespmem:$0x1FEF0] =	vst v50  }
0x34: {  	s8 =	stileid.u32;
	s13 =	simm.s32 $0x7;
	s17 =	simm.s32 $0x800;
	v52 =	vor.u32 $0x32, v2;
	[tilespmem:$0x1FF00] =	vst v51  }
0x35: {  	s18 =	simm.s32 $0x8800;
	s10 =	simm.s32 $0xE800;
	s12 =	simm.s32 $0x6C00;
	v53 =	vor.u32 $0x33, v2;
	[tilespmem:$0x1FF10] =	vst v52  }
0x36: {  	s15 =	simm.s32 $0xEC00;
	s16 =	simm.s32 $0x7000;
	s11 =	simm.s32 $0xF000;
	v54 =	vor.u32 $0x34, v2;
	[tilespmem:$0x1FF20] =	vst v53  }
0x37: {  	s19 =	simm.s32 $0x7400;
	s20 =	simm.s32 $0xF400;
	s21 =	simm.s32 $0x7800;
	v55 =	vor.u32 $0x35, v2;
	[tilespmem:$0x1FF30] =	vst v54  }
0x38: {  	s22 =	simm.s32 $0xF800;
	s28 =	simm.s32 $0x8000;
	s29 =	simm.s32 $0x10000;
	v56 =	vor.u32 $0x36, v2;
	[tilespmem:$0x1FF40] =	vst v55  }
0x39: {  	s30 =	simm.s32 $0x8400;
	s31 =	simm.s32 $0x10400;
	s6 =	sand.u32 $0x1, s6;
	v57 =	vor.u32 $0x37, v2;
	[tilespmem:$0x1FF50] =	vst v56  }
0x3a: {  	s5 =	sadd.s32 $0x400, s2;
	s8 =	sshll.u32 s8, $0x7;
	s7 =	ssub.s32 $0x2, s6;
	v58 =	vor.u32 $0x38, v2;
	[tilespmem:$0x1FF60] =	vst v57  }
0x3b: {  	s9 =	sshll.u32 s6, $0x6;
	s6 =	sadd.s32 $0xF42800, s2;
	s23 =	sshrl.u32 s7, $0x1;
	v59 =	vor.u32 $0x39, v2;
	[tilespmem:$0x1FF70] =	vst v58  }
0x3c: {  	s8 =	sor.u32 s9, s8;
	s9 =	simm.s32 $0x6800;
	v60 =	vor.u32 $0x3A, v2;
	s2 =	ssub.s32 s7, s23;
	[tilespmem:$0x1FF80] =	vst v59  }
0x3d: {  	v14 =	vor.u32 $0x7, v2;
	s0 =	sadd.s32 s0, s8;
	s24 =	sadd.s32 s1, s8;
	s25 =	sadd.s32 s4, s8;
	[tilespmem:$0x1FF90] =	vst v60  }
.Ltmp0:
0x3e: {  	v15 =	vor.u32 $0x8, v2;
	s23 =	simm.s32 $0x4800;
	[tilespmem:$0x1FFE0] =	vst v14;
	[dreg:$0x7] =	wrdreg s0;
	(pc) =	sbr.rel .LBB2_1-.Ltmp0, $4  }
0x3f: {  	s4 =	simm.s32 $0x3;
	s1 =	simm.s32 $0x2;
	v61 =	vor.u32 $0x3B, v2;
	[tilespmem:$0x1FFF0] =	vst v15;
	[dreg:$0x8] =	wrdreg s24  }
0x40: {  	v62 =	vor.u32 $0x3C, v2;
	s8 =	simm.s32 $0x0;
	[dreg:$0x9] =	wrdreg s25;
	s26 =	smax.u32 s2, $0x1;
	[tilespmem:$0x1FFA0] =	vst v61  }
0x41: {  	v63 =	vor.u32 $0x3D, v2;
	s24 =	simm.s32 $0xC800;
	s25 =	simm.s32 $0x7C00;
	s0 =	simm.s32 $0x1;
	[tilespmem:$0x1FFB0] =	vst v62  }
0x42: {  	[tilespmem:$0x1FFD0] =	vst v63;
	s2 =	simm.s32 $0x4;
	[dreg:$0xa] =	wrdreg s26;
	s26 =	simm.s32 $0xFC00  }
.LBB2_7:
0x43: {  	s7 =	rddreg [dreg:$0x9];
	s8 =	simm.s32 $0x10C00;
	s13 =	simm.s32 $0x7  }
0x44: {  	[hbm4b:s7+s3] =	stream.linear.scatter [tilespmem:s8], [sflag:$0x7], $0x200, $0x38;
	[tilespmem:$0x10E00] =	vst v63  }
0x45: {  	_ =	swait.ge [sflag:s13], $0x200  }
0x46: {  	s7 =	rddreg [dreg:$0xb]  }
0x47: {  	s14 =	rddreg [dreg:$0xa];
	s8 =	sadd.s32 $0x1, s7  }
0x48: {  	p0 =	sne.s32 s8, s14  }
.Ltmp1:
0x49: {  	_ = 	snop;
	(pc) =	sbr.rel @!p0 .LBB2_8-.Ltmp1, $3  }
0x4a: {  	_ =	sdelay $0x1  }
0x4b: {  	[sflag:s13] =	ssyncset.done $0x0  }
0x4c: {  	[sflag:s13] =	ssyncadd.s32 $0xFFFFFE00  }
.LBB2_1:
0x4d: {  	[dreg:$0xb] =	wrdreg s8  }
0x4e: {  	s7 =	rddreg [dreg:$0x7]  }
0x4f: {  	[tilespmem:s3], [sflag:$0x7] =	stream.linear.gather [hbm4b:s7+s3], $0x200, $0x38;
	[tilespmem:$0x10E00] =	vst v63  }
0x50: {  	_ =	swait.ge [sflag:s13], $0x200  }
0x51: {  	[sflag:s13] =	ssyncset.done $0x0  }
0x52: {  	s14 =	simm.s32 $0x200;
	s8 =	rddreg [dreg:$0x8];
	[sflag:s13] =	ssyncadd.s32 $0xFFFFFE00  }
0x53: {  	[tilespmem:s14], [sflag:$0x7] =	stream.linear.gather [hbm4b:s8+s3], $0x200, $0x38;
	[tilespmem:$0x10E00] =	vst v63  }
0x54: {  	_ =	swait.ge [sflag:s13], $0x200  }
0x55: {  	[sflag:s13] =	ssyncset.done $0x0  }
0x56: {  	[sflag:s13] =	ssyncadd.s32 $0xFFFFFE00;
	s13 =	simm.s32 $0x0  }
0x57: {  	v1 =	vld [tilespmem:s13+$0x200]  }
0x58: {  	s14 =	simm.s32 $0x40;
	v2 =	vld [tilespmem:s13+$0x0]  }
.LBB2_2:
0x59: {  	p0 =	sne.s32 s14, $0x7C0  }
.Ltmp2:
0x5a: {  	_ = 	snop;
	(pc) =	sbr.rel @p0 .LBB2_2-.Ltmp2, $4  }
0x5b: {  	_ = 	snop  }
0x5c: {  	s7 =	sshra.s32 s14, $0x2;
	s14 =	sadd.s32 $0x40, s14;
	v62 =	vshra.s32 v1, $0x3  }
0x5d: {  	v1 =	vld [tilespmem:s7+$0x200];
	v63 =	vshra.s32 v2, $0x3;
	[tilespmem:s13+$0x600] =	vst v62  }
0x5e: {  	v2 =	vld [tilespmem:s7+$0x0];
	[tilespmem:s13+$0x400] =	vst v63;
	s13 =	smov.u32 s7  }
0x5f: {  	_ =	sdelay $0x2  }
0x60: {  	v1 =	vshra.s32 v1, $0x3  }
0x61: {  	s7 =	rddreg [dreg:$0x3];
	v2 =	vshra.s32 v2, $0x3;
	[tilespmem:s13+$0x600] =	vst v1  }
0x62: {  	s14 =	simm.s32 $0x200;
	s8 =	simm.s32 $0x10800;
	[tilespmem:s13+$0x400] =	vst v2;
	s13 =	simm.s32 $0x0  }
0x63: {  	[tilespmem:s8], [sflag:$0x5] =	stream.indirect.gather [hbm4b:s7+s14], $0x1, s13, s14, $0xb8;
	[tilespmem:$0x10E00] =	vst v63  }
0x64: {  	s7 =	rddreg [dreg:$0x4];
	s8 =	simm.s32 $0x10A00  }
0x65: {  	[tilespmem:s8], [sflag:$0x6] =	stream.indirect.gather [hbm4b:s7+s14], $0x1, s14, s14, $0xb8;
	[tilespmem:$0x10E00] =	vst v63  }
0x66: {  	s8 =	simm.s32 $0x5  }
0x67: {  	_ =	swait.ge [sflag:s8], $0x200  }
0x68: {  	[sflag:s8] =	ssyncset.done $0x0  }
0x69: {  	s14 =	simm.s32 $0x6;
	[sflag:s8] =	ssyncadd.s32 $0xFFFFFE00  }
0x6a: {  	_ =	swait.ge [sflag:s14], $0x200  }
0x6b: {  	[sflag:s14] =	ssyncset.done $0x0  }
0x6c: {  	[sflag:s14] =	ssyncadd.s32 $0xFFFFFE00  }
0x6d: {  	v1 =	vld [tilespmem:$0x400];
	_ =	sdelay $0x1  }
0x6e: {  	v62 =	vld [tilespmem:$0x600];
	_ =	sdelay $0x2  }
0x6f: {  	v2 =	vshll.u32 v1, $0x7  }
0x70: {  	(v2sf) =	vpush v2, $0x0  }
0x71: {  	v1 =	vshll.u32 v62, $0x7  }
0x72: {  	(v2sf) =	vpush v1, $0x0;
	_ =	sdelay $0x2  }
0x73: {  	(v2sf) =	vpush v2, $0x1;
	_ =	sdelay $0x5  }
0x74: {  	(v2sf) =	vpush v1, $0x1;
	_ =	sdelay $0x3  }
0x75: {  	s8 =	spop (v2sf);
	(v2sf) =	vpush v2, $0x2;
	_ =	sdelay $0x1  }
0x76: {  	s7 =	sand.u32 $0x1FFFFF80, s8;
	s14 =	spop (v2sf);
	(v2sf) =	vpush v1, $0x2  }
0x77: {  	s7 =	sadd.s32 s5, s7  }
0x78: {  	[tilespmem:s17], [sflag:$0x1] =	stream.linear.gather [hbm4b:s7+s13], $0x400, $0x38;
	[tilespmem:$0x10E00] =	vst v63  }
0x79: {  	s8 =	spop (v2sf);
	(v2sf) =	vpush v2, $0x3;
	s7 =	sand.u32 $0x1FFFFF80, s14  }
0x7a: {  	s7 =	sadd.s32 s6, s7  }
0x7b: {  	[tilespmem:s18], [sflag:$0x3] =	stream.linear.gather [hbm4b:s7+s13], $0x400, $0x38;
	[tilespmem:$0x10E00] =	vst v63  }
0x7c: {  	s7 =	sand.u32 $0x1FFFFF80, s8  }
0x7d: {  	s14 =	simm.s32 $0xC00;
	s7 =	sadd.s32 s5, s7  }
0x7e: {  	[tilespmem:s14], [sflag:$0x1] =	stream.linear.gather [hbm4b:s7+s13], $0x400, $0x38;
	[tilespmem:$0x10E00] =	vst v63  }
0x7f: {  	s14 =	spop (v2sf);
	(v2sf) =	vpush v1, $0x3  }
0x80: {  	s7 =	sand.u32 $0x1FFFFF80, s14  }
0x81: {  	s8 =	simm.s32 $0x8C00;
	s7 =	sadd.s32 s6, s7  }
0x82: {  	[tilespmem:s8], [sflag:$0x3] =	stream.linear.gather [hbm4b:s7+s13], $0x400, $0x38;
	[tilespmem:$0x10E00] =	vst v63  }
0x83: {  	s8 =	spop (v2sf);
	(v2sf) =	vpush v2, $0x4;
	_ =	sdelay $0x1  }
0x84: {  	s7 =	sand.u32 $0x1FFFFF80, s8;
	s8 =	spop (v2sf);
	(v2sf) =	vpush v1, $0x4  }
0x85: {  	s14 =	simm.s32 $0x1000;
	s7 =	sadd.s32 s5, s7  }
0x86: {  	[tilespmem:s14], [sflag:$0x1] =	stream.linear.gather [hbm4b:s7+s13], $0x400, $0x38;
	[tilespmem:$0x10E00] =	vst v63  }
0x87: {  	s7 =	sand.u32 $0x1FFFFF80, s8;
	s8 =	spop (v2sf);
	(v2sf) =	vpush v2, $0x5;
	_ =	sdelay $0x3  }
0x88: {  	s14 =	simm.s32 $0x9000;
	s7 =	sadd.s32 s6, s7  }
0x89: {  	[tilespmem:s14], [sflag:$0x3] =	stream.linear.gather [hbm4b:s7+s13], $0x400, $0x38;
	[tilespmem:$0x10E00] =	vst v63  }
0x8a: {  	s7 =	sand.u32 $0x1FFFFF80, s8;
	s8 =	spop (v2sf);
	(v2sf) =	vpush v1, $0x5  }
0x8b: {  	s14 =	simm.s32 $0x1400;
	s7 =	sadd.s32 s5, s7  }
0x8c: {  	[tilespmem:s14], [sflag:$0x1] =	stream.linear.gather [hbm4b:s7+s13], $0x400, $0x38;
	[tilespmem:$0x10E00] =	vst v63  }
0x8d: {  	s7 =	sand.u32 $0x1FFFFF80, s8  }
0x8e: {  	s14 =	simm.s32 $0x9400;
	s7 =	sadd.s32 s6, s7;
	s8 =	spop (v2sf);
	(v2sf) =	vpush v2, $0x6  }
0x8f: {  	[tilespmem:s14], [sflag:$0x3] =	stream.linear.gather [hbm4b:s7+s13], $0x400, $0x38;
	[tilespmem:$0x10E00] =	vst v63  }
0x90: {  	s7 =	sand.u32 $0x1FFFFF80, s8;
	s8 =	spop (v2sf);
	(v2sf) =	vpush v1, $0x6  }
0x91: {  	s14 =	simm.s32 $0x1800;
	s7 =	sadd.s32 s5, s7  }
0x92: {  	[tilespmem:s14], [sflag:$0x1] =	stream.linear.gather [hbm4b:s7+s13], $0x400, $0x38;
	[tilespmem:$0x10E00] =	vst v63  }
0x93: {  	s7 =	sand.u32 $0x1FFFFF80, s8;
	s8 =	spop (v2sf);
	(v2sf) =	vpush v2, $0x7;
	_ =	sdelay $0x3  }
0x94: {  	s14 =	simm.s32 $0x9800;
	s7 =	sadd.s32 s6, s7  }
0x95: {  	[tilespmem:s14], [sflag:$0x3] =	stream.linear.gather [hbm4b:s7+s13], $0x400, $0x38;
	[tilespmem:$0x10E00] =	vst v63  }
0x96: {  	s7 =	sand.u32 $0x1FFFFF80, s8;
	s8 =	spop (v2sf);
	(v2sf) =	vpush v1, $0x7  }
0x97: {  	s14 =	simm.s32 $0x1C00;
	s7 =	sadd.s32 s5, s7  }
0x98: {  	[tilespmem:s14], [sflag:$0x1] =	stream.linear.gather [hbm4b:s7+s13], $0x400, $0x38;
	[tilespmem:$0x10E00] =	vst v63  }
0x99: {  	s7 =	sand.u32 $0x1FFFFF80, s8  }
0x9a: {  	s14 =	simm.s32 $0x9C00;
	s7 =	sadd.s32 s6, s7;
	s8 =	spop (v2sf);
	(v2sf) =	vpush v2, $0x8  }
0x9b: {  	[tilespmem:s14], [sflag:$0x3] =	stream.linear.gather [hbm4b:s7+s13], $0x400, $0x38;
	[tilespmem:$0x10E00] =	vst v63  }
0x9c: {  	s7 =	sand.u32 $0x1FFFFF80, s8;
	s8 =	spop (v2sf);
	(v2sf) =	vpush v1, $0x8  }
0x9d: {  	s14 =	simm.s32 $0x2000;
	s7 =	sadd.s32 s5, s7  }
0x9e: {  	[tilespmem:s14], [sflag:$0x1] =	stream.linear.gather [hbm4b:s7+s13], $0x400, $0x38;
	[tilespmem:$0x10E00] =	vst v63  }
0x9f: {  	s7 =	sand.u32 $0x1FFFFF80, s8;
	s8 =	spop (v2sf);
	(v2sf) =	vpush v2, $0x9;
	_ =	sdelay $0x3  }
0xa0: {  	s14 =	simm.s32 $0xA000;
	s7 =	sadd.s32 s6, s7  }
0xa1: {  	[tilespmem:s14], [sflag:$0x3] =	stream.linear.gather [hbm4b:s7+s13], $0x400, $0x38;
	[tilespmem:$0x10E00] =	vst v63  }
0xa2: {  	s7 =	sand.u32 $0x1FFFFF80, s8;
	s8 =	spop (v2sf);
	(v2sf) =	vpush v1, $0x9  }
0xa3: {  	s14 =	simm.s32 $0x2400;
	s7 =	sadd.s32 s5, s7  }
0xa4: {  	[tilespmem:s14], [sflag:$0x1] =	stream.linear.gather [hbm4b:s7+s13], $0x400, $0x38;
	[tilespmem:$0x10E00] =	vst v63  }
0xa5: {  	s7 =	sand.u32 $0x1FFFFF80, s8  }
0xa6: {  	s14 =	simm.s32 $0xA400;
	s7 =	sadd.s32 s6, s7;
	s8 =	spop (v2sf);
	(v2sf) =	vpush v2, $0xA  }
0xa7: {  	[tilespmem:s14], [sflag:$0x3] =	stream.linear.gather [hbm4b:s7+s13], $0x400, $0x38;
	[tilespmem:$0x10E00] =	vst v63  }
0xa8: {  	s7 =	sand.u32 $0x1FFFFF80, s8;
	s8 =	spop (v2sf);
	(v2sf) =	vpush v1, $0xA  }
0xa9: {  	s14 =	simm.s32 $0x2800;
	s7 =	sadd.s32 s5, s7  }
0xaa: {  	[tilespmem:s14], [sflag:$0x1] =	stream.linear.gather [hbm4b:s7+s13], $0x400, $0x38;
	[tilespmem:$0x10E00] =	vst v63  }
0xab: {  	s7 =	sand.u32 $0x1FFFFF80, s8;
	s8 =	spop (v2sf);
	(v2sf) =	vpush v2, $0xB;
	_ =	sdelay $0x3  }
0xac: {  	s14 =	simm.s32 $0xA800;
	s7 =	sadd.s32 s6, s7  }
0xad: {  	[tilespmem:s14], [sflag:$0x3] =	stream.linear.gather [hbm4b:s7+s13], $0x400, $0x38;
	[tilespmem:$0x10E00] =	vst v63  }
0xae: {  	s7 =	sand.u32 $0x1FFFFF80, s8;
	s8 =	spop (v2sf);
	(v2sf) =	vpush v1, $0xB  }
0xaf: {  	s14 =	simm.s32 $0x2C00;
	s7 =	sadd.s32 s5, s7  }
0xb0: {  	[tilespmem:s14], [sflag:$0x1] =	stream.linear.gather [hbm4b:s7+s13], $0x400, $0x38;
	[tilespmem:$0x10E00] =	vst v63  }
0xb1: {  	v31 =	vld [tilespmem:$0x1FCE0];
	s7 =	sand.u32 $0x1FFFFF80, s8  }
0xb2: {  	v32 =	vld [tilespmem:$0x1FCF0];
	s14 =	simm.s32 $0xAC00;
	s7 =	sadd.s32 s6, s7;
	s8 =	spop (v2sf);
	(v2sf) =	vpush v2, $0xC  }
0xb3: {  	v30 =	vld [tilespmem:$0x1FD00];
	[tilespmem:s14], [sflag:$0x3] =	stream.linear.gather [hbm4b:s7+s13], $0x400, $0x38  }
0xb4: {  	v33 =	vld [tilespmem:$0x1FD10];
	s7 =	sand.u32 $0x1FFFFF80, s8;
	s8 =	spop (v2sf);
	(v2sf) =	vpush v1, $0xC  }
0xb5: {  	v34 =	vld [tilespmem:$0x1FD20];
	s14 =	simm.s32 $0x3000;
	s7 =	sadd.s32 s5, s7  }
0xb6: {  	v35 =	vld [tilespmem:$0x1FD30];
	[tilespmem:s14], [sflag:$0x1] =	stream.linear.gather [hbm4b:s7+s13], $0x400, $0x38  }
0xb7: {  	v36 =	vld [tilespmem:$0x1FD40];
	s7 =	sand.u32 $0x1FFFFF80, s8;
	s8 =	spop (v2sf);
	(v2sf) =	vpush v2, $0xD  }
0xb8: {  	v37 =	vld [tilespmem:$0x1FD50]  }
0xb9: {  	v38 =	vld [tilespmem:$0x1FD60]  }
0xba: {  	v39 =	vld [tilespmem:$0x1FD70]  }
0xbb: {  	v40 =	vld [tilespmem:$0x1FD80];
	s14 =	simm.s32 $0xB000;
	s7 =	sadd.s32 s6, s7  }
0xbc: {  	v41 =	vld [tilespmem:$0x1FD90];
	[tilespmem:s14], [sflag:$0x3] =	stream.linear.gather [hbm4b:s7+s13], $0x400, $0x38  }
0xbd: {  	v42 =	vld [tilespmem:$0x1FDA0];
	s7 =	sand.u32 $0x1FFFFF80, s8;
	s8 =	spop (v2sf);
	(v2sf) =	vpush v1, $0xD  }
0xbe: {  	v43 =	vld [tilespmem:$0x1FDB0];
	s14 =	simm.s32 $0x3400;
	s7 =	sadd.s32 s5, s7  }
0xbf: {  	v44 =	vld [tilespmem:$0x1FDC0];
	[tilespmem:s14], [sflag:$0x1] =	stream.linear.gather [hbm4b:s7+s13], $0x400, $0x38  }
0xc0: {  	v45 =	vld [tilespmem:$0x1FDD0];
	s7 =	sand.u32 $0x1FFFFF80, s8  }
0xc1: {  	v46 =	vld [tilespmem:$0x1FDE0];
	s14 =	simm.s32 $0xB400;
	s7 =	sadd.s32 s6, s7;
	s8 =	spop (v2sf);
	(v2sf) =	vpush v2, $0xE  }
0xc2: {  	v47 =	vld [tilespmem:$0x1FDF0];
	[tilespmem:s14], [sflag:$0x3] =	stream.linear.gather [hbm4b:s7+s13], $0x400, $0x38  }
0xc3: {  	v48 =	vld [tilespmem:$0x1FE00];
	s7 =	sand.u32 $0x1FFFFF80, s8;
	s8 =	spop (v2sf);
	(v2sf) =	vpush v1, $0xE  }
0xc4: {  	v49 =	vld [tilespmem:$0x1FE10];
	s14 =	simm.s32 $0x3800;
	s7 =	sadd.s32 s5, s7  }
0xc5: {  	v50 =	vld [tilespmem:$0x1FE20];
	[tilespmem:s14], [sflag:$0x1] =	stream.linear.gather [hbm4b:s7+s13], $0x400, $0x38  }
0xc6: {  	v51 =	vld [tilespmem:$0x1FE30];
	s7 =	sand.u32 $0x1FFFFF80, s8;
	s8 =	spop (v2sf);
	(v2sf) =	vpush v2, $0xF  }
0xc7: {  	v52 =	vld [tilespmem:$0x1FE40];
	s14 =	simm.s32 $0xB800;
	s7 =	sadd.s32 s6, s7  }
0xc8: {  	v53 =	vld [tilespmem:$0x1FE50];
	[tilespmem:s14], [sflag:$0x3] =	stream.linear.gather [hbm4b:s7+s13], $0x400, $0x38  }
0xc9: {  	v54 =	vld [tilespmem:$0x1FE60];
	s7 =	sand.u32 $0x1FFFFF80, s8  }
0xca: {  	v55 =	vld [tilespmem:$0x1FE70];
	s14 =	simm.s32 $0x3C00;
	s7 =	sadd.s32 s5, s7  }
0xcb: {  	v56 =	vld [tilespmem:$0x1FE80];
	[tilespmem:s14], [sflag:$0x1] =	stream.linear.gather [hbm4b:s7+s13], $0x400, $0x38  }
0xcc: {  	v57 =	vld [tilespmem:$0x1FE90];
	s8 =	spop (v2sf);
	(v2sf) =	vpush v1, $0xF  }
0xcd: {  	v58 =	vld [tilespmem:$0x1FEA0];
	s7 =	sand.u32 $0x1FFFFF80, s8  }
0xce: {  	v59 =	vld [tilespmem:$0x1FEB0];
	s14 =	simm.s32 $0xBC00;
	s7 =	sadd.s32 s6, s7  }
0xcf: {  	v60 =	vld [tilespmem:$0x1FEC0];
	[tilespmem:s14], [sflag:$0x3] =	stream.linear.gather [hbm4b:s7+s13], $0x400, $0x38  }
0xd0: {  	v61 =	vld [tilespmem:$0x1FED0];
	s8 =	spop (v2sf)  }
0xd1: {  	v0 =	vld [tilespmem:$0x1FEE0];
	s7 =	sand.u32 $0x1FFFFF80, s8  }
0xd2: {  	v17 =	vld [tilespmem:$0x1FEF0];
	s14 =	simm.s32 $0x4000;
	s8 =	spop (v2sf);
	s7 =	sadd.s32 s5, s7  }
0xd3: {  	v18 =	vld [tilespmem:$0x1FF00];
	[tilespmem:s14], [sflag:$0x1] =	stream.linear.gather [hbm4b:s7+s13], $0x400, $0x38  }
0xd4: {  	v19 =	vld [tilespmem:$0x1FF10];
	s7 =	sand.u32 $0x1FFFFF80, s8  }
0xd5: {  	v20 =	vld [tilespmem:$0x1FF20];
	s14 =	simm.s32 $0xC000;
	s8 =	spop (v2sf);
	s7 =	sadd.s32 s6, s7  }
0xd6: {  	v21 =	vld [tilespmem:$0x1FF40];
	[tilespmem:s14], [sflag:$0x3] =	stream.linear.gather [hbm4b:s7+s13], $0x400, $0x38  }
0xd7: {  	v22 =	vld [tilespmem:$0x1FF50];
	s7 =	sand.u32 $0x1FFFFF80, s8  }
0xd8: {  	v24 =	vld [tilespmem:$0x1FF60];
	s14 =	simm.s32 $0x4400;
	s7 =	sadd.s32 s5, s7  }
0xd9: {  	v29 =	vld [tilespmem:$0x1FF70];
	[tilespmem:s14], [sflag:$0x1] =	stream.linear.gather [hbm4b:s7+s13], $0x400, $0x38  }
.Ltmp3:
0xda: {  	v23 =	vld [tilespmem:$0x1FF80];
	(pc) =	sbr.rel .LBB2_4-.Ltmp3, $4  }
0xdb: {  	v25 =	vld [tilespmem:$0x1FF90];
	s8 =	spop (v2sf)  }
0xdc: {  	v26 =	vld [tilespmem:$0x1FFA0];
	s7 =	sand.u32 $0x1FFFFF80, s8  }
0xdd: {  	v27 =	vld [tilespmem:$0x1FFB0];
	s14 =	simm.s32 $0xC400;
	s7 =	sadd.s32 s6, s7  }
0xde: {  	v28 =	vld [tilespmem:$0x1FFD0];
	[tilespmem:s14], [sflag:$0x3] =	stream.linear.gather [hbm4b:s7+s13], $0x400, $0x38  }
.LBB2_6:
0xdf: {  	_ =	swait.ge [sflag:s1], $0x4000  }
0xe0: {  	[sflag:s1] =	ssyncset.done $0x0  }
0xe1: {  	[sflag:s1] =	ssyncadd.s32 $0xFFFFC000  }
0xe2: {  	_ =	swait.ge [sflag:s2], $0x4000  }
0xe3: {  	[sflag:s2] =	ssyncset.done $0x0  }
0xe4: {  	v0 =	vld [tilespmem:$0x1FC20];
	[sflag:s2] =	ssyncadd.s32 $0xFFFFC000  }
0xe5: {  	v1 =	vld [tilespmem:s14+$0x10]  }
0xe6: {  	v2 =	vld [tilespmem:s14+$0x210]  }
0xe7: {  	v15 =	vld [tilespmem:$0x1FC70]  }
0xe8: {  	v63 =	vld [tilespmem:$0x1FFE0]  }
0xe9: {  	v31 =	vld [tilespmem:$0x1FD00]  }
0xea: {  	v17 =	vld [tilespmem:$0x1FEF0]  }
0xeb: {  	v18 =	vld [tilespmem:$0x1FF00];
	v1 =	vshll.u32 v1, $0x7;
	v2 =	vshll.u32 v2, $0x7  }
0xec: {  	v19 =	vld [tilespmem:$0x1FF10];
	v1 =	vand.u32 $0x380, v1;
	v2 =	vand.u32 $0x380, v2  }
0xed: {  	v5 =	vor.u32 v0, v1;
	v6 =	vor.u32 v0, v2;
	v0 =	vld [tilespmem:$0x1FC30]  }
0xee: {  	v20 =	vld [tilespmem:$0x1FF20]  }
0xef: {  	v21 =	vld [tilespmem:$0x1FF40]  }
0xf0: {  	v22 =	vld [tilespmem:$0x1FF50]  }
0xf1: {  	v24 =	vld [tilespmem:$0x1FF60]  }
0xf2: {  	v7 =	vor.u32 v0, v1;
	v8 =	vor.u32 v0, v2;
	v0 =	vld [tilespmem:$0x1FC40]  }
0xf3: {  	v29 =	vld [tilespmem:$0x1FF70]  }
0xf4: {  	v23 =	vld [tilespmem:$0x1FF80];
	v3 =	vor.u32 v16, v1  }
0xf5: {  	v25 =	vld [tilespmem:$0x1FF90];
	v4 =	vor.u32 v16, v2  }
0xf6: {  	v26 =	vld [tilespmem:$0x1FFA0]  }
0xf7: {  	v9 =	vor.u32 v0, v1;
	v10 =	vor.u32 v0, v2;
	v0 =	vld [tilespmem:$0x1FC50]  }
0xf8: {  	v27 =	vld [tilespmem:$0x1FFB0]  }
0xf9: {  	v14 =	vor.u32 v15, v1;
	v59 =	vor.u32 v15, v2;
	v15 =	vor.u32 v63, v1;
	v3 =	vld.idx.msk [tilespmem:v3+s23+$0x0], $0xffff  }
0xfa: {  	v4 =	vld.idx.msk [tilespmem:v4+s24+$0x0], $0xffff  }
0xfb: {  	v5 =	vld.idx.msk [tilespmem:v5+s23+$0x0], $0xffff  }
0xfc: {  	v11 =	vor.u32 v0, v1;
	v12 =	vor.u32 v0, v2;
	v0 =	vld [tilespmem:$0x1FC60]  }
0xfd: {  	v6 =	vld.idx.msk [tilespmem:v6+s24+$0x0], $0xffff  }
0xfe: {  	v36 =	vld.idx.msk [tilespmem:v15+s23+$0x0], $0xffff  }
0xff: {  	v7 =	vld.idx.msk [tilespmem:v7+s23+$0x0], $0xffff  }
0x100: {  	v8 =	vld.idx.msk [tilespmem:v8+s24+$0x0], $0xffff  }
0x101: {  	v56 =	vld.idx.msk [tilespmem:v9+s23+$0x0], $0xffff;
	v13 =	vor.u32 v0, v1  }
0x102: {  	v57 =	vor.u32 v0, v2;
	v0 =	vld [tilespmem:$0x1FFF0]  }
0x103: {  	v32 =	vor.u32 v63, v2;
	v10 =	vld.idx.msk [tilespmem:v10+s24+$0x0], $0xffff  }
0x104: {  	v58 =	vld.idx.msk [tilespmem:v11+s23+$0x0], $0xffff  }
0x105: {  	v3 =	vmul.f32 v4, v3;
	v12 =	vld.idx.msk [tilespmem:v12+s24+$0x0], $0xffff  }
0x106: {  	v5 =	vmul.f32 v6, v5;
	v62 =	vld.idx.msk [tilespmem:v13+s23+$0x0], $0xffff  }
0x107: {  	v3 =	vadd.f32 $0.0e+00, v3;
	v13 =	vor.u32 v0, v1;
	v34 =	vor.u32 v0, v2;
	v0 =	vld [tilespmem:$0x1FC80]  }
0x108: {  	v61 =	vmul.f32 v8, v7;
	v8 =	vld.idx.msk [tilespmem:v32+s24+$0x0], $0xffff  }
0x109: {  	v33 =	vld.idx.msk [tilespmem:v14+s23+$0x0], $0xffff;
	v3 =	vadd.f32 v5, v3  }
0x10a: {  	v11 =	vld.idx.msk [tilespmem:v59+s24+$0x0], $0xffff  }
0x10b: {  	v32 =	vld [tilespmem:$0x1FCF0];
	v3 =	vadd.f32 v61, v3;
	v4 =	vmul.f32 v10, v56  }
0x10c: {  	v35 =	vmul.f32 v12, v58;
	v14 =	vor.u32 v0, v1;
	v12 =	vor.u32 v0, v2;
	v0 =	vld [tilespmem:$0x1FC90]  }
0x10d: {  	v43 =	vmul.f32 v8, v36;
	v36 =	vld [tilespmem:$0x1FD40]  }
0x10e: {  	v3 =	vadd.f32 v4, v3;
	v9 =	vld.idx.msk [tilespmem:v57+s24+$0x0], $0xffff  }
0x10f: {  	v40 =	vmul.f32 v11, v33;
	v33 =	vld [tilespmem:$0x1FD10]  }
0x110: {  	v3 =	vadd.f32 v35, v3;
	v35 =	vld [tilespmem:$0x1FD30]  }
0x111: {  	v15 =	vor.u32 v0, v1;
	v39 =	vor.u32 v0, v2;
	v0 =	vld [tilespmem:$0x1FCA0]  }
0x112: {  	v38 =	vld.idx.msk [tilespmem:v13+s23+$0x0], $0xffff  }
0x113: {  	v10 =	vld.idx.msk [tilespmem:v34+s24+$0x0], $0xffff  }
0x114: {  	v37 =	vmul.f32 v9, v62;
	v62 =	vld [tilespmem:$0x1FCE0]  }
0x115: {  	v34 =	vld [tilespmem:$0x1FD20]  }
0x116: {  	v13 =	vor.u32 v0, v1;
	v42 =	vor.u32 v0, v2;
	v0 =	vld [tilespmem:$0x1FCB0]  }
0x117: {  	v3 =	vadd.f32 v37, v3;
	v37 =	vld [tilespmem:$0x1FD50]  }
0x118: {  	v41 =	vld.idx.msk [tilespmem:v14+s23+$0x0], $0xffff  }
0x119: {  	v12 =	vld.idx.msk [tilespmem:v12+s24+$0x0], $0xffff  }
0x11a: {  	v46 =	vmul.f32 v10, v38;
	v38 =	vld [tilespmem:$0x1FD60]  }
0x11b: {  	v14 =	vor.u32 v0, v1;
	v45 =	vor.u32 v0, v2;
	v0 =	vld [tilespmem:$0x1FCC0]  }
0x11c: {  	v44 =	vld.idx.msk [tilespmem:v15+s23+$0x0], $0xffff  }
0x11d: {  	v53 =	vor.u32 v62, v2;
	v9 =	vld.idx.msk [tilespmem:v39+s24+$0x0], $0xffff  }
0x11e: {  	v47 =	vld.idx.msk [tilespmem:v13+s23+$0x0], $0xffff  }
0x11f: {  	v11 =	vld.idx.msk [tilespmem:v42+s24+$0x0], $0xffff  }
0x120: {  	v56 =	vor.u32 v32, v2;
	v15 =	vor.u32 v0, v1;
	v48 =	vor.u32 v0, v2;
	v0 =	vld [tilespmem:$0x1FCD0]  }
0x121: {  	v39 =	vld [tilespmem:$0x1FD70]  }
0x122: {  	v51 =	vmul.f32 v9, v44;
	v9 =	vld.idx.msk [tilespmem:v53+s24+$0x0], $0xffff  }
0x123: {  	v50 =	vld.idx.msk [tilespmem:v14+s23+$0x0], $0xffff;
	v14 =	vor.u32 v62, v1  }
0x124: {  	v59 =	vor.u32 v31, v2;
	v8 =	vld.idx.msk [tilespmem:v45+s24+$0x0], $0xffff  }
0x125: {  	v54 =	vmul.f32 v11, v47;
	v11 =	vld.idx.msk [tilespmem:v56+s24+$0x0], $0xffff;
	v13 =	vor.u32 v0, v1  }
0x126: {  	v3 =	vadd.f32 v40, v3;
	v49 =	vmul.f32 v12, v41;
	v12 =	vor.u32 v0, v2;
	v52 =	vld.idx.msk [tilespmem:v15+s23+$0x0], $0xffff  }
0x127: {  	v10 =	vld.idx.msk [tilespmem:v48+s24+$0x0], $0xffff;
	v15 =	vor.u32 v32, v1  }
0x128: {  	v3 =	vadd.f32 v43, v3;
	v58 =	vld.idx.msk [tilespmem:v14+s23+$0x0], $0xffff;
	v14 =	vor.u32 v33, v1  }
0x129: {  	v40 =	vor.u32 v33, v2;
	v57 =	vmul.f32 v8, v50;
	v8 =	vld.idx.msk [tilespmem:v59+s24+$0x0], $0xffff  }
0x12a: {  	v3 =	vadd.f32 v46, v3;
	v45 =	vor.u32 v35, v2;
	v55 =	vld.idx.msk [tilespmem:v13+s23+$0x0], $0xffff  }
0x12b: {  	v12 =	vld.idx.msk [tilespmem:v12+s24+$0x0], $0xffff  }
0x12c: {  	v3 =	vadd.f32 v49, v3;
	v61 =	vld.idx.msk [tilespmem:v15+s23+$0x0], $0xffff  }
0x12d: {  	v13 =	vor.u32 v31, v1;
	v44 =	vld.idx.msk [tilespmem:v14+s23+$0x0], $0xffff  }
0x12e: {  	v3 =	vadd.f32 v51, v3;
	v60 =	vmul.f32 v10, v52;
	v15 =	vor.u32 v34, v1;
	v10 =	vld.idx.msk [tilespmem:v40+s24+$0x0], $0xffff  }
0x12f: {  	v43 =	vmul.f32 v9, v58;
	v14 =	vor.u32 v36, v1;
	v9 =	vld.idx.msk [tilespmem:v45+s24+$0x0], $0xffff  }
0x130: {  	v3 =	vadd.f32 v54, v3;
	v48 =	vor.u32 v36, v2;
	v40 =	vld [tilespmem:$0x1FD80]  }
0x131: {  	v54 =	vor.u32 v38, v2;
	v45 =	vld [tilespmem:$0x1FDD0]  }
0x132: {  	v3 =	vadd.f32 v57, v3;
	v42 =	vld.idx.msk [tilespmem:v13+s23+$0x0], $0xffff  }
0x133: {  	v47 =	vld.idx.msk [tilespmem:v15+s23+$0x0], $0xffff  }
0x134: {  	v3 =	vadd.f32 v60, v3;
	v53 =	vld.idx.msk [tilespmem:v14+s23+$0x0], $0xffff  }
0x135: {  	v41 =	vmul.f32 v12, v55;
	v12 =	vor.u32 v34, v2;
	v46 =	vmul.f32 v11, v61;
	v11 =	vld.idx.msk [tilespmem:v48+s24+$0x0], $0xffff  }
0x136: {  	v13 =	vor.u32 v35, v1;
	v52 =	vmul.f32 v10, v44;
	v10 =	vld.idx.msk [tilespmem:v54+s24+$0x0], $0xffff  }
0x137: {  	v15 =	vor.u32 v37, v1;
	v44 =	vld [tilespmem:$0x1FDC0];
	v3 =	vadd.f32 v41, v3  }
0x138: {  	v41 =	vld [tilespmem:$0x1FD90]  }
0x139: {  	v51 =	vor.u32 v37, v2;
	v3 =	vadd.f32 v43, v3;
	v43 =	vld [tilespmem:$0x1FDB0]  }
0x13a: {  	v14 =	vor.u32 v39, v1;
	v12 =	vld.idx.msk [tilespmem:v12+s24+$0x0], $0xffff  }
0x13b: {  	v50 =	vld.idx.msk [tilespmem:v13+s23+$0x0], $0xffff;
	v13 =	vor.u32 v38, v1  }
0x13c: {  	v56 =	vld.idx.msk [tilespmem:v15+s23+$0x0], $0xffff;
	v15 =	vor.u32 v40, v1  }
0x13d: {  	v59 =	vor.u32 v40, v2;
	v49 =	vmul.f32 v8, v42;
	v42 =	vld [tilespmem:$0x1FDA0]  }
0x13e: {  	v8 =	vld.idx.msk [tilespmem:v51+s24+$0x0], $0xffff;
	v3 =	vadd.f32 v46, v3;
	v46 =	vor.u32 v41, v2  }
0x13f: {  	v61 =	vld.idx.msk [tilespmem:v14+s23+$0x0], $0xffff  }
0x140: {  	v55 =	vmul.f32 v12, v47;
	v12 =	vor.u32 v39, v2;
	v58 =	vld.idx.msk [tilespmem:v13+s23+$0x0], $0xffff  }
0x141: {  	v13 =	vor.u32 v41, v1;
	v48 =	vld.idx.msk [tilespmem:v15+s23+$0x0], $0xffff  }
0x142: {  	v57 =	vmul.f32 v9, v50;
	v14 =	vor.u32 v42, v1;
	v9 =	vld.idx.msk [tilespmem:v59+s24+$0x0], $0xffff  }
0x143: {  	v60 =	vmul.f32 v11, v53;
	v3 =	vadd.f32 v49, v3;
	v49 =	vor.u32 v42, v2;
	v11 =	vld.idx.msk [tilespmem:v46+s24+$0x0], $0xffff  }
0x144: {  	v15 =	vor.u32 v43, v1;
	v46 =	vld [tilespmem:$0x1FDE0]  }
0x145: {  	v3 =	vadd.f32 v52, v3;
	v52 =	vor.u32 v43, v2;
	v12 =	vld.idx.msk [tilespmem:v12+s24+$0x0], $0xffff  }
0x146: {  	v51 =	vld.idx.msk [tilespmem:v13+s23+$0x0], $0xffff  }
0x147: {  	v3 =	vadd.f32 v55, v3;
	v54 =	vld.idx.msk [tilespmem:v14+s23+$0x0], $0xffff  }
0x148: {  	v47 =	vmul.f32 v8, v56;
	v8 =	vld.idx.msk [tilespmem:v49+s24+$0x0], $0xffff  }
0x149: {  	v3 =	vadd.f32 v57, v3;
	v57 =	vor.u32 v45, v2;
	v56 =	vld.idx.msk [tilespmem:v15+s23+$0x0], $0xffff  }
0x14a: {  	v50 =	vmul.f32 v10, v58;
	v13 =	vor.u32 v44, v1;
	v10 =	vld.idx.msk [tilespmem:v52+s24+$0x0], $0xffff  }
0x14b: {  	v14 =	vor.u32 v45, v1;
	v55 =	vmul.f32 v9, v48;
	v48 =	vld [tilespmem:$0x1FE00];
	v3 =	vadd.f32 v60, v3  }
0x14c: {  	v49 =	vld [tilespmem:$0x1FE10]  }
0x14d: {  	v3 =	vadd.f32 v47, v3;
	v47 =	vld [tilespmem:$0x1FDF0]  }
0x14e: {  	v60 =	vor.u32 v46, v2;
	v9 =	vld.idx.msk [tilespmem:v57+s24+$0x0], $0xffff  }
0x14f: {  	v15 =	vor.u32 v46, v1;
	v59 =	vld.idx.msk [tilespmem:v13+s23+$0x0], $0xffff  }
0x150: {  	v3 =	vadd.f32 v50, v3;
	v53 =	vmul.f32 v12, v61;
	v12 =	vor.u32 v44, v2;
	v52 =	vld.idx.msk [tilespmem:v14+s23+$0x0], $0xffff  }
0x151: {  	v61 =	vmul.f32 v8, v54;
	v54 =	vmul.f32 v10, v56;
	v56 =	vor.u32 v48, v2;
	v50 =	vld [tilespmem:$0x1FE20]  }
0x152: {  	v58 =	vmul.f32 v11, v51;
	v51 =	vld [tilespmem:$0x1FE30];
	v3 =	vadd.f32 v53, v3  }
0x153: {  	v14 =	vor.u32 v48, v1;
	v11 =	vld.idx.msk [tilespmem:v60+s24+$0x0], $0xffff  }
0x154: {  	v13 =	vor.u32 v47, v1;
	v3 =	vadd.f32 v55, v3;
	v55 =	vld.idx.msk [tilespmem:v15+s23+$0x0], $0xffff  }
0x155: {  	v53 =	vor.u32 v47, v2;
	v12 =	vld.idx.msk [tilespmem:v12+s24+$0x0], $0xffff  }
0x156: {  	v10 =	vld.idx.msk [tilespmem:v56+s24+$0x0], $0xffff  }
0x157: {  	v15 =	vor.u32 v49, v1;
	v57 =	vmul.f32 v9, v52;
	v52 =	vld [tilespmem:$0x1FE40]  }
0x158: {  	v3 =	vadd.f32 v58, v3;
	v58 =	vld.idx.msk [tilespmem:v14+s23+$0x0], $0xffff  }
0x159: {  	v56 =	vor.u32 v51, v2;
	v60 =	vld.idx.msk [tilespmem:v13+s23+$0x0], $0xffff  }
0x15a: {  	v3 =	vadd.f32 v61, v3;
	v8 =	vld.idx.msk [tilespmem:v53+s24+$0x0], $0xffff  }
0x15b: {  	v53 =	vld [tilespmem:$0x1FE50]  }
0x15c: {  	v6 =	vld.idx.msk [tilespmem:v15+s23+$0x0], $0xffff;
	v3 =	vadd.f32 v54, v3;
	v59 =	vmul.f32 v12, v59;
	v12 =	vor.u32 v49, v2  }
0x15d: {  	v13 =	vor.u32 v50, v1;
	v61 =	vmul.f32 v11, v55;
	v55 =	vld [tilespmem:$0x1FE70]  }
0x15e: {  	v11 =	vld.idx.msk [tilespmem:v56+s24+$0x0], $0xffff;
	v3 =	vadd.f32 v59, v3;
	v59 =	vor.u32 v50, v2  }
0x15f: {  	v14 =	vor.u32 v51, v1;
	v54 =	vld [tilespmem:$0x1FE60]  }
0x160: {  	v56 =	vld [tilespmem:$0x1FE80];
	v3 =	vadd.f32 v57, v3;
	v57 =	vor.u32 v52, v2  }
0x161: {  	v12 =	vld.idx.msk [tilespmem:v12+s24+$0x0], $0xffff  }
0x162: {  	v15 =	vor.u32 v52, v1;
	v60 =	vmul.f32 v8, v60;
	v3 =	vadd.f32 v61, v3;
	v61 =	vld.idx.msk [tilespmem:v13+s23+$0x0], $0xffff  }
0x163: {  	v9 =	vld.idx.msk [tilespmem:v59+s24+$0x0], $0xffff  }
0x164: {  	v58 =	vmul.f32 v10, v58;
	v5 =	vld.idx.msk [tilespmem:v14+s23+$0x0], $0xffff;
	v13 =	vor.u32 v53, v1;
	v3 =	vadd.f32 v60, v3  }
0x165: {  	v59 =	vor.u32 v53, v2;
	v8 =	vld.idx.msk [tilespmem:v57+s24+$0x0], $0xffff  }
0x166: {  	v14 =	vor.u32 v54, v1;
	v57 =	vld [tilespmem:$0x1FE90];
	v3 =	vadd.f32 v58, v3;
	v60 =	vmul.f32 v12, v6  }
0x167: {  	v6 =	vld.idx.msk [tilespmem:v15+s23+$0x0], $0xffff  }
0x168: {  	v12 =	vor.u32 v54, v2;
	v58 =	vld [tilespmem:$0x1FEA0];
	v3 =	vadd.f32 v60, v3;
	v61 =	vmul.f32 v9, v61  }
0x169: {  	v15 =	vor.u32 v55, v1;
	v7 =	vld.idx.msk [tilespmem:v13+s23+$0x0], $0xffff  }
0x16a: {  	v9 =	vor.u32 v55, v2;
	v10 =	vld.idx.msk [tilespmem:v59+s24+$0x0], $0xffff;
	v60 =	vmul.f32 v11, v5;
	v3 =	vadd.f32 v61, v3  }
0x16b: {  	v5 =	vld.idx.msk [tilespmem:v14+s23+$0x0], $0xffff;
	v11 =	vor.u32 v56, v2  }
0x16c: {  	v59 =	vld [tilespmem:$0x1FEB0];
	v3 =	vadd.f32 v60, v3;
	v60 =	vor.u32 v57, v2  }
0x16d: {  	v12 =	vld.idx.msk [tilespmem:v12+s24+$0x0], $0xffff  }
0x16e: {  	v13 =	vor.u32 v56, v1;
	v61 =	vmul.f32 v8, v6;
	v6 =	vld.idx.msk [tilespmem:v15+s23+$0x0], $0xffff  }
0x16f: {  	v9 =	vld.idx.msk [tilespmem:v9+s24+$0x0], $0xffff  }
0x170: {  	v11 =	vld.idx.msk [tilespmem:v11+s24+$0x0], $0xffff  }
0x171: {  	v14 =	vor.u32 v57, v1;
	v8 =	vld.idx.msk [tilespmem:v60+s24+$0x0], $0xffff  }
0x172: {  	v15 =	vor.u32 v58, v1;
	v3 =	vadd.f32 v61, v3;
	v61 =	vmul.f32 v10, v7;
	v60 =	vld [tilespmem:$0x1FEC0]  }
0x173: {  	v7 =	vld.idx.msk [tilespmem:v13+s23+$0x0], $0xffff;
	v10 =	vor.u32 v58, v2  }
0x174: {  	v13 =	vor.u32 v59, v1;
	v3 =	vadd.f32 v61, v3;
	v61 =	vld [tilespmem:$0x1FED0]  }
0x175: {  	v0 =	vld [tilespmem:$0x1FEE0];
	v4 =	vmul.f32 v12, v5;
	v12 =	vor.u32 v59, v2  }
0x176: {  	v5 =	vld.idx.msk [tilespmem:v14+s23+$0x0], $0xffff  }
0x177: {  	v3 =	vadd.f32 v4, v3;
	v4 =	vmul.f32 v9, v6;
	v6 =	vld.idx.msk [tilespmem:v15+s23+$0x0], $0xffff;
	v14 =	vor.u32 v60, v1  }
0x178: {  	v10 =	vld.idx.msk [tilespmem:v10+s24+$0x0], $0xffff;
	v9 =	vor.u32 v60, v2  }
0x179: {  	v3 =	vadd.f32 v4, v3;
	v4 =	vmul.f32 v11, v7;
	v7 =	vld.idx.msk [tilespmem:v13+s23+$0x0], $0xffff;
	v15 =	vor.u32 v61, v1  }
0x17a: {  	v11 =	vor.u32 v61, v2;
	v12 =	vld.idx.msk [tilespmem:v12+s24+$0x0], $0xffff  }
0x17b: {  	v16 =	vld [tilespmem:$0x1FC00];
	v13 =	vor.u32 v0, v1;
	v3 =	vadd.f32 v4, v3;
	v4 =	vmul.f32 v8, v5  }
0x17c: {  	v8 =	vor.u32 v0, v2;
	v5 =	vld.idx.msk [tilespmem:v14+s23+$0x0], $0xffff  }
0x17d: {  	v3 =	vadd.f32 v4, v3;
	v4 =	vmul.f32 v10, v6;
	v10 =	vor.u32 v17, v2;
	v9 =	vld.idx.msk [tilespmem:v9+s24+$0x0], $0xffff  }
0x17e: {  	v6 =	vld.idx.msk [tilespmem:v15+s23+$0x0], $0xffff;
	v14 =	vor.u32 v17, v1  }
0x17f: {  	v11 =	vld.idx.msk [tilespmem:v11+s24+$0x0], $0xffff;
	v3 =	vadd.f32 v4, v3;
	v4 =	vmul.f32 v12, v7;
	v12 =	vor.u32 v18, v2  }
0x180: {  	v15 =	vor.u32 v18, v1;
	v7 =	vld.idx.msk [tilespmem:v13+s23+$0x0], $0xffff  }
0x181: {  	v13 =	vor.u32 v19, v1;
	v8 =	vld.idx.msk [tilespmem:v8+s24+$0x0], $0xffff  }
0x182: {  	v3 =	vadd.f32 v4, v3;
	v10 =	vld.idx.msk [tilespmem:v10+s24+$0x0], $0xffff;
	v4 =	vmul.f32 v9, v5;
	v9 =	vor.u32 v19, v2  }
0x183: {  	v5 =	vld.idx.msk [tilespmem:v14+s23+$0x0], $0xffff;
	v14 =	vor.u32 v20, v1  }
0x184: {  	v12 =	vld.idx.msk [tilespmem:v12+s24+$0x0], $0xffff;
	v3 =	vadd.f32 v4, v3;
	v4 =	vmul.f32 v11, v6;
	v11 =	vor.u32 v20, v2  }
0x185: {  	v6 =	vld.idx.msk [tilespmem:v15+s23+$0x0], $0xffff;
	v15 =	vor.u32 v30, v1  }
0x186: {  	v3 =	vadd.f32 v4, v3;
	v4 =	vmul.f32 v8, v7;
	v7 =	vld.idx.msk [tilespmem:v13+s23+$0x0], $0xffff;
	v8 =	vor.u32 v30, v2  }
0x187: {  	v13 =	vor.u32 v21, v1;
	v9 =	vld.idx.msk [tilespmem:v9+s24+$0x0], $0xffff  }
0x188: {  	v3 =	vadd.f32 v4, v3;
	v4 =	vmul.f32 v10, v5;
	v5 =	vld.idx.msk [tilespmem:v14+s23+$0x0], $0xffff;
	v10 =	vor.u32 v21, v2  }
0x189: {  	v14 =	vor.u32 v22, v1;
	v11 =	vld.idx.msk [tilespmem:v11+s24+$0x0], $0xffff  }
0x18a: {  	v3 =	vadd.f32 v4, v3;
	v4 =	vmul.f32 v12, v6;
	v6 =	vld.idx.msk [tilespmem:v15+s23+$0x0], $0xffff;
	v12 =	vor.u32 v22, v2  }
0x18b: {  	v15 =	vor.u32 v24, v1;
	v8 =	vld.idx.msk [tilespmem:v8+s24+$0x0], $0xffff  }
0x18c: {  	v3 =	vadd.f32 v4, v3;
	v4 =	vmul.f32 v9, v7;
	v7 =	vld.idx.msk [tilespmem:v13+s23+$0x0], $0xffff;
	v9 =	vor.u32 v24, v2  }
0x18d: {  	v13 =	vor.u32 v29, v1;
	v10 =	vld.idx.msk [tilespmem:v10+s24+$0x0], $0xffff  }
0x18e: {  	v3 =	vadd.f32 v4, v3;
	v4 =	vmul.f32 v11, v5;
	v5 =	vld.idx.msk [tilespmem:v14+s23+$0x0], $0xffff;
	v11 =	vor.u32 v29, v2  }
0x18f: {  	v14 =	vor.u32 v23, v1;
	v12 =	vld.idx.msk [tilespmem:v12+s24+$0x0], $0xffff  }
0x190: {  	v3 =	vadd.f32 v4, v3;
	v4 =	vmul.f32 v8, v6;
	v6 =	vld.idx.msk [tilespmem:v15+s23+$0x0], $0xffff;
	v8 =	vor.u32 v23, v2  }
0x191: {  	v9 =	vld.idx.msk [tilespmem:v9+s24+$0x0], $0xffff  }
0x192: {  	v3 =	vadd.f32 v4, v3;
	v4 =	vmul.f32 v10, v7;
	v7 =	vld.idx.msk [tilespmem:v13+s23+$0x0], $0xffff  }
0x193: {  	v15 =	vor.u32 v25, v1;
	v11 =	vld.idx.msk [tilespmem:v11+s24+$0x0], $0xffff  }
0x194: {  	v13 =	vor.u32 v26, v1;
	v3 =	vadd.f32 v4, v3;
	v4 =	vmul.f32 v12, v5;
	v5 =	vld.idx.msk [tilespmem:v14+s23+$0x0], $0xffff  }
0x195: {  	v8 =	vld.idx.msk [tilespmem:v8+s24+$0x0], $0xffff  }
0x196: {  	v28 =	vld [tilespmem:$0x1FFD0];
	v10 =	vor.u32 v25, v2;
	v3 =	vadd.f32 v4, v3;
	v4 =	vmul.f32 v9, v6;
	_ =	sdelay $0x1  }
0x197: {  	v12 =	vor.u32 v26, v2;
	v6 =	vld.idx.msk [tilespmem:v15+s23+$0x0], $0xffff;
	v3 =	vadd.f32 v4, v3;
	v4 =	vmul.f32 v11, v7  }
0x198: {  	v14 =	vor.u32 v27, v1;
	v9 =	vor.u32 v27, v2;
	v7 =	vld.idx.msk [tilespmem:v13+s23+$0x0], $0xffff;
	v13 =	vor.u32 v16, v1  }
0x199: {  	v3 =	vadd.f32 v4, v3;
	v4 =	vmul.f32 v8, v5;
	v8 =	vor.u32 v16, v2;
	v16 =	vld [tilespmem:$0x1FC10]  }
0x19a: {  	v15 =	vor.u32 v28, v1;
	v10 =	vld.idx.msk [tilespmem:v10+s24+$0x0], $0xffff  }
0x19b: {  	v11 =	vor.u32 v28, v2  }
0x19c: {  	v12 =	vld.idx.msk [tilespmem:v12+s24+$0x0], $0xffff  }
0x19d: {  	v5 =	vld.idx.msk [tilespmem:v14+s23+$0x0], $0xffff  }
0x19e: {  	v14 =	vmov v63;
	v9 =	vld.idx.msk [tilespmem:v9+s24+$0x0], $0xffff;
	v1 =	vor.u32 v16, v1  }
0x19f: {  	v3 =	vadd.f32 v4, v3;
	v63 =	vmul.f32 v10, v6;
	v6 =	vld.idx.msk [tilespmem:v15+s23+$0x0], $0xffff;
	v2 =	vor.u32 v16, v2  }
0x1a0: {  	v10 =	vld.idx.msk [tilespmem:v11+s24+$0x0], $0xffff  }
0x1a1: {  	v30 =	vmovc v31;
	v31 =	vmov v62;
	v3 =	vadd.f32 v63, v3;
	v62 =	vmul.f32 v12, v7;
	v63 =	vld.idx.msk [tilespmem:v13+s23+$0x0], $0xffff  }
0x1a2: {  	v8 =	vld.idx.msk [tilespmem:v8+s24+$0x0], $0xffff  }
0x1a3: {  	v3 =	vadd.f32 v62, v3;
	v9 =	vmul.f32 v9, v5;
	v1 =	vld.idx.msk [tilespmem:v1+s23+$0x0], $0xffff  }
0x1a4: {  	v2 =	vld.idx.msk [tilespmem:v2+s24+$0x0], $0xffff  }
0x1a5: {  	v3 =	vadd.f32 v9, v3;
	v11 =	vmul.f32 v10, v6;
	_ =	sdelay $0x1  }
0x1a6: {  	v3 =	vadd.f32 v11, v3;
	v62 =	vmul.f32 v8, v63  }
0x1a7: {  	v63 =	vld [tilespmem:s14+$0x10810]  }
0x1a8: {  	v3 =	vadd.f32 v62, v3;
	v1 =	vmul.f32 v2, v1  }
0x1a9: {  	v2 =	vld [tilespmem:s14+$0x10A10]  }
0x1aa: {  	s13 =	sadd.s32 $0x80, s13;
	v1 =	vadd.f32 v1, v3  }
0x1ab: {  	p0 =	sne.s32 s13, $0x800  }
.Ltmp4:
0x1ac: {  	v1 =	vadd.f32 v1, v63;
	(pc) =	sbr.rel @!p0 .LBB2_7-.Ltmp4, $3  }
0x1ad: {  	_ = 	snop  }
0x1ae: {  	v1 =	vadd.f32 v1, v2;
	_ =	sdelay $0x1  }
0x1af: {  	v15 =	vld [tilespmem:$0x1FFF0];
	[tilespmem:s14+$0x10C10] =	vst v1  }
.LBB2_4:
0x1b0: {  	s14 =	sshra.s32 s13, $0x2  }
0x1b1: {  	v1 =	vld [tilespmem:s14+$0x410];
	_ =	sdelay $0x2  }
0x1b2: {  	v62 =	vld [tilespmem:s14+$0x610];
	_ =	sdelay $0x1  }
0x1b3: {  	v2 =	vshll.u32 v1, $0x7  }
0x1b4: {  	(v2sf) =	vpush v2, $0x0;
	_ =	sdelay $0x1  }
0x1b5: {  	v9 =	vshll.u32 v62, $0x7  }
0x1b6: {  	(v2sf) =	vpush v9, $0x0;
	_ =	sdelay $0x2  }
0x1b7: {  	(v2sf) =	vpush v2, $0x1;
	_ =	sdelay $0x4  }
0x1b8: {  	(v2sf) =	vpush v9, $0x1;
	_ =	sdelay $0x3  }
0x1b9: {  	s7 =	spop (v2sf);
	(v2sf) =	vpush v2, $0x2;
	_ =	sdelay $0x1  }
0x1ba: {  	s7 =	sand.u32 $0x1FFFFF80, s7  }
0x1bb: {  	s8 =	spop (v2sf);
	s7 =	sadd.s32 s5, s7  }
0x1bc: {  	(v2sf) =	vpush v9, $0x2;
	[tilespmem:s23], [sflag:$0x2] =	stream.linear.gather [hbm4b:s7+s3], $0x400, $0x38;
	[tilespmem:$0x10E00] =	vst v63  }
0x1bd: {  	s7 =	sand.u32 $0x1FFFFF80, s8  }
0x1be: {  	s8 =	spop (v2sf);
	s7 =	sadd.s32 s6, s7  }
0x1bf: {  	[tilespmem:s24], [sflag:$0x4] =	stream.linear.gather [hbm4b:s7+s3], $0x400, $0x38;
	[tilespmem:$0x10E00] =	vst v63  }
0x1c0: {  	(v2sf) =	vpush v2, $0x3;
	s7 =	sand.u32 $0x1FFFFF80, s8  }
0x1c1: {  	s8 =	simm.s32 $0x4C00;
	s7 =	sadd.s32 s5, s7  }
0x1c2: {  	[tilespmem:s8], [sflag:$0x2] =	stream.linear.gather [hbm4b:s7+s3], $0x400, $0x38;
	[tilespmem:$0x10E00] =	vst v63  }
0x1c3: {  	s8 =	spop (v2sf)  }
0x1c4: {  	(v2sf) =	vpush v9, $0x3;
	s7 =	sand.u32 $0x1FFFFF80, s8  }
0x1c5: {  	s8 =	simm.s32 $0xCC00;
	s7 =	sadd.s32 s6, s7  }
0x1c6: {  	[tilespmem:s8], [sflag:$0x4] =	stream.linear.gather [hbm4b:s7+s3], $0x400, $0x38;
	[tilespmem:$0x10E00] =	vst v63  }
0x1c7: {  	s8 =	spop (v2sf)  }
0x1c8: {  	(v2sf) =	vpush v2, $0x4;
	s7 =	sand.u32 $0x1FFFFF80, s8  }
0x1c9: {  	s8 =	simm.s32 $0x5000;
	s7 =	sadd.s32 s5, s7  }
0x1ca: {  	[tilespmem:s8], [sflag:$0x2] =	stream.linear.gather [hbm4b:s7+s3], $0x400, $0x38;
	[tilespmem:$0x10E00] =	vst v63  }
0x1cb: {  	s8 =	spop (v2sf)  }
0x1cc: {  	(v2sf) =	vpush v9, $0x4;
	s7 =	sand.u32 $0x1FFFFF80, s8  }
0x1cd: {  	s8 =	simm.s32 $0xD000;
	s7 =	sadd.s32 s6, s7  }
0x1ce: {  	[tilespmem:s8], [sflag:$0x4] =	stream.linear.gather [hbm4b:s7+s3], $0x400, $0x38;
	[tilespmem:$0x10E00] =	vst v63  }
0x1cf: {  	s8 =	spop (v2sf)  }
0x1d0: {  	(v2sf) =	vpush v2, $0x5;
	s7 =	sand.u32 $0x1FFFFF80, s8  }
0x1d1: {  	s8 =	simm.s32 $0x5400;
	s7 =	sadd.s32 s5, s7  }
0x1d2: {  	[tilespmem:s8], [sflag:$0x2] =	stream.linear.gather [hbm4b:s7+s3], $0x400, $0x38;
	[tilespmem:$0x10E00] =	vst v63  }
0x1d3: {  	s8 =	spop (v2sf)  }
0x1d4: {  	(v2sf) =	vpush v9, $0x5;
	s7 =	sand.u32 $0x1FFFFF80, s8  }
0x1d5: {  	s8 =	simm.s32 $0xD400;
	s7 =	sadd.s32 s6, s7  }
0x1d6: {  	[tilespmem:s8], [sflag:$0x4] =	stream.linear.gather [hbm4b:s7+s3], $0x400, $0x38;
	[tilespmem:$0x10E00] =	vst v63  }
0x1d7: {  	s8 =	spop (v2sf)  }
0x1d8: {  	(v2sf) =	vpush v2, $0x6;
	s7 =	sand.u32 $0x1FFFFF80, s8  }
0x1d9: {  	s8 =	simm.s32 $0x5800;
	s7 =	sadd.s32 s5, s7  }
0x1da: {  	[tilespmem:s8], [sflag:$0x2] =	stream.linear.gather [hbm4b:s7+s3], $0x400, $0x38;
	[tilespmem:$0x10E00] =	vst v63  }
0x1db: {  	s8 =	spop (v2sf)  }
0x1dc: {  	(v2sf) =	vpush v9, $0x6;
	s7 =	sand.u32 $0x1FFFFF80, s8  }
0x1dd: {  	s8 =	simm.s32 $0xD800;
	s7 =	sadd.s32 s6, s7  }
0x1de: {  	[tilespmem:s8], [sflag:$0x4] =	stream.linear.gather [hbm4b:s7+s3], $0x400, $0x38;
	[tilespmem:$0x10E00] =	vst v63  }
0x1df: {  	s8 =	spop (v2sf)  }
0x1e0: {  	(v2sf) =	vpush v2, $0x7;
	s7 =	sand.u32 $0x1FFFFF80, s8  }
0x1e1: {  	s8 =	simm.s32 $0x5C00;
	s7 =	sadd.s32 s5, s7  }
0x1e2: {  	[tilespmem:s8], [sflag:$0x2] =	stream.linear.gather [hbm4b:s7+s3], $0x400, $0x38;
	[tilespmem:$0x10E00] =	vst v63  }
0x1e3: {  	s8 =	spop (v2sf)  }
0x1e4: {  	(v2sf) =	vpush v9, $0x7;
	s7 =	sand.u32 $0x1FFFFF80, s8  }
0x1e5: {  	s8 =	simm.s32 $0xDC00;
	s7 =	sadd.s32 s6, s7  }
0x1e6: {  	[tilespmem:s8], [sflag:$0x4] =	stream.linear.gather [hbm4b:s7+s3], $0x400, $0x38;
	[tilespmem:$0x10E00] =	vst v63  }
0x1e7: {  	s8 =	spop (v2sf)  }
0x1e8: {  	(v2sf) =	vpush v2, $0x8;
	s7 =	sand.u32 $0x1FFFFF80, s8  }
0x1e9: {  	s8 =	simm.s32 $0x6000;
	s7 =	sadd.s32 s5, s7  }
0x1ea: {  	[tilespmem:s8], [sflag:$0x2] =	stream.linear.gather [hbm4b:s7+s3], $0x400, $0x38;
	[tilespmem:$0x10E00] =	vst v63  }
0x1eb: {  	s8 =	spop (v2sf)  }
0x1ec: {  	(v2sf) =	vpush v9, $0x8;
	s7 =	sand.u32 $0x1FFFFF80, s8  }
0x1ed: {  	s8 =	simm.s32 $0xE000;
	s7 =	sadd.s32 s6, s7  }
0x1ee: {  	[tilespmem:s8], [sflag:$0x4] =	stream.linear.gather [hbm4b:s7+s3], $0x400, $0x38;
	[tilespmem:$0x10E00] =	vst v63  }
0x1ef: {  	s8 =	spop (v2sf)  }
0x1f0: {  	(v2sf) =	vpush v2, $0x9;
	s7 =	sand.u32 $0x1FFFFF80, s8  }
0x1f1: {  	s8 =	simm.s32 $0x6400;
	s7 =	sadd.s32 s5, s7  }
0x1f2: {  	[tilespmem:s8], [sflag:$0x2] =	stream.linear.gather [hbm4b:s7+s3], $0x400, $0x38;
	[tilespmem:$0x10E00] =	vst v63  }
0x1f3: {  	s8 =	spop (v2sf)  }
0x1f4: {  	(v2sf) =	vpush v9, $0x9;
	s7 =	sand.u32 $0x1FFFFF80, s8  }
0x1f5: {  	s8 =	simm.s32 $0xE400;
	s7 =	sadd.s32 s6, s7  }
0x1f6: {  	[tilespmem:s8], [sflag:$0x4] =	stream.linear.gather [hbm4b:s7+s3], $0x400, $0x38;
	[tilespmem:$0x10E00] =	vst v63  }
0x1f7: {  	s8 =	spop (v2sf)  }
0x1f8: {  	(v2sf) =	vpush v2, $0xA;
	s7 =	sand.u32 $0x1FFFFF80, s8  }
0x1f9: {  	s7 =	sadd.s32 s5, s7  }
0x1fa: {  	[tilespmem:s9], [sflag:$0x2] =	stream.linear.gather [hbm4b:s7+s3], $0x400, $0x38;
	[tilespmem:$0x10E00] =	vst v63  }
0x1fb: {  	s8 =	spop (v2sf)  }
0x1fc: {  	(v2sf) =	vpush v9, $0xA;
	s7 =	sand.u32 $0x1FFFFF80, s8  }
0x1fd: {  	s7 =	sadd.s32 s6, s7  }
0x1fe: {  	[tilespmem:s10], [sflag:$0x4] =	stream.linear.gather [hbm4b:s7+s3], $0x400, $0x38;
	[tilespmem:$0x10E00] =	vst v63  }
0x1ff: {  	s8 =	spop (v2sf)  }
0x200: {  	(v2sf) =	vpush v2, $0xB;
	s7 =	sand.u32 $0x1FFFFF80, s8  }
0x201: {  	s7 =	sadd.s32 s5, s7  }
0x202: {  	[tilespmem:s12], [sflag:$0x2] =	stream.linear.gather [hbm4b:s7+s3], $0x400, $0x38;
	[tilespmem:$0x10E00] =	vst v63  }
0x203: {  	s8 =	spop (v2sf)  }
0x204: {  	(v2sf) =	vpush v9, $0xB;
	s7 =	sand.u32 $0x1FFFFF80, s8  }
0x205: {  	s7 =	sadd.s32 s6, s7  }
0x206: {  	[tilespmem:s15], [sflag:$0x4] =	stream.linear.gather [hbm4b:s7+s3], $0x400, $0x38;
	[tilespmem:$0x10E00] =	vst v63  }
0x207: {  	s8 =	spop (v2sf)  }
0x208: {  	(v2sf) =	vpush v2, $0xC;
	s7 =	sand.u32 $0x1FFFFF80, s8  }
0x209: {  	s7 =	sadd.s32 s5, s7  }
0x20a: {  	[tilespmem:s16], [sflag:$0x2] =	stream.linear.gather [hbm4b:s7+s3], $0x400, $0x38;
	[tilespmem:$0x10E00] =	vst v63  }
0x20b: {  	s8 =	spop (v2sf)  }
0x20c: {  	(v2sf) =	vpush v9, $0xC;
	s7 =	sand.u32 $0x1FFFFF80, s8  }
0x20d: {  	s7 =	sadd.s32 s6, s7  }
0x20e: {  	[tilespmem:s11], [sflag:$0x4] =	stream.linear.gather [hbm4b:s7+s3], $0x400, $0x38;
	[tilespmem:$0x10E00] =	vst v63  }
0x20f: {  	s8 =	spop (v2sf)  }
0x210: {  	(v2sf) =	vpush v2, $0xD;
	s7 =	sand.u32 $0x1FFFFF80, s8  }
0x211: {  	s7 =	sadd.s32 s5, s7  }
0x212: {  	[tilespmem:s19], [sflag:$0x2] =	stream.linear.gather [hbm4b:s7+s3], $0x400, $0x38;
	[tilespmem:$0x10E00] =	vst v63  }
0x213: {  	s8 =	spop (v2sf)  }
0x214: {  	(v2sf) =	vpush v9, $0xD;
	s7 =	sand.u32 $0x1FFFFF80, s8  }
0x215: {  	s7 =	sadd.s32 s6, s7  }
0x216: {  	[tilespmem:s20], [sflag:$0x4] =	stream.linear.gather [hbm4b:s7+s3], $0x400, $0x38;
	[tilespmem:$0x10E00] =	vst v63  }
0x217: {  	s8 =	spop (v2sf)  }
0x218: {  	(v2sf) =	vpush v2, $0xE;
	s7 =	sand.u32 $0x1FFFFF80, s8  }
0x219: {  	s7 =	sadd.s32 s5, s7  }
0x21a: {  	[tilespmem:s21], [sflag:$0x2] =	stream.linear.gather [hbm4b:s7+s3], $0x400, $0x38;
	[tilespmem:$0x10E00] =	vst v63  }
0x21b: {  	s8 =	spop (v2sf)  }
0x21c: {  	(v2sf) =	vpush v9, $0xE;
	s7 =	sand.u32 $0x1FFFFF80, s8  }
0x21d: {  	s7 =	sadd.s32 s6, s7  }
0x21e: {  	[tilespmem:s22], [sflag:$0x4] =	stream.linear.gather [hbm4b:s7+s3], $0x400, $0x38;
	[tilespmem:$0x10E00] =	vst v63  }
0x21f: {  	s8 =	spop (v2sf)  }
0x220: {  	(v2sf) =	vpush v2, $0xF;
	s7 =	sand.u32 $0x1FFFFF80, s8  }
0x221: {  	s7 =	sadd.s32 s5, s7  }
0x222: {  	[tilespmem:s25], [sflag:$0x2] =	stream.linear.gather [hbm4b:s7+s3], $0x400, $0x38;
	[tilespmem:$0x10E00] =	vst v63  }
0x223: {  	s8 =	spop (v2sf)  }
0x224: {  	(v2sf) =	vpush v9, $0xF;
	s7 =	sand.u32 $0x1FFFFF80, s8  }
0x225: {  	s7 =	sadd.s32 s6, s7  }
0x226: {  	[tilespmem:s26], [sflag:$0x4] =	stream.linear.gather [hbm4b:s7+s3], $0x400, $0x38;
	[tilespmem:$0x10E00] =	vst v63  }
0x227: {  	s8 =	spop (v2sf)  }
0x228: {  	s7 =	sand.u32 $0x1FFFFF80, s8  }
0x229: {  	s7 =	sadd.s32 s5, s7  }
0x22a: {  	[tilespmem:s28], [sflag:$0x2] =	stream.linear.gather [hbm4b:s7+s3], $0x400, $0x38;
	[tilespmem:$0x10E00] =	vst v63  }
0x22b: {  	s8 =	spop (v2sf)  }
0x22c: {  	s7 =	sand.u32 $0x1FFFFF80, s8  }
0x22d: {  	s7 =	sadd.s32 s6, s7  }
0x22e: {  	[tilespmem:s29], [sflag:$0x4] =	stream.linear.gather [hbm4b:s7+s3], $0x400, $0x38;
	[tilespmem:$0x10E00] =	vst v63  }
0x22f: {  	s8 =	spop (v2sf)  }
0x230: {  	s7 =	sand.u32 $0x1FFFFF80, s8  }
0x231: {  	s7 =	sadd.s32 s5, s7  }
0x232: {  	[tilespmem:s30], [sflag:$0x2] =	stream.linear.gather [hbm4b:s7+s3], $0x400, $0x38;
	[tilespmem:$0x10E00] =	vst v63  }
0x233: {  	s8 =	spop (v2sf)  }
0x234: {  	s7 =	sand.u32 $0x1FFFFF80, s8  }
0x235: {  	s7 =	sadd.s32 s6, s7  }
0x236: {  	[tilespmem:s31], [sflag:$0x4] =	stream.linear.gather [hbm4b:s7+s3], $0x400, $0x38;
	[tilespmem:$0x10E00] =	vst v63  }
0x237: {  	_ =	swait.ge [sflag:s0], $0x4000  }
0x238: {  	[sflag:s0] =	ssyncset.done $0x0  }
0x239: {  	[sflag:s0] =	ssyncadd.s32 $0xFFFFC000  }
0x23a: {  	_ =	swait.ge [sflag:s4], $0x4000  }
0x23b: {  	[sflag:s4] =	ssyncset.done $0x0  }
0x23c: {  	[sflag:s4] =	ssyncadd.s32 $0xFFFFC000  }
0x23d: {  	v10 =	vld [tilespmem:s14+$0x0]  }
0x23e: {  	v11 =	vld [tilespmem:s14+$0x200]  }
0x23f: {  	v16 =	vld [tilespmem:$0x1FFC0];
	_ =	sdelay $0x1  }
0x240: {  	v4 =	vld [tilespmem:$0x1FC20]  }
0x241: {  	v1 =	vshll.u32 v10, $0x7  }
0x242: {  	v6 =	vld [tilespmem:$0x1FC30];
	v12 =	vshll.u32 v11, $0x7;
	v2 =	vand.u32 $0x380, v1  }
0x243: {  	v1 =	vand.u32 $0x380, v12;
	v13 =	vor.u32 v16, v2  }
0x244: {  	v63 =	vor.u32 v16, v1  }
0x245: {  	v8 =	vld [tilespmem:$0x1FC40];
	v3 =	vor.u32 v4, v2  }
0x246: {  	v10 =	vld [tilespmem:$0x1FC50];
	v4 =	vor.u32 v4, v1  }
0x247: {  	v12 =	vld [tilespmem:$0x1FC60];
	v5 =	vor.u32 v6, v2  }
0x248: {  	v6 =	vor.u32 v6, v1;
	v62 =	vld.idx.msk [tilespmem:v13+s17+$0x0], $0xffff  }
0x249: {  	v63 =	vld.idx.msk [tilespmem:v63+s18+$0x0], $0xffff  }
0x24a: {  	v7 =	vor.u32 v8, v2;
	v3 =	vld.idx.msk [tilespmem:v3+s17+$0x0], $0xffff  }
0x24b: {  	v8 =	vor.u32 v8, v1;
	v4 =	vld.idx.msk [tilespmem:v4+s18+$0x0], $0xffff  }
0x24c: {  	v9 =	vor.u32 v10, v2;
	v10 =	vor.u32 v10, v1;
	v5 =	vld.idx.msk [tilespmem:v5+s17+$0x0], $0xffff  }
0x24d: {  	v6 =	vld.idx.msk [tilespmem:v6+s18+$0x0], $0xffff  }
0x24e: {  	v11 =	vor.u32 v12, v2;
	v13 =	vld [tilespmem:$0x1FC70]  }
0x24f: {  	v7 =	vld.idx.msk [tilespmem:v7+s17+$0x0], $0xffff  }
0x250: {  	v8 =	vld.idx.msk [tilespmem:v8+s18+$0x0], $0xffff  }
0x251: {  	v10 =	vld.idx.msk [tilespmem:v10+s18+$0x0], $0xffff  }
0x252: {  	v62 =	vmul.f32 v63, v62;
	v63 =	vor.u32 v12, v1;
	v3 =	vmul.f32 v4, v3;
	v4 =	vld.idx.msk [tilespmem:v9+s17+$0x0], $0xffff  }
0x253: {  	v12 =	vor.u32 v13, v2;
	v9 =	vor.u32 v13, v1;
	v5 =	vmul.f32 v6, v5;
	v6 =	vld.idx.msk [tilespmem:v11+s17+$0x0], $0xffff  }
0x254: {  	v13 =	vor.u32 v14, v2;
	v11 =	vor.u32 v14, v1;
	v14 =	vld [tilespmem:$0x1FC80];
	v62 =	vadd.f32 $0.0e+00, v62;
	_ =	sdelay $0x1  }
0x255: {  	v3 =	vadd.f32 v3, v62  }
0x256: {  	v62 =	vld.idx.msk [tilespmem:v63+s18+$0x0], $0xffff  }
0x257: {  	v3 =	vadd.f32 v5, v3;
	v5 =	vmul.f32 v8, v7;
	v7 =	vld.idx.msk [tilespmem:v12+s17+$0x0], $0xffff  }
0x258: {  	v4 =	vmul.f32 v10, v4;
	v10 =	vor.u32 v14, v1;
	v12 =	vor.u32 v14, v2;
	v14 =	vld [tilespmem:$0x1FC90];
	_ =	sdelay $0x1  }
0x259: {  	v3 =	vadd.f32 v5, v3  }
0x25a: {  	v9 =	vld.idx.msk [tilespmem:v9+s18+$0x0], $0xffff  }
0x25b: {  	v63 =	vor.u32 v15, v2;
	v5 =	vld.idx.msk [tilespmem:v13+s17+$0x0], $0xffff;
	v3 =	vadd.f32 v4, v3  }
0x25c: {  	v4 =	vmul.f32 v62, v6;
	v13 =	vor.u32 v14, v2;
	v62 =	vor.u32 v14, v1;
	v14 =	vld [tilespmem:$0x1FCA0];
	_ =	sdelay $0x2  }
0x25d: {  	v11 =	vld.idx.msk [tilespmem:v11+s18+$0x0], $0xffff;
	v8 =	vor.u32 v15, v1  }
0x25e: {  	v6 =	vld.idx.msk [tilespmem:v63+s17+$0x0], $0xffff;
	v3 =	vadd.f32 v4, v3  }
0x25f: {  	v4 =	vmul.f32 v9, v7;
	v63 =	vor.u32 v14, v2;
	v9 =	vor.u32 v14, v1;
	v14 =	vld [tilespmem:$0x1FCB0];
	_ =	sdelay $0x2  }
0x260: {  	v8 =	vld.idx.msk [tilespmem:v8+s18+$0x0], $0xffff  }
0x261: {  	v7 =	vld.idx.msk [tilespmem:v12+s17+$0x0], $0xffff;
	v3 =	vadd.f32 v4, v3  }
0x262: {  	v4 =	vmul.f32 v11, v5;
	v12 =	vor.u32 v14, v2;
	v11 =	vor.u32 v14, v1;
	v14 =	vld [tilespmem:$0x1FCC0]  }
0x263: {  	v10 =	vld.idx.msk [tilespmem:v10+s18+$0x0], $0xffff  }
0x264: {  	v5 =	vld.idx.msk [tilespmem:v13+s17+$0x0], $0xffff  }
0x265: {  	v13 =	vld.idx.msk [tilespmem:v62+s18+$0x0], $0xffff  }
0x266: {  	v3 =	vadd.f32 v4, v3;
	v4 =	vmul.f32 v8, v6;
	v6 =	vld.idx.msk [tilespmem:v63+s17+$0x0], $0xffff  }
0x267: {  	v62 =	vor.u32 v14, v2;
	v8 =	vor.u32 v14, v1;
	v14 =	vld [tilespmem:$0x1FCD0]  }
0x268: {  	v9 =	vld.idx.msk [tilespmem:v9+s18+$0x0], $0xffff  }
0x269: {  	v3 =	vadd.f32 v4, v3;
	v4 =	vmul.f32 v10, v7;
	v7 =	vld.idx.msk [tilespmem:v12+s17+$0x0], $0xffff  }
0x26a: {  	v11 =	vld.idx.msk [tilespmem:v11+s18+$0x0], $0xffff;
	v12 =	vor.u32 v31, v2  }
0x26b: {  	v3 =	vadd.f32 v4, v3;
	v4 =	vmul.f32 v13, v5;
	v13 =	vor.u32 v31, v1  }
0x26c: {  	v63 =	vor.u32 v14, v2  }
0x26d: {  	v10 =	vor.u32 v14, v1;
	v5 =	vld.idx.msk [tilespmem:v62+s17+$0x0], $0xffff  }
0x26e: {  	v8 =	vld.idx.msk [tilespmem:v8+s18+$0x0], $0xffff;
	v62 =	vor.u32 v32, v2  }
0x26f: {  	v14 =	vmul.f32 v9, v6;
	v9 =	vor.u32 v32, v1;
	v32 =	vmul.f32 v11, v7;
	v7 =	vld.idx.msk [tilespmem:v12+s17+$0x0], $0xffff  }
0x270: {  	v3 =	vadd.f32 v4, v3;
	v12 =	vld.idx.msk [tilespmem:v13+s18+$0x0], $0xffff  }
0x271: {  	v11 =	vor.u32 v30, v1;
	v6 =	vld.idx.msk [tilespmem:v63+s17+$0x0], $0xffff  }
0x272: {  	v13 =	vor.u32 v33, v2;
	v3 =	vadd.f32 v14, v3;
	v10 =	vld.idx.msk [tilespmem:v10+s18+$0x0], $0xffff  }
0x273: {  	v63 =	vor.u32 v30, v2  }
0x274: {  	v3 =	vadd.f32 v32, v3;
	v32 =	vmul.f32 v8, v5;
	v5 =	vld.idx.msk [tilespmem:v62+s17+$0x0], $0xffff;
	v8 =	vor.u32 v33, v1  }
0x275: {  	v9 =	vld.idx.msk [tilespmem:v9+s18+$0x0], $0xffff;
	v62 =	vor.u32 v34, v2  }
0x276: {  	v11 =	vld.idx.msk [tilespmem:v11+s18+$0x0], $0xffff;
	v3 =	vadd.f32 v32, v3;
	v32 =	vor.u32 v34, v1  }
0x277: {  	v33 =	vor.u32 v35, v2;
	v34 =	vmul.f32 v12, v7;
	v7 =	vld.idx.msk [tilespmem:v13+s17+$0x0], $0xffff;
	v14 =	vmul.f32 v10, v6  }
0x278: {  	v35 =	vor.u32 v35, v1;
	v6 =	vld.idx.msk [tilespmem:v63+s17+$0x0], $0xffff  }
0x279: {  	v13 =	vor.u32 v36, v2;
	v8 =	vld.idx.msk [tilespmem:v8+s18+$0x0], $0xffff;
	v3 =	vadd.f32 v14, v3  }
0x27a: {  	v14 =	vmul.f32 v9, v5;
	v5 =	vld.idx.msk [tilespmem:v62+s17+$0x0], $0xffff;
	v9 =	vor.u32 v36, v1  }
0x27b: {  	v10 =	vld.idx.msk [tilespmem:v32+s18+$0x0], $0xffff;
	v62 =	vor.u32 v37, v2;
	v3 =	vadd.f32 v34, v3  }
0x27c: {  	v33 =	vld.idx.msk [tilespmem:v33+s17+$0x0], $0xffff;
	v34 =	vor.u32 v37, v1  }
0x27d: {  	v12 =	vld.idx.msk [tilespmem:v35+s18+$0x0], $0xffff;
	v35 =	vor.u32 v38, v2;
	v32 =	vmul.f32 v11, v6;
	v3 =	vadd.f32 v14, v3  }
0x27e: {  	v37 =	vor.u32 v38, v1;
	v36 =	vmul.f32 v8, v7;
	v7 =	vld.idx.msk [tilespmem:v13+s17+$0x0], $0xffff  }
0x27f: {  	v38 =	vor.u32 v39, v2;
	v9 =	vld.idx.msk [tilespmem:v9+s18+$0x0], $0xffff;
	v3 =	vadd.f32 v32, v3  }
0x280: {  	v14 =	vmul.f32 v10, v5;
	v5 =	vld.idx.msk [tilespmem:v62+s17+$0x0], $0xffff;
	v10 =	vor.u32 v39, v1  }
0x281: {  	v39 =	vor.u32 v41, v1;
	v11 =	vld.idx.msk [tilespmem:v34+s18+$0x0], $0xffff;
	v3 =	vadd.f32 v36, v3  }
0x282: {  	v32 =	vor.u32 v40, v2;
	v34 =	vld.idx.msk [tilespmem:v35+s17+$0x0], $0xffff  }
0x283: {  	v33 =	vmul.f32 v12, v33;
	v35 =	vor.u32 v40, v1;
	v8 =	vld.idx.msk [tilespmem:v37+s18+$0x0], $0xffff;
	v3 =	vadd.f32 v14, v3  }
0x284: {  	v38 =	vld.idx.msk [tilespmem:v38+s17+$0x0], $0xffff;
	v36 =	vor.u32 v41, v2  }
0x285: {  	v40 =	vor.u32 v42, v2;
	v37 =	vmul.f32 v9, v7;
	v10 =	vld.idx.msk [tilespmem:v10+s18+$0x0], $0xffff;
	v3 =	vadd.f32 v33, v3  }
0x286: {  	v9 =	vld.idx.msk [tilespmem:v39+s18+$0x0], $0xffff  }
0x287: {  	v41 =	vmul.f32 v11, v5;
	v5 =	vld.idx.msk [tilespmem:v32+s17+$0x0], $0xffff;
	v32 =	vor.u32 v42, v1;
	v3 =	vadd.f32 v37, v3  }
0x288: {  	v12 =	vld.idx.msk [tilespmem:v35+s18+$0x0], $0xffff;
	v33 =	vor.u32 v43, v2  }
0x289: {  	v34 =	vmul.f32 v8, v34;
	v35 =	vld.idx.msk [tilespmem:v36+s17+$0x0], $0xffff;
	v36 =	vor.u32 v43, v1;
	v3 =	vadd.f32 v41, v3  }
0x28a: {  	v39 =	vld.idx.msk [tilespmem:v40+s17+$0x0], $0xffff;
	v40 =	vor.u32 v44, v1  }
0x28b: {  	v30 =	vld [tilespmem:$0x1FF30];
	v37 =	vor.u32 v44, v2;
	v38 =	vmul.f32 v10, v38;
	v3 =	vadd.f32 v34, v3  }
0x28c: {  	v44 =	vor.u32 v45, v1;
	v11 =	vld.idx.msk [tilespmem:v32+s18+$0x0], $0xffff  }
0x28d: {  	v41 =	vor.u32 v45, v2;
	v42 =	vmul.f32 v12, v5;
	v43 =	vld.idx.msk [tilespmem:v33+s17+$0x0], $0xffff;
	v3 =	vadd.f32 v38, v3  }
0x28e: {  	v45 =	vor.u32 v46, v2;
	v8 =	vld.idx.msk [tilespmem:v36+s18+$0x0], $0xffff  }
0x28f: {  	v33 =	vor.u32 v46, v1;
	v10 =	vld.idx.msk [tilespmem:v40+s18+$0x0], $0xffff;
	v14 =	vmul.f32 v9, v35;
	v3 =	vadd.f32 v42, v3  }
0x290: {  	v34 =	vor.u32 v47, v2;
	v32 =	vld.idx.msk [tilespmem:v37+s17+$0x0], $0xffff  }
0x291: {  	v37 =	vor.u32 v47, v1;
	v12 =	vld.idx.msk [tilespmem:v44+s18+$0x0], $0xffff;
	v35 =	vmul.f32 v11, v39;
	v3 =	vadd.f32 v14, v3  }
0x292: {  	v38 =	vor.u32 v48, v2;
	v36 =	vld.idx.msk [tilespmem:v41+s17+$0x0], $0xffff  }
0x293: {  	v40 =	vld.idx.msk [tilespmem:v45+s17+$0x0], $0xffff;
	v41 =	vor.u32 v48, v1;
	v39 =	vmul.f32 v8, v43;
	v3 =	vadd.f32 v35, v3  }
0x294: {  	v45 =	vor.u32 v49, v1;
	v9 =	vld.idx.msk [tilespmem:v33+s18+$0x0], $0xffff  }
0x295: {  	v42 =	vor.u32 v49, v2;
	v44 =	vld.idx.msk [tilespmem:v34+s17+$0x0], $0xffff;
	v43 =	vmul.f32 v10, v32;
	v3 =	vadd.f32 v39, v3  }
0x296: {  	v46 =	vor.u32 v50, v2;
	v11 =	vld.idx.msk [tilespmem:v37+s18+$0x0], $0xffff  }
0x297: {  	v49 =	vor.u32 v50, v1;
	v48 =	vld.idx.msk [tilespmem:v38+s17+$0x0], $0xffff;
	v47 =	vmul.f32 v12, v36;
	v3 =	vadd.f32 v43, v3  }
0x298: {  	v50 =	vor.u32 v51, v2;
	v8 =	vld.idx.msk [tilespmem:v41+s18+$0x0], $0xffff  }
0x299: {  	v33 =	vor.u32 v51, v1;
	v10 =	vld.idx.msk [tilespmem:v45+s18+$0x0], $0xffff;
	v14 =	vmul.f32 v9, v40;
	v3 =	vadd.f32 v47, v3  }
0x29a: {  	v34 =	vor.u32 v52, v2;
	v32 =	vld.idx.msk [tilespmem:v42+s17+$0x0], $0xffff  }
0x29b: {  	v37 =	vor.u32 v52, v1;
	v36 =	vld.idx.msk [tilespmem:v46+s17+$0x0], $0xffff;
	v35 =	vmul.f32 v11, v44;
	v3 =	vadd.f32 v14, v3  }
0x29c: {  	v38 =	vor.u32 v53, v2;
	v12 =	vld.idx.msk [tilespmem:v49+s18+$0x0], $0xffff  }
0x29d: {  	v41 =	vor.u32 v53, v1;
	v40 =	vld.idx.msk [tilespmem:v50+s17+$0x0], $0xffff;
	v39 =	vmul.f32 v8, v48;
	v3 =	vadd.f32 v35, v3  }
0x29e: {  	v9 =	vld.idx.msk [tilespmem:v33+s18+$0x0], $0xffff;
	v42 =	vor.u32 v54, v2  }
0x29f: {  	v45 =	vor.u32 v54, v1;
	v44 =	vld.idx.msk [tilespmem:v34+s17+$0x0], $0xffff;
	v43 =	vmul.f32 v10, v32;
	v3 =	vadd.f32 v39, v3  }
0x2a0: {  	v46 =	vor.u32 v55, v2;
	v11 =	vld.idx.msk [tilespmem:v37+s18+$0x0], $0xffff  }
0x2a1: {  	v49 =	vor.u32 v55, v1;
	v48 =	vld.idx.msk [tilespmem:v38+s17+$0x0], $0xffff;
	v47 =	vmul.f32 v12, v36;
	v3 =	vadd.f32 v43, v3  }
0x2a2: {  	v53 =	vor.u32 v56, v1;
	v8 =	vld.idx.msk [tilespmem:v41+s18+$0x0], $0xffff  }
0x2a3: {  	v50 =	vor.u32 v56, v2;
	v51 =	vmul.f32 v9, v40;
	v52 =	vld.idx.msk [tilespmem:v42+s17+$0x0], $0xffff;
	v3 =	vadd.f32 v47, v3  }
0x2a4: {  	v10 =	vld.idx.msk [tilespmem:v45+s18+$0x0], $0xffff;
	v32 =	vor.u32 v57, v1  }
0x2a5: {  	v54 =	vor.u32 v57, v2;
	v56 =	vld.idx.msk [tilespmem:v46+s17+$0x0], $0xffff;
	v55 =	vmul.f32 v11, v44;
	v3 =	vadd.f32 v51, v3  }
0x2a6: {  	v12 =	vld.idx.msk [tilespmem:v49+s18+$0x0], $0xffff;
	v36 =	vor.u32 v58, v1  }
0x2a7: {  	v33 =	vor.u32 v58, v2;
	v9 =	vld.idx.msk [tilespmem:v53+s18+$0x0], $0xffff;
	v34 =	vmul.f32 v8, v48;
	v3 =	vadd.f32 v55, v3  }
0x2a8: {  	v40 =	vor.u32 v59, v1;
	v35 =	vld.idx.msk [tilespmem:v50+s17+$0x0], $0xffff  }
0x2a9: {  	v37 =	vor.u32 v59, v2;
	v38 =	vmul.f32 v10, v52;
	v11 =	vld.idx.msk [tilespmem:v32+s18+$0x0], $0xffff;
	v3 =	vadd.f32 v34, v3  }
0x2aa: {  	v44 =	vor.u32 v60, v1;
	v39 =	vld.idx.msk [tilespmem:v54+s17+$0x0], $0xffff  }
0x2ab: {  	v41 =	vor.u32 v60, v2;
	v42 =	vmul.f32 v12, v56;
	v8 =	vld.idx.msk [tilespmem:v36+s18+$0x0], $0xffff;
	v3 =	vadd.f32 v38, v3  }
0x2ac: {  	v48 =	vor.u32 v61, v1;
	v43 =	vld.idx.msk [tilespmem:v33+s17+$0x0], $0xffff  }
0x2ad: {  	v45 =	vor.u32 v61, v2;
	v10 =	vld.idx.msk [tilespmem:v40+s18+$0x0], $0xffff;
	v46 =	vmul.f32 v9, v35;
	v3 =	vadd.f32 v42, v3  }
0x2ae: {  	v49 =	vor.u32 v0, v2;
	v47 =	vld.idx.msk [tilespmem:v37+s17+$0x0], $0xffff  }
0x2af: {  	v52 =	vor.u32 v0, v1;
	v12 =	vld.idx.msk [tilespmem:v44+s18+$0x0], $0xffff;
	v50 =	vmul.f32 v11, v39;
	v3 =	vadd.f32 v46, v3  }
0x2b0: {  	v53 =	vor.u32 v17, v2;
	v51 =	vld.idx.msk [tilespmem:v41+s17+$0x0], $0xffff  }
0x2b1: {  	v56 =	vor.u32 v17, v1;
	v9 =	vld.idx.msk [tilespmem:v48+s18+$0x0], $0xffff;
	v54 =	vmul.f32 v8, v43;
	v3 =	vadd.f32 v50, v3  }
0x2b2: {  	v57 =	vor.u32 v18, v2;
	v55 =	vld.idx.msk [tilespmem:v45+s17+$0x0], $0xffff  }
0x2b3: {  	v59 =	vld.idx.msk [tilespmem:v49+s17+$0x0], $0xffff;
	v32 =	vor.u32 v18, v1;
	v58 =	vmul.f32 v10, v47;
	v3 =	vadd.f32 v54, v3  }
0x2b4: {  	v33 =	vor.u32 v19, v2;
	v11 =	vld.idx.msk [tilespmem:v52+s18+$0x0], $0xffff  }
0x2b5: {  	v36 =	vor.u32 v19, v1;
	v35 =	vld.idx.msk [tilespmem:v53+s17+$0x0], $0xffff;
	v34 =	vmul.f32 v12, v51;
	v3 =	vadd.f32 v58, v3  }
0x2b6: {  	v37 =	vor.u32 v20, v2;
	v8 =	vld.idx.msk [tilespmem:v56+s18+$0x0], $0xffff  }
0x2b7: {  	v40 =	vor.u32 v20, v1;
	v39 =	vld.idx.msk [tilespmem:v57+s17+$0x0], $0xffff;
	v38 =	vmul.f32 v9, v55;
	v3 =	vadd.f32 v34, v3  }
0x2b8: {  	v41 =	vor.u32 v30, v2;
	v10 =	vld.idx.msk [tilespmem:v32+s18+$0x0], $0xffff  }
0x2b9: {  	v44 =	vor.u32 v30, v1;
	v43 =	vld.idx.msk [tilespmem:v33+s17+$0x0], $0xffff;
	v42 =	vmul.f32 v11, v59;
	v3 =	vadd.f32 v38, v3  }
0x2ba: {  	v45 =	vor.u32 v21, v2;
	v12 =	vld.idx.msk [tilespmem:v36+s18+$0x0], $0xffff  }
0x2bb: {  	v48 =	vor.u32 v21, v1;
	v47 =	vld.idx.msk [tilespmem:v37+s17+$0x0], $0xffff;
	v46 =	vmul.f32 v8, v35;
	v3 =	vadd.f32 v42, v3  }
0x2bc: {  	v49 =	vor.u32 v22, v2;
	v9 =	vld.idx.msk [tilespmem:v40+s18+$0x0], $0xffff  }
0x2bd: {  	v52 =	vor.u32 v22, v1;
	v51 =	vld.idx.msk [tilespmem:v41+s17+$0x0], $0xffff;
	v50 =	vmul.f32 v10, v39;
	v3 =	vadd.f32 v46, v3  }
0x2be: {  	v53 =	vor.u32 v24, v2;
	v11 =	vld.idx.msk [tilespmem:v44+s18+$0x0], $0xffff  }
0x2bf: {  	v56 =	vor.u32 v24, v1;
	v55 =	vld.idx.msk [tilespmem:v45+s17+$0x0], $0xffff;
	v54 =	vmul.f32 v12, v43;
	v3 =	vadd.f32 v50, v3  }
0x2c0: {  	v57 =	vor.u32 v29, v2;
	v8 =	vld.idx.msk [tilespmem:v48+s18+$0x0], $0xffff  }
0x2c1: {  	v61 =	vor.u32 v29, v1;
	v59 =	vld.idx.msk [tilespmem:v49+s17+$0x0], $0xffff;
	v58 =	vmul.f32 v9, v47;
	v3 =	vadd.f32 v54, v3  }
0x2c2: {  	v24 =	vor.u32 v23, v1;
	v10 =	vld.idx.msk [tilespmem:v52+s18+$0x0], $0xffff  }
0x2c3: {  	v22 =	vor.u32 v23, v2;
	v21 =	vld.idx.msk [tilespmem:v53+s17+$0x0], $0xffff;
	v20 =	vmul.f32 v11, v51;
	v3 =	vadd.f32 v58, v3  }
0x2c4: {  	v35 =	vor.u32 v25, v1;
	v12 =	vld.idx.msk [tilespmem:v56+s18+$0x0], $0xffff  }
0x2c5: {  	v33 =	vld.idx.msk [tilespmem:v57+s17+$0x0], $0xffff;
	v32 =	vmul.f32 v8, v55;
	v34 =	vor.u32 v25, v2;
	v3 =	vadd.f32 v20, v3  }
0x2c6: {  	v37 =	vor.u32 v26, v2;
	v9 =	vld.idx.msk [tilespmem:v61+s18+$0x0], $0xffff  }
0x2c7: {  	v41 =	vld.idx.msk [tilespmem:v24+s18+$0x0], $0xffff;
	v39 =	vor.u32 v26, v1;
	v36 =	vmul.f32 v10, v59;
	v3 =	vadd.f32 v32, v3  }
0x2c8: {  	v43 =	vor.u32 v27, v1;
	v38 =	vld.idx.msk [tilespmem:v22+s17+$0x0], $0xffff  }
0x2c9: {  	v45 =	vld.idx.msk [tilespmem:v35+s18+$0x0], $0xffff;
	v40 =	vmul.f32 v12, v21;
	v42 =	vor.u32 v27, v2;
	v3 =	vadd.f32 v36, v3  }
0x2ca: {  	v48 =	vor.u32 $0x3E, v16;
	v47 =	vor.u32 v28, v1;
	v8 =	vld.idx.msk [tilespmem:v34+s17+$0x0], $0xffff  }
0x2cb: {  	v7 =	vld.idx.msk [tilespmem:v37+s17+$0x0], $0xffff;
	v44 =	vmul.f32 v9, v33;
	v46 =	vor.u32 v28, v2;
	v3 =	vadd.f32 v40, v3  }
0x2cc: {  	v53 =	vor.u32 $0x3F, v16;
	v52 =	vor.u32 v48, v1;
	v49 =	vld.idx.msk [tilespmem:v39+s18+$0x0], $0xffff  }
0x2cd: {  	v13 =	vld.idx.msk [tilespmem:v43+s18+$0x0], $0xffff;
	v5 =	vmul.f32 v41, v38;
	v50 =	vor.u32 v48, v2;
	v3 =	vadd.f32 v44, v3  }
0x2ce: {  	v1 =	vor.u32 v53, v1;
	v51 =	vld.idx.msk [tilespmem:v42+s17+$0x0], $0xffff  }
0x2cf: {  	v56 =	vld.idx.msk [tilespmem:v47+s18+$0x0], $0xffff;
	v2 =	vor.u32 v53, v2;
	v54 =	vmul.f32 v45, v8;
	v3 =	vadd.f32 v5, v3  }
0x2d0: {  	v55 =	vld.idx.msk [tilespmem:v46+s17+$0x0], $0xffff  }
0x2d1: {  	v4 =	vmul.f32 v49, v7;
	v58 =	vld.idx.msk [tilespmem:v52+s18+$0x0], $0xffff;
	v3 =	vadd.f32 v54, v3  }
0x2d2: {  	v57 =	vld.idx.msk [tilespmem:v50+s17+$0x0], $0xffff  }
0x2d3: {  	v1 =	vld.idx.msk [tilespmem:v1+s18+$0x0], $0xffff;
	v59 =	vmul.f32 v13, v51;
	v3 =	vadd.f32 v4, v3  }
0x2d4: {  	v2 =	vld.idx.msk [tilespmem:v2+s17+$0x0], $0xffff  }
0x2d5: {  	v60 =	vmul.f32 v56, v55;
	v3 =	vadd.f32 v59, v3;
	_ =	sdelay $0x1  }
0x2d6: {  	v61 =	vmul.f32 v58, v57;
	v3 =	vadd.f32 v60, v3  }
0x2d7: {  	v62 =	vld [tilespmem:s14+$0x10800]  }
0x2d8: {  	v1 =	vmul.f32 v1, v2;
	v3 =	vadd.f32 v61, v3  }
0x2d9: {  	v63 =	vld [tilespmem:s14+$0x10A00]  }
0x2da: {  	v1 =	vadd.f32 v1, v3  }
0x2db: {  	p0 =	seq.s32 s13, $0x780  }
.Ltmp5:
0x2dc: {  	v1 =	vadd.f32 v1, v62;
	(pc) =	sbr.rel @p0 .LBB2_6-.Ltmp5, $4  }
0x2dd: {  	_ = 	snop  }
0x2de: {  	[tilespmem:$0x1FC10] =	vst v53;
	v1 =	vadd.f32 v1, v63  }
0x2df: {  	[tilespmem:$0x1FC00] =	vst v48  }
0x2e0: {  	[tilespmem:s14+$0x10C00] =	vst v1  }
0x2e1: {  	v1 =	vld [tilespmem:s14+$0x420];
	_ =	sdelay $0x2  }
0x2e2: {  	v3 =	vld [tilespmem:s14+$0x620];
	_ =	sdelay $0x1  }
0x2e3: {  	v2 =	vshll.u32 v1, $0x7  }
0x2e4: {  	(v2sf) =	vpush v2, $0x0;
	_ =	sdelay $0x1  }
0x2e5: {  	v63 =	vshll.u32 v3, $0x7  }
0x2e6: {  	(v2sf) =	vpush v63, $0x0;
	_ =	sdelay $0x2  }
0x2e7: {  	(v2sf) =	vpush v2, $0x1;
	_ =	sdelay $0x4  }
0x2e8: {  	(v2sf) =	vpush v63, $0x1;
	_ =	sdelay $0x3  }
0x2e9: {  	s7 =	spop (v2sf);
	(v2sf) =	vpush v2, $0x2;
	_ =	sdelay $0x1  }
0x2ea: {  	s7 =	sand.u32 $0x1FFFFF80, s7  }
0x2eb: {  	s8 =	spop (v2sf);
	s7 =	sadd.s32 s5, s7  }
0x2ec: {  	(v2sf) =	vpush v63, $0x2;
	[tilespmem:s17], [sflag:$0x1] =	stream.linear.gather [hbm4b:s7+s3], $0x400, $0x38;
	[tilespmem:$0x10E00] =	vst v63  }
0x2ed: {  	s7 =	sand.u32 $0x1FFFFF80, s8  }
0x2ee: {  	s8 =	spop (v2sf);
	s7 =	sadd.s32 s6, s7  }
0x2ef: {  	[tilespmem:s18], [sflag:$0x3] =	stream.linear.gather [hbm4b:s7+s3], $0x400, $0x38;
	[tilespmem:$0x10E00] =	vst v63  }
0x2f0: {  	(v2sf) =	vpush v2, $0x3;
	s7 =	sand.u32 $0x1FFFFF80, s8  }
0x2f1: {  	s8 =	simm.s32 $0xC00;
	s7 =	sadd.s32 s5, s7  }
0x2f2: {  	[tilespmem:s8], [sflag:$0x1] =	stream.linear.gather [hbm4b:s7+s3], $0x400, $0x38;
	[tilespmem:$0x10E00] =	vst v63  }
0x2f3: {  	s8 =	spop (v2sf)  }
0x2f4: {  	(v2sf) =	vpush v63, $0x3;
	s7 =	sand.u32 $0x1FFFFF80, s8  }
0x2f5: {  	s8 =	simm.s32 $0x8C00;
	s7 =	sadd.s32 s6, s7  }
0x2f6: {  	[tilespmem:s8], [sflag:$0x3] =	stream.linear.gather [hbm4b:s7+s3], $0x400, $0x38;
	[tilespmem:$0x10E00] =	vst v63  }
0x2f7: {  	s8 =	spop (v2sf)  }
0x2f8: {  	(v2sf) =	vpush v2, $0x4;
	s7 =	sand.u32 $0x1FFFFF80, s8  }
0x2f9: {  	s8 =	simm.s32 $0x1000;
	s7 =	sadd.s32 s5, s7  }
0x2fa: {  	[tilespmem:s8], [sflag:$0x1] =	stream.linear.gather [hbm4b:s7+s3], $0x400, $0x38;
	[tilespmem:$0x10E00] =	vst v63  }
0x2fb: {  	s8 =	spop (v2sf)  }
0x2fc: {  	(v2sf) =	vpush v63, $0x4;
	s7 =	sand.u32 $0x1FFFFF80, s8  }
0x2fd: {  	s8 =	simm.s32 $0x9000;
	s7 =	sadd.s32 s6, s7  }
0x2fe: {  	[tilespmem:s8], [sflag:$0x3] =	stream.linear.gather [hbm4b:s7+s3], $0x400, $0x38;
	[tilespmem:$0x10E00] =	vst v63  }
0x2ff: {  	s8 =	spop (v2sf)  }
0x300: {  	(v2sf) =	vpush v2, $0x5;
	s7 =	sand.u32 $0x1FFFFF80, s8  }
0x301: {  	s8 =	simm.s32 $0x1400;
	s7 =	sadd.s32 s5, s7  }
0x302: {  	[tilespmem:s8], [sflag:$0x1] =	stream.linear.gather [hbm4b:s7+s3], $0x400, $0x38;
	[tilespmem:$0x10E00] =	vst v63  }
0x303: {  	s8 =	spop (v2sf)  }
0x304: {  	(v2sf) =	vpush v63, $0x5;
	s7 =	sand.u32 $0x1FFFFF80, s8  }
0x305: {  	s8 =	simm.s32 $0x9400;
	s7 =	sadd.s32 s6, s7  }
0x306: {  	[tilespmem:s8], [sflag:$0x3] =	stream.linear.gather [hbm4b:s7+s3], $0x400, $0x38;
	[tilespmem:$0x10E00] =	vst v63  }
0x307: {  	s8 =	spop (v2sf)  }
0x308: {  	(v2sf) =	vpush v2, $0x6;
	s7 =	sand.u32 $0x1FFFFF80, s8  }
0x309: {  	s8 =	simm.s32 $0x1800;
	s7 =	sadd.s32 s5, s7  }
0x30a: {  	[tilespmem:s8], [sflag:$0x1] =	stream.linear.gather [hbm4b:s7+s3], $0x400, $0x38;
	[tilespmem:$0x10E00] =	vst v63  }
0x30b: {  	s8 =	spop (v2sf)  }
0x30c: {  	(v2sf) =	vpush v63, $0x6;
	s7 =	sand.u32 $0x1FFFFF80, s8  }
0x30d: {  	s8 =	simm.s32 $0x9800;
	s7 =	sadd.s32 s6, s7  }
0x30e: {  	[tilespmem:s8], [sflag:$0x3] =	stream.linear.gather [hbm4b:s7+s3], $0x400, $0x38;
	[tilespmem:$0x10E00] =	vst v63  }
0x30f: {  	s8 =	spop (v2sf)  }
0x310: {  	(v2sf) =	vpush v2, $0x7;
	s7 =	sand.u32 $0x1FFFFF80, s8  }
0x311: {  	s8 =	simm.s32 $0x1C00;
	s7 =	sadd.s32 s5, s7  }
0x312: {  	[tilespmem:s8], [sflag:$0x1] =	stream.linear.gather [hbm4b:s7+s3], $0x400, $0x38;
	[tilespmem:$0x10E00] =	vst v63  }
0x313: {  	s8 =	spop (v2sf)  }
0x314: {  	(v2sf) =	vpush v63, $0x7;
	s7 =	sand.u32 $0x1FFFFF80, s8  }
0x315: {  	s8 =	simm.s32 $0x9C00;
	s7 =	sadd.s32 s6, s7  }
0x316: {  	[tilespmem:s8], [sflag:$0x3] =	stream.linear.gather [hbm4b:s7+s3], $0x400, $0x38;
	[tilespmem:$0x10E00] =	vst v63  }
0x317: {  	s8 =	spop (v2sf)  }
0x318: {  	(v2sf) =	vpush v2, $0x8;
	s7 =	sand.u32 $0x1FFFFF80, s8  }
0x319: {  	s8 =	simm.s32 $0x2000;
	s7 =	sadd.s32 s5, s7  }
0x31a: {  	[tilespmem:s8], [sflag:$0x1] =	stream.linear.gather [hbm4b:s7+s3], $0x400, $0x38;
	[tilespmem:$0x10E00] =	vst v63  }
0x31b: {  	s8 =	spop (v2sf)  }
0x31c: {  	(v2sf) =	vpush v63, $0x8;
	s7 =	sand.u32 $0x1FFFFF80, s8  }
0x31d: {  	s8 =	simm.s32 $0xA000;
	s7 =	sadd.s32 s6, s7  }
0x31e: {  	[tilespmem:s8], [sflag:$0x3] =	stream.linear.gather [hbm4b:s7+s3], $0x400, $0x38;
	[tilespmem:$0x10E00] =	vst v63  }
0x31f: {  	s8 =	spop (v2sf)  }
0x320: {  	(v2sf) =	vpush v2, $0x9;
	s7 =	sand.u32 $0x1FFFFF80, s8  }
0x321: {  	s8 =	simm.s32 $0x2400;
	s7 =	sadd.s32 s5, s7  }
0x322: {  	[tilespmem:s8], [sflag:$0x1] =	stream.linear.gather [hbm4b:s7+s3], $0x400, $0x38;
	[tilespmem:$0x10E00] =	vst v63  }
0x323: {  	s8 =	spop (v2sf)  }
0x324: {  	(v2sf) =	vpush v63, $0x9;
	s7 =	sand.u32 $0x1FFFFF80, s8  }
0x325: {  	s8 =	simm.s32 $0xA400;
	s7 =	sadd.s32 s6, s7  }
0x326: {  	[tilespmem:s8], [sflag:$0x3] =	stream.linear.gather [hbm4b:s7+s3], $0x400, $0x38;
	[tilespmem:$0x10E00] =	vst v63  }
0x327: {  	s8 =	spop (v2sf)  }
0x328: {  	(v2sf) =	vpush v2, $0xA;
	s7 =	sand.u32 $0x1FFFFF80, s8  }
0x329: {  	s8 =	simm.s32 $0x2800;
	s7 =	sadd.s32 s5, s7  }
0x32a: {  	[tilespmem:s8], [sflag:$0x1] =	stream.linear.gather [hbm4b:s7+s3], $0x400, $0x38;
	[tilespmem:$0x10E00] =	vst v63  }
0x32b: {  	s8 =	spop (v2sf)  }
0x32c: {  	(v2sf) =	vpush v63, $0xA;
	s7 =	sand.u32 $0x1FFFFF80, s8  }
0x32d: {  	s8 =	simm.s32 $0xA800;
	s7 =	sadd.s32 s6, s7  }
0x32e: {  	[tilespmem:s8], [sflag:$0x3] =	stream.linear.gather [hbm4b:s7+s3], $0x400, $0x38;
	[tilespmem:$0x10E00] =	vst v63  }
0x32f: {  	s8 =	spop (v2sf)  }
0x330: {  	(v2sf) =	vpush v2, $0xB;
	s7 =	sand.u32 $0x1FFFFF80, s8  }
0x331: {  	s8 =	simm.s32 $0x2C00;
	s7 =	sadd.s32 s5, s7  }
0x332: {  	[tilespmem:s8], [sflag:$0x1] =	stream.linear.gather [hbm4b:s7+s3], $0x400, $0x38;
	[tilespmem:$0x10E00] =	vst v63  }
0x333: {  	s8 =	spop (v2sf)  }
0x334: {  	(v2sf) =	vpush v63, $0xB;
	s7 =	sand.u32 $0x1FFFFF80, s8  }
0x335: {  	s8 =	simm.s32 $0xAC00;
	s7 =	sadd.s32 s6, s7  }
0x336: {  	[tilespmem:s8], [sflag:$0x3] =	stream.linear.gather [hbm4b:s7+s3], $0x400, $0x38;
	[tilespmem:$0x10E00] =	vst v63  }
0x337: {  	s8 =	spop (v2sf)  }
0x338: {  	(v2sf) =	vpush v2, $0xC;
	s7 =	sand.u32 $0x1FFFFF80, s8  }
0x339: {  	s8 =	simm.s32 $0x3000;
	s7 =	sadd.s32 s5, s7  }
0x33a: {  	[tilespmem:s8], [sflag:$0x1] =	stream.linear.gather [hbm4b:s7+s3], $0x400, $0x38;
	[tilespmem:$0x10E00] =	vst v63  }
0x33b: {  	s8 =	spop (v2sf)  }
0x33c: {  	(v2sf) =	vpush v63, $0xC;
	s7 =	sand.u32 $0x1FFFFF80, s8  }
0x33d: {  	s8 =	simm.s32 $0xB000;
	s7 =	sadd.s32 s6, s7  }
0x33e: {  	[tilespmem:s8], [sflag:$0x3] =	stream.linear.gather [hbm4b:s7+s3], $0x400, $0x38;
	[tilespmem:$0x10E00] =	vst v63  }
0x33f: {  	s8 =	spop (v2sf)  }
0x340: {  	(v2sf) =	vpush v2, $0xD;
	s7 =	sand.u32 $0x1FFFFF80, s8  }
0x341: {  	s8 =	simm.s32 $0x3400;
	s7 =	sadd.s32 s5, s7  }
0x342: {  	[tilespmem:s8], [sflag:$0x1] =	stream.linear.gather [hbm4b:s7+s3], $0x400, $0x38;
	[tilespmem:$0x10E00] =	vst v63  }
0x343: {  	s8 =	spop (v2sf)  }
0x344: {  	(v2sf) =	vpush v63, $0xD;
	s7 =	sand.u32 $0x1FFFFF80, s8  }
0x345: {  	s8 =	simm.s32 $0xB400;
	s7 =	sadd.s32 s6, s7  }
0x346: {  	[tilespmem:s8], [sflag:$0x3] =	stream.linear.gather [hbm4b:s7+s3], $0x400, $0x38;
	[tilespmem:$0x10E00] =	vst v63  }
0x347: {  	s8 =	spop (v2sf)  }
0x348: {  	(v2sf) =	vpush v2, $0xE;
	s7 =	sand.u32 $0x1FFFFF80, s8  }
0x349: {  	s8 =	simm.s32 $0x3800;
	s7 =	sadd.s32 s5, s7  }
0x34a: {  	[tilespmem:s8], [sflag:$0x1] =	stream.linear.gather [hbm4b:s7+s3], $0x400, $0x38;
	[tilespmem:$0x10E00] =	vst v63  }
0x34b: {  	s8 =	spop (v2sf)  }
0x34c: {  	(v2sf) =	vpush v63, $0xE;
	s7 =	sand.u32 $0x1FFFFF80, s8  }
0x34d: {  	s8 =	simm.s32 $0xB800;
	s7 =	sadd.s32 s6, s7  }
0x34e: {  	[tilespmem:s8], [sflag:$0x3] =	stream.linear.gather [hbm4b:s7+s3], $0x400, $0x38;
	[tilespmem:$0x10E00] =	vst v63  }
0x34f: {  	s8 =	spop (v2sf)  }
0x350: {  	(v2sf) =	vpush v2, $0xF;
	s7 =	sand.u32 $0x1FFFFF80, s8  }
0x351: {  	s8 =	simm.s32 $0x3C00;
	s7 =	sadd.s32 s5, s7  }
0x352: {  	[tilespmem:s8], [sflag:$0x1] =	stream.linear.gather [hbm4b:s7+s3], $0x400, $0x38;
	[tilespmem:$0x10E00] =	vst v63  }
0x353: {  	s8 =	spop (v2sf)  }
0x354: {  	s7 =	sand.u32 $0x1FFFFF80, s8  }
0x355: {  	(v2sf) =	vpush v63, $0xF;
	s8 =	simm.s32 $0xBC00;
	s7 =	sadd.s32 s6, s7  }
0x356: {  	[tilespmem:s8], [sflag:$0x3] =	stream.linear.gather [hbm4b:s7+s3], $0x400, $0x38;
	[tilespmem:$0x10E00] =	vst v63  }
0x357: {  	s8 =	spop (v2sf)  }
0x358: {  	s7 =	sand.u32 $0x1FFFFF80, s8  }
0x359: {  	s8 =	simm.s32 $0x4000;
	s7 =	sadd.s32 s5, s7  }
0x35a: {  	[tilespmem:s8], [sflag:$0x1] =	stream.linear.gather [hbm4b:s7+s3], $0x400, $0x38;
	[tilespmem:$0x10E00] =	vst v63  }
0x35b: {  	s8 =	spop (v2sf)  }
0x35c: {  	s7 =	sand.u32 $0x1FFFFF80, s8  }
0x35d: {  	s8 =	simm.s32 $0xC000;
	s7 =	sadd.s32 s6, s7  }
0x35e: {  	[tilespmem:s8], [sflag:$0x3] =	stream.linear.gather [hbm4b:s7+s3], $0x400, $0x38;
	[tilespmem:$0x10E00] =	vst v63  }
0x35f: {  	s8 =	spop (v2sf)  }
0x360: {  	s7 =	sand.u32 $0x1FFFFF80, s8  }
0x361: {  	s8 =	simm.s32 $0x4400;
	s7 =	sadd.s32 s5, s7  }
0x362: {  	[tilespmem:s8], [sflag:$0x1] =	stream.linear.gather [hbm4b:s7+s3], $0x400, $0x38;
	[tilespmem:$0x10E00] =	vst v63  }
.Ltmp6:
0x363: {  	_ = 	snop;
	(pc) =	sbr.rel .LBB2_6-.Ltmp6, $4  }
0x364: {  	s8 =	spop (v2sf)  }
0x365: {  	s7 =	sand.u32 $0x1FFFFF80, s8  }
0x366: {  	s8 =	simm.s32 $0xC400;
	s7 =	sadd.s32 s6, s7  }
0x367: {  	[tilespmem:s8], [sflag:$0x3] =	stream.linear.gather [hbm4b:s7+s3], $0x400, $0x38;
	[tilespmem:$0x10E00] =	vst v63  }
.LBB2_8:
0x368: {  	_ =	sfence.sel $0x180000  }
0x369: {  	[bflag:$0x0] =	sbarrier.arrive $0xFFFF  }
0x36a: {  	_ =	strace $0x90000047  }
0x36b: {  	s0 =	stileid.u32;
	[bflag:$0x2] =	sbarrier.arrive $0xFFFF  }
0x36c: {  	p0 =	sne.s32 s0, $0x0;
	s0 =	rddreg [dreg:$0x6]  }
0x36d: {  	s0 =	sadd.s32 @!p0 $0x100000, s0  }
0x36e: {  	[sflag:s0] =	ssyncadd.tile.s32 @!p0 $0x1;
	_ =	shalt  }
.Lfunc_end2:
_tile_overlayer_lowered:
.L_overlay_start_2:
0x36f: {  	(tag) =	ssettag $0x2  }
0x370: {  	s0 =	rddreg [dreg:$0x0];
	s2 =	stileid.u32  }
0x371: {  	s1 =	rddreg [dreg:$0x1];
	p0 =	sne.s32 s2, $0x0  }
0x372: {  	s3 =	rddreg [dreg:$0x2];
	[bflag:$0x3] =	sbarrier.arrive $0xFFFF;
	s2 =	simm.s32 @!p0 $0x1C07  }
0x373: {  	[timem:s3], [sflag:s2] =	dma.local @!p0 [hbm:s0], s1  }
0x374: {  	s0 =	simm.s32 @!p0 $0x7  }
0x375: {  	_ =	swait.ge @!p0 [sflag:s0], s1  }
0x376: {  	s1 =	ssub.s32 @!p0 $0x0, s1;
	[sflag:s0] =	ssyncset.done @!p0 $0x0  }
0x377: {  	[sflag:s0] =	ssyncadd.s32 @!p0 s1  }
0x378: {  	[bflag:$0x3] =	sbarrier.arrive $0xFFFF  }
0x379: {  	_ =	shalt  }

</sc_bundles>
